<compile_context>
chip_gen: v7x
topology: tpu7x:2x2x1
jax: 0.10.2.dev20260603
libtpu: 0.0.44.dev20260713+nightly
codegen_flags: <defaults>
</compile_context>

<pallas_src>
import functools

import jax
import jax.numpy as jnp
from jax import lax
from jax.experimental import pallas as pl
from jax.experimental.pallas import tpu as pltpu
from jax.experimental.pallas import tpu_sc as plsc

N = 10000
E = 320000
D = 128
G = 64
NP = 10240
NC = 2
NS = 16
NWK = NC * NS
K = 128
ER = E // K
ERPAD = 2528
TPS = NP // NS
ACCR = 10112
TPSA = ACCR // NS

def _deg_body(dst_hbm, out_hbm, di_v, ones_v, zb_v, acc_sh, sem0, sem1):
    c = lax.axis_index("c")
    s = lax.axis_index("s")
    w = s * NC + c

    def fill_ones(i, carry):
        ones_v[pl.ds(i * 16, 16)] = jnp.ones((16,), jnp.float32)
        return carry

    lax.fori_loop(0, K // 16, fill_ones, 0)

    def fill_zeros(i, carry):
        zb_v[pl.ds(i * 16, 16)] = jnp.zeros((16,), jnp.float32)
        return carry

    lax.fori_loop(0, TPS // 16, fill_zeros, 0)
    pltpu.sync_copy(zb_v, acc_sh.at[pl.ds(s * TPS, TPS)])
    plsc.subcore_barrier()

    rlo = pl.multiple_of(((ER * w) // (NWK * 8)) * 8, 8)
    rhi = jnp.where(w == NWK - 1, ER, ((ER * (w + 1)) // (NWK * 8)) * 8)
    n = (rhi - rlo) // 2

    def chunk(cc, carry):
        base = pl.multiple_of(rlo + cc * 8, 8)
        pltpu.sync_copy(dst_hbm.at[pl.ds(base, 8)], di_v)
        npp = jnp.minimum(4, n - cc * 4)

        def pair(t, carry2):
            c0 = pltpu.async_copy(ones_v, acc_sh.at[di_v.at[2 * t]], sem0,
                                  add=True)
            c1 = pltpu.async_copy(ones_v, acc_sh.at[di_v.at[2 * t + 1]],
                                  sem1, add=True)
            c0.wait()
            c1.wait()
            return carry2

        lax.fori_loop(0, npp, pair, 0)
        return carry

    lax.fori_loop(0, (n + 3) // 4, chunk, 0)
    plsc.subcore_barrier()
    pltpu.sync_copy(acc_sh.at[pl.ds(s * TPS, TPS)],
                    out_hbm.at[pl.ds(c * NP + s * TPS, TPS)])


@functools.lru_cache(maxsize=None)
def _deg_kernel():
    mesh = plsc.VectorSubcoreMesh(core_axis_name="c", subcore_axis_name="s")
    return pl.kernel(
        _deg_body,
        out_type=jax.ShapeDtypeStruct((NC * NP,), jnp.float32),
        mesh=mesh,
        scratch_types=[
            pltpu.VMEM((8, K), jnp.int32),
            pltpu.VMEM((K,), jnp.float32),
            pltpu.VMEM((TPS,), jnp.float32),
            pltpu.VMEM_SHARED((NP,), jnp.float32),
            pltpu.SemaphoreType.DMA,
            pltpu.SemaphoreType.DMA,
        ],
    )


def _deg_call(dst):
    return _deg_kernel()(dst)


def _agg_body(src_hbm, dst_hbm, y_hbm, out_hbm,
              si_v, di_v, r0_v, r1_v, zb_v, acc_sh, sem0, sem1):
    c = lax.axis_index("c")
    s = lax.axis_index("s")
    w = s * NC + c

    def fill_zeros(i, carry):
        zb_v[i // 8, pl.ds((i % 8) * 16, 16)] = jnp.zeros((16,), jnp.float32)
        return carry

    lax.fori_loop(0, (64 * D) // 16, fill_zeros, 0)

    def zcp(t, carry):
        pltpu.sync_copy(zb_v, acc_sh.at[pl.ds(s * TPSA + t * 64, 64)])
        return carry

    lax.fori_loop(0, 9, zcp, 0)
    pltpu.sync_copy(zb_v.at[pl.ds(0, 56)],
                    acc_sh.at[pl.ds(s * TPSA + 576, 56)])
    plsc.subcore_barrier()

    ulo = (w * 313) // NWK
    uhi = ((w + 1) * 313) // NWK
    rlo = pl.multiple_of(ulo * 8, 8)
    rhi = jnp.minimum(uhi * 8, ER)
    n = (rhi - rlo) // 2

    def chunk(cc, carry):
        base = pl.multiple_of(rlo + cc * 32, 8)
        pltpu.sync_copy(src_hbm.at[pl.ds(base, 32)], si_v)
        pltpu.sync_copy(dst_hbm.at[pl.ds(base, 32)], di_v)
        npp = jnp.minimum(16, n - cc * 16)
        pltpu.async_copy(y_hbm.at[si_v.at[0]], r0_v, sem0)
        pltpu.async_copy(y_hbm.at[si_v.at[1]], r1_v, sem1)

        def pair(t, carry2):
            pltpu.make_async_copy(y_hbm.at[si_v.at[0]], r0_v, sem0).wait()
            pltpu.sync_copy(r0_v, acc_sh.at[di_v.at[2 * t]], add=True)

            @pl.when(t < npp - 1)
            def _g0next():
                pltpu.async_copy(y_hbm.at[si_v.at[2 * t + 2]], r0_v, sem0)

            pltpu.make_async_copy(y_hbm.at[si_v.at[1]], r1_v, sem1).wait()
            pltpu.sync_copy(r1_v, acc_sh.at[di_v.at[2 * t + 1]], add=True)

            @pl.when(t < npp - 1)
            def _g1next():
                pltpu.async_copy(y_hbm.at[si_v.at[2 * t + 3]], r1_v, sem1)

            return carry2

        lax.fori_loop(0, npp, pair, 0)
        return carry

    lax.fori_loop(0, (n + 15) // 16, chunk, 0)
    plsc.subcore_barrier()
    pltpu.sync_copy(acc_sh.at[pl.ds(s * TPSA, TPSA)],
                    out_hbm.at[pl.ds(c * ACCR + s * TPSA, TPSA)])


@functools.lru_cache(maxsize=None)
def _agg_kernel():
    mesh = plsc.VectorSubcoreMesh(core_axis_name="c", subcore_axis_name="s")
    return pl.kernel(
        _agg_body,
        out_type=jax.ShapeDtypeStruct((NC * ACCR, D), jnp.float32),
        mesh=mesh,
        scratch_types=[
            pltpu.VMEM((32, K), jnp.int32),
            pltpu.VMEM((32, K), jnp.int32),
            pltpu.VMEM((K, D), jnp.float32),
            pltpu.VMEM((K, D), jnp.float32),
            pltpu.VMEM((64, D), jnp.float32),
            pltpu.VMEM_SHARED((ACCR, D), jnp.float32),
            pltpu.SemaphoreType.DMA,
            pltpu.SemaphoreType.DMA,
        ],
    )


def _agg_call(src, dst, y):
    return _agg_kernel()(src, dst, y)

R = 2000
GRID = N // R


def _tc_first_body(x_ref, w_ref, dis_ref, y_ref):
    y_ref[...] = dis_ref[...] * jnp.dot(
        x_ref[...], w_ref[...], preferred_element_type=jnp.float32)


def _tc_mid_body(a0_ref, a1_ref, yp_ref, dis_ref, b_ref, w_ref, y_ref):
    dis = dis_ref[...]
    h = jnp.tanh(dis * (a0_ref[0] + a1_ref[0] + yp_ref[...]) + b_ref[...])
    y_ref[...] = dis * jnp.dot(h, w_ref[...],
                               preferred_element_type=jnp.float32)


def _tc_final_body(a0_ref, a1_ref, yp_ref, dis_ref, b_ref, wl_ref, bl_ref,
                   batch_ref, out_ref):
    i = pl.program_id(0)
    dis = dis_ref[...]
    h = jnp.tanh(dis * (a0_ref[0] + a1_ref[0] + yp_ref[...]) + b_ref[...])
    t = jnp.tanh(jnp.dot(h, wl_ref[...],
                         preferred_element_type=jnp.float32) + bl_ref[...])
    lane = lax.broadcasted_iota(jnp.int32, (R, D), 1)
    t = jnp.where(lane == 6, 1.0, t)
    oneh = (batch_ref[...] == lane).astype(jnp.float32)
    acc = lax.dot_general(oneh, t, (((0,), (0,)), ((), ())),
                          preferred_element_type=jnp.float32)

    @pl.when(i == 0)
    def _init():
        out_ref[...] = acc

    @pl.when(i > 0)
    def _accum():
        out_ref[...] += acc


_row_spec = pl.BlockSpec((R, D), lambda i: (i, 0))
_w_spec = pl.BlockSpec((D, D), lambda i: (0, 0))
_b_spec = pl.BlockSpec((1, D), lambda i: (0, 0))
_a0_spec = pl.BlockSpec((1, R, D), lambda i: (0, i, 0))
_a1_spec = pl.BlockSpec((1, R, D), lambda i: (1, i, 0))

_tc_first = pl.pallas_call(
    _tc_first_body, grid=(GRID,),
    in_specs=[_row_spec, _w_spec, _row_spec],
    out_specs=_row_spec,
    out_shape=jax.ShapeDtypeStruct((N, D), jnp.float32),
)

_tc_mid = pl.pallas_call(
    _tc_mid_body, grid=(GRID,),
    in_specs=[_a0_spec, _a1_spec, _row_spec, _row_spec, _b_spec, _w_spec],
    out_specs=_row_spec,
    out_shape=jax.ShapeDtypeStruct((N, D), jnp.float32),
)

_tc_final = pl.pallas_call(
    _tc_final_body, grid=(GRID,),
    in_specs=[_a0_spec, _a1_spec, _row_spec, _row_spec, _b_spec, _w_spec,
              _b_spec, _row_spec],
    out_specs=pl.BlockSpec((D, D), lambda i: (0, 0)),
    out_shape=jax.ShapeDtypeStruct((D, D), jnp.float32),
)


def kernel(x, edge_index, batch, W0, b0, W1, b1, W2, b2, Wl, bl):
    pad = ((0, ERPAD - ER), (0, 0))
    src = jnp.pad(edge_index[0].reshape(ER, K), pad)
    dst = jnp.pad(edge_index[1].reshape(ER, K), pad)

    degp = _deg_call(dst)
    deg = 1.0 + degp[:N] + degp[NP:NP + N]
    dis = lax.rsqrt(deg)
    dis_b = jnp.broadcast_to(dis[:, None], (N, D))

    y0 = _tc_first(x, W0, dis_b)
    a0 = _agg_call(src, dst, y0).reshape(NC, ACCR, D)
    y1 = _tc_mid(a0, a0, y0, dis_b, b0.reshape(1, D), W1)
    a1 = _agg_call(src, dst, y1).reshape(NC, ACCR, D)
    y2 = _tc_mid(a1, a1, y1, dis_b, b1.reshape(1, D), W2)
    a2 = _agg_call(src, dst, y2).reshape(NC, ACCR, D)

    Wlp = jnp.pad(Wl, ((0, 0), (0, D - 6)))
    blp = jnp.pad(bl, (0, D - 6)).reshape(1, D)
    batch_b = jnp.broadcast_to(batch[:, None], (N, D))
    P = _tc_final(a2, a2, y2, dis_b, b2.reshape(1, D), Wlp, blp, batch_b)

    sums = P[:G, :6]
    counts = P[:G, 6]
    return sums / jnp.clip(counts, 1.0)[:, None]

# --- scband reference (transcript-rebuilt; emitter-appended) ---
"""Pipeline reference for scband-gcn-15470472200358 (READ-ONLY COPY).

The authoritative reference and input builder live on the scoring server;
editing this copy changes nothing except your own understanding.
"""

import jax, jax.numpy as jnp
import numpy as np

N = 10000
E = 320000
D_IN = 128
D_H = 128
D_OUT = 6
G = 64


def setup_inputs(seed: int = 0) -> dict:
    key = jax.random.key(seed)
    ks = jax.random.split(key, 8)
    x = jax.random.normal(ks[0], (N, D_IN), dtype=jnp.float32)
    edge_index = jax.random.randint(ks[1], (2, E), 0, N, dtype=jnp.int32)
    batch = jnp.sort(jax.random.randint(ks[2], (N,), 0, G, dtype=jnp.int32))

    def glorot(k, shape):
        lim = np.sqrt(6.0 / (shape[0] + shape[1]))
        return jax.random.uniform(k, shape, dtype=jnp.float32, minval=-lim, maxval=lim)

    W0 = glorot(ks[3], (D_IN, D_H)); b0 = jnp.zeros((D_H,), jnp.float32)
    W1 = glorot(ks[4], (D_H, D_H)); b1 = jnp.zeros((D_H,), jnp.float32)
    W2 = glorot(ks[5], (D_H, D_H)); b2 = jnp.zeros((D_H,), jnp.float32)
    Wl = glorot(ks[6], (D_H, D_OUT)); bl = jnp.zeros((D_OUT,), jnp.float32)
    return {"x": x, "edge_index": edge_index, "batch": batch,
            "W0": W0, "b0": b0, "W1": W1, "b1": b1, "W2": W2, "b2": b2,
            "Wl": Wl, "bl": bl}


def _gcn_conv(x, W, b, src, dst, deg_inv_sqrt):
    # GCNConv: X' = D^{-1/2} (A + I) D^{-1/2} X W + b  (lin first, then normalized aggregation)
    xw = x @ W
    norm = deg_inv_sqrt[src] * deg_inv_sqrt[dst]
    msg = xw[src] * norm[:, None]
    out = jax.ops.segment_sum(msg, dst, num_segments=N)
    return out + b


def reference(x, edge_index, batch, W0, b0, W1, b1, W2, b2, Wl, bl):
    # add self-loops once (shared by all conv layers since graph is static)
    loop = jnp.arange(N, dtype=edge_index.dtype)
    src = jnp.concatenate([edge_index[0], loop])
    dst = jnp.concatenate([edge_index[1], loop])
    deg = jax.ops.segment_sum(jnp.ones_like(dst, dtype=x.dtype), dst, num_segments=N)
    dis = jnp.where(deg > 0, jax.lax.rsqrt(jnp.maximum(deg, 1e-12)), 0.0)

    h = jnp.tanh(_gcn_conv(x, W0, b0, src, dst, dis))
    h = jnp.tanh(_gcn_conv(h, W1, b1, src, dst, dis))
    h = jnp.tanh(_gcn_conv(h, W2, b2, src, dst, dis))
    # lins: single output Linear followed by Tanh (num_lin_layers=1)
    h = jnp.tanh(h @ Wl + bl)
    # global_mean_pool over graph ids
    sums = jax.ops.segment_sum(h, batch, num_segments=G)
    counts = jax.ops.segment_sum(jnp.ones((N,), h.dtype), batch, num_segments=G)
    return sums / jnp.clip(counts, 1.0)[:, None]

if __name__ == "__main__":
    import jax
    _d = setup_inputs()
    print(jax.jit(kernel)(*tuple(_d.values())))

</pallas_src>

<mosaic_0001>
#map = affine_map<(d0, d1) -> (0, 0)>
#map1 = affine_map<(d0, d1) -> (0)>
module attributes {stable_mosaic.version = 14 : i64} {
  func.func @_deg_body(%arg0: i32, %arg1: i32, %arg2: memref<2528x128xi32, #tpu.memory_space<hbm>>, %arg3: memref<20480xf32, #tpu.memory_space<hbm>>, %arg4: memref<8x128xi32, #tpu.memory_space<vmem>>, %arg5: memref<128xf32, #tpu.memory_space<vmem>>, %arg6: memref<640xf32, #tpu.memory_space<vmem>>, %arg7: memref<10240xf32, #tpu.memory_space<vmem_shared>>, %arg8: memref<!tpu.dma_semaphore, #tpu.memory_space<semaphore_mem>>, %arg9: memref<!tpu.dma_semaphore, #tpu.memory_space<semaphore_mem>>) attributes {dimension_semantics = [#tpu.dimension_semantics<core_parallel>, #tpu.dimension_semantics<subcore_parallel>], iteration_bounds = array<i64: 2, 16>, scalar_prefetch = 0 : i64, scratch_operands = 6 : i64, tpu.core_type = #tpu.core_type<sc_vector_subcore>, window_params = [{transform_indices = #map}, {transform_indices = #map1}]} {
    %mul3A = arith.constant 2 : i32
    %mul3A_0 = arith.muli %arg1, %mul3A : i32
    %add3A = arith.addi %mul3A_0, %arg0 : i32
    %scan3A = arith.constant 0 : i32
    %scan3A_1 = arith.constant 0 : i32
    %scan3A_2 = arith.constant 8 : i32
    %scan3A_3 = arith.addi %scan3A_1, %scan3A_2 : i32
    %scan3A_4 = arith.constant 1 : i32
    scf.for %scan3A_135 = %scan3A_1 to %scan3A_3 step %scan3A_4  : i32 {
      %broadcast_in_dim3A = arith.constant 1.000000e+00 : f32
      %broadcast_in_dim3A_136 = vector.broadcast %broadcast_in_dim3A : f32 to vector<16xf32>
      %mul3A_137 = arith.constant 16 : i32
      %mul3A_138 = arith.muli %scan3A_135, %mul3A_137 : i32
      %swap3A = arith.index_cast %mul3A_138 : i32 to index
      %swap3A_139 = tpu.vector_load %arg5[%swap3A] {strides = array<i32>} : memref<128xf32, #tpu.memory_space<vmem>>, vector<16xf32>,
      %swap3A_140 = vector.shape_cast %swap3A_139 : vector<16xf32> to vector<16xf32>
      %swap3A_141 = vector.shape_cast %broadcast_in_dim3A_136 : vector<16xf32> to vector<16xf32>
      tpu.vector_store %arg5[%swap3A], %swap3A_141 {strides = array<i32>} : memref<128xf32, #tpu.memory_space<vmem>>, vector<16xf32>,
    }
    %scan3A_5 = arith.constant 8 : i32
    %scan3A_6 = arith.constant 0 : i32
    %scan3A_7 = arith.constant 0 : i32
    %scan3A_8 = arith.constant 40 : i32
    %scan3A_9 = arith.addi %scan3A_7, %scan3A_8 : i32
    %scan3A_10 = arith.constant 1 : i32
    scf.for %scan3A_135 = %scan3A_7 to %scan3A_9 step %scan3A_10  : i32 {
      %broadcast_in_dim3A = arith.constant 0.000000e+00 : f32
      %broadcast_in_dim3A_136 = vector.broadcast %broadcast_in_dim3A : f32 to vector<16xf32>
      %mul3A_137 = arith.constant 16 : i32
      %mul3A_138 = arith.muli %scan3A_135, %mul3A_137 : i32
      %swap3A = arith.index_cast %mul3A_138 : i32 to index
      %swap3A_139 = tpu.vector_load %arg6[%swap3A] {strides = array<i32>} : memref<640xf32, #tpu.memory_space<vmem>>, vector<16xf32>,
      %swap3A_140 = vector.shape_cast %swap3A_139 : vector<16xf32> to vector<16xf32>
      %swap3A_141 = vector.shape_cast %broadcast_in_dim3A_136 : vector<16xf32> to vector<16xf32>
      tpu.vector_store %arg6[%swap3A], %swap3A_141 {strides = array<i32>} : memref<640xf32, #tpu.memory_space<vmem>>, vector<16xf32>,
    }
    %scan3A_11 = arith.constant 40 : i32
    %mul3A_12 = arith.constant 640 : i32
    %mul3A_13 = arith.muli %arg1, %mul3A_12 : i32
    "tpu.region"() ({
      %run_scoped3A = tpu.sem_alloc : memref<!tpu.dma_semaphore, #tpu.memory_space<semaphore_mem>>
      %dma_start3A = tpu.memref_slice %arg7[%mul3A_13] : memref<10240xf32, #tpu.memory_space<vmem_shared>> -> memref<640xf32, #tpu.memory_space<vmem_shared>>
      %dma_start3A_135 = tpu.memref_slice %arg7[%mul3A_13] : memref<10240xf32, #tpu.memory_space<vmem_shared>> -> memref<640xf32, #tpu.memory_space<vmem_shared>>
      tpu.enqueue_dma source(%arg6 : memref<640xf32, #tpu.memory_space<vmem>>) target(%dma_start3A_135 : memref<640xf32, #tpu.memory_space<vmem_shared>>) target_semaphore(%run_scoped3A : memref<!tpu.dma_semaphore, #tpu.memory_space<semaphore_mem>>)
      %dma_wait3A = tpu.memref_slice %arg7[%mul3A_13] : memref<10240xf32, #tpu.memory_space<vmem_shared>> -> memref<640xf32, #tpu.memory_space<vmem_shared>>
      %dma_wait3A_136 = tpu.memref_slice %arg7[%mul3A_13] : memref<10240xf32, #tpu.memory_space<vmem_shared>> -> memref<640xf32, #tpu.memory_space<vmem_shared>>
      tpu.wait_dma2 semaphore(%run_scoped3A : memref<!tpu.dma_semaphore, #tpu.memory_space<semaphore_mem>>) src(%arg6 : memref<640xf32, #tpu.memory_space<vmem>>) dst(%dma_wait3A_136 : memref<640xf32, #tpu.memory_space<vmem_shared>>)
      tpu.yield
    }) : () -> ()
    %barrier3A = arith.constant 0 : index
    tpu.barrier barrier_id(%barrier3A)
    %mul3A_14 = arith.constant 2500 : i32
    %mul3A_15 = arith.muli %mul3A_14, %add3A : i32
    %jit3A = arith.constant 256 : i32
    %div3A = arith.divsi %mul3A_15, %jit3A : i32
    %sign3A = arith.constant 0 : i32
    %sign3A_16 = arith.cmpi sgt, %mul3A_15, %sign3A : i32
    %sign3A_17 = arith.extui %sign3A_16 : i1 to i32
    %sign3A_18 = arith.constant 0 : i32
    %sign3A_19 = arith.cmpi slt, %mul3A_15, %sign3A_18 : i32
    %sign3A_20 = arith.extui %sign3A_19 : i1 to i32
    %sign3A_21 = arith.subi %sign3A_17, %sign3A_20 : i32
    %sign3A_22 = arith.constant 0 : i32
    %sign3A_23 = arith.cmpi sgt, %jit3A, %sign3A_22 : i32
    %sign3A_24 = arith.extui %sign3A_23 : i1 to i32
    %sign3A_25 = arith.constant 0 : i32
    %sign3A_26 = arith.cmpi slt, %jit3A, %sign3A_25 : i32
    %sign3A_27 = arith.extui %sign3A_26 : i1 to i32
    %sign3A_28 = arith.subi %sign3A_24, %sign3A_27 : i32
    %ne3A = arith.cmpi ne, %sign3A_21, %sign3A_28 : i32
    %rem3A = arith.remsi %mul3A_15, %jit3A : i32
    %ne3A_29 = arith.constant 0 : i32
    %ne3A_30 = arith.cmpi ne, %rem3A, %ne3A_29 : i32
    %and3A = arith.andi %ne3A, %ne3A_30 : i1
    %sub3A = arith.constant 1 : i32
    %sub3A_31 = arith.subi %div3A, %sub3A : i32
    %select_n3A = arith.select %and3A, %sub3A_31, %div3A : i32
    %mul3A_32 = arith.constant 8 : i32
    %mul3A_33 = arith.muli %select_n3A, %mul3A_32 : i32
    %multiple_of3A = tpu.assume_multiple %mul3A_33, 8 : i32
    %eq3A = arith.constant 31 : i32
    %eq3A_34 = arith.cmpi eq, %add3A, %eq3A : i32
    %add3A_35 = arith.constant 1 : i32
    %add3A_36 = arith.addi %add3A, %add3A_35 : i32
    %mul3A_37 = arith.constant 2500 : i32
    %mul3A_38 = arith.muli %mul3A_37, %add3A_36 : i32
    %jit3A_39 = arith.constant 256 : i32
    %div3A_40 = arith.divsi %mul3A_38, %jit3A_39 : i32
    %sign3A_41 = arith.constant 0 : i32
    %sign3A_42 = arith.cmpi sgt, %mul3A_38, %sign3A_41 : i32
    %sign3A_43 = arith.extui %sign3A_42 : i1 to i32
    %sign3A_44 = arith.constant 0 : i32
    %sign3A_45 = arith.cmpi slt, %mul3A_38, %sign3A_44 : i32
    %sign3A_46 = arith.extui %sign3A_45 : i1 to i32
    %sign3A_47 = arith.subi %sign3A_43, %sign3A_46 : i32
    %sign3A_48 = arith.constant 0 : i32
    %sign3A_49 = arith.cmpi sgt, %jit3A_39, %sign3A_48 : i32
    %sign3A_50 = arith.extui %sign3A_49 : i1 to i32
    %sign3A_51 = arith.constant 0 : i32
    %sign3A_52 = arith.cmpi slt, %jit3A_39, %sign3A_51 : i32
    %sign3A_53 = arith.extui %sign3A_52 : i1 to i32
    %sign3A_54 = arith.subi %sign3A_50, %sign3A_53 : i32
    %ne3A_55 = arith.cmpi ne, %sign3A_47, %sign3A_54 : i32
    %rem3A_56 = arith.remsi %mul3A_38, %jit3A_39 : i32
    %ne3A_57 = arith.constant 0 : i32
    %ne3A_58 = arith.cmpi ne, %rem3A_56, %ne3A_57 : i32
    %and3A_59 = arith.andi %ne3A_55, %ne3A_58 : i1
    %sub3A_60 = arith.constant 1 : i32
    %sub3A_61 = arith.subi %div3A_40, %sub3A_60 : i32
    %select_n3A_62 = arith.select %and3A_59, %sub3A_61, %div3A_40 : i32
    %mul3A_63 = arith.constant 8 : i32
    %mul3A_64 = arith.muli %select_n3A_62, %mul3A_63 : i32
    %jit3A_65 = arith.constant 2500 : i32
    %select_n3A_66 = arith.select %eq3A_34, %jit3A_65, %mul3A_64 : i32
    %sub3A_67 = arith.subi %select_n3A_66, %multiple_of3A : i32
    %jit3A_68 = arith.constant 2 : i32
    %div3A_69 = arith.divsi %sub3A_67, %jit3A_68 : i32
    %sign3A_70 = arith.constant 0 : i32
    %sign3A_71 = arith.cmpi sgt, %sub3A_67, %sign3A_70 : i32
    %sign3A_72 = arith.extui %sign3A_71 : i1 to i32
    %sign3A_73 = arith.constant 0 : i32
    %sign3A_74 = arith.cmpi slt, %sub3A_67, %sign3A_73 : i32
    %sign3A_75 = arith.extui %sign3A_74 : i1 to i32
    %sign3A_76 = arith.subi %sign3A_72, %sign3A_75 : i32
    %sign3A_77 = arith.constant 0 : i32
    %sign3A_78 = arith.cmpi sgt, %jit3A_68, %sign3A_77 : i32
    %sign3A_79 = arith.extui %sign3A_78 : i1 to i32
    %sign3A_80 = arith.constant 0 : i32
    %sign3A_81 = arith.cmpi slt, %jit3A_68, %sign3A_80 : i32
    %sign3A_82 = arith.extui %sign3A_81 : i1 to i32
    %sign3A_83 = arith.subi %sign3A_79, %sign3A_82 : i32
    %ne3A_84 = arith.cmpi ne, %sign3A_76, %sign3A_83 : i32
    %rem3A_85 = arith.remsi %sub3A_67, %jit3A_68 : i32
    %ne3A_86 = arith.constant 0 : i32
    %ne3A_87 = arith.cmpi ne, %rem3A_85, %ne3A_86 : i32
    %and3A_88 = arith.andi %ne3A_84, %ne3A_87 : i1
    %sub3A_89 = arith.constant 1 : i32
    %sub3A_90 = arith.subi %div3A_69, %sub3A_89 : i32
    %select_n3A_91 = arith.select %and3A_88, %sub3A_90, %div3A_69 : i32
    %add3A_92 = arith.constant 3 : i32
    %add3A_93 = arith.addi %select_n3A_91, %add3A_92 : i32
    %jit3A_94 = arith.constant 4 : i32
    %div3A_95 = arith.divsi %add3A_93, %jit3A_94 : i32
    %sign3A_96 = arith.constant 0 : i32
    %sign3A_97 = arith.cmpi sgt, %add3A_93, %sign3A_96 : i32
    %sign3A_98 = arith.extui %sign3A_97 : i1 to i32
    %sign3A_99 = arith.constant 0 : i32
    %sign3A_100 = arith.cmpi slt, %add3A_93, %sign3A_99 : i32
    %sign3A_101 = arith.extui %sign3A_100 : i1 to i32
    %sign3A_102 = arith.subi %sign3A_98, %sign3A_101 : i32
    %sign3A_103 = arith.constant 0 : i32
    %sign3A_104 = arith.cmpi sgt, %jit3A_94, %sign3A_103 : i32
    %sign3A_105 = arith.extui %sign3A_104 : i1 to i32
    %sign3A_106 = arith.constant 0 : i32
    %sign3A_107 = arith.cmpi slt, %jit3A_94, %sign3A_106 : i32
    %sign3A_108 = arith.extui %sign3A_107 : i1 to i32
    %sign3A_109 = arith.subi %sign3A_105, %sign3A_108 : i32
    %ne3A_110 = arith.cmpi ne, %sign3A_102, %sign3A_109 : i32
    %rem3A_111 = arith.remsi %add3A_93, %jit3A_94 : i32
    %ne3A_112 = arith.constant 0 : i32
    %ne3A_113 = arith.cmpi ne, %rem3A_111, %ne3A_112 : i32
    %and3A_114 = arith.andi %ne3A_110, %ne3A_113 : i1
    %sub3A_115 = arith.constant 1 : i32
    %sub3A_116 = arith.subi %div3A_95, %sub3A_115 : i32
    %select_n3A_117 = arith.select %and3A_114, %sub3A_116, %div3A_95 : i32
    %while3A = arith.constant 0 : i32
    %while3A_118 = arith.constant 0 : i32
    %while3A_119 = arith.subi %select_n3A_117, %while3A_118 : i32
    %while3A_120 = arith.addi %while3A_118, %while3A_119 : i32
    %while3A_121 = arith.constant 1 : i32
    %while3A_122 = arith.divsi %while3A_119, %while3A_121 : i32
    %while3A_123 = arith.muli %while3A_122, %while3A_121 : i32
    %while3A_124 = arith.addi %while3A_118, %while3A_123 : i32
    %while3A_125 = arith.constant 1 : i32
    scf.for %while3A_135 = %while3A_118 to %while3A_124 step %while3A_125  : i32 {
      %mul3A_136 = arith.constant 8 : i32
      %mul3A_137 = arith.muli %while3A_135, %mul3A_136 : i32
      %add3A_138 = arith.addi %multiple_of3A, %mul3A_137 : i32
      %multiple_of3A_139 = tpu.assume_multiple %add3A_138, 8 : i32
      "tpu.region"() ({
        %run_scoped3A = tpu.sem_alloc : memref<!tpu.dma_semaphore, #tpu.memory_space<semaphore_mem>>
        %dma_start3A = arith.constant 0 : i32
        %dma_start3A_154 = tpu.memref_slice %arg2[%multiple_of3A_139, %dma_start3A] : memref<2528x128xi32, #tpu.memory_space<hbm>> -> memref<8x128xi32, #tpu.memory_space<hbm>>
        %dma_start3A_155 = arith.constant 0 : i32
        %dma_start3A_156 = tpu.memref_slice %arg2[%multiple_of3A_139, %dma_start3A_155] : memref<2528x128xi32, #tpu.memory_space<hbm>> -> memref<8x128xi32, #tpu.memory_space<hbm>>
        tpu.enqueue_dma source(%dma_start3A_156 : memref<8x128xi32, #tpu.memory_space<hbm>>) target(%arg4 : memref<8x128xi32, #tpu.memory_space<vmem>>) target_semaphore(%run_scoped3A : memref<!tpu.dma_semaphore, #tpu.memory_space<semaphore_mem>>)
        %dma_wait3A = arith.constant 0 : i32
        %dma_wait3A_157 = tpu.memref_slice %arg2[%multiple_of3A_139, %dma_wait3A] : memref<2528x128xi32, #tpu.memory_space<hbm>> -> memref<8x128xi32, #tpu.memory_space<hbm>>
        %dma_wait3A_158 = arith.constant 0 : i32
        %dma_wait3A_159 = tpu.memref_slice %arg2[%multiple_of3A_139, %dma_wait3A_158] : memref<2528x128xi32, #tpu.memory_space<hbm>> -> memref<8x128xi32, #tpu.memory_space<hbm>>
        tpu.wait_dma2 semaphore(%run_scoped3A : memref<!tpu.dma_semaphore, #tpu.memory_space<semaphore_mem>>) src(%dma_wait3A_159 : memref<8x128xi32, #tpu.memory_space<hbm>>) dst(%arg4 : memref<8x128xi32, #tpu.memory_space<vmem>>)
        tpu.yield
      }) : () -> ()
      %mul3A_140 = arith.constant 4 : i32
      %mul3A_141 = arith.muli %while3A_135, %mul3A_140 : i32
      %sub3A_142 = arith.subi %select_n3A_91, %mul3A_141 : i32
      %min3A = arith.constant 4 : i32
      %min3A_143 = arith.minsi %min3A, %sub3A_142 : i32
      %while3A_144 = arith.constant 0 : i32
      %while3A_145 = arith.constant 0 : i32
      %while3A_146 = arith.subi %min3A_143, %while3A_145 : i32
      %while3A_147 = arith.addi %while3A_145, %while3A_146 : i32
      %while3A_148 = arith.constant 1 : i32
      %while3A_149 = arith.divsi %while3A_146, %while3A_148 : i32
      %while3A_150 = arith.muli %while3A_149, %while3A_148 : i32
      %while3A_151 = arith.addi %while3A_145, %while3A_150 : i32
      %while3A_152 = arith.constant 1 : i32
      scf.for %while3A_154 = %while3A_145 to %while3A_151 step %while3A_152  : i32 {
        %mul3A_155 = arith.constant 2 : i32
        %mul3A_156 = arith.muli %mul3A_155, %while3A_154 : i32
        %dma_start3A = arith.constant 0 : i32
        %dma_start3A_157 = tpu.memref_slice %arg4[%mul3A_156, %dma_start3A] : memref<8x128xi32, #tpu.memory_space<vmem>> -> memref<1x128xi32, #tpu.memory_space<vmem>>
        %dma_start3A_158 = tpu.memref_squeeze %dma_start3A_157 : memref<1x128xi32, #tpu.memory_space<vmem>> -> memref<128xi32, #tpu.memory_space<vmem>>
        %dma_start3A_159 = arith.constant 0 : i32
        %dma_start3A_160 = tpu.memref_slice %arg7[%dma_start3A_159] : memref<10240xf32, #tpu.memory_space<vmem_shared>> -> memref<10240xf32, #tpu.memory_space<vmem_shared>>
        tpu.enqueue_indirect_dma source(%arg5 : memref<128xf32, #tpu.memory_space<vmem>>) target(%dma_start3A_160 : memref<10240xf32, #tpu.memory_space<vmem_shared>>) offsets(%dma_start3A_158 : memref<128xi32, #tpu.memory_space<vmem>>) semaphore(%arg8 : memref<!tpu.dma_semaphore, #tpu.memory_space<semaphore_mem>>) {add = true}
        %mul3A_161 = arith.constant 2 : i32
        %mul3A_162 = arith.muli %mul3A_161, %while3A_154 : i32
        %add3A_163 = arith.constant 1 : i32
        %add3A_164 = arith.addi %mul3A_162, %add3A_163 : i32
        %dma_start3A_165 = arith.constant 0 : i32
        %dma_start3A_166 = tpu.memref_slice %arg4[%add3A_164, %dma_start3A_165] : memref<8x128xi32, #tpu.memory_space<vmem>> -> memref<1x128xi32, #tpu.memory_space<vmem>>
        %dma_start3A_167 = tpu.memref_squeeze %dma_start3A_166 : memref<1x128xi32, #tpu.memory_space<vmem>> -> memref<128xi32, #tpu.memory_space<vmem>>
        %dma_start3A_168 = arith.constant 0 : i32
        %dma_start3A_169 = tpu.memref_slice %arg7[%dma_start3A_168] : memref<10240xf32, #tpu.memory_space<vmem_shared>> -> memref<10240xf32, #tpu.memory_space<vmem_shared>>
        tpu.enqueue_indirect_dma source(%arg5 : memref<128xf32, #tpu.memory_space<vmem>>) target(%dma_start3A_169 : memref<10240xf32, #tpu.memory_space<vmem_shared>>) offsets(%dma_start3A_167 : memref<128xi32, #tpu.memory_space<vmem>>) semaphore(%arg9 : memref<!tpu.dma_semaphore, #tpu.memory_space<semaphore_mem>>) {add = true}
        %dma_wait3A = arith.constant 0 : i32
        %dma_wait3A_170 = tpu.memref_slice %arg4[%mul3A_156, %dma_wait3A] : memref<8x128xi32, #tpu.memory_space<vmem>> -> memref<1x128xi32, #tpu.memory_space<vmem>>
        %dma_wait3A_171 = tpu.memref_squeeze %dma_wait3A_170 : memref<1x128xi32, #tpu.memory_space<vmem>> -> memref<128xi32, #tpu.memory_space<vmem>>
        %dma_wait3A_172 = arith.constant 0 : i32
        %dma_wait3A_173 = tpu.memref_slice %arg7[%dma_wait3A_172] : memref<10240xf32, #tpu.memory_space<vmem_shared>> -> memref<10240xf32, #tpu.memory_space<vmem_shared>>
        tpu.wait_indirect_dma semaphore(%arg8 : memref<!tpu.dma_semaphore, #tpu.memory_space<semaphore_mem>>) src(%arg5 : memref<128xf32, #tpu.memory_space<vmem>>) dst(%dma_wait3A_173 : memref<10240xf32, #tpu.memory_space<vmem_shared>>)
        %dma_wait3A_174 = arith.constant 0 : i32
        %dma_wait3A_175 = tpu.memref_slice %arg4[%add3A_164, %dma_wait3A_174] : memref<8x128xi32, #tpu.memory_space<vmem>> -> memref<1x128xi32, #tpu.memory_space<vmem>>
        %dma_wait3A_176 = tpu.memref_squeeze %dma_wait3A_175 : memref<1x128xi32, #tpu.memory_space<vmem>> -> memref<128xi32, #tpu.memory_space<vmem>>
        %dma_wait3A_177 = arith.constant 0 : i32
        %dma_wait3A_178 = tpu.memref_slice %arg7[%dma_wait3A_177] : memref<10240xf32, #tpu.memory_space<vmem_shared>> -> memref<10240xf32, #tpu.memory_space<vmem_shared>>
        tpu.wait_indirect_dma semaphore(%arg9 : memref<!tpu.dma_semaphore, #tpu.memory_space<semaphore_mem>>) src(%arg5 : memref<128xf32, #tpu.memory_space<vmem>>) dst(%dma_wait3A_178 : memref<10240xf32, #tpu.memory_space<vmem_shared>>)
      }
      %while3A_153 = arith.constant 1 : i32
      scf.for %while3A_154 = %while3A_151 to %while3A_147 step %while3A_153  : i32 {
        %mul3A_155 = arith.constant 2 : i32
        %mul3A_156 = arith.muli %mul3A_155, %while3A_154 : i32
        %dma_start3A = arith.constant 0 : i32
        %dma_start3A_157 = tpu.memref_slice %arg4[%mul3A_156, %dma_start3A] : memref<8x128xi32, #tpu.memory_space<vmem>> -> memref<1x128xi32, #tpu.memory_space<vmem>>
        %dma_start3A_158 = tpu.memref_squeeze %dma_start3A_157 : memref<1x128xi32, #tpu.memory_space<vmem>> -> memref<128xi32, #tpu.memory_space<vmem>>
        %dma_start3A_159 = arith.constant 0 : i32
        %dma_start3A_160 = tpu.memref_slice %arg7[%dma_start3A_159] : memref<10240xf32, #tpu.memory_space<vmem_shared>> -> memref<10240xf32, #tpu.memory_space<vmem_shared>>
        tpu.enqueue_indirect_dma source(%arg5 : memref<128xf32, #tpu.memory_space<vmem>>) target(%dma_start3A_160 : memref<10240xf32, #tpu.memory_space<vmem_shared>>) offsets(%dma_start3A_158 : memref<128xi32, #tpu.memory_space<vmem>>) semaphore(%arg8 : memref<!tpu.dma_semaphore, #tpu.memory_space<semaphore_mem>>) {add = true}
        %mul3A_161 = arith.constant 2 : i32
        %mul3A_162 = arith.muli %mul3A_161, %while3A_154 : i32
        %add3A_163 = arith.constant 1 : i32
        %add3A_164 = arith.addi %mul3A_162, %add3A_163 : i32
        %dma_start3A_165 = arith.constant 0 : i32
        %dma_start3A_166 = tpu.memref_slice %arg4[%add3A_164, %dma_start3A_165] : memref<8x128xi32, #tpu.memory_space<vmem>> -> memref<1x128xi32, #tpu.memory_space<vmem>>
        %dma_start3A_167 = tpu.memref_squeeze %dma_start3A_166 : memref<1x128xi32, #tpu.memory_space<vmem>> -> memref<128xi32, #tpu.memory_space<vmem>>
        %dma_start3A_168 = arith.constant 0 : i32
        %dma_start3A_169 = tpu.memref_slice %arg7[%dma_start3A_168] : memref<10240xf32, #tpu.memory_space<vmem_shared>> -> memref<10240xf32, #tpu.memory_space<vmem_shared>>
        tpu.enqueue_indirect_dma source(%arg5 : memref<128xf32, #tpu.memory_space<vmem>>) target(%dma_start3A_169 : memref<10240xf32, #tpu.memory_space<vmem_shared>>) offsets(%dma_start3A_167 : memref<128xi32, #tpu.memory_space<vmem>>) semaphore(%arg9 : memref<!tpu.dma_semaphore, #tpu.memory_space<semaphore_mem>>) {add = true}
        %dma_wait3A = arith.constant 0 : i32
        %dma_wait3A_170 = tpu.memref_slice %arg4[%mul3A_156, %dma_wait3A] : memref<8x128xi32, #tpu.memory_space<vmem>> -> memref<1x128xi32, #tpu.memory_space<vmem>>
        %dma_wait3A_171 = tpu.memref_squeeze %dma_wait3A_170 : memref<1x128xi32, #tpu.memory_space<vmem>> -> memref<128xi32, #tpu.memory_space<vmem>>
        %dma_wait3A_172 = arith.constant 0 : i32
        %dma_wait3A_173 = tpu.memref_slice %arg7[%dma_wait3A_172] : memref<10240xf32, #tpu.memory_space<vmem_shared>> -> memref<10240xf32, #tpu.memory_space<vmem_shared>>
        tpu.wait_indirect_dma semaphore(%arg8 : memref<!tpu.dma_semaphore, #tpu.memory_space<semaphore_mem>>) src(%arg5 : memref<128xf32, #tpu.memory_space<vmem>>) dst(%dma_wait3A_173 : memref<10240xf32, #tpu.memory_space<vmem_shared>>)
        %dma_wait3A_174 = arith.constant 0 : i32
        %dma_wait3A_175 = tpu.memref_slice %arg4[%add3A_164, %dma_wait3A_174] : memref<8x128xi32, #tpu.memory_space<vmem>> -> memref<1x128xi32, #tpu.memory_space<vmem>>
        %dma_wait3A_176 = tpu.memref_squeeze %dma_wait3A_175 : memref<1x128xi32, #tpu.memory_space<vmem>> -> memref<128xi32, #tpu.memory_space<vmem>>
        %dma_wait3A_177 = arith.constant 0 : i32
        %dma_wait3A_178 = tpu.memref_slice %arg7[%dma_wait3A_177] : memref<10240xf32, #tpu.memory_space<vmem_shared>> -> memref<10240xf32, #tpu.memory_space<vmem_shared>>
        tpu.wait_indirect_dma semaphore(%arg9 : memref<!tpu.dma_semaphore, #tpu.memory_space<semaphore_mem>>) src(%arg5 : memref<128xf32, #tpu.memory_space<vmem>>) dst(%dma_wait3A_178 : memref<10240xf32, #tpu.memory_space<vmem_shared>>)
      }
    }
    %while3A_126 = arith.constant 1 : i32
    scf.for %while3A_135 = %while3A_124 to %while3A_120 step %while3A_126  : i32 {
      %mul3A_136 = arith.constant 8 : i32
      %mul3A_137 = arith.muli %while3A_135, %mul3A_136 : i32
      %add3A_138 = arith.addi %multiple_of3A, %mul3A_137 : i32
      %multiple_of3A_139 = tpu.assume_multiple %add3A_138, 8 : i32
      "tpu.region"() ({
        %run_scoped3A = tpu.sem_alloc : memref<!tpu.dma_semaphore, #tpu.memory_space<semaphore_mem>>
        %dma_start3A = arith.constant 0 : i32
        %dma_start3A_154 = tpu.memref_slice %arg2[%multiple_of3A_139, %dma_start3A] : memref<2528x128xi32, #tpu.memory_space<hbm>> -> memref<8x128xi32, #tpu.memory_space<hbm>>
        %dma_start3A_155 = arith.constant 0 : i32
        %dma_start3A_156 = tpu.memref_slice %arg2[%multiple_of3A_139, %dma_start3A_155] : memref<2528x128xi32, #tpu.memory_space<hbm>> -> memref<8x128xi32, #tpu.memory_space<hbm>>
        tpu.enqueue_dma source(%dma_start3A_156 : memref<8x128xi32, #tpu.memory_space<hbm>>) target(%arg4 : memref<8x128xi32, #tpu.memory_space<vmem>>) target_semaphore(%run_scoped3A : memref<!tpu.dma_semaphore, #tpu.memory_space<semaphore_mem>>)
        %dma_wait3A = arith.constant 0 : i32
        %dma_wait3A_157 = tpu.memref_slice %arg2[%multiple_of3A_139, %dma_wait3A] : memref<2528x128xi32, #tpu.memory_space<hbm>> -> memref<8x128xi32, #tpu.memory_space<hbm>>
        %dma_wait3A_158 = arith.constant 0 : i32
        %dma_wait3A_159 = tpu.memref_slice %arg2[%multiple_of3A_139, %dma_wait3A_158] : memref<2528x128xi32, #tpu.memory_space<hbm>> -> memref<8x128xi32, #tpu.memory_space<hbm>>
        tpu.wait_dma2 semaphore(%run_scoped3A : memref<!tpu.dma_semaphore, #tpu.memory_space<semaphore_mem>>) src(%dma_wait3A_159 : memref<8x128xi32, #tpu.memory_space<hbm>>) dst(%arg4 : memref<8x128xi32, #tpu.memory_space<vmem>>)
        tpu.yield
      }) : () -> ()
      %mul3A_140 = arith.constant 4 : i32
      %mul3A_141 = arith.muli %while3A_135, %mul3A_140 : i32
      %sub3A_142 = arith.subi %select_n3A_91, %mul3A_141 : i32
      %min3A = arith.constant 4 : i32
      %min3A_143 = arith.minsi %min3A, %sub3A_142 : i32
      %while3A_144 = arith.constant 0 : i32
      %while3A_145 = arith.constant 0 : i32
      %while3A_146 = arith.subi %min3A_143, %while3A_145 : i32
      %while3A_147 = arith.addi %while3A_145, %while3A_146 : i32
      %while3A_148 = arith.constant 1 : i32
      %while3A_149 = arith.divsi %while3A_146, %while3A_148 : i32
      %while3A_150 = arith.muli %while3A_149, %while3A_148 : i32
      %while3A_151 = arith.addi %while3A_145, %while3A_150 : i32
      %while3A_152 = arith.constant 1 : i32
      scf.for %while3A_154 = %while3A_145 to %while3A_151 step %while3A_152  : i32 {
        %mul3A_155 = arith.constant 2 : i32
        %mul3A_156 = arith.muli %mul3A_155, %while3A_154 : i32
        %dma_start3A = arith.constant 0 : i32
        %dma_start3A_157 = tpu.memref_slice %arg4[%mul3A_156, %dma_start3A] : memref<8x128xi32, #tpu.memory_space<vmem>> -> memref<1x128xi32, #tpu.memory_space<vmem>>
        %dma_start3A_158 = tpu.memref_squeeze %dma_start3A_157 : memref<1x128xi32, #tpu.memory_space<vmem>> -> memref<128xi32, #tpu.memory_space<vmem>>
        %dma_start3A_159 = arith.constant 0 : i32
        %dma_start3A_160 = tpu.memref_slice %arg7[%dma_start3A_159] : memref<10240xf32, #tpu.memory_space<vmem_shared>> -> memref<10240xf32, #tpu.memory_space<vmem_shared>>
        tpu.enqueue_indirect_dma source(%arg5 : memref<128xf32, #tpu.memory_space<vmem>>) target(%dma_start3A_160 : memref<10240xf32, #tpu.memory_space<vmem_shared>>) offsets(%dma_start3A_158 : memref<128xi32, #tpu.memory_space<vmem>>) semaphore(%arg8 : memref<!tpu.dma_semaphore, #tpu.memory_space<semaphore_mem>>) {add = true}
        %mul3A_161 = arith.constant 2 : i32
        %mul3A_162 = arith.muli %mul3A_161, %while3A_154 : i32
        %add3A_163 = arith.constant 1 : i32
        %add3A_164 = arith.addi %mul3A_162, %add3A_163 : i32
        %dma_start3A_165 = arith.constant 0 : i32
        %dma_start3A_166 = tpu.memref_slice %arg4[%add3A_164, %dma_start3A_165] : memref<8x128xi32, #tpu.memory_space<vmem>> -> memref<1x128xi32, #tpu.memory_space<vmem>>
        %dma_start3A_167 = tpu.memref_squeeze %dma_start3A_166 : memref<1x128xi32, #tpu.memory_space<vmem>> -> memref<128xi32, #tpu.memory_space<vmem>>
        %dma_start3A_168 = arith.constant 0 : i32
        %dma_start3A_169 = tpu.memref_slice %arg7[%dma_start3A_168] : memref<10240xf32, #tpu.memory_space<vmem_shared>> -> memref<10240xf32, #tpu.memory_space<vmem_shared>>
        tpu.enqueue_indirect_dma source(%arg5 : memref<128xf32, #tpu.memory_space<vmem>>) target(%dma_start3A_169 : memref<10240xf32, #tpu.memory_space<vmem_shared>>) offsets(%dma_start3A_167 : memref<128xi32, #tpu.memory_space<vmem>>) semaphore(%arg9 : memref<!tpu.dma_semaphore, #tpu.memory_space<semaphore_mem>>) {add = true}
        %dma_wait3A = arith.constant 0 : i32
        %dma_wait3A_170 = tpu.memref_slice %arg4[%mul3A_156, %dma_wait3A] : memref<8x128xi32, #tpu.memory_space<vmem>> -> memref<1x128xi32, #tpu.memory_space<vmem>>
        %dma_wait3A_171 = tpu.memref_squeeze %dma_wait3A_170 : memref<1x128xi32, #tpu.memory_space<vmem>> -> memref<128xi32, #tpu.memory_space<vmem>>
        %dma_wait3A_172 = arith.constant 0 : i32
        %dma_wait3A_173 = tpu.memref_slice %arg7[%dma_wait3A_172] : memref<10240xf32, #tpu.memory_space<vmem_shared>> -> memref<10240xf32, #tpu.memory_space<vmem_shared>>
        tpu.wait_indirect_dma semaphore(%arg8 : memref<!tpu.dma_semaphore, #tpu.memory_space<semaphore_mem>>) src(%arg5 : memref<128xf32, #tpu.memory_space<vmem>>) dst(%dma_wait3A_173 : memref<10240xf32, #tpu.memory_space<vmem_shared>>)
        %dma_wait3A_174 = arith.constant 0 : i32
        %dma_wait3A_175 = tpu.memref_slice %arg4[%add3A_164, %dma_wait3A_174] : memref<8x128xi32, #tpu.memory_space<vmem>> -> memref<1x128xi32, #tpu.memory_space<vmem>>
        %dma_wait3A_176 = tpu.memref_squeeze %dma_wait3A_175 : memref<1x128xi32, #tpu.memory_space<vmem>> -> memref<128xi32, #tpu.memory_space<vmem>>
        %dma_wait3A_177 = arith.constant 0 : i32
        %dma_wait3A_178 = tpu.memref_slice %arg7[%dma_wait3A_177] : memref<10240xf32, #tpu.memory_space<vmem_shared>> -> memref<10240xf32, #tpu.memory_space<vmem_shared>>
        tpu.wait_indirect_dma semaphore(%arg9 : memref<!tpu.dma_semaphore, #tpu.memory_space<semaphore_mem>>) src(%arg5 : memref<128xf32, #tpu.memory_space<vmem>>) dst(%dma_wait3A_178 : memref<10240xf32, #tpu.memory_space<vmem_shared>>)
      }
      %while3A_153 = arith.constant 1 : i32
      scf.for %while3A_154 = %while3A_151 to %while3A_147 step %while3A_153  : i32 {
        %mul3A_155 = arith.constant 2 : i32
        %mul3A_156 = arith.muli %mul3A_155, %while3A_154 : i32
        %dma_start3A = arith.constant 0 : i32
        %dma_start3A_157 = tpu.memref_slice %arg4[%mul3A_156, %dma_start3A] : memref<8x128xi32, #tpu.memory_space<vmem>> -> memref<1x128xi32, #tpu.memory_space<vmem>>
        %dma_start3A_158 = tpu.memref_squeeze %dma_start3A_157 : memref<1x128xi32, #tpu.memory_space<vmem>> -> memref<128xi32, #tpu.memory_space<vmem>>
        %dma_start3A_159 = arith.constant 0 : i32
        %dma_start3A_160 = tpu.memref_slice %arg7[%dma_start3A_159] : memref<10240xf32, #tpu.memory_space<vmem_shared>> -> memref<10240xf32, #tpu.memory_space<vmem_shared>>
        tpu.enqueue_indirect_dma source(%arg5 : memref<128xf32, #tpu.memory_space<vmem>>) target(%dma_start3A_160 : memref<10240xf32, #tpu.memory_space<vmem_shared>>) offsets(%dma_start3A_158 : memref<128xi32, #tpu.memory_space<vmem>>) semaphore(%arg8 : memref<!tpu.dma_semaphore, #tpu.memory_space<semaphore_mem>>) {add = true}
        %mul3A_161 = arith.constant 2 : i32
        %mul3A_162 = arith.muli %mul3A_161, %while3A_154 : i32
        %add3A_163 = arith.constant 1 : i32
        %add3A_164 = arith.addi %mul3A_162, %add3A_163 : i32
        %dma_start3A_165 = arith.constant 0 : i32
        %dma_start3A_166 = tpu.memref_slice %arg4[%add3A_164, %dma_start3A_165] : memref<8x128xi32, #tpu.memory_space<vmem>> -> memref<1x128xi32, #tpu.memory_space<vmem>>
        %dma_start3A_167 = tpu.memref_squeeze %dma_start3A_166 : memref<1x128xi32, #tpu.memory_space<vmem>> -> memref<128xi32, #tpu.memory_space<vmem>>
        %dma_start3A_168 = arith.constant 0 : i32
        %dma_start3A_169 = tpu.memref_slice %arg7[%dma_start3A_168] : memref<10240xf32, #tpu.memory_space<vmem_shared>> -> memref<10240xf32, #tpu.memory_space<vmem_shared>>
        tpu.enqueue_indirect_dma source(%arg5 : memref<128xf32, #tpu.memory_space<vmem>>) target(%dma_start3A_169 : memref<10240xf32, #tpu.memory_space<vmem_shared>>) offsets(%dma_start3A_167 : memref<128xi32, #tpu.memory_space<vmem>>) semaphore(%arg9 : memref<!tpu.dma_semaphore, #tpu.memory_space<semaphore_mem>>) {add = true}
        %dma_wait3A = arith.constant 0 : i32
        %dma_wait3A_170 = tpu.memref_slice %arg4[%mul3A_156, %dma_wait3A] : memref<8x128xi32, #tpu.memory_space<vmem>> -> memref<1x128xi32, #tpu.memory_space<vmem>>
        %dma_wait3A_171 = tpu.memref_squeeze %dma_wait3A_170 : memref<1x128xi32, #tpu.memory_space<vmem>> -> memref<128xi32, #tpu.memory_space<vmem>>
        %dma_wait3A_172 = arith.constant 0 : i32
        %dma_wait3A_173 = tpu.memref_slice %arg7[%dma_wait3A_172] : memref<10240xf32, #tpu.memory_space<vmem_shared>> -> memref<10240xf32, #tpu.memory_space<vmem_shared>>
        tpu.wait_indirect_dma semaphore(%arg8 : memref<!tpu.dma_semaphore, #tpu.memory_space<semaphore_mem>>) src(%arg5 : memref<128xf32, #tpu.memory_space<vmem>>) dst(%dma_wait3A_173 : memref<10240xf32, #tpu.memory_space<vmem_shared>>)
        %dma_wait3A_174 = arith.constant 0 : i32
        %dma_wait3A_175 = tpu.memref_slice %arg4[%add3A_164, %dma_wait3A_174] : memref<8x128xi32, #tpu.memory_space<vmem>> -> memref<1x128xi32, #tpu.memory_space<vmem>>
        %dma_wait3A_176 = tpu.memref_squeeze %dma_wait3A_175 : memref<1x128xi32, #tpu.memory_space<vmem>> -> memref<128xi32, #tpu.memory_space<vmem>>
        %dma_wait3A_177 = arith.constant 0 : i32
        %dma_wait3A_178 = tpu.memref_slice %arg7[%dma_wait3A_177] : memref<10240xf32, #tpu.memory_space<vmem_shared>> -> memref<10240xf32, #tpu.memory_space<vmem_shared>>
        tpu.wait_indirect_dma semaphore(%arg9 : memref<!tpu.dma_semaphore, #tpu.memory_space<semaphore_mem>>) src(%arg5 : memref<128xf32, #tpu.memory_space<vmem>>) dst(%dma_wait3A_178 : memref<10240xf32, #tpu.memory_space<vmem_shared>>)
      }
    }
    %barrier3A_127 = arith.constant 0 : index
    tpu.barrier barrier_id(%barrier3A_127)
    %mul3A_128 = arith.constant 640 : i32
    %mul3A_129 = arith.muli %arg1, %mul3A_128 : i32
    %mul3A_130 = arith.constant 10240 : i32
    %mul3A_131 = arith.muli %arg0, %mul3A_130 : i32
    %mul3A_132 = arith.constant 640 : i32
    %mul3A_133 = arith.muli %arg1, %mul3A_132 : i32
    %add3A_134 = arith.addi %mul3A_131, %mul3A_133 : i32
    "tpu.region"() ({
      %run_scoped3A = tpu.sem_alloc : memref<!tpu.dma_semaphore, #tpu.memory_space<semaphore_mem>>
      %dma_start3A = tpu.memref_slice %arg3[%add3A_134] : memref<20480xf32, #tpu.memory_space<hbm>> -> memref<640xf32, #tpu.memory_space<hbm>>
      %dma_start3A_135 = tpu.memref_slice %arg7[%mul3A_129] : memref<10240xf32, #tpu.memory_space<vmem_shared>> -> memref<640xf32, #tpu.memory_space<vmem_shared>>
      tpu.enqueue_dma source(%dma_start3A_135 : memref<640xf32, #tpu.memory_space<vmem_shared>>) target(%dma_start3A : memref<640xf32, #tpu.memory_space<hbm>>) target_semaphore(%run_scoped3A : memref<!tpu.dma_semaphore, #tpu.memory_space<semaphore_mem>>)
      %dma_wait3A = tpu.memref_slice %arg3[%add3A_134] : memref<20480xf32, #tpu.memory_space<hbm>> -> memref<640xf32, #tpu.memory_space<hbm>>
      %dma_wait3A_136 = tpu.memref_slice %arg7[%mul3A_129] : memref<10240xf32, #tpu.memory_space<vmem_shared>> -> memref<640xf32, #tpu.memory_space<vmem_shared>>
      tpu.wait_dma2 semaphore(%run_scoped3A : memref<!tpu.dma_semaphore, #tpu.memory_space<semaphore_mem>>) src(%dma_wait3A_136 : memref<640xf32, #tpu.memory_space<vmem_shared>>) dst(%dma_wait3A : memref<640xf32, #tpu.memory_space<hbm>>)
      tpu.yield
    }) : () -> ()
    return
  }
}

#map = affine_map<(d0, d1) -> (0, 0)>
module attributes {stable_mosaic.version = 14 : i64} {
  func.func @_agg_body(%arg0: i32, %arg1: i32, %arg2: memref<2528x128xi32, #tpu.memory_space<hbm>>, %arg3: memref<2528x128xi32, #tpu.memory_space<hbm>>, %arg4: memref<10000x128xf32, #tpu.memory_space<hbm>>, %arg5: memref<20224x128xf32, #tpu.memory_space<hbm>>, %arg6: memref<32x128xi32, #tpu.memory_space<vmem>>, %arg7: memref<32x128xi32, #tpu.memory_space<vmem>>, %arg8: memref<128x128xf32, #tpu.memory_space<vmem>>, %arg9: memref<128x128xf32, #tpu.memory_space<vmem>>, %arg10: memref<64x128xf32, #tpu.memory_space<vmem>>, %arg11: memref<10112x128xf32, #tpu.memory_space<vmem_shared>>, %arg12: memref<!tpu.dma_semaphore, #tpu.memory_space<semaphore_mem>>, %arg13: memref<!tpu.dma_semaphore, #tpu.memory_space<semaphore_mem>>) attributes {dimension_semantics = [#tpu.dimension_semantics<core_parallel>, #tpu.dimension_semantics<subcore_parallel>], iteration_bounds = array<i64: 2, 16>, scalar_prefetch = 0 : i64, scratch_operands = 8 : i64, tpu.core_type = #tpu.core_type<sc_vector_subcore>, window_params = [{transform_indices = #map}, {transform_indices = #map}, {transform_indices = #map}, {transform_indices = #map}]} {
    %mul3A = arith.constant 2 : i32
    %mul3A_0 = arith.muli %arg1, %mul3A : i32
    %add3A = arith.addi %mul3A_0, %arg0 : i32
    %scan3A = arith.constant 0 : i32
    %scan3A_1 = arith.constant 0 : i32
    %scan3A_2 = arith.constant 512 : i32
    %scan3A_3 = arith.addi %scan3A_1, %scan3A_2 : i32
    %scan3A_4 = arith.constant 1 : i32
    scf.for %scan3A_135 = %scan3A_1 to %scan3A_3 step %scan3A_4  : i32 {
      %broadcast_in_dim3A = arith.constant 0.000000e+00 : f32
      %broadcast_in_dim3A_136 = vector.broadcast %broadcast_in_dim3A : f32 to vector<16xf32>
      %jit3A_137 = arith.constant 8 : i32
      %div3A_138 = arith.divsi %scan3A_135, %jit3A_137 : i32
      %sign3A_139 = arith.constant 0 : i32
      %sign3A_140 = arith.cmpi sgt, %scan3A_135, %sign3A_139 : i32
      %sign3A_141 = arith.extui %sign3A_140 : i1 to i32
      %sign3A_142 = arith.constant 0 : i32
      %sign3A_143 = arith.cmpi slt, %scan3A_135, %sign3A_142 : i32
      %sign3A_144 = arith.extui %sign3A_143 : i1 to i32
      %sign3A_145 = arith.subi %sign3A_141, %sign3A_144 : i32
      %sign3A_146 = arith.constant 0 : i32
      %sign3A_147 = arith.cmpi sgt, %jit3A_137, %sign3A_146 : i32
      %sign3A_148 = arith.extui %sign3A_147 : i1 to i32
      %sign3A_149 = arith.constant 0 : i32
      %sign3A_150 = arith.cmpi slt, %jit3A_137, %sign3A_149 : i32
      %sign3A_151 = arith.extui %sign3A_150 : i1 to i32
      %sign3A_152 = arith.subi %sign3A_148, %sign3A_151 : i32
      %ne3A_153 = arith.cmpi ne, %sign3A_145, %sign3A_152 : i32
      %rem3A_154 = arith.remsi %scan3A_135, %jit3A_137 : i32
      %ne3A_155 = arith.constant 0 : i32
      %ne3A_156 = arith.cmpi ne, %rem3A_154, %ne3A_155 : i32
      %and3A_157 = arith.andi %ne3A_153, %ne3A_156 : i1
      %sub3A_158 = arith.constant 1 : i32
      %sub3A_159 = arith.subi %div3A_138, %sub3A_158 : i32
      %select_n3A_160 = arith.select %and3A_157, %sub3A_159, %div3A_138 : i32
      %jit3A_161 = arith.constant 8 : i32
      %eq3A = arith.constant 0 : i32
      %eq3A_162 = arith.cmpi eq, %jit3A_161, %eq3A : i32
      %jit3A_163 = arith.constant 1 : i32
      %select_n3A_164 = arith.select %eq3A_162, %jit3A_163, %jit3A_161 : i32
      %rem3A_165 = arith.remsi %scan3A_135, %select_n3A_164 : i32
      %ne3A_166 = arith.constant 0 : i32
      %ne3A_167 = arith.cmpi ne, %rem3A_165, %ne3A_166 : i32
      %lt3A = arith.constant 0 : i32
      %lt3A_168 = arith.cmpi slt, %rem3A_165, %lt3A : i32
      %lt3A_169 = arith.constant 0 : i32
      %lt3A_170 = arith.cmpi slt, %select_n3A_164, %lt3A_169 : i32
      %ne3A_171 = arith.xori %lt3A_168, %lt3A_170 : i1
      %and3A_172 = arith.andi %ne3A_171, %ne3A_167 : i1
      %add3A_173 = arith.addi %rem3A_165, %select_n3A_164 : i32
      %select_n3A_174 = arith.select %and3A_172, %add3A_173, %rem3A_165 : i32
      %mul3A_175 = arith.constant 16 : i32
      %mul3A_176 = arith.muli %select_n3A_174, %mul3A_175 : i32
      %swap3A = arith.index_cast %select_n3A_160 : i32 to index
      %swap3A_177 = arith.index_cast %mul3A_176 : i32 to index
      %swap3A_178 = tpu.vector_load %arg10[%swap3A, %swap3A_177] {strides = array<i32>} : memref<64x128xf32, #tpu.memory_space<vmem>>, vector<1x16xf32>,
      %swap3A_179 = vector.shape_cast %swap3A_178 : vector<1x16xf32> to vector<16xf32>
      %swap3A_180 = vector.shape_cast %broadcast_in_dim3A_136 : vector<16xf32> to vector<1x16xf32>
      tpu.vector_store %arg10[%swap3A, %swap3A_177], %swap3A_180 {strides = array<i32>} : memref<64x128xf32, #tpu.memory_space<vmem>>, vector<1x16xf32>,
    }
    %scan3A_5 = arith.constant 512 : i32
    %scan3A_6 = arith.constant 0 : i32
    %scan3A_7 = arith.constant 0 : i32
    %scan3A_8 = arith.constant 9 : i32
    %scan3A_9 = arith.addi %scan3A_7, %scan3A_8 : i32
    %scan3A_10 = arith.constant 1 : i32
    scf.for %scan3A_135 = %scan3A_7 to %scan3A_9 step %scan3A_10  : i32 {
      %mul3A_136 = arith.constant 632 : i32
      %mul3A_137 = arith.muli %arg1, %mul3A_136 : i32
      %mul3A_138 = arith.constant 64 : i32
      %mul3A_139 = arith.muli %scan3A_135, %mul3A_138 : i32
      %add3A_140 = arith.addi %mul3A_137, %mul3A_139 : i32
      "tpu.region"() ({
        %run_scoped3A = tpu.sem_alloc : memref<!tpu.dma_semaphore, #tpu.memory_space<semaphore_mem>>
        %dma_start3A = arith.constant 0 : i32
        %dma_start3A_141 = tpu.memref_slice %arg11[%add3A_140, %dma_start3A] : memref<10112x128xf32, #tpu.memory_space<vmem_shared>> -> memref<64x128xf32, #tpu.memory_space<vmem_shared>>
        %dma_start3A_142 = arith.constant 0 : i32
        %dma_start3A_143 = tpu.memref_slice %arg11[%add3A_140, %dma_start3A_142] : memref<10112x128xf32, #tpu.memory_space<vmem_shared>> -> memref<64x128xf32, #tpu.memory_space<vmem_shared>>
        tpu.enqueue_dma source(%arg10 : memref<64x128xf32, #tpu.memory_space<vmem>>) target(%dma_start3A_143 : memref<64x128xf32, #tpu.memory_space<vmem_shared>>) target_semaphore(%run_scoped3A : memref<!tpu.dma_semaphore, #tpu.memory_space<semaphore_mem>>)
        %dma_wait3A = arith.constant 0 : i32
        %dma_wait3A_144 = tpu.memref_slice %arg11[%add3A_140, %dma_wait3A] : memref<10112x128xf32, #tpu.memory_space<vmem_shared>> -> memref<64x128xf32, #tpu.memory_space<vmem_shared>>
        %dma_wait3A_145 = arith.constant 0 : i32
        %dma_wait3A_146 = tpu.memref_slice %arg11[%add3A_140, %dma_wait3A_145] : memref<10112x128xf32, #tpu.memory_space<vmem_shared>> -> memref<64x128xf32, #tpu.memory_space<vmem_shared>>
        tpu.wait_dma2 semaphore(%run_scoped3A : memref<!tpu.dma_semaphore, #tpu.memory_space<semaphore_mem>>) src(%arg10 : memref<64x128xf32, #tpu.memory_space<vmem>>) dst(%dma_wait3A_146 : memref<64x128xf32, #tpu.memory_space<vmem_shared>>)
        tpu.yield
      }) : () -> ()
    }
    %scan3A_11 = arith.constant 9 : i32
    %mul3A_12 = arith.constant 632 : i32
    %mul3A_13 = arith.muli %arg1, %mul3A_12 : i32
    %add3A_14 = arith.constant 576 : i32
    %add3A_15 = arith.addi %mul3A_13, %add3A_14 : i32
    "tpu.region"() ({
      %run_scoped3A = tpu.sem_alloc : memref<!tpu.dma_semaphore, #tpu.memory_space<semaphore_mem>>
      %dma_start3A = arith.constant 0 : i32
      %dma_start3A_135 = arith.constant 0 : i32
      %dma_start3A_136 = tpu.memref_slice %arg10[%dma_start3A, %dma_start3A_135] : memref<64x128xf32, #tpu.memory_space<vmem>> -> memref<56x128xf32, #tpu.memory_space<vmem>>
      %dma_start3A_137 = arith.constant 0 : i32
      %dma_start3A_138 = tpu.memref_slice %arg11[%add3A_15, %dma_start3A_137] : memref<10112x128xf32, #tpu.memory_space<vmem_shared>> -> memref<56x128xf32, #tpu.memory_space<vmem_shared>>
      %dma_start3A_139 = arith.constant 0 : i32
      %dma_start3A_140 = tpu.memref_slice %arg11[%add3A_15, %dma_start3A_139] : memref<10112x128xf32, #tpu.memory_space<vmem_shared>> -> memref<56x128xf32, #tpu.memory_space<vmem_shared>>
      %dma_start3A_141 = arith.constant 0 : i32
      %dma_start3A_142 = arith.constant 0 : i32
      %dma_start3A_143 = tpu.memref_slice %arg10[%dma_start3A_141, %dma_start3A_142] : memref<64x128xf32, #tpu.memory_space<vmem>> -> memref<56x128xf32, #tpu.memory_space<vmem>>
      tpu.enqueue_dma source(%dma_start3A_143 : memref<56x128xf32, #tpu.memory_space<vmem>>) target(%dma_start3A_140 : memref<56x128xf32, #tpu.memory_space<vmem_shared>>) target_semaphore(%run_scoped3A : memref<!tpu.dma_semaphore, #tpu.memory_space<semaphore_mem>>)
      %dma_wait3A = arith.constant 0 : i32
      %dma_wait3A_144 = arith.constant 0 : i32
      %dma_wait3A_145 = tpu.memref_slice %arg10[%dma_wait3A, %dma_wait3A_144] : memref<64x128xf32, #tpu.memory_space<vmem>> -> memref<56x128xf32, #tpu.memory_space<vmem>>
      %dma_wait3A_146 = arith.constant 0 : i32
      %dma_wait3A_147 = tpu.memref_slice %arg11[%add3A_15, %dma_wait3A_146] : memref<10112x128xf32, #tpu.memory_space<vmem_shared>> -> memref<56x128xf32, #tpu.memory_space<vmem_shared>>
      %dma_wait3A_148 = arith.constant 0 : i32
      %dma_wait3A_149 = tpu.memref_slice %arg11[%add3A_15, %dma_wait3A_148] : memref<10112x128xf32, #tpu.memory_space<vmem_shared>> -> memref<56x128xf32, #tpu.memory_space<vmem_shared>>
      %dma_wait3A_150 = arith.constant 0 : i32
      %dma_wait3A_151 = arith.constant 0 : i32
      %dma_wait3A_152 = tpu.memref_slice %arg10[%dma_wait3A_150, %dma_wait3A_151] : memref<64x128xf32, #tpu.memory_space<vmem>> -> memref<56x128xf32, #tpu.memory_space<vmem>>
      tpu.wait_dma2 semaphore(%run_scoped3A : memref<!tpu.dma_semaphore, #tpu.memory_space<semaphore_mem>>) src(%dma_wait3A_152 : memref<56x128xf32, #tpu.memory_space<vmem>>) dst(%dma_wait3A_149 : memref<56x128xf32, #tpu.memory_space<vmem_shared>>)
      tpu.yield
    }) : () -> ()
    %barrier3A = arith.constant 0 : index
    tpu.barrier barrier_id(%barrier3A)
    %mul3A_16 = arith.constant 313 : i32
    %mul3A_17 = arith.muli %add3A, %mul3A_16 : i32
    %jit3A = arith.constant 32 : i32
    %div3A = arith.divsi %mul3A_17, %jit3A : i32
    %sign3A = arith.constant 0 : i32
    %sign3A_18 = arith.cmpi sgt, %mul3A_17, %sign3A : i32
    %sign3A_19 = arith.extui %sign3A_18 : i1 to i32
    %sign3A_20 = arith.constant 0 : i32
    %sign3A_21 = arith.cmpi slt, %mul3A_17, %sign3A_20 : i32
    %sign3A_22 = arith.extui %sign3A_21 : i1 to i32
    %sign3A_23 = arith.subi %sign3A_19, %sign3A_22 : i32
    %sign3A_24 = arith.constant 0 : i32
    %sign3A_25 = arith.cmpi sgt, %jit3A, %sign3A_24 : i32
    %sign3A_26 = arith.extui %sign3A_25 : i1 to i32
    %sign3A_27 = arith.constant 0 : i32
    %sign3A_28 = arith.cmpi slt, %jit3A, %sign3A_27 : i32
    %sign3A_29 = arith.extui %sign3A_28 : i1 to i32
    %sign3A_30 = arith.subi %sign3A_26, %sign3A_29 : i32
    %ne3A = arith.cmpi ne, %sign3A_23, %sign3A_30 : i32
    %rem3A = arith.remsi %mul3A_17, %jit3A : i32
    %ne3A_31 = arith.constant 0 : i32
    %ne3A_32 = arith.cmpi ne, %rem3A, %ne3A_31 : i32
    %and3A = arith.andi %ne3A, %ne3A_32 : i1
    %sub3A = arith.constant 1 : i32
    %sub3A_33 = arith.subi %div3A, %sub3A : i32
    %select_n3A = arith.select %and3A, %sub3A_33, %div3A : i32
    %add3A_34 = arith.constant 1 : i32
    %add3A_35 = arith.addi %add3A, %add3A_34 : i32
    %mul3A_36 = arith.constant 313 : i32
    %mul3A_37 = arith.muli %add3A_35, %mul3A_36 : i32
    %jit3A_38 = arith.constant 32 : i32
    %div3A_39 = arith.divsi %mul3A_37, %jit3A_38 : i32
    %sign3A_40 = arith.constant 0 : i32
    %sign3A_41 = arith.cmpi sgt, %mul3A_37, %sign3A_40 : i32
    %sign3A_42 = arith.extui %sign3A_41 : i1 to i32
    %sign3A_43 = arith.constant 0 : i32
    %sign3A_44 = arith.cmpi slt, %mul3A_37, %sign3A_43 : i32
    %sign3A_45 = arith.extui %sign3A_44 : i1 to i32
    %sign3A_46 = arith.subi %sign3A_42, %sign3A_45 : i32
    %sign3A_47 = arith.constant 0 : i32
    %sign3A_48 = arith.cmpi sgt, %jit3A_38, %sign3A_47 : i32
    %sign3A_49 = arith.extui %sign3A_48 : i1 to i32
    %sign3A_50 = arith.constant 0 : i32
    %sign3A_51 = arith.cmpi slt, %jit3A_38, %sign3A_50 : i32
    %sign3A_52 = arith.extui %sign3A_51 : i1 to i32
    %sign3A_53 = arith.subi %sign3A_49, %sign3A_52 : i32
    %ne3A_54 = arith.cmpi ne, %sign3A_46, %sign3A_53 : i32
    %rem3A_55 = arith.remsi %mul3A_37, %jit3A_38 : i32
    %ne3A_56 = arith.constant 0 : i32
    %ne3A_57 = arith.cmpi ne, %rem3A_55, %ne3A_56 : i32
    %and3A_58 = arith.andi %ne3A_54, %ne3A_57 : i1
    %sub3A_59 = arith.constant 1 : i32
    %sub3A_60 = arith.subi %div3A_39, %sub3A_59 : i32
    %select_n3A_61 = arith.select %and3A_58, %sub3A_60, %div3A_39 : i32
    %mul3A_62 = arith.constant 8 : i32
    %mul3A_63 = arith.muli %select_n3A, %mul3A_62 : i32
    %multiple_of3A = tpu.assume_multiple %mul3A_63, 8 : i32
    %mul3A_64 = arith.constant 8 : i32
    %mul3A_65 = arith.muli %select_n3A_61, %mul3A_64 : i32
    %min3A = arith.constant 2500 : i32
    %min3A_66 = arith.minsi %mul3A_65, %min3A : i32
    %sub3A_67 = arith.subi %min3A_66, %multiple_of3A : i32
    %jit3A_68 = arith.constant 2 : i32
    %div3A_69 = arith.divsi %sub3A_67, %jit3A_68 : i32
    %sign3A_70 = arith.constant 0 : i32
    %sign3A_71 = arith.cmpi sgt, %sub3A_67, %sign3A_70 : i32
    %sign3A_72 = arith.extui %sign3A_71 : i1 to i32
    %sign3A_73 = arith.constant 0 : i32
    %sign3A_74 = arith.cmpi slt, %sub3A_67, %sign3A_73 : i32
    %sign3A_75 = arith.extui %sign3A_74 : i1 to i32
    %sign3A_76 = arith.subi %sign3A_72, %sign3A_75 : i32
    %sign3A_77 = arith.constant 0 : i32
    %sign3A_78 = arith.cmpi sgt, %jit3A_68, %sign3A_77 : i32
    %sign3A_79 = arith.extui %sign3A_78 : i1 to i32
    %sign3A_80 = arith.constant 0 : i32
    %sign3A_81 = arith.cmpi slt, %jit3A_68, %sign3A_80 : i32
    %sign3A_82 = arith.extui %sign3A_81 : i1 to i32
    %sign3A_83 = arith.subi %sign3A_79, %sign3A_82 : i32
    %ne3A_84 = arith.cmpi ne, %sign3A_76, %sign3A_83 : i32
    %rem3A_85 = arith.remsi %sub3A_67, %jit3A_68 : i32
    %ne3A_86 = arith.constant 0 : i32
    %ne3A_87 = arith.cmpi ne, %rem3A_85, %ne3A_86 : i32
    %and3A_88 = arith.andi %ne3A_84, %ne3A_87 : i1
    %sub3A_89 = arith.constant 1 : i32
    %sub3A_90 = arith.subi %div3A_69, %sub3A_89 : i32
    %select_n3A_91 = arith.select %and3A_88, %sub3A_90, %div3A_69 : i32
    %add3A_92 = arith.constant 15 : i32
    %add3A_93 = arith.addi %select_n3A_91, %add3A_92 : i32
    %jit3A_94 = arith.constant 16 : i32
    %div3A_95 = arith.divsi %add3A_93, %jit3A_94 : i32
    %sign3A_96 = arith.constant 0 : i32
    %sign3A_97 = arith.cmpi sgt, %add3A_93, %sign3A_96 : i32
    %sign3A_98 = arith.extui %sign3A_97 : i1 to i32
    %sign3A_99 = arith.constant 0 : i32
    %sign3A_100 = arith.cmpi slt, %add3A_93, %sign3A_99 : i32
    %sign3A_101 = arith.extui %sign3A_100 : i1 to i32
    %sign3A_102 = arith.subi %sign3A_98, %sign3A_101 : i32
    %sign3A_103 = arith.constant 0 : i32
    %sign3A_104 = arith.cmpi sgt, %jit3A_94, %sign3A_103 : i32
    %sign3A_105 = arith.extui %sign3A_104 : i1 to i32
    %sign3A_106 = arith.constant 0 : i32
    %sign3A_107 = arith.cmpi slt, %jit3A_94, %sign3A_106 : i32
    %sign3A_108 = arith.extui %sign3A_107 : i1 to i32
    %sign3A_109 = arith.subi %sign3A_105, %sign3A_108 : i32
    %ne3A_110 = arith.cmpi ne, %sign3A_102, %sign3A_109 : i32
    %rem3A_111 = arith.remsi %add3A_93, %jit3A_94 : i32
    %ne3A_112 = arith.constant 0 : i32
    %ne3A_113 = arith.cmpi ne, %rem3A_111, %ne3A_112 : i32
    %and3A_114 = arith.andi %ne3A_110, %ne3A_113 : i1
    %sub3A_115 = arith.constant 1 : i32
    %sub3A_116 = arith.subi %div3A_95, %sub3A_115 : i32
    %select_n3A_117 = arith.select %and3A_114, %sub3A_116, %div3A_95 : i32
    %while3A = arith.constant 0 : i32
    %while3A_118 = arith.constant 0 : i32
    %while3A_119 = arith.subi %select_n3A_117, %while3A_118 : i32
    %while3A_120 = arith.addi %while3A_118, %while3A_119 : i32
    %while3A_121 = arith.constant 1 : i32
    %while3A_122 = arith.divsi %while3A_119, %while3A_121 : i32
    %while3A_123 = arith.muli %while3A_122, %while3A_121 : i32
    %while3A_124 = arith.addi %while3A_118, %while3A_123 : i32
    %while3A_125 = arith.constant 1 : i32
    scf.for %while3A_135 = %while3A_118 to %while3A_124 step %while3A_125  : i32 {
      %mul3A_136 = arith.constant 32 : i32
      %mul3A_137 = arith.muli %while3A_135, %mul3A_136 : i32
      %add3A_138 = arith.addi %multiple_of3A, %mul3A_137 : i32
      %multiple_of3A_139 = tpu.assume_multiple %add3A_138, 8 : i32
      "tpu.region"() ({
        %run_scoped3A = tpu.sem_alloc : memref<!tpu.dma_semaphore, #tpu.memory_space<semaphore_mem>>
        %dma_start3A_168 = arith.constant 0 : i32
        %dma_start3A_169 = tpu.memref_slice %arg2[%multiple_of3A_139, %dma_start3A_168] : memref<2528x128xi32, #tpu.memory_space<hbm>> -> memref<32x128xi32, #tpu.memory_space<hbm>>
        %dma_start3A_170 = arith.constant 0 : i32
        %dma_start3A_171 = tpu.memref_slice %arg2[%multiple_of3A_139, %dma_start3A_170] : memref<2528x128xi32, #tpu.memory_space<hbm>> -> memref<32x128xi32, #tpu.memory_space<hbm>>
        tpu.enqueue_dma source(%dma_start3A_171 : memref<32x128xi32, #tpu.memory_space<hbm>>) target(%arg6 : memref<32x128xi32, #tpu.memory_space<vmem>>) target_semaphore(%run_scoped3A : memref<!tpu.dma_semaphore, #tpu.memory_space<semaphore_mem>>)
        %dma_wait3A = arith.constant 0 : i32
        %dma_wait3A_172 = tpu.memref_slice %arg2[%multiple_of3A_139, %dma_wait3A] : memref<2528x128xi32, #tpu.memory_space<hbm>> -> memref<32x128xi32, #tpu.memory_space<hbm>>
        %dma_wait3A_173 = arith.constant 0 : i32
        %dma_wait3A_174 = tpu.memref_slice %arg2[%multiple_of3A_139, %dma_wait3A_173] : memref<2528x128xi32, #tpu.memory_space<hbm>> -> memref<32x128xi32, #tpu.memory_space<hbm>>
        tpu.wait_dma2 semaphore(%run_scoped3A : memref<!tpu.dma_semaphore, #tpu.memory_space<semaphore_mem>>) src(%dma_wait3A_174 : memref<32x128xi32, #tpu.memory_space<hbm>>) dst(%arg6 : memref<32x128xi32, #tpu.memory_space<vmem>>)
        tpu.yield
      }) : () -> ()
      "tpu.region"() ({
        %run_scoped3A = tpu.sem_alloc : memref<!tpu.dma_semaphore, #tpu.memory_space<semaphore_mem>>
        %dma_start3A_168 = arith.constant 0 : i32
        %dma_start3A_169 = tpu.memref_slice %arg3[%multiple_of3A_139, %dma_start3A_168] : memref<2528x128xi32, #tpu.memory_space<hbm>> -> memref<32x128xi32, #tpu.memory_space<hbm>>
        %dma_start3A_170 = arith.constant 0 : i32
        %dma_start3A_171 = tpu.memref_slice %arg3[%multiple_of3A_139, %dma_start3A_170] : memref<2528x128xi32, #tpu.memory_space<hbm>> -> memref<32x128xi32, #tpu.memory_space<hbm>>
        tpu.enqueue_dma source(%dma_start3A_171 : memref<32x128xi32, #tpu.memory_space<hbm>>) target(%arg7 : memref<32x128xi32, #tpu.memory_space<vmem>>) target_semaphore(%run_scoped3A : memref<!tpu.dma_semaphore, #tpu.memory_space<semaphore_mem>>)
        %dma_wait3A = arith.constant 0 : i32
        %dma_wait3A_172 = tpu.memref_slice %arg3[%multiple_of3A_139, %dma_wait3A] : memref<2528x128xi32, #tpu.memory_space<hbm>> -> memref<32x128xi32, #tpu.memory_space<hbm>>
        %dma_wait3A_173 = arith.constant 0 : i32
        %dma_wait3A_174 = tpu.memref_slice %arg3[%multiple_of3A_139, %dma_wait3A_173] : memref<2528x128xi32, #tpu.memory_space<hbm>> -> memref<32x128xi32, #tpu.memory_space<hbm>>
        tpu.wait_dma2 semaphore(%run_scoped3A : memref<!tpu.dma_semaphore, #tpu.memory_space<semaphore_mem>>) src(%dma_wait3A_174 : memref<32x128xi32, #tpu.memory_space<hbm>>) dst(%arg7 : memref<32x128xi32, #tpu.memory_space<vmem>>)
        tpu.yield
      }) : () -> ()
      %mul3A_140 = arith.constant 16 : i32
      %mul3A_141 = arith.muli %while3A_135, %mul3A_140 : i32
      %sub3A_142 = arith.subi %select_n3A_91, %mul3A_141 : i32
      %min3A_143 = arith.constant 16 : i32
      %min3A_144 = arith.minsi %min3A_143, %sub3A_142 : i32
      %dma_start3A = arith.constant 0 : i32
      %dma_start3A_145 = arith.constant 0 : i32
      %dma_start3A_146 = tpu.memref_slice %arg6[%dma_start3A, %dma_start3A_145] : memref<32x128xi32, #tpu.memory_space<vmem>> -> memref<1x128xi32, #tpu.memory_space<vmem>>
      %dma_start3A_147 = tpu.memref_squeeze %dma_start3A_146 : memref<1x128xi32, #tpu.memory_space<vmem>> -> memref<128xi32, #tpu.memory_space<vmem>>
      %dma_start3A_148 = arith.constant 0 : i32
      %dma_start3A_149 = arith.constant 0 : i32
      %dma_start3A_150 = tpu.memref_slice %arg4[%dma_start3A_148, %dma_start3A_149] : memref<10000x128xf32, #tpu.memory_space<hbm>> -> memref<10000x128xf32, #tpu.memory_space<hbm>>
      tpu.enqueue_indirect_dma source(%dma_start3A_150 : memref<10000x128xf32, #tpu.memory_space<hbm>>) target(%arg8 : memref<128x128xf32, #tpu.memory_space<vmem>>) offsets(%dma_start3A_147 : memref<128xi32, #tpu.memory_space<vmem>>) semaphore(%arg12 : memref<!tpu.dma_semaphore, #tpu.memory_space<semaphore_mem>>)
      %dma_start3A_151 = arith.constant 1 : i32
      %dma_start3A_152 = arith.constant 0 : i32
      %dma_start3A_153 = tpu.memref_slice %arg6[%dma_start3A_151, %dma_start3A_152] : memref<32x128xi32, #tpu.memory_space<vmem>> -> memref<1x128xi32, #tpu.memory_space<vmem>>
      %dma_start3A_154 = tpu.memref_squeeze %dma_start3A_153 : memref<1x128xi32, #tpu.memory_space<vmem>> -> memref<128xi32, #tpu.memory_space<vmem>>
      %dma_start3A_155 = arith.constant 0 : i32
      %dma_start3A_156 = arith.constant 0 : i32
      %dma_start3A_157 = tpu.memref_slice %arg4[%dma_start3A_155, %dma_start3A_156] : memref<10000x128xf32, #tpu.memory_space<hbm>> -> memref<10000x128xf32, #tpu.memory_space<hbm>>
      tpu.enqueue_indirect_dma source(%dma_start3A_157 : memref<10000x128xf32, #tpu.memory_space<hbm>>) target(%arg9 : memref<128x128xf32, #tpu.memory_space<vmem>>) offsets(%dma_start3A_154 : memref<128xi32, #tpu.memory_space<vmem>>) semaphore(%arg13 : memref<!tpu.dma_semaphore, #tpu.memory_space<semaphore_mem>>)
      %while3A_158 = arith.constant 0 : i32
      %while3A_159 = arith.constant 0 : i32
      %while3A_160 = arith.subi %min3A_144, %while3A_159 : i32
      %while3A_161 = arith.addi %while3A_159, %while3A_160 : i32
      %while3A_162 = arith.constant 1 : i32
      %while3A_163 = arith.divsi %while3A_160, %while3A_162 : i32
      %while3A_164 = arith.muli %while3A_163, %while3A_162 : i32
      %while3A_165 = arith.addi %while3A_159, %while3A_164 : i32
      %while3A_166 = arith.constant 1 : i32
      scf.for %while3A_168 = %while3A_159 to %while3A_165 step %while3A_166  : i32 {
        %dma_wait3A = arith.constant 0 : i32
        %dma_wait3A_169 = arith.constant 0 : i32
        %dma_wait3A_170 = tpu.memref_slice %arg6[%dma_wait3A, %dma_wait3A_169] : memref<32x128xi32, #tpu.memory_space<vmem>> -> memref<1x128xi32, #tpu.memory_space<vmem>>
        %dma_wait3A_171 = tpu.memref_squeeze %dma_wait3A_170 : memref<1x128xi32, #tpu.memory_space<vmem>> -> memref<128xi32, #tpu.memory_space<vmem>>
        %dma_wait3A_172 = arith.constant 0 : i32
        %dma_wait3A_173 = arith.constant 0 : i32
        %dma_wait3A_174 = tpu.memref_slice %arg4[%dma_wait3A_172, %dma_wait3A_173] : memref<10000x128xf32, #tpu.memory_space<hbm>> -> memref<10000x128xf32, #tpu.memory_space<hbm>>
        tpu.wait_indirect_dma semaphore(%arg12 : memref<!tpu.dma_semaphore, #tpu.memory_space<semaphore_mem>>) src(%dma_wait3A_174 : memref<10000x128xf32, #tpu.memory_space<hbm>>) dst(%arg8 : memref<128x128xf32, #tpu.memory_space<vmem>>)
        %mul3A_175 = arith.constant 2 : i32
        %mul3A_176 = arith.muli %mul3A_175, %while3A_168 : i32
        "tpu.region"() ({
          %run_scoped3A = tpu.sem_alloc : memref<!tpu.dma_semaphore, #tpu.memory_space<semaphore_mem>>
          %dma_start3A_197 = arith.constant 0 : i32
          %dma_start3A_198 = tpu.memref_slice %arg7[%mul3A_176, %dma_start3A_197] : memref<32x128xi32, #tpu.memory_space<vmem>> -> memref<1x128xi32, #tpu.memory_space<vmem>>
          %dma_start3A_199 = tpu.memref_squeeze %dma_start3A_198 : memref<1x128xi32, #tpu.memory_space<vmem>> -> memref<128xi32, #tpu.memory_space<vmem>>
          %dma_start3A_200 = arith.constant 0 : i32
          %dma_start3A_201 = arith.constant 0 : i32
          %dma_start3A_202 = tpu.memref_slice %arg11[%dma_start3A_200, %dma_start3A_201] : memref<10112x128xf32, #tpu.memory_space<vmem_shared>> -> memref<10112x128xf32, #tpu.memory_space<vmem_shared>>
          tpu.enqueue_indirect_dma source(%arg8 : memref<128x128xf32, #tpu.memory_space<vmem>>) target(%dma_start3A_202 : memref<10112x128xf32, #tpu.memory_space<vmem_shared>>) offsets(%dma_start3A_199 : memref<128xi32, #tpu.memory_space<vmem>>) semaphore(%run_scoped3A : memref<!tpu.dma_semaphore, #tpu.memory_space<semaphore_mem>>) {add = true}
          %dma_wait3A_203 = arith.constant 0 : i32
          %dma_wait3A_204 = tpu.memref_slice %arg7[%mul3A_176, %dma_wait3A_203] : memref<32x128xi32, #tpu.memory_space<vmem>> -> memref<1x128xi32, #tpu.memory_space<vmem>>
          %dma_wait3A_205 = tpu.memref_squeeze %dma_wait3A_204 : memref<1x128xi32, #tpu.memory_space<vmem>> -> memref<128xi32, #tpu.memory_space<vmem>>
          %dma_wait3A_206 = arith.constant 0 : i32
          %dma_wait3A_207 = arith.constant 0 : i32
          %dma_wait3A_208 = tpu.memref_slice %arg11[%dma_wait3A_206, %dma_wait3A_207] : memref<10112x128xf32, #tpu.memory_space<vmem_shared>> -> memref<10112x128xf32, #tpu.memory_space<vmem_shared>>
          tpu.wait_indirect_dma semaphore(%run_scoped3A : memref<!tpu.dma_semaphore, #tpu.memory_space<semaphore_mem>>) src(%arg8 : memref<128x128xf32, #tpu.memory_space<vmem>>) dst(%dma_wait3A_208 : memref<10112x128xf32, #tpu.memory_space<vmem_shared>>)
          tpu.yield
        }) : () -> ()
        %sub3A_177 = arith.constant 1 : i32
        %sub3A_178 = arith.subi %min3A_144, %sub3A_177 : i32
        %lt3A = arith.cmpi slt, %while3A_168, %sub3A_178 : i32
        %convert_element_type3A = arith.extui %lt3A : i1 to i32
        %cond3A = arith.constant 0 : i32
        %cond3A_179 = arith.cmpi ne, %convert_element_type3A, %cond3A : i32
        scf.if %cond3A_179 {
          %mul3A_197 = arith.constant 2 : i32
          %mul3A_198 = arith.muli %mul3A_197, %while3A_168 : i32
          %add3A_199 = arith.constant 2 : i32
          %add3A_200 = arith.addi %mul3A_198, %add3A_199 : i32
          %dma_start3A_201 = arith.constant 0 : i32
          %dma_start3A_202 = tpu.memref_slice %arg6[%add3A_200, %dma_start3A_201] : memref<32x128xi32, #tpu.memory_space<vmem>> -> memref<1x128xi32, #tpu.memory_space<vmem>>
          %dma_start3A_203 = tpu.memref_squeeze %dma_start3A_202 : memref<1x128xi32, #tpu.memory_space<vmem>> -> memref<128xi32, #tpu.memory_space<vmem>>
          %dma_start3A_204 = arith.constant 0 : i32
          %dma_start3A_205 = arith.constant 0 : i32
          %dma_start3A_206 = tpu.memref_slice %arg4[%dma_start3A_204, %dma_start3A_205] : memref<10000x128xf32, #tpu.memory_space<hbm>> -> memref<10000x128xf32, #tpu.memory_space<hbm>>
          tpu.enqueue_indirect_dma source(%dma_start3A_206 : memref<10000x128xf32, #tpu.memory_space<hbm>>) target(%arg8 : memref<128x128xf32, #tpu.memory_space<vmem>>) offsets(%dma_start3A_203 : memref<128xi32, #tpu.memory_space<vmem>>) semaphore(%arg12 : memref<!tpu.dma_semaphore, #tpu.memory_space<semaphore_mem>>)
        } else {
        }
        %dma_wait3A_180 = arith.constant 1 : i32
        %dma_wait3A_181 = arith.constant 0 : i32
        %dma_wait3A_182 = tpu.memref_slice %arg6[%dma_wait3A_180, %dma_wait3A_181] : memref<32x128xi32, #tpu.memory_space<vmem>> -> memref<1x128xi32, #tpu.memory_space<vmem>>
        %dma_wait3A_183 = tpu.memref_squeeze %dma_wait3A_182 : memref<1x128xi32, #tpu.memory_space<vmem>> -> memref<128xi32, #tpu.memory_space<vmem>>
        %dma_wait3A_184 = arith.constant 0 : i32
        %dma_wait3A_185 = arith.constant 0 : i32
        %dma_wait3A_186 = tpu.memref_slice %arg4[%dma_wait3A_184, %dma_wait3A_185] : memref<10000x128xf32, #tpu.memory_space<hbm>> -> memref<10000x128xf32, #tpu.memory_space<hbm>>
        tpu.wait_indirect_dma semaphore(%arg13 : memref<!tpu.dma_semaphore, #tpu.memory_space<semaphore_mem>>) src(%dma_wait3A_186 : memref<10000x128xf32, #tpu.memory_space<hbm>>) dst(%arg9 : memref<128x128xf32, #tpu.memory_space<vmem>>)
        %mul3A_187 = arith.constant 2 : i32
        %mul3A_188 = arith.muli %mul3A_187, %while3A_168 : i32
        %add3A_189 = arith.constant 1 : i32
        %add3A_190 = arith.addi %mul3A_188, %add3A_189 : i32
        "tpu.region"() ({
          %run_scoped3A = tpu.sem_alloc : memref<!tpu.dma_semaphore, #tpu.memory_space<semaphore_mem>>
          %dma_start3A_197 = arith.constant 0 : i32
          %dma_start3A_198 = tpu.memref_slice %arg7[%add3A_190, %dma_start3A_197] : memref<32x128xi32, #tpu.memory_space<vmem>> -> memref<1x128xi32, #tpu.memory_space<vmem>>
          %dma_start3A_199 = tpu.memref_squeeze %dma_start3A_198 : memref<1x128xi32, #tpu.memory_space<vmem>> -> memref<128xi32, #tpu.memory_space<vmem>>
          %dma_start3A_200 = arith.constant 0 : i32
          %dma_start3A_201 = arith.constant 0 : i32
          %dma_start3A_202 = tpu.memref_slice %arg11[%dma_start3A_200, %dma_start3A_201] : memref<10112x128xf32, #tpu.memory_space<vmem_shared>> -> memref<10112x128xf32, #tpu.memory_space<vmem_shared>>
          tpu.enqueue_indirect_dma source(%arg9 : memref<128x128xf32, #tpu.memory_space<vmem>>) target(%dma_start3A_202 : memref<10112x128xf32, #tpu.memory_space<vmem_shared>>) offsets(%dma_start3A_199 : memref<128xi32, #tpu.memory_space<vmem>>) semaphore(%run_scoped3A : memref<!tpu.dma_semaphore, #tpu.memory_space<semaphore_mem>>) {add = true}
          %dma_wait3A_203 = arith.constant 0 : i32
          %dma_wait3A_204 = tpu.memref_slice %arg7[%add3A_190, %dma_wait3A_203] : memref<32x128xi32, #tpu.memory_space<vmem>> -> memref<1x128xi32, #tpu.memory_space<vmem>>
          %dma_wait3A_205 = tpu.memref_squeeze %dma_wait3A_204 : memref<1x128xi32, #tpu.memory_space<vmem>> -> memref<128xi32, #tpu.memory_space<vmem>>
          %dma_wait3A_206 = arith.constant 0 : i32
          %dma_wait3A_207 = arith.constant 0 : i32
          %dma_wait3A_208 = tpu.memref_slice %arg11[%dma_wait3A_206, %dma_wait3A_207] : memref<10112x128xf32, #tpu.memory_space<vmem_shared>> -> memref<10112x128xf32, #tpu.memory_space<vmem_shared>>
          tpu.wait_indirect_dma semaphore(%run_scoped3A : memref<!tpu.dma_semaphore, #tpu.memory_space<semaphore_mem>>) src(%arg9 : memref<128x128xf32, #tpu.memory_space<vmem>>) dst(%dma_wait3A_208 : memref<10112x128xf32, #tpu.memory_space<vmem_shared>>)
          tpu.yield
        }) : () -> ()
        %sub3A_191 = arith.constant 1 : i32
        %sub3A_192 = arith.subi %min3A_144, %sub3A_191 : i32
        %lt3A_193 = arith.cmpi slt, %while3A_168, %sub3A_192 : i32
        %convert_element_type3A_194 = arith.extui %lt3A_193 : i1 to i32
        %cond3A_195 = arith.constant 0 : i32
        %cond3A_196 = arith.cmpi ne, %convert_element_type3A_194, %cond3A_195 : i32
        scf.if %cond3A_196 {
          %mul3A_197 = arith.constant 2 : i32
          %mul3A_198 = arith.muli %mul3A_197, %while3A_168 : i32
          %add3A_199 = arith.constant 3 : i32
          %add3A_200 = arith.addi %mul3A_198, %add3A_199 : i32
          %dma_start3A_201 = arith.constant 0 : i32
          %dma_start3A_202 = tpu.memref_slice %arg6[%add3A_200, %dma_start3A_201] : memref<32x128xi32, #tpu.memory_space<vmem>> -> memref<1x128xi32, #tpu.memory_space<vmem>>
          %dma_start3A_203 = tpu.memref_squeeze %dma_start3A_202 : memref<1x128xi32, #tpu.memory_space<vmem>> -> memref<128xi32, #tpu.memory_space<vmem>>
          %dma_start3A_204 = arith.constant 0 : i32
          %dma_start3A_205 = arith.constant 0 : i32
          %dma_start3A_206 = tpu.memref_slice %arg4[%dma_start3A_204, %dma_start3A_205] : memref<10000x128xf32, #tpu.memory_space<hbm>> -> memref<10000x128xf32, #tpu.memory_space<hbm>>
          tpu.enqueue_indirect_dma source(%dma_start3A_206 : memref<10000x128xf32, #tpu.memory_space<hbm>>) target(%arg9 : memref<128x128xf32, #tpu.memory_space<vmem>>) offsets(%dma_start3A_203 : memref<128xi32, #tpu.memory_space<vmem>>) semaphore(%arg13 : memref<!tpu.dma_semaphore, #tpu.memory_space<semaphore_mem>>)
        } else {
        }
      }
      %while3A_167 = arith.constant 1 : i32
      scf.for %while3A_168 = %while3A_165 to %while3A_161 step %while3A_167  : i32 {
        %dma_wait3A = arith.constant 0 : i32
        %dma_wait3A_169 = arith.constant 0 : i32
        %dma_wait3A_170 = tpu.memref_slice %arg6[%dma_wait3A, %dma_wait3A_169] : memref<32x128xi32, #tpu.memory_space<vmem>> -> memref<1x128xi32, #tpu.memory_space<vmem>>
        %dma_wait3A_171 = tpu.memref_squeeze %dma_wait3A_170 : memref<1x128xi32, #tpu.memory_space<vmem>> -> memref<128xi32, #tpu.memory_space<vmem>>
        %dma_wait3A_172 = arith.constant 0 : i32
        %dma_wait3A_173 = arith.constant 0 : i32
        %dma_wait3A_174 = tpu.memref_slice %arg4[%dma_wait3A_172, %dma_wait3A_173] : memref<10000x128xf32, #tpu.memory_space<hbm>> -> memref<10000x128xf32, #tpu.memory_space<hbm>>
        tpu.wait_indirect_dma semaphore(%arg12 : memref<!tpu.dma_semaphore, #tpu.memory_space<semaphore_mem>>) src(%dma_wait3A_174 : memref<10000x128xf32, #tpu.memory_space<hbm>>) dst(%arg8 : memref<128x128xf32, #tpu.memory_space<vmem>>)
        %mul3A_175 = arith.constant 2 : i32
        %mul3A_176 = arith.muli %mul3A_175, %while3A_168 : i32
        "tpu.region"() ({
          %run_scoped3A = tpu.sem_alloc : memref<!tpu.dma_semaphore, #tpu.memory_space<semaphore_mem>>
          %dma_start3A_197 = arith.constant 0 : i32
          %dma_start3A_198 = tpu.memref_slice %arg7[%mul3A_176, %dma_start3A_197] : memref<32x128xi32, #tpu.memory_space<vmem>> -> memref<1x128xi32, #tpu.memory_space<vmem>>
          %dma_start3A_199 = tpu.memref_squeeze %dma_start3A_198 : memref<1x128xi32, #tpu.memory_space<vmem>> -> memref<128xi32, #tpu.memory_space<vmem>>
          %dma_start3A_200 = arith.constant 0 : i32
          %dma_start3A_201 = arith.constant 0 : i32
          %dma_start3A_202 = tpu.memref_slice %arg11[%dma_start3A_200, %dma_start3A_201] : memref<10112x128xf32, #tpu.memory_space<vmem_shared>> -> memref<10112x128xf32, #tpu.memory_space<vmem_shared>>
          tpu.enqueue_indirect_dma source(%arg8 : memref<128x128xf32, #tpu.memory_space<vmem>>) target(%dma_start3A_202 : memref<10112x128xf32, #tpu.memory_space<vmem_shared>>) offsets(%dma_start3A_199 : memref<128xi32, #tpu.memory_space<vmem>>) semaphore(%run_scoped3A : memref<!tpu.dma_semaphore, #tpu.memory_space<semaphore_mem>>) {add = true}
          %dma_wait3A_203 = arith.constant 0 : i32
          %dma_wait3A_204 = tpu.memref_slice %arg7[%mul3A_176, %dma_wait3A_203] : memref<32x128xi32, #tpu.memory_space<vmem>> -> memref<1x128xi32, #tpu.memory_space<vmem>>
          %dma_wait3A_205 = tpu.memref_squeeze %dma_wait3A_204 : memref<1x128xi32, #tpu.memory_space<vmem>> -> memref<128xi32, #tpu.memory_space<vmem>>
          %dma_wait3A_206 = arith.constant 0 : i32
          %dma_wait3A_207 = arith.constant 0 : i32
          %dma_wait3A_208 = tpu.memref_slice %arg11[%dma_wait3A_206, %dma_wait3A_207] : memref<10112x128xf32, #tpu.memory_space<vmem_shared>> -> memref<10112x128xf32, #tpu.memory_space<vmem_shared>>
          tpu.wait_indirect_dma semaphore(%run_scoped3A : memref<!tpu.dma_semaphore, #tpu.memory_space<semaphore_mem>>) src(%arg8 : memref<128x128xf32, #tpu.memory_space<vmem>>) dst(%dma_wait3A_208 : memref<10112x128xf32, #tpu.memory_space<vmem_shared>>)
          tpu.yield
        }) : () -> ()
        %sub3A_177 = arith.constant 1 : i32
        %sub3A_178 = arith.subi %min3A_144, %sub3A_177 : i32
        %lt3A = arith.cmpi slt, %while3A_168, %sub3A_178 : i32
        %convert_element_type3A = arith.extui %lt3A : i1 to i32
        %cond3A = arith.constant 0 : i32
        %cond3A_179 = arith.cmpi ne, %convert_element_type3A, %cond3A : i32
        scf.if %cond3A_179 {
          %mul3A_197 = arith.constant 2 : i32
          %mul3A_198 = arith.muli %mul3A_197, %while3A_168 : i32
          %add3A_199 = arith.constant 2 : i32
          %add3A_200 = arith.addi %mul3A_198, %add3A_199 : i32
          %dma_start3A_201 = arith.constant 0 : i32
          %dma_start3A_202 = tpu.memref_slice %arg6[%add3A_200, %dma_start3A_201] : memref<32x128xi32, #tpu.memory_space<vmem>> -> memref<1x128xi32, #tpu.memory_space<vmem>>
          %dma_start3A_203 = tpu.memref_squeeze %dma_start3A_202 : memref<1x128xi32, #tpu.memory_space<vmem>> -> memref<128xi32, #tpu.memory_space<vmem>>
          %dma_start3A_204 = arith.constant 0 : i32
          %dma_start3A_205 = arith.constant 0 : i32
          %dma_start3A_206 = tpu.memref_slice %arg4[%dma_start3A_204, %dma_start3A_205] : memref<10000x128xf32, #tpu.memory_space<hbm>> -> memref<10000x128xf32, #tpu.memory_space<hbm>>
          tpu.enqueue_indirect_dma source(%dma_start3A_206 : memref<10000x128xf32, #tpu.memory_space<hbm>>) target(%arg8 : memref<128x128xf32, #tpu.memory_space<vmem>>) offsets(%dma_start3A_203 : memref<128xi32, #tpu.memory_space<vmem>>) semaphore(%arg12 : memref<!tpu.dma_semaphore, #tpu.memory_space<semaphore_mem>>)
        } else {
        }
        %dma_wait3A_180 = arith.constant 1 : i32
        %dma_wait3A_181 = arith.constant 0 : i32
        %dma_wait3A_182 = tpu.memref_slice %arg6[%dma_wait3A_180, %dma_wait3A_181] : memref<32x128xi32, #tpu.memory_space<vmem>> -> memref<1x128xi32, #tpu.memory_space<vmem>>
        %dma_wait3A_183 = tpu.memref_squeeze %dma_wait3A_182 : memref<1x128xi32, #tpu.memory_space<vmem>> -> memref<128xi32, #tpu.memory_space<vmem>>
        %dma_wait3A_184 = arith.constant 0 : i32
        %dma_wait3A_185 = arith.constant 0 : i32
        %dma_wait3A_186 = tpu.memref_slice %arg4[%dma_wait3A_184, %dma_wait3A_185] : memref<10000x128xf32, #tpu.memory_space<hbm>> -> memref<10000x128xf32, #tpu.memory_space<hbm>>
        tpu.wait_indirect_dma semaphore(%arg13 : memref<!tpu.dma_semaphore, #tpu.memory_space<semaphore_mem>>) src(%dma_wait3A_186 : memref<10000x128xf32, #tpu.memory_space<hbm>>) dst(%arg9 : memref<128x128xf32, #tpu.memory_space<vmem>>)
        %mul3A_187 = arith.constant 2 : i32
        %mul3A_188 = arith.muli %mul3A_187, %while3A_168 : i32
        %add3A_189 = arith.constant 1 : i32
        %add3A_190 = arith.addi %mul3A_188, %add3A_189 : i32
        "tpu.region"() ({
          %run_scoped3A = tpu.sem_alloc : memref<!tpu.dma_semaphore, #tpu.memory_space<semaphore_mem>>
          %dma_start3A_197 = arith.constant 0 : i32
          %dma_start3A_198 = tpu.memref_slice %arg7[%add3A_190, %dma_start3A_197] : memref<32x128xi32, #tpu.memory_space<vmem>> -> memref<1x128xi32, #tpu.memory_space<vmem>>
          %dma_start3A_199 = tpu.memref_squeeze %dma_start3A_198 : memref<1x128xi32, #tpu.memory_space<vmem>> -> memref<128xi32, #tpu.memory_space<vmem>>
          %dma_start3A_200 = arith.constant 0 : i32
          %dma_start3A_201 = arith.constant 0 : i32
          %dma_start3A_202 = tpu.memref_slice %arg11[%dma_start3A_200, %dma_start3A_201] : memref<10112x128xf32, #tpu.memory_space<vmem_shared>> -> memref<10112x128xf32, #tpu.memory_space<vmem_shared>>
          tpu.enqueue_indirect_dma source(%arg9 : memref<128x128xf32, #tpu.memory_space<vmem>>) target(%dma_start3A_202 : memref<10112x128xf32, #tpu.memory_space<vmem_shared>>) offsets(%dma_start3A_199 : memref<128xi32, #tpu.memory_space<vmem>>) semaphore(%run_scoped3A : memref<!tpu.dma_semaphore, #tpu.memory_space<semaphore_mem>>) {add = true}
          %dma_wait3A_203 = arith.constant 0 : i32
          %dma_wait3A_204 = tpu.memref_slice %arg7[%add3A_190, %dma_wait3A_203] : memref<32x128xi32, #tpu.memory_space<vmem>> -> memref<1x128xi32, #tpu.memory_space<vmem>>
          %dma_wait3A_205 = tpu.memref_squeeze %dma_wait3A_204 : memref<1x128xi32, #tpu.memory_space<vmem>> -> memref<128xi32, #tpu.memory_space<vmem>>
          %dma_wait3A_206 = arith.constant 0 : i32
          %dma_wait3A_207 = arith.constant 0 : i32
          %dma_wait3A_208 = tpu.memref_slice %arg11[%dma_wait3A_206, %dma_wait3A_207] : memref<10112x128xf32, #tpu.memory_space<vmem_shared>> -> memref<10112x128xf32, #tpu.memory_space<vmem_shared>>
          tpu.wait_indirect_dma semaphore(%run_scoped3A : memref<!tpu.dma_semaphore, #tpu.memory_space<semaphore_mem>>) src(%arg9 : memref<128x128xf32, #tpu.memory_space<vmem>>) dst(%dma_wait3A_208 : memref<10112x128xf32, #tpu.memory_space<vmem_shared>>)
          tpu.yield
        }) : () -> ()
        %sub3A_191 = arith.constant 1 : i32
        %sub3A_192 = arith.subi %min3A_144, %sub3A_191 : i32
        %lt3A_193 = arith.cmpi slt, %while3A_168, %sub3A_192 : i32
        %convert_element_type3A_194 = arith.extui %lt3A_193 : i1 to i32
        %cond3A_195 = arith.constant 0 : i32
        %cond3A_196 = arith.cmpi ne, %convert_element_type3A_194, %cond3A_195 : i32
        scf.if %cond3A_196 {
          %mul3A_197 = arith.constant 2 : i32
          %mul3A_198 = arith.muli %mul3A_197, %while3A_168 : i32
          %add3A_199 = arith.constant 3 : i32
          %add3A_200 = arith.addi %mul3A_198, %add3A_199 : i32
          %dma_start3A_201 = arith.constant 0 : i32
          %dma_start3A_202 = tpu.memref_slice %arg6[%add3A_200, %dma_start3A_201] : memref<32x128xi32, #tpu.memory_space<vmem>> -> memref<1x128xi32, #tpu.memory_space<vmem>>
          %dma_start3A_203 = tpu.memref_squeeze %dma_start3A_202 : memref<1x128xi32, #tpu.memory_space<vmem>> -> memref<128xi32, #tpu.memory_space<vmem>>
          %dma_start3A_204 = arith.constant 0 : i32
          %dma_start3A_205 = arith.constant 0 : i32
          %dma_start3A_206 = tpu.memref_slice %arg4[%dma_start3A_204, %dma_start3A_205] : memref<10000x128xf32, #tpu.memory_space<hbm>> -> memref<10000x128xf32, #tpu.memory_space<hbm>>
          tpu.enqueue_indirect_dma source(%dma_start3A_206 : memref<10000x128xf32, #tpu.memory_space<hbm>>) target(%arg9 : memref<128x128xf32, #tpu.memory_space<vmem>>) offsets(%dma_start3A_203 : memref<128xi32, #tpu.memory_space<vmem>>) semaphore(%arg13 : memref<!tpu.dma_semaphore, #tpu.memory_space<semaphore_mem>>)
        } else {
        }
      }
    }
    %while3A_126 = arith.constant 1 : i32
    scf.for %while3A_135 = %while3A_124 to %while3A_120 step %while3A_126  : i32 {
      %mul3A_136 = arith.constant 32 : i32
      %mul3A_137 = arith.muli %while3A_135, %mul3A_136 : i32
      %add3A_138 = arith.addi %multiple_of3A, %mul3A_137 : i32
      %multiple_of3A_139 = tpu.assume_multiple %add3A_138, 8 : i32
      "tpu.region"() ({
        %run_scoped3A = tpu.sem_alloc : memref<!tpu.dma_semaphore, #tpu.memory_space<semaphore_mem>>
        %dma_start3A_168 = arith.constant 0 : i32
        %dma_start3A_169 = tpu.memref_slice %arg2[%multiple_of3A_139, %dma_start3A_168] : memref<2528x128xi32, #tpu.memory_space<hbm>> -> memref<32x128xi32, #tpu.memory_space<hbm>>
        %dma_start3A_170 = arith.constant 0 : i32
        %dma_start3A_171 = tpu.memref_slice %arg2[%multiple_of3A_139, %dma_start3A_170] : memref<2528x128xi32, #tpu.memory_space<hbm>> -> memref<32x128xi32, #tpu.memory_space<hbm>>
        tpu.enqueue_dma source(%dma_start3A_171 : memref<32x128xi32, #tpu.memory_space<hbm>>) target(%arg6 : memref<32x128xi32, #tpu.memory_space<vmem>>) target_semaphore(%run_scoped3A : memref<!tpu.dma_semaphore, #tpu.memory_space<semaphore_mem>>)
        %dma_wait3A = arith.constant 0 : i32
        %dma_wait3A_172 = tpu.memref_slice %arg2[%multiple_of3A_139, %dma_wait3A] : memref<2528x128xi32, #tpu.memory_space<hbm>> -> memref<32x128xi32, #tpu.memory_space<hbm>>
        %dma_wait3A_173 = arith.constant 0 : i32
        %dma_wait3A_174 = tpu.memref_slice %arg2[%multiple_of3A_139, %dma_wait3A_173] : memref<2528x128xi32, #tpu.memory_space<hbm>> -> memref<32x128xi32, #tpu.memory_space<hbm>>
        tpu.wait_dma2 semaphore(%run_scoped3A : memref<!tpu.dma_semaphore, #tpu.memory_space<semaphore_mem>>) src(%dma_wait3A_174 : memref<32x128xi32, #tpu.memory_space<hbm>>) dst(%arg6 : memref<32x128xi32, #tpu.memory_space<vmem>>)
        tpu.yield
      }) : () -> ()
      "tpu.region"() ({
        %run_scoped3A = tpu.sem_alloc : memref<!tpu.dma_semaphore, #tpu.memory_space<semaphore_mem>>
        %dma_start3A_168 = arith.constant 0 : i32
        %dma_start3A_169 = tpu.memref_slice %arg3[%multiple_of3A_139, %dma_start3A_168] : memref<2528x128xi32, #tpu.memory_space<hbm>> -> memref<32x128xi32, #tpu.memory_space<hbm>>
        %dma_start3A_170 = arith.constant 0 : i32
        %dma_start3A_171 = tpu.memref_slice %arg3[%multiple_of3A_139, %dma_start3A_170] : memref<2528x128xi32, #tpu.memory_space<hbm>> -> memref<32x128xi32, #tpu.memory_space<hbm>>
        tpu.enqueue_dma source(%dma_start3A_171 : memref<32x128xi32, #tpu.memory_space<hbm>>) target(%arg7 : memref<32x128xi32, #tpu.memory_space<vmem>>) target_semaphore(%run_scoped3A : memref<!tpu.dma_semaphore, #tpu.memory_space<semaphore_mem>>)
        %dma_wait3A = arith.constant 0 : i32
        %dma_wait3A_172 = tpu.memref_slice %arg3[%multiple_of3A_139, %dma_wait3A] : memref<2528x128xi32, #tpu.memory_space<hbm>> -> memref<32x128xi32, #tpu.memory_space<hbm>>
        %dma_wait3A_173 = arith.constant 0 : i32
        %dma_wait3A_174 = tpu.memref_slice %arg3[%multiple_of3A_139, %dma_wait3A_173] : memref<2528x128xi32, #tpu.memory_space<hbm>> -> memref<32x128xi32, #tpu.memory_space<hbm>>
        tpu.wait_dma2 semaphore(%run_scoped3A : memref<!tpu.dma_semaphore, #tpu.memory_space<semaphore_mem>>) src(%dma_wait3A_174 : memref<32x128xi32, #tpu.memory_space<hbm>>) dst(%arg7 : memref<32x128xi32, #tpu.memory_space<vmem>>)
        tpu.yield
      }) : () -> ()
      %mul3A_140 = arith.constant 16 : i32
      %mul3A_141 = arith.muli %while3A_135, %mul3A_140 : i32
      %sub3A_142 = arith.subi %select_n3A_91, %mul3A_141 : i32
      %min3A_143 = arith.constant 16 : i32
      %min3A_144 = arith.minsi %min3A_143, %sub3A_142 : i32
      %dma_start3A = arith.constant 0 : i32
      %dma_start3A_145 = arith.constant 0 : i32
      %dma_start3A_146 = tpu.memref_slice %arg6[%dma_start3A, %dma_start3A_145] : memref<32x128xi32, #tpu.memory_space<vmem>> -> memref<1x128xi32, #tpu.memory_space<vmem>>
      %dma_start3A_147 = tpu.memref_squeeze %dma_start3A_146 : memref<1x128xi32, #tpu.memory_space<vmem>> -> memref<128xi32, #tpu.memory_space<vmem>>
      %dma_start3A_148 = arith.constant 0 : i32
      %dma_start3A_149 = arith.constant 0 : i32
      %dma_start3A_150 = tpu.memref_slice %arg4[%dma_start3A_148, %dma_start3A_149] : memref<10000x128xf32, #tpu.memory_space<hbm>> -> memref<10000x128xf32, #tpu.memory_space<hbm>>
      tpu.enqueue_indirect_dma source(%dma_start3A_150 : memref<10000x128xf32, #tpu.memory_space<hbm>>) target(%arg8 : memref<128x128xf32, #tpu.memory_space<vmem>>) offsets(%dma_start3A_147 : memref<128xi32, #tpu.memory_space<vmem>>) semaphore(%arg12 : memref<!tpu.dma_semaphore, #tpu.memory_space<semaphore_mem>>)
      %dma_start3A_151 = arith.constant 1 : i32
      %dma_start3A_152 = arith.constant 0 : i32
      %dma_start3A_153 = tpu.memref_slice %arg6[%dma_start3A_151, %dma_start3A_152] : memref<32x128xi32, #tpu.memory_space<vmem>> -> memref<1x128xi32, #tpu.memory_space<vmem>>
      %dma_start3A_154 = tpu.memref_squeeze %dma_start3A_153 : memref<1x128xi32, #tpu.memory_space<vmem>> -> memref<128xi32, #tpu.memory_space<vmem>>
      %dma_start3A_155 = arith.constant 0 : i32
      %dma_start3A_156 = arith.constant 0 : i32
      %dma_start3A_157 = tpu.memref_slice %arg4[%dma_start3A_155, %dma_start3A_156] : memref<10000x128xf32, #tpu.memory_space<hbm>> -> memref<10000x128xf32, #tpu.memory_space<hbm>>
      tpu.enqueue_indirect_dma source(%dma_start3A_157 : memref<10000x128xf32, #tpu.memory_space<hbm>>) target(%arg9 : memref<128x128xf32, #tpu.memory_space<vmem>>) offsets(%dma_start3A_154 : memref<128xi32, #tpu.memory_space<vmem>>) semaphore(%arg13 : memref<!tpu.dma_semaphore, #tpu.memory_space<semaphore_mem>>)
      %while3A_158 = arith.constant 0 : i32
      %while3A_159 = arith.constant 0 : i32
      %while3A_160 = arith.subi %min3A_144, %while3A_159 : i32
      %while3A_161 = arith.addi %while3A_159, %while3A_160 : i32
      %while3A_162 = arith.constant 1 : i32
      %while3A_163 = arith.divsi %while3A_160, %while3A_162 : i32
      %while3A_164 = arith.muli %while3A_163, %while3A_162 : i32
      %while3A_165 = arith.addi %while3A_159, %while3A_164 : i32
      %while3A_166 = arith.constant 1 : i32
      scf.for %while3A_168 = %while3A_159 to %while3A_165 step %while3A_166  : i32 {
        %dma_wait3A = arith.constant 0 : i32
        %dma_wait3A_169 = arith.constant 0 : i32
        %dma_wait3A_170 = tpu.memref_slice %arg6[%dma_wait3A, %dma_wait3A_169] : memref<32x128xi32, #tpu.memory_space<vmem>> -> memref<1x128xi32, #tpu.memory_space<vmem>>
        %dma_wait3A_171 = tpu.memref_squeeze %dma_wait3A_170 : memref<1x128xi32, #tpu.memory_space<vmem>> -> memref<128xi32, #tpu.memory_space<vmem>>
        %dma_wait3A_172 = arith.constant 0 : i32
        %dma_wait3A_173 = arith.constant 0 : i32
        %dma_wait3A_174 = tpu.memref_slice %arg4[%dma_wait3A_172, %dma_wait3A_173] : memref<10000x128xf32, #tpu.memory_space<hbm>> -> memref<10000x128xf32, #tpu.memory_space<hbm>>
        tpu.wait_indirect_dma semaphore(%arg12 : memref<!tpu.dma_semaphore, #tpu.memory_space<semaphore_mem>>) src(%dma_wait3A_174 : memref<10000x128xf32, #tpu.memory_space<hbm>>) dst(%arg8 : memref<128x128xf32, #tpu.memory_space<vmem>>)
        %mul3A_175 = arith.constant 2 : i32
        %mul3A_176 = arith.muli %mul3A_175, %while3A_168 : i32
        "tpu.region"() ({
          %run_scoped3A = tpu.sem_alloc : memref<!tpu.dma_semaphore, #tpu.memory_space<semaphore_mem>>
          %dma_start3A_197 = arith.constant 0 : i32
          %dma_start3A_198 = tpu.memref_slice %arg7[%mul3A_176, %dma_start3A_197] : memref<32x128xi32, #tpu.memory_space<vmem>> -> memref<1x128xi32, #tpu.memory_space<vmem>>
          %dma_start3A_199 = tpu.memref_squeeze %dma_start3A_198 : memref<1x128xi32, #tpu.memory_space<vmem>> -> memref<128xi32, #tpu.memory_space<vmem>>
          %dma_start3A_200 = arith.constant 0 : i32
          %dma_start3A_201 = arith.constant 0 : i32
          %dma_start3A_202 = tpu.memref_slice %arg11[%dma_start3A_200, %dma_start3A_201] : memref<10112x128xf32, #tpu.memory_space<vmem_shared>> -> memref<10112x128xf32, #tpu.memory_space<vmem_shared>>
          tpu.enqueue_indirect_dma source(%arg8 : memref<128x128xf32, #tpu.memory_space<vmem>>) target(%dma_start3A_202 : memref<10112x128xf32, #tpu.memory_space<vmem_shared>>) offsets(%dma_start3A_199 : memref<128xi32, #tpu.memory_space<vmem>>) semaphore(%run_scoped3A : memref<!tpu.dma_semaphore, #tpu.memory_space<semaphore_mem>>) {add = true}
          %dma_wait3A_203 = arith.constant 0 : i32
          %dma_wait3A_204 = tpu.memref_slice %arg7[%mul3A_176, %dma_wait3A_203] : memref<32x128xi32, #tpu.memory_space<vmem>> -> memref<1x128xi32, #tpu.memory_space<vmem>>
          %dma_wait3A_205 = tpu.memref_squeeze %dma_wait3A_204 : memref<1x128xi32, #tpu.memory_space<vmem>> -> memref<128xi32, #tpu.memory_space<vmem>>
          %dma_wait3A_206 = arith.constant 0 : i32
          %dma_wait3A_207 = arith.constant 0 : i32
          %dma_wait3A_208 = tpu.memref_slice %arg11[%dma_wait3A_206, %dma_wait3A_207] : memref<10112x128xf32, #tpu.memory_space<vmem_shared>> -> memref<10112x128xf32, #tpu.memory_space<vmem_shared>>
          tpu.wait_indirect_dma semaphore(%run_scoped3A : memref<!tpu.dma_semaphore, #tpu.memory_space<semaphore_mem>>) src(%arg8 : memref<128x128xf32, #tpu.memory_space<vmem>>) dst(%dma_wait3A_208 : memref<10112x128xf32, #tpu.memory_space<vmem_shared>>)
          tpu.yield
        }) : () -> ()
        %sub3A_177 = arith.constant 1 : i32
        %sub3A_178 = arith.subi %min3A_144, %sub3A_177 : i32
        %lt3A = arith.cmpi slt, %while3A_168, %sub3A_178 : i32
        %convert_element_type3A = arith.extui %lt3A : i1 to i32
        %cond3A = arith.constant 0 : i32
        %cond3A_179 = arith.cmpi ne, %convert_element_type3A, %cond3A : i32
        scf.if %cond3A_179 {
          %mul3A_197 = arith.constant 2 : i32
          %mul3A_198 = arith.muli %mul3A_197, %while3A_168 : i32
          %add3A_199 = arith.constant 2 : i32
          %add3A_200 = arith.addi %mul3A_198, %add3A_199 : i32
          %dma_start3A_201 = arith.constant 0 : i32
          %dma_start3A_202 = tpu.memref_slice %arg6[%add3A_200, %dma_start3A_201] : memref<32x128xi32, #tpu.memory_space<vmem>> -> memref<1x128xi32, #tpu.memory_space<vmem>>
          %dma_start3A_203 = tpu.memref_squeeze %dma_start3A_202 : memref<1x128xi32, #tpu.memory_space<vmem>> -> memref<128xi32, #tpu.memory_space<vmem>>
          %dma_start3A_204 = arith.constant 0 : i32
          %dma_start3A_205 = arith.constant 0 : i32
          %dma_start3A_206 = tpu.memref_slice %arg4[%dma_start3A_204, %dma_start3A_205] : memref<10000x128xf32, #tpu.memory_space<hbm>> -> memref<10000x128xf32, #tpu.memory_space<hbm>>
          tpu.enqueue_indirect_dma source(%dma_start3A_206 : memref<10000x128xf32, #tpu.memory_space<hbm>>) target(%arg8 : memref<128x128xf32, #tpu.memory_space<vmem>>) offsets(%dma_start3A_203 : memref<128xi32, #tpu.memory_space<vmem>>) semaphore(%arg12 : memref<!tpu.dma_semaphore, #tpu.memory_space<semaphore_mem>>)
        } else {
        }
        %dma_wait3A_180 = arith.constant 1 : i32
        %dma_wait3A_181 = arith.constant 0 : i32
        %dma_wait3A_182 = tpu.memref_slice %arg6[%dma_wait3A_180, %dma_wait3A_181] : memref<32x128xi32, #tpu.memory_space<vmem>> -> memref<1x128xi32, #tpu.memory_space<vmem>>
        %dma_wait3A_183 = tpu.memref_squeeze %dma_wait3A_182 : memref<1x128xi32, #tpu.memory_space<vmem>> -> memref<128xi32, #tpu.memory_space<vmem>>
        %dma_wait3A_184 = arith.constant 0 : i32
        %dma_wait3A_185 = arith.constant 0 : i32
        %dma_wait3A_186 = tpu.memref_slice %arg4[%dma_wait3A_184, %dma_wait3A_185] : memref<10000x128xf32, #tpu.memory_space<hbm>> -> memref<10000x128xf32, #tpu.memory_space<hbm>>
        tpu.wait_indirect_dma semaphore(%arg13 : memref<!tpu.dma_semaphore, #tpu.memory_space<semaphore_mem>>) src(%dma_wait3A_186 : memref<10000x128xf32, #tpu.memory_space<hbm>>) dst(%arg9 : memref<128x128xf32, #tpu.memory_space<vmem>>)
        %mul3A_187 = arith.constant 2 : i32
        %mul3A_188 = arith.muli %mul3A_187, %while3A_168 : i32
        %add3A_189 = arith.constant 1 : i32
        %add3A_190 = arith.addi %mul3A_188, %add3A_189 : i32
        "tpu.region"() ({
          %run_scoped3A = tpu.sem_alloc : memref<!tpu.dma_semaphore, #tpu.memory_space<semaphore_mem>>
          %dma_start3A_197 = arith.constant 0 : i32
          %dma_start3A_198 = tpu.memref_slice %arg7[%add3A_190, %dma_start3A_197] : memref<32x128xi32, #tpu.memory_space<vmem>> -> memref<1x128xi32, #tpu.memory_space<vmem>>
          %dma_start3A_199 = tpu.memref_squeeze %dma_start3A_198 : memref<1x128xi32, #tpu.memory_space<vmem>> -> memref<128xi32, #tpu.memory_space<vmem>>
          %dma_start3A_200 = arith.constant 0 : i32
          %dma_start3A_201 = arith.constant 0 : i32
          %dma_start3A_202 = tpu.memref_slice %arg11[%dma_start3A_200, %dma_start3A_201] : memref<10112x128xf32, #tpu.memory_space<vmem_shared>> -> memref<10112x128xf32, #tpu.memory_space<vmem_shared>>
          tpu.enqueue_indirect_dma source(%arg9 : memref<128x128xf32, #tpu.memory_space<vmem>>) target(%dma_start3A_202 : memref<10112x128xf32, #tpu.memory_space<vmem_shared>>) offsets(%dma_start3A_199 : memref<128xi32, #tpu.memory_space<vmem>>) semaphore(%run_scoped3A : memref<!tpu.dma_semaphore, #tpu.memory_space<semaphore_mem>>) {add = true}
          %dma_wait3A_203 = arith.constant 0 : i32
          %dma_wait3A_204 = tpu.memref_slice %arg7[%add3A_190, %dma_wait3A_203] : memref<32x128xi32, #tpu.memory_space<vmem>> -> memref<1x128xi32, #tpu.memory_space<vmem>>
          %dma_wait3A_205 = tpu.memref_squeeze %dma_wait3A_204 : memref<1x128xi32, #tpu.memory_space<vmem>> -> memref<128xi32, #tpu.memory_space<vmem>>
          %dma_wait3A_206 = arith.constant 0 : i32
          %dma_wait3A_207 = arith.constant 0 : i32
          %dma_wait3A_208 = tpu.memref_slice %arg11[%dma_wait3A_206, %dma_wait3A_207] : memref<10112x128xf32, #tpu.memory_space<vmem_shared>> -> memref<10112x128xf32, #tpu.memory_space<vmem_shared>>
          tpu.wait_indirect_dma semaphore(%run_scoped3A : memref<!tpu.dma_semaphore, #tpu.memory_space<semaphore_mem>>) src(%arg9 : memref<128x128xf32, #tpu.memory_space<vmem>>) dst(%dma_wait3A_208 : memref<10112x128xf32, #tpu.memory_space<vmem_shared>>)
          tpu.yield
        }) : () -> ()
        %sub3A_191 = arith.constant 1 : i32
        %sub3A_192 = arith.subi %min3A_144, %sub3A_191 : i32
        %lt3A_193 = arith.cmpi slt, %while3A_168, %sub3A_192 : i32
        %convert_element_type3A_194 = arith.extui %lt3A_193 : i1 to i32
        %cond3A_195 = arith.constant 0 : i32
        %cond3A_196 = arith.cmpi ne, %convert_element_type3A_194, %cond3A_195 : i32
        scf.if %cond3A_196 {
          %mul3A_197 = arith.constant 2 : i32
          %mul3A_198 = arith.muli %mul3A_197, %while3A_168 : i32
          %add3A_199 = arith.constant 3 : i32
          %add3A_200 = arith.addi %mul3A_198, %add3A_199 : i32
          %dma_start3A_201 = arith.constant 0 : i32
          %dma_start3A_202 = tpu.memref_slice %arg6[%add3A_200, %dma_start3A_201] : memref<32x128xi32, #tpu.memory_space<vmem>> -> memref<1x128xi32, #tpu.memory_space<vmem>>
          %dma_start3A_203 = tpu.memref_squeeze %dma_start3A_202 : memref<1x128xi32, #tpu.memory_space<vmem>> -> memref<128xi32, #tpu.memory_space<vmem>>
          %dma_start3A_204 = arith.constant 0 : i32
          %dma_start3A_205 = arith.constant 0 : i32
          %dma_start3A_206 = tpu.memref_slice %arg4[%dma_start3A_204, %dma_start3A_205] : memref<10000x128xf32, #tpu.memory_space<hbm>> -> memref<10000x128xf32, #tpu.memory_space<hbm>>
          tpu.enqueue_indirect_dma source(%dma_start3A_206 : memref<10000x128xf32, #tpu.memory_space<hbm>>) target(%arg9 : memref<128x128xf32, #tpu.memory_space<vmem>>) offsets(%dma_start3A_203 : memref<128xi32, #tpu.memory_space<vmem>>) semaphore(%arg13 : memref<!tpu.dma_semaphore, #tpu.memory_space<semaphore_mem>>)
        } else {
        }
      }
      %while3A_167 = arith.constant 1 : i32
      scf.for %while3A_168 = %while3A_165 to %while3A_161 step %while3A_167  : i32 {
        %dma_wait3A = arith.constant 0 : i32
        %dma_wait3A_169 = arith.constant 0 : i32
        %dma_wait3A_170 = tpu.memref_slice %arg6[%dma_wait3A, %dma_wait3A_169] : memref<32x128xi32, #tpu.memory_space<vmem>> -> memref<1x128xi32, #tpu.memory_space<vmem>>
        %dma_wait3A_171 = tpu.memref_squeeze %dma_wait3A_170 : memref<1x128xi32, #tpu.memory_space<vmem>> -> memref<128xi32, #tpu.memory_space<vmem>>
        %dma_wait3A_172 = arith.constant 0 : i32
        %dma_wait3A_173 = arith.constant 0 : i32
        %dma_wait3A_174 = tpu.memref_slice %arg4[%dma_wait3A_172, %dma_wait3A_173] : memref<10000x128xf32, #tpu.memory_space<hbm>> -> memref<10000x128xf32, #tpu.memory_space<hbm>>
        tpu.wait_indirect_dma semaphore(%arg12 : memref<!tpu.dma_semaphore, #tpu.memory_space<semaphore_mem>>) src(%dma_wait3A_174 : memref<10000x128xf32, #tpu.memory_space<hbm>>) dst(%arg8 : memref<128x128xf32, #tpu.memory_space<vmem>>)
        %mul3A_175 = arith.constant 2 : i32
        %mul3A_176 = arith.muli %mul3A_175, %while3A_168 : i32
        "tpu.region"() ({
          %run_scoped3A = tpu.sem_alloc : memref<!tpu.dma_semaphore, #tpu.memory_space<semaphore_mem>>
          %dma_start3A_197 = arith.constant 0 : i32
          %dma_start3A_198 = tpu.memref_slice %arg7[%mul3A_176, %dma_start3A_197] : memref<32x128xi32, #tpu.memory_space<vmem>> -> memref<1x128xi32, #tpu.memory_space<vmem>>
          %dma_start3A_199 = tpu.memref_squeeze %dma_start3A_198 : memref<1x128xi32, #tpu.memory_space<vmem>> -> memref<128xi32, #tpu.memory_space<vmem>>
          %dma_start3A_200 = arith.constant 0 : i32
          %dma_start3A_201 = arith.constant 0 : i32
          %dma_start3A_202 = tpu.memref_slice %arg11[%dma_start3A_200, %dma_start3A_201] : memref<10112x128xf32, #tpu.memory_space<vmem_shared>> -> memref<10112x128xf32, #tpu.memory_space<vmem_shared>>
          tpu.enqueue_indirect_dma source(%arg8 : memref<128x128xf32, #tpu.memory_space<vmem>>) target(%dma_start3A_202 : memref<10112x128xf32, #tpu.memory_space<vmem_shared>>) offsets(%dma_start3A_199 : memref<128xi32, #tpu.memory_space<vmem>>) semaphore(%run_scoped3A : memref<!tpu.dma_semaphore, #tpu.memory_space<semaphore_mem>>) {add = true}
          %dma_wait3A_203 = arith.constant 0 : i32
          %dma_wait3A_204 = tpu.memref_slice %arg7[%mul3A_176, %dma_wait3A_203] : memref<32x128xi32, #tpu.memory_space<vmem>> -> memref<1x128xi32, #tpu.memory_space<vmem>>
          %dma_wait3A_205 = tpu.memref_squeeze %dma_wait3A_204 : memref<1x128xi32, #tpu.memory_space<vmem>> -> memref<128xi32, #tpu.memory_space<vmem>>
          %dma_wait3A_206 = arith.constant 0 : i32
          %dma_wait3A_207 = arith.constant 0 : i32
          %dma_wait3A_208 = tpu.memref_slice %arg11[%dma_wait3A_206, %dma_wait3A_207] : memref<10112x128xf32, #tpu.memory_space<vmem_shared>> -> memref<10112x128xf32, #tpu.memory_space<vmem_shared>>
          tpu.wait_indirect_dma semaphore(%run_scoped3A : memref<!tpu.dma_semaphore, #tpu.memory_space<semaphore_mem>>) src(%arg8 : memref<128x128xf32, #tpu.memory_space<vmem>>) dst(%dma_wait3A_208 : memref<10112x128xf32, #tpu.memory_space<vmem_shared>>)
          tpu.yield
        }) : () -> ()
        %sub3A_177 = arith.constant 1 : i32
        %sub3A_178 = arith.subi %min3A_144, %sub3A_177 : i32
        %lt3A = arith.cmpi slt, %while3A_168, %sub3A_178 : i32
        %convert_element_type3A = arith.extui %lt3A : i1 to i32
        %cond3A = arith.constant 0 : i32
        %cond3A_179 = arith.cmpi ne, %convert_element_type3A, %cond3A : i32
        scf.if %cond3A_179 {
          %mul3A_197 = arith.constant 2 : i32
          %mul3A_198 = arith.muli %mul3A_197, %while3A_168 : i32
          %add3A_199 = arith.constant 2 : i32
          %add3A_200 = arith.addi %mul3A_198, %add3A_199 : i32
          %dma_start3A_201 = arith.constant 0 : i32
          %dma_start3A_202 = tpu.memref_slice %arg6[%add3A_200, %dma_start3A_201] : memref<32x128xi32, #tpu.memory_space<vmem>> -> memref<1x128xi32, #tpu.memory_space<vmem>>
          %dma_start3A_203 = tpu.memref_squeeze %dma_start3A_202 : memref<1x128xi32, #tpu.memory_space<vmem>> -> memref<128xi32, #tpu.memory_space<vmem>>
          %dma_start3A_204 = arith.constant 0 : i32
          %dma_start3A_205 = arith.constant 0 : i32
          %dma_start3A_206 = tpu.memref_slice %arg4[%dma_start3A_204, %dma_start3A_205] : memref<10000x128xf32, #tpu.memory_space<hbm>> -> memref<10000x128xf32, #tpu.memory_space<hbm>>
          tpu.enqueue_indirect_dma source(%dma_start3A_206 : memref<10000x128xf32, #tpu.memory_space<hbm>>) target(%arg8 : memref<128x128xf32, #tpu.memory_space<vmem>>) offsets(%dma_start3A_203 : memref<128xi32, #tpu.memory_space<vmem>>) semaphore(%arg12 : memref<!tpu.dma_semaphore, #tpu.memory_space<semaphore_mem>>)
        } else {
        }
        %dma_wait3A_180 = arith.constant 1 : i32
        %dma_wait3A_181 = arith.constant 0 : i32
        %dma_wait3A_182 = tpu.memref_slice %arg6[%dma_wait3A_180, %dma_wait3A_181] : memref<32x128xi32, #tpu.memory_space<vmem>> -> memref<1x128xi32, #tpu.memory_space<vmem>>
        %dma_wait3A_183 = tpu.memref_squeeze %dma_wait3A_182 : memref<1x128xi32, #tpu.memory_space<vmem>> -> memref<128xi32, #tpu.memory_space<vmem>>
        %dma_wait3A_184 = arith.constant 0 : i32
        %dma_wait3A_185 = arith.constant 0 : i32
        %dma_wait3A_186 = tpu.memref_slice %arg4[%dma_wait3A_184, %dma_wait3A_185] : memref<10000x128xf32, #tpu.memory_space<hbm>> -> memref<10000x128xf32, #tpu.memory_space<hbm>>
        tpu.wait_indirect_dma semaphore(%arg13 : memref<!tpu.dma_semaphore, #tpu.memory_space<semaphore_mem>>) src(%dma_wait3A_186 : memref<10000x128xf32, #tpu.memory_space<hbm>>) dst(%arg9 : memref<128x128xf32, #tpu.memory_space<vmem>>)
        %mul3A_187 = arith.constant 2 : i32
        %mul3A_188 = arith.muli %mul3A_187, %while3A_168 : i32
        %add3A_189 = arith.constant 1 : i32
        %add3A_190 = arith.addi %mul3A_188, %add3A_189 : i32
        "tpu.region"() ({
          %run_scoped3A = tpu.sem_alloc : memref<!tpu.dma_semaphore, #tpu.memory_space<semaphore_mem>>
          %dma_start3A_197 = arith.constant 0 : i32
          %dma_start3A_198 = tpu.memref_slice %arg7[%add3A_190, %dma_start3A_197] : memref<32x128xi32, #tpu.memory_space<vmem>> -> memref<1x128xi32, #tpu.memory_space<vmem>>
          %dma_start3A_199 = tpu.memref_squeeze %dma_start3A_198 : memref<1x128xi32, #tpu.memory_space<vmem>> -> memref<128xi32, #tpu.memory_space<vmem>>
          %dma_start3A_200 = arith.constant 0 : i32
          %dma_start3A_201 = arith.constant 0 : i32
          %dma_start3A_202 = tpu.memref_slice %arg11[%dma_start3A_200, %dma_start3A_201] : memref<10112x128xf32, #tpu.memory_space<vmem_shared>> -> memref<10112x128xf32, #tpu.memory_space<vmem_shared>>
          tpu.enqueue_indirect_dma source(%arg9 : memref<128x128xf32, #tpu.memory_space<vmem>>) target(%dma_start3A_202 : memref<10112x128xf32, #tpu.memory_space<vmem_shared>>) offsets(%dma_start3A_199 : memref<128xi32, #tpu.memory_space<vmem>>) semaphore(%run_scoped3A : memref<!tpu.dma_semaphore, #tpu.memory_space<semaphore_mem>>) {add = true}
          %dma_wait3A_203 = arith.constant 0 : i32
          %dma_wait3A_204 = tpu.memref_slice %arg7[%add3A_190, %dma_wait3A_203] : memref<32x128xi32, #tpu.memory_space<vmem>> -> memref<1x128xi32, #tpu.memory_space<vmem>>
          %dma_wait3A_205 = tpu.memref_squeeze %dma_wait3A_204 : memref<1x128xi32, #tpu.memory_space<vmem>> -> memref<128xi32, #tpu.memory_space<vmem>>
          %dma_wait3A_206 = arith.constant 0 : i32
          %dma_wait3A_207 = arith.constant 0 : i32
          %dma_wait3A_208 = tpu.memref_slice %arg11[%dma_wait3A_206, %dma_wait3A_207] : memref<10112x128xf32, #tpu.memory_space<vmem_shared>> -> memref<10112x128xf32, #tpu.memory_space<vmem_shared>>
          tpu.wait_indirect_dma semaphore(%run_scoped3A : memref<!tpu.dma_semaphore, #tpu.memory_space<semaphore_mem>>) src(%arg9 : memref<128x128xf32, #tpu.memory_space<vmem>>) dst(%dma_wait3A_208 : memref<10112x128xf32, #tpu.memory_space<vmem_shared>>)
          tpu.yield
        }) : () -> ()
        %sub3A_191 = arith.constant 1 : i32
        %sub3A_192 = arith.subi %min3A_144, %sub3A_191 : i32
        %lt3A_193 = arith.cmpi slt, %while3A_168, %sub3A_192 : i32
        %convert_element_type3A_194 = arith.extui %lt3A_193 : i1 to i32
        %cond3A_195 = arith.constant 0 : i32
        %cond3A_196 = arith.cmpi ne, %convert_element_type3A_194, %cond3A_195 : i32
        scf.if %cond3A_196 {
          %mul3A_197 = arith.constant 2 : i32
          %mul3A_198 = arith.muli %mul3A_197, %while3A_168 : i32
          %add3A_199 = arith.constant 3 : i32
          %add3A_200 = arith.addi %mul3A_198, %add3A_199 : i32
          %dma_start3A_201 = arith.constant 0 : i32
          %dma_start3A_202 = tpu.memref_slice %arg6[%add3A_200, %dma_start3A_201] : memref<32x128xi32, #tpu.memory_space<vmem>> -> memref<1x128xi32, #tpu.memory_space<vmem>>
          %dma_start3A_203 = tpu.memref_squeeze %dma_start3A_202 : memref<1x128xi32, #tpu.memory_space<vmem>> -> memref<128xi32, #tpu.memory_space<vmem>>
          %dma_start3A_204 = arith.constant 0 : i32
          %dma_start3A_205 = arith.constant 0 : i32
          %dma_start3A_206 = tpu.memref_slice %arg4[%dma_start3A_204, %dma_start3A_205] : memref<10000x128xf32, #tpu.memory_space<hbm>> -> memref<10000x128xf32, #tpu.memory_space<hbm>>
          tpu.enqueue_indirect_dma source(%dma_start3A_206 : memref<10000x128xf32, #tpu.memory_space<hbm>>) target(%arg9 : memref<128x128xf32, #tpu.memory_space<vmem>>) offsets(%dma_start3A_203 : memref<128xi32, #tpu.memory_space<vmem>>) semaphore(%arg13 : memref<!tpu.dma_semaphore, #tpu.memory_space<semaphore_mem>>)
        } else {
        }
      }
    }
    %barrier3A_127 = arith.constant 0 : index
    tpu.barrier barrier_id(%barrier3A_127)
    %mul3A_128 = arith.constant 632 : i32
    %mul3A_129 = arith.muli %arg1, %mul3A_128 : i32
    %mul3A_130 = arith.constant 10112 : i32
    %mul3A_131 = arith.muli %arg0, %mul3A_130 : i32
    %mul3A_132 = arith.constant 632 : i32
    %mul3A_133 = arith.muli %arg1, %mul3A_132 : i32
    %add3A_134 = arith.addi %mul3A_131, %mul3A_133 : i32
    "tpu.region"() ({
      %run_scoped3A = tpu.sem_alloc : memref<!tpu.dma_semaphore, #tpu.memory_space<semaphore_mem>>
      %dma_start3A = arith.constant 0 : i32
      %dma_start3A_135 = tpu.memref_slice %arg5[%add3A_134, %dma_start3A] : memref<20224x128xf32, #tpu.memory_space<hbm>> -> memref<632x128xf32, #tpu.memory_space<hbm>>
      %dma_start3A_136 = arith.constant 0 : i32
      %dma_start3A_137 = tpu.memref_slice %arg11[%mul3A_129, %dma_start3A_136] : memref<10112x128xf32, #tpu.memory_space<vmem_shared>> -> memref<632x128xf32, #tpu.memory_space<vmem_shared>>
      tpu.enqueue_dma source(%dma_start3A_137 : memref<632x128xf32, #tpu.memory_space<vmem_shared>>) target(%dma_start3A_135 : memref<632x128xf32, #tpu.memory_space<hbm>>) target_semaphore(%run_scoped3A : memref<!tpu.dma_semaphore, #tpu.memory_space<semaphore_mem>>)
      %dma_wait3A = arith.constant 0 : i32
      %dma_wait3A_138 = tpu.memref_slice %arg5[%add3A_134, %dma_wait3A] : memref<20224x128xf32, #tpu.memory_space<hbm>> -> memref<632x128xf32, #tpu.memory_space<hbm>>
      %dma_wait3A_139 = arith.constant 0 : i32
      %dma_wait3A_140 = tpu.memref_slice %arg11[%mul3A_129, %dma_wait3A_139] : memref<10112x128xf32, #tpu.memory_space<vmem_shared>> -> memref<632x128xf32, #tpu.memory_space<vmem_shared>>
      tpu.wait_dma2 semaphore(%run_scoped3A : memref<!tpu.dma_semaphore, #tpu.memory_space<semaphore_mem>>) src(%dma_wait3A_140 : memref<632x128xf32, #tpu.memory_space<vmem_shared>>) dst(%dma_wait3A_138 : memref<632x128xf32, #tpu.memory_space<hbm>>)
      tpu.yield
    }) : () -> ()
    return
  }
}

#map = affine_map<(d0, d1) -> (0, 0)>
module attributes {stable_mosaic.version = 14 : i64} {
  func.func @_agg_body(%arg0: i32, %arg1: i32, %arg2: memref<2528x128xi32, #tpu.memory_space<hbm>>, %arg3: memref<2528x128xi32, #tpu.memory_space<hbm>>, %arg4: memref<10000x128xf32, #tpu.memory_space<hbm>>, %arg5: memref<20224x128xf32, #tpu.memory_space<hbm>>, %arg6: memref<32x128xi32, #tpu.memory_space<vmem>>, %arg7: memref<32x128xi32, #tpu.memory_space<vmem>>, %arg8: memref<128x128xf32, #tpu.memory_space<vmem>>, %arg9: memref<128x128xf32, #tpu.memory_space<vmem>>, %arg10: memref<64x128xf32, #tpu.memory_space<vmem>>, %arg11: memref<10112x128xf32, #tpu.memory_space<vmem_shared>>, %arg12: memref<!tpu.dma_semaphore, #tpu.memory_space<semaphore_mem>>, %arg13: memref<!tpu.dma_semaphore, #tpu.memory_space<semaphore_mem>>) attributes {dimension_semantics = [#tpu.dimension_semantics<core_parallel>, #tpu.dimension_semantics<subcore_parallel>], iteration_bounds = array<i64: 2, 16>, scalar_prefetch = 0 : i64, scratch_operands = 8 : i64, tpu.core_type = #tpu.core_type<sc_vector_subcore>, window_params = [{transform_indices = #map}, {transform_indices = #map}, {transform_indices = #map}, {transform_indices = #map}]} {
    %mul3A = arith.constant 2 : i32
    %mul3A_0 = arith.muli %arg1, %mul3A : i32
    %add3A = arith.addi %mul3A_0, %arg0 : i32
    %scan3A = arith.constant 0 : i32
    %scan3A_1 = arith.constant 0 : i32
    %scan3A_2 = arith.constant 512 : i32
    %scan3A_3 = arith.addi %scan3A_1, %scan3A_2 : i32
    %scan3A_4 = arith.constant 1 : i32
    scf.for %scan3A_135 = %scan3A_1 to %scan3A_3 step %scan3A_4  : i32 {
      %broadcast_in_dim3A = arith.constant 0.000000e+00 : f32
      %broadcast_in_dim3A_136 = vector.broadcast %broadcast_in_dim3A : f32 to vector<16xf32>
      %jit3A_137 = arith.constant 8 : i32
      %div3A_138 = arith.divsi %scan3A_135, %jit3A_137 : i32
      %sign3A_139 = arith.constant 0 : i32
      %sign3A_140 = arith.cmpi sgt, %scan3A_135, %sign3A_139 : i32
      %sign3A_141 = arith.extui %sign3A_140 : i1 to i32
      %sign3A_142 = arith.constant 0 : i32
      %sign3A_143 = arith.cmpi slt, %scan3A_135, %sign3A_142 : i32
      %sign3A_144 = arith.extui %sign3A_143 : i1 to i32
      %sign3A_145 = arith.subi %sign3A_141, %sign3A_144 : i32
      %sign3A_146 = arith.constant 0 : i32
      %sign3A_147 = arith.cmpi sgt, %jit3A_137, %sign3A_146 : i32
      %sign3A_148 = arith.extui %sign3A_147 : i1 to i32
      %sign3A_149 = arith.constant 0 : i32
      %sign3A_150 = arith.cmpi slt, %jit3A_137, %sign3A_149 : i32
      %sign3A_151 = arith.extui %sign3A_150 : i1 to i32
      %sign3A_152 = arith.subi %sign3A_148, %sign3A_151 : i32
      %ne3A_153 = arith.cmpi ne, %sign3A_145, %sign3A_152 : i32
      %rem3A_154 = arith.remsi %scan3A_135, %jit3A_137 : i32
      %ne3A_155 = arith.constant 0 : i32
      %ne3A_156 = arith.cmpi ne, %rem3A_154, %ne3A_155 : i32
      %and3A_157 = arith.andi %ne3A_153, %ne3A_156 : i1
      %sub3A_158 = arith.constant 1 : i32
      %sub3A_159 = arith.subi %div3A_138, %sub3A_158 : i32
      %select_n3A_160 = arith.select %and3A_157, %sub3A_159, %div3A_138 : i32
      %jit3A_161 = arith.constant 8 : i32
      %eq3A = arith.constant 0 : i32
      %eq3A_162 = arith.cmpi eq, %jit3A_161, %eq3A : i32
      %jit3A_163 = arith.constant 1 : i32
      %select_n3A_164 = arith.select %eq3A_162, %jit3A_163, %jit3A_161 : i32
      %rem3A_165 = arith.remsi %scan3A_135, %select_n3A_164 : i32
      %ne3A_166 = arith.constant 0 : i32
      %ne3A_167 = arith.cmpi ne, %rem3A_165, %ne3A_166 : i32
      %lt3A = arith.constant 0 : i32
      %lt3A_168 = arith.cmpi slt, %rem3A_165, %lt3A : i32
      %lt3A_169 = arith.constant 0 : i32
      %lt3A_170 = arith.cmpi slt, %select_n3A_164, %lt3A_169 : i32
      %ne3A_171 = arith.xori %lt3A_168, %lt3A_170 : i1
      %and3A_172 = arith.andi %ne3A_171, %ne3A_167 : i1
      %add3A_173 = arith.addi %rem3A_165, %select_n3A_164 : i32
      %select_n3A_174 = arith.select %and3A_172, %add3A_173, %rem3A_165 : i32
      %mul3A_175 = arith.constant 16 : i32
      %mul3A_176 = arith.muli %select_n3A_174, %mul3A_175 : i32
      %swap3A = arith.index_cast %select_n3A_160 : i32 to index
      %swap3A_177 = arith.index_cast %mul3A_176 : i32 to index
      %swap3A_178 = tpu.vector_load %arg10[%swap3A, %swap3A_177] {strides = array<i32>} : memref<64x128xf32, #tpu.memory_space<vmem>>, vector<1x16xf32>,
      %swap3A_179 = vector.shape_cast %swap3A_178 : vector<1x16xf32> to vector<16xf32>
      %swap3A_180 = vector.shape_cast %broadcast_in_dim3A_136 : vector<16xf32> to vector<1x16xf32>
      tpu.vector_store %arg10[%swap3A, %swap3A_177], %swap3A_180 {strides = array<i32>} : memref<64x128xf32, #tpu.memory_space<vmem>>, vector<1x16xf32>,
    }
    %scan3A_5 = arith.constant 512 : i32
    %scan3A_6 = arith.constant 0 : i32
    %scan3A_7 = arith.constant 0 : i32
    %scan3A_8 = arith.constant 9 : i32
    %scan3A_9 = arith.addi %scan3A_7, %scan3A_8 : i32
    %scan3A_10 = arith.constant 1 : i32
    scf.for %scan3A_135 = %scan3A_7 to %scan3A_9 step %scan3A_10  : i32 {
      %mul3A_136 = arith.constant 632 : i32
      %mul3A_137 = arith.muli %arg1, %mul3A_136 : i32
      %mul3A_138 = arith.constant 64 : i32
      %mul3A_139 = arith.muli %scan3A_135, %mul3A_138 : i32
      %add3A_140 = arith.addi %mul3A_137, %mul3A_139 : i32
      "tpu.region"() ({
        %run_scoped3A = tpu.sem_alloc : memref<!tpu.dma_semaphore, #tpu.memory_space<semaphore_mem>>
        %dma_start3A = arith.constant 0 : i32
        %dma_start3A_141 = tpu.memref_slice %arg11[%add3A_140, %dma_start3A] : memref<10112x128xf32, #tpu.memory_space<vmem_shared>> -> memref<64x128xf32, #tpu.memory_space<vmem_shared>>
        %dma_start3A_142 = arith.constant 0 : i32
        %dma_start3A_143 = tpu.memref_slice %arg11[%add3A_140, %dma_start3A_142] : memref<10112x128xf32, #tpu.memory_space<vmem_shared>> -> memref<64x128xf32, #tpu.memory_space<vmem_shared>>
        tpu.enqueue_dma source(%arg10 : memref<64x128xf32, #tpu.memory_space<vmem>>) target(%dma_start3A_143 : memref<64x128xf32, #tpu.memory_space<vmem_shared>>) target_semaphore(%run_scoped3A : memref<!tpu.dma_semaphore, #tpu.memory_space<semaphore_mem>>)
        %dma_wait3A = arith.constant 0 : i32
        %dma_wait3A_144 = tpu.memref_slice %arg11[%add3A_140, %dma_wait3A] : memref<10112x128xf32, #tpu.memory_space<vmem_shared>> -> memref<64x128xf32, #tpu.memory_space<vmem_shared>>
        %dma_wait3A_145 = arith.constant 0 : i32
        %dma_wait3A_146 = tpu.memref_slice %arg11[%add3A_140, %dma_wait3A_145] : memref<10112x128xf32, #tpu.memory_space<vmem_shared>> -> memref<64x128xf32, #tpu.memory_space<vmem_shared>>
        tpu.wait_dma2 semaphore(%run_scoped3A : memref<!tpu.dma_semaphore, #tpu.memory_space<semaphore_mem>>) src(%arg10 : memref<64x128xf32, #tpu.memory_space<vmem>>) dst(%dma_wait3A_146 : memref<64x128xf32, #tpu.memory_space<vmem_shared>>)
        tpu.yield
      }) : () -> ()
    }
    %scan3A_11 = arith.constant 9 : i32
    %mul3A_12 = arith.constant 632 : i32
    %mul3A_13 = arith.muli %arg1, %mul3A_12 : i32
    %add3A_14 = arith.constant 576 : i32
    %add3A_15 = arith.addi %mul3A_13, %add3A_14 : i32
    "tpu.region"() ({
      %run_scoped3A = tpu.sem_alloc : memref<!tpu.dma_semaphore, #tpu.memory_space<semaphore_mem>>
      %dma_start3A = arith.constant 0 : i32
      %dma_start3A_135 = arith.constant 0 : i32
      %dma_start3A_136 = tpu.memref_slice %arg10[%dma_start3A, %dma_start3A_135] : memref<64x128xf32, #tpu.memory_space<vmem>> -> memref<56x128xf32, #tpu.memory_space<vmem>>
      %dma_start3A_137 = arith.constant 0 : i32
      %dma_start3A_138 = tpu.memref_slice %arg11[%add3A_15, %dma_start3A_137] : memref<10112x128xf32, #tpu.memory_space<vmem_shared>> -> memref<56x128xf32, #tpu.memory_space<vmem_shared>>
      %dma_start3A_139 = arith.constant 0 : i32
      %dma_start3A_140 = tpu.memref_slice %arg11[%add3A_15, %dma_start3A_139] : memref<10112x128xf32, #tpu.memory_space<vmem_shared>> -> memref<56x128xf32, #tpu.memory_space<vmem_shared>>
      %dma_start3A_141 = arith.constant 0 : i32
      %dma_start3A_142 = arith.constant 0 : i32
      %dma_start3A_143 = tpu.memref_slice %arg10[%dma_start3A_141, %dma_start3A_142] : memref<64x128xf32, #tpu.memory_space<vmem>> -> memref<56x128xf32, #tpu.memory_space<vmem>>
      tpu.enqueue_dma source(%dma_start3A_143 : memref<56x128xf32, #tpu.memory_space<vmem>>) target(%dma_start3A_140 : memref<56x128xf32, #tpu.memory_space<vmem_shared>>) target_semaphore(%run_scoped3A : memref<!tpu.dma_semaphore, #tpu.memory_space<semaphore_mem>>)
      %dma_wait3A = arith.constant 0 : i32
      %dma_wait3A_144 = arith.constant 0 : i32
      %dma_wait3A_145 = tpu.memref_slice %arg10[%dma_wait3A, %dma_wait3A_144] : memref<64x128xf32, #tpu.memory_space<vmem>> -> memref<56x128xf32, #tpu.memory_space<vmem>>
      %dma_wait3A_146 = arith.constant 0 : i32
      %dma_wait3A_147 = tpu.memref_slice %arg11[%add3A_15, %dma_wait3A_146] : memref<10112x128xf32, #tpu.memory_space<vmem_shared>> -> memref<56x128xf32, #tpu.memory_space<vmem_shared>>
      %dma_wait3A_148 = arith.constant 0 : i32
      %dma_wait3A_149 = tpu.memref_slice %arg11[%add3A_15, %dma_wait3A_148] : memref<10112x128xf32, #tpu.memory_space<vmem_shared>> -> memref<56x128xf32, #tpu.memory_space<vmem_shared>>
      %dma_wait3A_150 = arith.constant 0 : i32
      %dma_wait3A_151 = arith.constant 0 : i32
      %dma_wait3A_152 = tpu.memref_slice %arg10[%dma_wait3A_150, %dma_wait3A_151] : memref<64x128xf32, #tpu.memory_space<vmem>> -> memref<56x128xf32, #tpu.memory_space<vmem>>
      tpu.wait_dma2 semaphore(%run_scoped3A : memref<!tpu.dma_semaphore, #tpu.memory_space<semaphore_mem>>) src(%dma_wait3A_152 : memref<56x128xf32, #tpu.memory_space<vmem>>) dst(%dma_wait3A_149 : memref<56x128xf32, #tpu.memory_space<vmem_shared>>)
      tpu.yield
    }) : () -> ()
    %barrier3A = arith.constant 0 : index
    tpu.barrier barrier_id(%barrier3A)
    %mul3A_16 = arith.constant 313 : i32
    %mul3A_17 = arith.muli %add3A, %mul3A_16 : i32
    %jit3A = arith.constant 32 : i32
    %div3A = arith.divsi %mul3A_17, %jit3A : i32
    %sign3A = arith.constant 0 : i32
    %sign3A_18 = arith.cmpi sgt, %mul3A_17, %sign3A : i32
    %sign3A_19 = arith.extui %sign3A_18 : i1 to i32
    %sign3A_20 = arith.constant 0 : i32
    %sign3A_21 = arith.cmpi slt, %mul3A_17, %sign3A_20 : i32
    %sign3A_22 = arith.extui %sign3A_21 : i1 to i32
    %sign3A_23 = arith.subi %sign3A_19, %sign3A_22 : i32
    %sign3A_24 = arith.constant 0 : i32
    %sign3A_25 = arith.cmpi sgt, %jit3A, %sign3A_24 : i32
    %sign3A_26 = arith.extui %sign3A_25 : i1 to i32
    %sign3A_27 = arith.constant 0 : i32
    %sign3A_28 = arith.cmpi slt, %jit3A, %sign3A_27 : i32
    %sign3A_29 = arith.extui %sign3A_28 : i1 to i32
    %sign3A_30 = arith.subi %sign3A_26, %sign3A_29 : i32
    %ne3A = arith.cmpi ne, %sign3A_23, %sign3A_30 : i32
    %rem3A = arith.remsi %mul3A_17, %jit3A : i32
    %ne3A_31 = arith.constant 0 : i32
    %ne3A_32 = arith.cmpi ne, %rem3A, %ne3A_31 : i32
    %and3A = arith.andi %ne3A, %ne3A_32 : i1
    %sub3A = arith.constant 1 : i32
    %sub3A_33 = arith.subi %div3A, %sub3A : i32
    %select_n3A = arith.select %and3A, %sub3A_33, %div3A : i32
    %add3A_34 = arith.constant 1 : i32
    %add3A_35 = arith.addi %add3A, %add3A_34 : i32
    %mul3A_36 = arith.constant 313 : i32
    %mul3A_37 = arith.muli %add3A_35, %mul3A_36 : i32
    %jit3A_38 = arith.constant 32 : i32
    %div3A_39 = arith.divsi %mul3A_37, %jit3A_38 : i32
    %sign3A_40 = arith.constant 0 : i32
    %sign3A_41 = arith.cmpi sgt, %mul3A_37, %sign3A_40 : i32
    %sign3A_42 = arith.extui %sign3A_41 : i1 to i32
    %sign3A_43 = arith.constant 0 : i32
    %sign3A_44 = arith.cmpi slt, %mul3A_37, %sign3A_43 : i32
    %sign3A_45 = arith.extui %sign3A_44 : i1 to i32
    %sign3A_46 = arith.subi %sign3A_42, %sign3A_45 : i32
    %sign3A_47 = arith.constant 0 : i32
    %sign3A_48 = arith.cmpi sgt, %jit3A_38, %sign3A_47 : i32
    %sign3A_49 = arith.extui %sign3A_48 : i1 to i32
    %sign3A_50 = arith.constant 0 : i32
    %sign3A_51 = arith.cmpi slt, %jit3A_38, %sign3A_50 : i32
    %sign3A_52 = arith.extui %sign3A_51 : i1 to i32
    %sign3A_53 = arith.subi %sign3A_49, %sign3A_52 : i32
    %ne3A_54 = arith.cmpi ne, %sign3A_46, %sign3A_53 : i32
    %rem3A_55 = arith.remsi %mul3A_37, %jit3A_38 : i32
    %ne3A_56 = arith.constant 0 : i32
    %ne3A_57 = arith.cmpi ne, %rem3A_55, %ne3A_56 : i32
    %and3A_58 = arith.andi %ne3A_54, %ne3A_57 : i1
    %sub3A_59 = arith.constant 1 : i32
    %sub3A_60 = arith.subi %div3A_39, %sub3A_59 : i32
    %select_n3A_61 = arith.select %and3A_58, %sub3A_60, %div3A_39 : i32
    %mul3A_62 = arith.constant 8 : i32
    %mul3A_63 = arith.muli %select_n3A, %mul3A_62 : i32
    %multiple_of3A = tpu.assume_multiple %mul3A_63, 8 : i32
    %mul3A_64 = arith.constant 8 : i32
    %mul3A_65 = arith.muli %select_n3A_61, %mul3A_64 : i32
    %min3A = arith.constant 2500 : i32
    %min3A_66 = arith.minsi %mul3A_65, %min3A : i32
    %sub3A_67 = arith.subi %min3A_66, %multiple_of3A : i32
    %jit3A_68 = arith.constant 2 : i32
    %div3A_69 = arith.divsi %sub3A_67, %jit3A_68 : i32
    %sign3A_70 = arith.constant 0 : i32
    %sign3A_71 = arith.cmpi sgt, %sub3A_67, %sign3A_70 : i32
    %sign3A_72 = arith.extui %sign3A_71 : i1 to i32
    %sign3A_73 = arith.constant 0 : i32
    %sign3A_74 = arith.cmpi slt, %sub3A_67, %sign3A_73 : i32
    %sign3A_75 = arith.extui %sign3A_74 : i1 to i32
    %sign3A_76 = arith.subi %sign3A_72, %sign3A_75 : i32
    %sign3A_77 = arith.constant 0 : i32
    %sign3A_78 = arith.cmpi sgt, %jit3A_68, %sign3A_77 : i32
    %sign3A_79 = arith.extui %sign3A_78 : i1 to i32
    %sign3A_80 = arith.constant 0 : i32
    %sign3A_81 = arith.cmpi slt, %jit3A_68, %sign3A_80 : i32
    %sign3A_82 = arith.extui %sign3A_81 : i1 to i32
    %sign3A_83 = arith.subi %sign3A_79, %sign3A_82 : i32
    %ne3A_84 = arith.cmpi ne, %sign3A_76, %sign3A_83 : i32
    %rem3A_85 = arith.remsi %sub3A_67, %jit3A_68 : i32
    %ne3A_86 = arith.constant 0 : i32
    %ne3A_87 = arith.cmpi ne, %rem3A_85, %ne3A_86 : i32
    %and3A_88 = arith.andi %ne3A_84, %ne3A_87 : i1
    %sub3A_89 = arith.constant 1 : i32
    %sub3A_90 = arith.subi %div3A_69, %sub3A_89 : i32
    %select_n3A_91 = arith.select %and3A_88, %sub3A_90, %div3A_69 : i32
    %add3A_92 = arith.constant 15 : i32
    %add3A_93 = arith.addi %select_n3A_91, %add3A_92 : i32
    %jit3A_94 = arith.constant 16 : i32
    %div3A_95 = arith.divsi %add3A_93, %jit3A_94 : i32
    %sign3A_96 = arith.constant 0 : i32
    %sign3A_97 = arith.cmpi sgt, %add3A_93, %sign3A_96 : i32
    %sign3A_98 = arith.extui %sign3A_97 : i1 to i32
    %sign3A_99 = arith.constant 0 : i32
    %sign3A_100 = arith.cmpi slt, %add3A_93, %sign3A_99 : i32
    %sign3A_101 = arith.extui %sign3A_100 : i1 to i32
    %sign3A_102 = arith.subi %sign3A_98, %sign3A_101 : i32
    %sign3A_103 = arith.constant 0 : i32
    %sign3A_104 = arith.cmpi sgt, %jit3A_94, %sign3A_103 : i32
    %sign3A_105 = arith.extui %sign3A_104 : i1 to i32
    %sign3A_106 = arith.constant 0 : i32
    %sign3A_107 = arith.cmpi slt, %jit3A_94, %sign3A_106 : i32
    %sign3A_108 = arith.extui %sign3A_107 : i1 to i32
    %sign3A_109 = arith.subi %sign3A_105, %sign3A_108 : i32
    %ne3A_110 = arith.cmpi ne, %sign3A_102, %sign3A_109 : i32
    %rem3A_111 = arith.remsi %add3A_93, %jit3A_94 : i32
    %ne3A_112 = arith.constant 0 : i32
    %ne3A_113 = arith.cmpi ne, %rem3A_111, %ne3A_112 : i32
    %and3A_114 = arith.andi %ne3A_110, %ne3A_113 : i1
    %sub3A_115 = arith.constant 1 : i32
    %sub3A_116 = arith.subi %div3A_95, %sub3A_115 : i32
    %select_n3A_117 = arith.select %and3A_114, %sub3A_116, %div3A_95 : i32
    %while3A = arith.constant 0 : i32
    %while3A_118 = arith.constant 0 : i32
    %while3A_119 = arith.subi %select_n3A_117, %while3A_118 : i32
    %while3A_120 = arith.addi %while3A_118, %while3A_119 : i32
    %while3A_121 = arith.constant 1 : i32
    %while3A_122 = arith.divsi %while3A_119, %while3A_121 : i32
    %while3A_123 = arith.muli %while3A_122, %while3A_121 : i32
    %while3A_124 = arith.addi %while3A_118, %while3A_123 : i32
    %while3A_125 = arith.constant 1 : i32
    scf.for %while3A_135 = %while3A_118 to %while3A_124 step %while3A_125  : i32 {
      %mul3A_136 = arith.constant 32 : i32
      %mul3A_137 = arith.muli %while3A_135, %mul3A_136 : i32
      %add3A_138 = arith.addi %multiple_of3A, %mul3A_137 : i32
      %multiple_of3A_139 = tpu.assume_multiple %add3A_138, 8 : i32
      "tpu.region"() ({
        %run_scoped3A = tpu.sem_alloc : memref<!tpu.dma_semaphore, #tpu.memory_space<semaphore_mem>>
        %dma_start3A_168 = arith.constant 0 : i32
        %dma_start3A_169 = tpu.memref_slice %arg2[%multiple_of3A_139, %dma_start3A_168] : memref<2528x128xi32, #tpu.memory_space<hbm>> -> memref<32x128xi32, #tpu.memory_space<hbm>>
        %dma_start3A_170 = arith.constant 0 : i32
        %dma_start3A_171 = tpu.memref_slice %arg2[%multiple_of3A_139, %dma_start3A_170] : memref<2528x128xi32, #tpu.memory_space<hbm>> -> memref<32x128xi32, #tpu.memory_space<hbm>>
        tpu.enqueue_dma source(%dma_start3A_171 : memref<32x128xi32, #tpu.memory_space<hbm>>) target(%arg6 : memref<32x128xi32, #tpu.memory_space<vmem>>) target_semaphore(%run_scoped3A : memref<!tpu.dma_semaphore, #tpu.memory_space<semaphore_mem>>)
        %dma_wait3A = arith.constant 0 : i32
        %dma_wait3A_172 = tpu.memref_slice %arg2[%multiple_of3A_139, %dma_wait3A] : memref<2528x128xi32, #tpu.memory_space<hbm>> -> memref<32x128xi32, #tpu.memory_space<hbm>>
        %dma_wait3A_173 = arith.constant 0 : i32
        %dma_wait3A_174 = tpu.memref_slice %arg2[%multiple_of3A_139, %dma_wait3A_173] : memref<2528x128xi32, #tpu.memory_space<hbm>> -> memref<32x128xi32, #tpu.memory_space<hbm>>
        tpu.wait_dma2 semaphore(%run_scoped3A : memref<!tpu.dma_semaphore, #tpu.memory_space<semaphore_mem>>) src(%dma_wait3A_174 : memref<32x128xi32, #tpu.memory_space<hbm>>) dst(%arg6 : memref<32x128xi32, #tpu.memory_space<vmem>>)
        tpu.yield
      }) : () -> ()
      "tpu.region"() ({
        %run_scoped3A = tpu.sem_alloc : memref<!tpu.dma_semaphore, #tpu.memory_space<semaphore_mem>>
        %dma_start3A_168 = arith.constant 0 : i32
        %dma_start3A_169 = tpu.memref_slice %arg3[%multiple_of3A_139, %dma_start3A_168] : memref<2528x128xi32, #tpu.memory_space<hbm>> -> memref<32x128xi32, #tpu.memory_space<hbm>>
        %dma_start3A_170 = arith.constant 0 : i32
        %dma_start3A_171 = tpu.memref_slice %arg3[%multiple_of3A_139, %dma_start3A_170] : memref<2528x128xi32, #tpu.memory_space<hbm>> -> memref<32x128xi32, #tpu.memory_space<hbm>>
        tpu.enqueue_dma source(%dma_start3A_171 : memref<32x128xi32, #tpu.memory_space<hbm>>) target(%arg7 : memref<32x128xi32, #tpu.memory_space<vmem>>) target_semaphore(%run_scoped3A : memref<!tpu.dma_semaphore, #tpu.memory_space<semaphore_mem>>)
        %dma_wait3A = arith.constant 0 : i32
        %dma_wait3A_172 = tpu.memref_slice %arg3[%multiple_of3A_139, %dma_wait3A] : memref<2528x128xi32, #tpu.memory_space<hbm>> -> memref<32x128xi32, #tpu.memory_space<hbm>>
        %dma_wait3A_173 = arith.constant 0 : i32
        %dma_wait3A_174 = tpu.memref_slice %arg3[%multiple_of3A_139, %dma_wait3A_173] : memref<2528x128xi32, #tpu.memory_space<hbm>> -> memref<32x128xi32, #tpu.memory_space<hbm>>
        tpu.wait_dma2 semaphore(%run_scoped3A : memref<!tpu.dma_semaphore, #tpu.memory_space<semaphore_mem>>) src(%dma_wait3A_174 : memref<32x128xi32, #tpu.memory_space<hbm>>) dst(%arg7 : memref<32x128xi32, #tpu.memory_space<vmem>>)
        tpu.yield
      }) : () -> ()
      %mul3A_140 = arith.constant 16 : i32
      %mul3A_141 = arith.muli %while3A_135, %mul3A_140 : i32
      %sub3A_142 = arith.subi %select_n3A_91, %mul3A_141 : i32
      %min3A_143 = arith.constant 16 : i32
      %min3A_144 = arith.minsi %min3A_143, %sub3A_142 : i32
      %dma_start3A = arith.constant 0 : i32
      %dma_start3A_145 = arith.constant 0 : i32
      %dma_start3A_146 = tpu.memref_slice %arg6[%dma_start3A, %dma_start3A_145] : memref<32x128xi32, #tpu.memory_space<vmem>> -> memref<1x128xi32, #tpu.memory_space<vmem>>
      %dma_start3A_147 = tpu.memref_squeeze %dma_start3A_146 : memref<1x128xi32, #tpu.memory_space<vmem>> -> memref<128xi32, #tpu.memory_space<vmem>>
      %dma_start3A_148 = arith.constant 0 : i32
      %dma_start3A_149 = arith.constant 0 : i32
      %dma_start3A_150 = tpu.memref_slice %arg4[%dma_start3A_148, %dma_start3A_149] : memref<10000x128xf32, #tpu.memory_space<hbm>> -> memref<10000x128xf32, #tpu.memory_space<hbm>>
      tpu.enqueue_indirect_dma source(%dma_start3A_150 : memref<10000x128xf32, #tpu.memory_space<hbm>>) target(%arg8 : memref<128x128xf32, #tpu.memory_space<vmem>>) offsets(%dma_start3A_147 : memref<128xi32, #tpu.memory_space<vmem>>) semaphore(%arg12 : memref<!tpu.dma_semaphore, #tpu.memory_space<semaphore_mem>>)
      %dma_start3A_151 = arith.constant 1 : i32
      %dma_start3A_152 = arith.constant 0 : i32
      %dma_start3A_153 = tpu.memref_slice %arg6[%dma_start3A_151, %dma_start3A_152] : memref<32x128xi32, #tpu.memory_space<vmem>> -> memref<1x128xi32, #tpu.memory_space<vmem>>
      %dma_start3A_154 = tpu.memref_squeeze %dma_start3A_153 : memref<1x128xi32, #tpu.memory_space<vmem>> -> memref<128xi32, #tpu.memory_space<vmem>>
      %dma_start3A_155 = arith.constant 0 : i32
      %dma_start3A_156 = arith.constant 0 : i32
      %dma_start3A_157 = tpu.memref_slice %arg4[%dma_start3A_155, %dma_start3A_156] : memref<10000x128xf32, #tpu.memory_space<hbm>> -> memref<10000x128xf32, #tpu.memory_space<hbm>>
      tpu.enqueue_indirect_dma source(%dma_start3A_157 : memref<10000x128xf32, #tpu.memory_space<hbm>>) target(%arg9 : memref<128x128xf32, #tpu.memory_space<vmem>>) offsets(%dma_start3A_154 : memref<128xi32, #tpu.memory_space<vmem>>) semaphore(%arg13 : memref<!tpu.dma_semaphore, #tpu.memory_space<semaphore_mem>>)
      %while3A_158 = arith.constant 0 : i32
      %while3A_159 = arith.constant 0 : i32
      %while3A_160 = arith.subi %min3A_144, %while3A_159 : i32
      %while3A_161 = arith.addi %while3A_159, %while3A_160 : i32
      %while3A_162 = arith.constant 1 : i32
      %while3A_163 = arith.divsi %while3A_160, %while3A_162 : i32
      %while3A_164 = arith.muli %while3A_163, %while3A_162 : i32
      %while3A_165 = arith.addi %while3A_159, %while3A_164 : i32
      %while3A_166 = arith.constant 1 : i32
      scf.for %while3A_168 = %while3A_159 to %while3A_165 step %while3A_166  : i32 {
        %dma_wait3A = arith.constant 0 : i32
        %dma_wait3A_169 = arith.constant 0 : i32
        %dma_wait3A_170 = tpu.memref_slice %arg6[%dma_wait3A, %dma_wait3A_169] : memref<32x128xi32, #tpu.memory_space<vmem>> -> memref<1x128xi32, #tpu.memory_space<vmem>>
        %dma_wait3A_171 = tpu.memref_squeeze %dma_wait3A_170 : memref<1x128xi32, #tpu.memory_space<vmem>> -> memref<128xi32, #tpu.memory_space<vmem>>
        %dma_wait3A_172 = arith.constant 0 : i32
        %dma_wait3A_173 = arith.constant 0 : i32
        %dma_wait3A_174 = tpu.memref_slice %arg4[%dma_wait3A_172, %dma_wait3A_173] : memref<10000x128xf32, #tpu.memory_space<hbm>> -> memref<10000x128xf32, #tpu.memory_space<hbm>>
        tpu.wait_indirect_dma semaphore(%arg12 : memref<!tpu.dma_semaphore, #tpu.memory_space<semaphore_mem>>) src(%dma_wait3A_174 : memref<10000x128xf32, #tpu.memory_space<hbm>>) dst(%arg8 : memref<128x128xf32, #tpu.memory_space<vmem>>)
        %mul3A_175 = arith.constant 2 : i32
        %mul3A_176 = arith.muli %mul3A_175, %while3A_168 : i32
        "tpu.region"() ({
          %run_scoped3A = tpu.sem_alloc : memref<!tpu.dma_semaphore, #tpu.memory_space<semaphore_mem>>
          %dma_start3A_197 = arith.constant 0 : i32
          %dma_start3A_198 = tpu.memref_slice %arg7[%mul3A_176, %dma_start3A_197] : memref<32x128xi32, #tpu.memory_space<vmem>> -> memref<1x128xi32, #tpu.memory_space<vmem>>
          %dma_start3A_199 = tpu.memref_squeeze %dma_start3A_198 : memref<1x128xi32, #tpu.memory_space<vmem>> -> memref<128xi32, #tpu.memory_space<vmem>>
          %dma_start3A_200 = arith.constant 0 : i32
          %dma_start3A_201 = arith.constant 0 : i32
          %dma_start3A_202 = tpu.memref_slice %arg11[%dma_start3A_200, %dma_start3A_201] : memref<10112x128xf32, #tpu.memory_space<vmem_shared>> -> memref<10112x128xf32, #tpu.memory_space<vmem_shared>>
          tpu.enqueue_indirect_dma source(%arg8 : memref<128x128xf32, #tpu.memory_space<vmem>>) target(%dma_start3A_202 : memref<10112x128xf32, #tpu.memory_space<vmem_shared>>) offsets(%dma_start3A_199 : memref<128xi32, #tpu.memory_space<vmem>>) semaphore(%run_scoped3A : memref<!tpu.dma_semaphore, #tpu.memory_space<semaphore_mem>>) {add = true}
          %dma_wait3A_203 = arith.constant 0 : i32
          %dma_wait3A_204 = tpu.memref_slice %arg7[%mul3A_176, %dma_wait3A_203] : memref<32x128xi32, #tpu.memory_space<vmem>> -> memref<1x128xi32, #tpu.memory_space<vmem>>
          %dma_wait3A_205 = tpu.memref_squeeze %dma_wait3A_204 : memref<1x128xi32, #tpu.memory_space<vmem>> -> memref<128xi32, #tpu.memory_space<vmem>>
          %dma_wait3A_206 = arith.constant 0 : i32
          %dma_wait3A_207 = arith.constant 0 : i32
          %dma_wait3A_208 = tpu.memref_slice %arg11[%dma_wait3A_206, %dma_wait3A_207] : memref<10112x128xf32, #tpu.memory_space<vmem_shared>> -> memref<10112x128xf32, #tpu.memory_space<vmem_shared>>
          tpu.wait_indirect_dma semaphore(%run_scoped3A : memref<!tpu.dma_semaphore, #tpu.memory_space<semaphore_mem>>) src(%arg8 : memref<128x128xf32, #tpu.memory_space<vmem>>) dst(%dma_wait3A_208 : memref<10112x128xf32, #tpu.memory_space<vmem_shared>>)
          tpu.yield
        }) : () -> ()
        %sub3A_177 = arith.constant 1 : i32
        %sub3A_178 = arith.subi %min3A_144, %sub3A_177 : i32
        %lt3A = arith.cmpi slt, %while3A_168, %sub3A_178 : i32
        %convert_element_type3A = arith.extui %lt3A : i1 to i32
        %cond3A = arith.constant 0 : i32
        %cond3A_179 = arith.cmpi ne, %convert_element_type3A, %cond3A : i32
        scf.if %cond3A_179 {
          %mul3A_197 = arith.constant 2 : i32
          %mul3A_198 = arith.muli %mul3A_197, %while3A_168 : i32
          %add3A_199 = arith.constant 2 : i32
          %add3A_200 = arith.addi %mul3A_198, %add3A_199 : i32
          %dma_start3A_201 = arith.constant 0 : i32
          %dma_start3A_202 = tpu.memref_slice %arg6[%add3A_200, %dma_start3A_201] : memref<32x128xi32, #tpu.memory_space<vmem>> -> memref<1x128xi32, #tpu.memory_space<vmem>>
          %dma_start3A_203 = tpu.memref_squeeze %dma_start3A_202 : memref<1x128xi32, #tpu.memory_space<vmem>> -> memref<128xi32, #tpu.memory_space<vmem>>
          %dma_start3A_204 = arith.constant 0 : i32
          %dma_start3A_205 = arith.constant 0 : i32
          %dma_start3A_206 = tpu.memref_slice %arg4[%dma_start3A_204, %dma_start3A_205] : memref<10000x128xf32, #tpu.memory_space<hbm>> -> memref<10000x128xf32, #tpu.memory_space<hbm>>
          tpu.enqueue_indirect_dma source(%dma_start3A_206 : memref<10000x128xf32, #tpu.memory_space<hbm>>) target(%arg8 : memref<128x128xf32, #tpu.memory_space<vmem>>) offsets(%dma_start3A_203 : memref<128xi32, #tpu.memory_space<vmem>>) semaphore(%arg12 : memref<!tpu.dma_semaphore, #tpu.memory_space<semaphore_mem>>)
        } else {
        }
        %dma_wait3A_180 = arith.constant 1 : i32
        %dma_wait3A_181 = arith.constant 0 : i32
        %dma_wait3A_182 = tpu.memref_slice %arg6[%dma_wait3A_180, %dma_wait3A_181] : memref<32x128xi32, #tpu.memory_space<vmem>> -> memref<1x128xi32, #tpu.memory_space<vmem>>
        %dma_wait3A_183 = tpu.memref_squeeze %dma_wait3A_182 : memref<1x128xi32, #tpu.memory_space<vmem>> -> memref<128xi32, #tpu.memory_space<vmem>>
        %dma_wait3A_184 = arith.constant 0 : i32
        %dma_wait3A_185 = arith.constant 0 : i32
        %dma_wait3A_186 = tpu.memref_slice %arg4[%dma_wait3A_184, %dma_wait3A_185] : memref<10000x128xf32, #tpu.memory_space<hbm>> -> memref<10000x128xf32, #tpu.memory_space<hbm>>
        tpu.wait_indirect_dma semaphore(%arg13 : memref<!tpu.dma_semaphore, #tpu.memory_space<semaphore_mem>>) src(%dma_wait3A_186 : memref<10000x128xf32, #tpu.memory_space<hbm>>) dst(%arg9 : memref<128x128xf32, #tpu.memory_space<vmem>>)
        %mul3A_187 = arith.constant 2 : i32
        %mul3A_188 = arith.muli %mul3A_187, %while3A_168 : i32
        %add3A_189 = arith.constant 1 : i32
        %add3A_190 = arith.addi %mul3A_188, %add3A_189 : i32
        "tpu.region"() ({
          %run_scoped3A = tpu.sem_alloc : memref<!tpu.dma_semaphore, #tpu.memory_space<semaphore_mem>>
          %dma_start3A_197 = arith.constant 0 : i32
          %dma_start3A_198 = tpu.memref_slice %arg7[%add3A_190, %dma_start3A_197] : memref<32x128xi32, #tpu.memory_space<vmem>> -> memref<1x128xi32, #tpu.memory_space<vmem>>
          %dma_start3A_199 = tpu.memref_squeeze %dma_start3A_198 : memref<1x128xi32, #tpu.memory_space<vmem>> -> memref<128xi32, #tpu.memory_space<vmem>>
          %dma_start3A_200 = arith.constant 0 : i32
          %dma_start3A_201 = arith.constant 0 : i32
          %dma_start3A_202 = tpu.memref_slice %arg11[%dma_start3A_200, %dma_start3A_201] : memref<10112x128xf32, #tpu.memory_space<vmem_shared>> -> memref<10112x128xf32, #tpu.memory_space<vmem_shared>>
          tpu.enqueue_indirect_dma source(%arg9 : memref<128x128xf32, #tpu.memory_space<vmem>>) target(%dma_start3A_202 : memref<10112x128xf32, #tpu.memory_space<vmem_shared>>) offsets(%dma_start3A_199 : memref<128xi32, #tpu.memory_space<vmem>>) semaphore(%run_scoped3A : memref<!tpu.dma_semaphore, #tpu.memory_space<semaphore_mem>>) {add = true}
          %dma_wait3A_203 = arith.constant 0 : i32
          %dma_wait3A_204 = tpu.memref_slice %arg7[%add3A_190, %dma_wait3A_203] : memref<32x128xi32, #tpu.memory_space<vmem>> -> memref<1x128xi32, #tpu.memory_space<vmem>>
          %dma_wait3A_205 = tpu.memref_squeeze %dma_wait3A_204 : memref<1x128xi32, #tpu.memory_space<vmem>> -> memref<128xi32, #tpu.memory_space<vmem>>
          %dma_wait3A_206 = arith.constant 0 : i32
          %dma_wait3A_207 = arith.constant 0 : i32
          %dma_wait3A_208 = tpu.memref_slice %arg11[%dma_wait3A_206, %dma_wait3A_207] : memref<10112x128xf32, #tpu.memory_space<vmem_shared>> -> memref<10112x128xf32, #tpu.memory_space<vmem_shared>>
          tpu.wait_indirect_dma semaphore(%run_scoped3A : memref<!tpu.dma_semaphore, #tpu.memory_space<semaphore_mem>>) src(%arg9 : memref<128x128xf32, #tpu.memory_space<vmem>>) dst(%dma_wait3A_208 : memref<10112x128xf32, #tpu.memory_space<vmem_shared>>)
          tpu.yield
        }) : () -> ()
        %sub3A_191 = arith.constant 1 : i32
        %sub3A_192 = arith.subi %min3A_144, %sub3A_191 : i32
        %lt3A_193 = arith.cmpi slt, %while3A_168, %sub3A_192 : i32
        %convert_element_type3A_194 = arith.extui %lt3A_193 : i1 to i32
        %cond3A_195 = arith.constant 0 : i32
        %cond3A_196 = arith.cmpi ne, %convert_element_type3A_194, %cond3A_195 : i32
        scf.if %cond3A_196 {
          %mul3A_197 = arith.constant 2 : i32
          %mul3A_198 = arith.muli %mul3A_197, %while3A_168 : i32
          %add3A_199 = arith.constant 3 : i32
          %add3A_200 = arith.addi %mul3A_198, %add3A_199 : i32
          %dma_start3A_201 = arith.constant 0 : i32
          %dma_start3A_202 = tpu.memref_slice %arg6[%add3A_200, %dma_start3A_201] : memref<32x128xi32, #tpu.memory_space<vmem>> -> memref<1x128xi32, #tpu.memory_space<vmem>>
          %dma_start3A_203 = tpu.memref_squeeze %dma_start3A_202 : memref<1x128xi32, #tpu.memory_space<vmem>> -> memref<128xi32, #tpu.memory_space<vmem>>
          %dma_start3A_204 = arith.constant 0 : i32
          %dma_start3A_205 = arith.constant 0 : i32
          %dma_start3A_206 = tpu.memref_slice %arg4[%dma_start3A_204, %dma_start3A_205] : memref<10000x128xf32, #tpu.memory_space<hbm>> -> memref<10000x128xf32, #tpu.memory_space<hbm>>
          tpu.enqueue_indirect_dma source(%dma_start3A_206 : memref<10000x128xf32, #tpu.memory_space<hbm>>) target(%arg9 : memref<128x128xf32, #tpu.memory_space<vmem>>) offsets(%dma_start3A_203 : memref<128xi32, #tpu.memory_space<vmem>>) semaphore(%arg13 : memref<!tpu.dma_semaphore, #tpu.memory_space<semaphore_mem>>)
        } else {
        }
      }
      %while3A_167 = arith.constant 1 : i32
      scf.for %while3A_168 = %while3A_165 to %while3A_161 step %while3A_167  : i32 {
        %dma_wait3A = arith.constant 0 : i32
        %dma_wait3A_169 = arith.constant 0 : i32
        %dma_wait3A_170 = tpu.memref_slice %arg6[%dma_wait3A, %dma_wait3A_169] : memref<32x128xi32, #tpu.memory_space<vmem>> -> memref<1x128xi32, #tpu.memory_space<vmem>>
        %dma_wait3A_171 = tpu.memref_squeeze %dma_wait3A_170 : memref<1x128xi32, #tpu.memory_space<vmem>> -> memref<128xi32, #tpu.memory_space<vmem>>
        %dma_wait3A_172 = arith.constant 0 : i32
        %dma_wait3A_173 = arith.constant 0 : i32
        %dma_wait3A_174 = tpu.memref_slice %arg4[%dma_wait3A_172, %dma_wait3A_173] : memref<10000x128xf32, #tpu.memory_space<hbm>> -> memref<10000x128xf32, #tpu.memory_space<hbm>>
        tpu.wait_indirect_dma semaphore(%arg12 : memref<!tpu.dma_semaphore, #tpu.memory_space<semaphore_mem>>) src(%dma_wait3A_174 : memref<10000x128xf32, #tpu.memory_space<hbm>>) dst(%arg8 : memref<128x128xf32, #tpu.memory_space<vmem>>)
        %mul3A_175 = arith.constant 2 : i32
        %mul3A_176 = arith.muli %mul3A_175, %while3A_168 : i32
        "tpu.region"() ({
          %run_scoped3A = tpu.sem_alloc : memref<!tpu.dma_semaphore, #tpu.memory_space<semaphore_mem>>
          %dma_start3A_197 = arith.constant 0 : i32
          %dma_start3A_198 = tpu.memref_slice %arg7[%mul3A_176, %dma_start3A_197] : memref<32x128xi32, #tpu.memory_space<vmem>> -> memref<1x128xi32, #tpu.memory_space<vmem>>
          %dma_start3A_199 = tpu.memref_squeeze %dma_start3A_198 : memref<1x128xi32, #tpu.memory_space<vmem>> -> memref<128xi32, #tpu.memory_space<vmem>>
          %dma_start3A_200 = arith.constant 0 : i32
          %dma_start3A_201 = arith.constant 0 : i32
          %dma_start3A_202 = tpu.memref_slice %arg11[%dma_start3A_200, %dma_start3A_201] : memref<10112x128xf32, #tpu.memory_space<vmem_shared>> -> memref<10112x128xf32, #tpu.memory_space<vmem_shared>>
          tpu.enqueue_indirect_dma source(%arg8 : memref<128x128xf32, #tpu.memory_space<vmem>>) target(%dma_start3A_202 : memref<10112x128xf32, #tpu.memory_space<vmem_shared>>) offsets(%dma_start3A_199 : memref<128xi32, #tpu.memory_space<vmem>>) semaphore(%run_scoped3A : memref<!tpu.dma_semaphore, #tpu.memory_space<semaphore_mem>>) {add = true}
          %dma_wait3A_203 = arith.constant 0 : i32
          %dma_wait3A_204 = tpu.memref_slice %arg7[%mul3A_176, %dma_wait3A_203] : memref<32x128xi32, #tpu.memory_space<vmem>> -> memref<1x128xi32, #tpu.memory_space<vmem>>
          %dma_wait3A_205 = tpu.memref_squeeze %dma_wait3A_204 : memref<1x128xi32, #tpu.memory_space<vmem>> -> memref<128xi32, #tpu.memory_space<vmem>>
          %dma_wait3A_206 = arith.constant 0 : i32
          %dma_wait3A_207 = arith.constant 0 : i32
          %dma_wait3A_208 = tpu.memref_slice %arg11[%dma_wait3A_206, %dma_wait3A_207] : memref<10112x128xf32, #tpu.memory_space<vmem_shared>> -> memref<10112x128xf32, #tpu.memory_space<vmem_shared>>
          tpu.wait_indirect_dma semaphore(%run_scoped3A : memref<!tpu.dma_semaphore, #tpu.memory_space<semaphore_mem>>) src(%arg8 : memref<128x128xf32, #tpu.memory_space<vmem>>) dst(%dma_wait3A_208 : memref<10112x128xf32, #tpu.memory_space<vmem_shared>>)
          tpu.yield
        }) : () -> ()
        %sub3A_177 = arith.constant 1 : i32
        %sub3A_178 = arith.subi %min3A_144, %sub3A_177 : i32
        %lt3A = arith.cmpi slt, %while3A_168, %sub3A_178 : i32
        %convert_element_type3A = arith.extui %lt3A : i1 to i32
        %cond3A = arith.constant 0 : i32
        %cond3A_179 = arith.cmpi ne, %convert_element_type3A, %cond3A : i32
        scf.if %cond3A_179 {
          %mul3A_197 = arith.constant 2 : i32
          %mul3A_198 = arith.muli %mul3A_197, %while3A_168 : i32
          %add3A_199 = arith.constant 2 : i32
          %add3A_200 = arith.addi %mul3A_198, %add3A_199 : i32
          %dma_start3A_201 = arith.constant 0 : i32
          %dma_start3A_202 = tpu.memref_slice %arg6[%add3A_200, %dma_start3A_201] : memref<32x128xi32, #tpu.memory_space<vmem>> -> memref<1x128xi32, #tpu.memory_space<vmem>>
          %dma_start3A_203 = tpu.memref_squeeze %dma_start3A_202 : memref<1x128xi32, #tpu.memory_space<vmem>> -> memref<128xi32, #tpu.memory_space<vmem>>
          %dma_start3A_204 = arith.constant 0 : i32
          %dma_start3A_205 = arith.constant 0 : i32
          %dma_start3A_206 = tpu.memref_slice %arg4[%dma_start3A_204, %dma_start3A_205] : memref<10000x128xf32, #tpu.memory_space<hbm>> -> memref<10000x128xf32, #tpu.memory_space<hbm>>
          tpu.enqueue_indirect_dma source(%dma_start3A_206 : memref<10000x128xf32, #tpu.memory_space<hbm>>) target(%arg8 : memref<128x128xf32, #tpu.memory_space<vmem>>) offsets(%dma_start3A_203 : memref<128xi32, #tpu.memory_space<vmem>>) semaphore(%arg12 : memref<!tpu.dma_semaphore, #tpu.memory_space<semaphore_mem>>)
        } else {
        }
        %dma_wait3A_180 = arith.constant 1 : i32
        %dma_wait3A_181 = arith.constant 0 : i32
        %dma_wait3A_182 = tpu.memref_slice %arg6[%dma_wait3A_180, %dma_wait3A_181] : memref<32x128xi32, #tpu.memory_space<vmem>> -> memref<1x128xi32, #tpu.memory_space<vmem>>
        %dma_wait3A_183 = tpu.memref_squeeze %dma_wait3A_182 : memref<1x128xi32, #tpu.memory_space<vmem>> -> memref<128xi32, #tpu.memory_space<vmem>>
        %dma_wait3A_184 = arith.constant 0 : i32
        %dma_wait3A_185 = arith.constant 0 : i32
        %dma_wait3A_186 = tpu.memref_slice %arg4[%dma_wait3A_184, %dma_wait3A_185] : memref<10000x128xf32, #tpu.memory_space<hbm>> -> memref<10000x128xf32, #tpu.memory_space<hbm>>
        tpu.wait_indirect_dma semaphore(%arg13 : memref<!tpu.dma_semaphore, #tpu.memory_space<semaphore_mem>>) src(%dma_wait3A_186 : memref<10000x128xf32, #tpu.memory_space<hbm>>) dst(%arg9 : memref<128x128xf32, #tpu.memory_space<vmem>>)
        %mul3A_187 = arith.constant 2 : i32
        %mul3A_188 = arith.muli %mul3A_187, %while3A_168 : i32
        %add3A_189 = arith.constant 1 : i32
        %add3A_190 = arith.addi %mul3A_188, %add3A_189 : i32
        "tpu.region"() ({
          %run_scoped3A = tpu.sem_alloc : memref<!tpu.dma_semaphore, #tpu.memory_space<semaphore_mem>>
          %dma_start3A_197 = arith.constant 0 : i32
          %dma_start3A_198 = tpu.memref_slice %arg7[%add3A_190, %dma_start3A_197] : memref<32x128xi32, #tpu.memory_space<vmem>> -> memref<1x128xi32, #tpu.memory_space<vmem>>
          %dma_start3A_199 = tpu.memref_squeeze %dma_start3A_198 : memref<1x128xi32, #tpu.memory_space<vmem>> -> memref<128xi32, #tpu.memory_space<vmem>>
          %dma_start3A_200 = arith.constant 0 : i32
          %dma_start3A_201 = arith.constant 0 : i32
          %dma_start3A_202 = tpu.memref_slice %arg11[%dma_start3A_200, %dma_start3A_201] : memref<10112x128xf32, #tpu.memory_space<vmem_shared>> -> memref<10112x128xf32, #tpu.memory_space<vmem_shared>>
          tpu.enqueue_indirect_dma source(%arg9 : memref<128x128xf32, #tpu.memory_space<vmem>>) target(%dma_start3A_202 : memref<10112x128xf32, #tpu.memory_space<vmem_shared>>) offsets(%dma_start3A_199 : memref<128xi32, #tpu.memory_space<vmem>>) semaphore(%run_scoped3A : memref<!tpu.dma_semaphore, #tpu.memory_space<semaphore_mem>>) {add = true}
          %dma_wait3A_203 = arith.constant 0 : i32
          %dma_wait3A_204 = tpu.memref_slice %arg7[%add3A_190, %dma_wait3A_203] : memref<32x128xi32, #tpu.memory_space<vmem>> -> memref<1x128xi32, #tpu.memory_space<vmem>>
          %dma_wait3A_205 = tpu.memref_squeeze %dma_wait3A_204 : memref<1x128xi32, #tpu.memory_space<vmem>> -> memref<128xi32, #tpu.memory_space<vmem>>
          %dma_wait3A_206 = arith.constant 0 : i32
          %dma_wait3A_207 = arith.constant 0 : i32
          %dma_wait3A_208 = tpu.memref_slice %arg11[%dma_wait3A_206, %dma_wait3A_207] : memref<10112x128xf32, #tpu.memory_space<vmem_shared>> -> memref<10112x128xf32, #tpu.memory_space<vmem_shared>>
          tpu.wait_indirect_dma semaphore(%run_scoped3A : memref<!tpu.dma_semaphore, #tpu.memory_space<semaphore_mem>>) src(%arg9 : memref<128x128xf32, #tpu.memory_space<vmem>>) dst(%dma_wait3A_208 : memref<10112x128xf32, #tpu.memory_space<vmem_shared>>)
          tpu.yield
        }) : () -> ()
        %sub3A_191 = arith.constant 1 : i32
        %sub3A_192 = arith.subi %min3A_144, %sub3A_191 : i32
        %lt3A_193 = arith.cmpi slt, %while3A_168, %sub3A_192 : i32
        %convert_element_type3A_194 = arith.extui %lt3A_193 : i1 to i32
        %cond3A_195 = arith.constant 0 : i32
        %cond3A_196 = arith.cmpi ne, %convert_element_type3A_194, %cond3A_195 : i32
        scf.if %cond3A_196 {
          %mul3A_197 = arith.constant 2 : i32
          %mul3A_198 = arith.muli %mul3A_197, %while3A_168 : i32
          %add3A_199 = arith.constant 3 : i32
          %add3A_200 = arith.addi %mul3A_198, %add3A_199 : i32
          %dma_start3A_201 = arith.constant 0 : i32
          %dma_start3A_202 = tpu.memref_slice %arg6[%add3A_200, %dma_start3A_201] : memref<32x128xi32, #tpu.memory_space<vmem>> -> memref<1x128xi32, #tpu.memory_space<vmem>>
          %dma_start3A_203 = tpu.memref_squeeze %dma_start3A_202 : memref<1x128xi32, #tpu.memory_space<vmem>> -> memref<128xi32, #tpu.memory_space<vmem>>
          %dma_start3A_204 = arith.constant 0 : i32
          %dma_start3A_205 = arith.constant 0 : i32
          %dma_start3A_206 = tpu.memref_slice %arg4[%dma_start3A_204, %dma_start3A_205] : memref<10000x128xf32, #tpu.memory_space<hbm>> -> memref<10000x128xf32, #tpu.memory_space<hbm>>
          tpu.enqueue_indirect_dma source(%dma_start3A_206 : memref<10000x128xf32, #tpu.memory_space<hbm>>) target(%arg9 : memref<128x128xf32, #tpu.memory_space<vmem>>) offsets(%dma_start3A_203 : memref<128xi32, #tpu.memory_space<vmem>>) semaphore(%arg13 : memref<!tpu.dma_semaphore, #tpu.memory_space<semaphore_mem>>)
        } else {
        }
      }
    }
    %while3A_126 = arith.constant 1 : i32
    scf.for %while3A_135 = %while3A_124 to %while3A_120 step %while3A_126  : i32 {
      %mul3A_136 = arith.constant 32 : i32
      %mul3A_137 = arith.muli %while3A_135, %mul3A_136 : i32
      %add3A_138 = arith.addi %multiple_of3A, %mul3A_137 : i32
      %multiple_of3A_139 = tpu.assume_multiple %add3A_138, 8 : i32
      "tpu.region"() ({
        %run_scoped3A = tpu.sem_alloc : memref<!tpu.dma_semaphore, #tpu.memory_space<semaphore_mem>>
        %dma_start3A_168 = arith.constant 0 : i32
        %dma_start3A_169 = tpu.memref_slice %arg2[%multiple_of3A_139, %dma_start3A_168] : memref<2528x128xi32, #tpu.memory_space<hbm>> -> memref<32x128xi32, #tpu.memory_space<hbm>>
        %dma_start3A_170 = arith.constant 0 : i32
        %dma_start3A_171 = tpu.memref_slice %arg2[%multiple_of3A_139, %dma_start3A_170] : memref<2528x128xi32, #tpu.memory_space<hbm>> -> memref<32x128xi32, #tpu.memory_space<hbm>>
        tpu.enqueue_dma source(%dma_start3A_171 : memref<32x128xi32, #tpu.memory_space<hbm>>) target(%arg6 : memref<32x128xi32, #tpu.memory_space<vmem>>) target_semaphore(%run_scoped3A : memref<!tpu.dma_semaphore, #tpu.memory_space<semaphore_mem>>)
        %dma_wait3A = arith.constant 0 : i32
        %dma_wait3A_172 = tpu.memref_slice %arg2[%multiple_of3A_139, %dma_wait3A] : memref<2528x128xi32, #tpu.memory_space<hbm>> -> memref<32x128xi32, #tpu.memory_space<hbm>>
        %dma_wait3A_173 = arith.constant 0 : i32
        %dma_wait3A_174 = tpu.memref_slice %arg2[%multiple_of3A_139, %dma_wait3A_173] : memref<2528x128xi32, #tpu.memory_space<hbm>> -> memref<32x128xi32, #tpu.memory_space<hbm>>
        tpu.wait_dma2 semaphore(%run_scoped3A : memref<!tpu.dma_semaphore, #tpu.memory_space<semaphore_mem>>) src(%dma_wait3A_174 : memref<32x128xi32, #tpu.memory_space<hbm>>) dst(%arg6 : memref<32x128xi32, #tpu.memory_space<vmem>>)
        tpu.yield
      }) : () -> ()
      "tpu.region"() ({
        %run_scoped3A = tpu.sem_alloc : memref<!tpu.dma_semaphore, #tpu.memory_space<semaphore_mem>>
        %dma_start3A_168 = arith.constant 0 : i32
        %dma_start3A_169 = tpu.memref_slice %arg3[%multiple_of3A_139, %dma_start3A_168] : memref<2528x128xi32, #tpu.memory_space<hbm>> -> memref<32x128xi32, #tpu.memory_space<hbm>>
        %dma_start3A_170 = arith.constant 0 : i32
        %dma_start3A_171 = tpu.memref_slice %arg3[%multiple_of3A_139, %dma_start3A_170] : memref<2528x128xi32, #tpu.memory_space<hbm>> -> memref<32x128xi32, #tpu.memory_space<hbm>>
        tpu.enqueue_dma source(%dma_start3A_171 : memref<32x128xi32, #tpu.memory_space<hbm>>) target(%arg7 : memref<32x128xi32, #tpu.memory_space<vmem>>) target_semaphore(%run_scoped3A : memref<!tpu.dma_semaphore, #tpu.memory_space<semaphore_mem>>)
        %dma_wait3A = arith.constant 0 : i32
        %dma_wait3A_172 = tpu.memref_slice %arg3[%multiple_of3A_139, %dma_wait3A] : memref<2528x128xi32, #tpu.memory_space<hbm>> -> memref<32x128xi32, #tpu.memory_space<hbm>>
        %dma_wait3A_173 = arith.constant 0 : i32
        %dma_wait3A_174 = tpu.memref_slice %arg3[%multiple_of3A_139, %dma_wait3A_173] : memref<2528x128xi32, #tpu.memory_space<hbm>> -> memref<32x128xi32, #tpu.memory_space<hbm>>
        tpu.wait_dma2 semaphore(%run_scoped3A : memref<!tpu.dma_semaphore, #tpu.memory_space<semaphore_mem>>) src(%dma_wait3A_174 : memref<32x128xi32, #tpu.memory_space<hbm>>) dst(%arg7 : memref<32x128xi32, #tpu.memory_space<vmem>>)
        tpu.yield
      }) : () -> ()
      %mul3A_140 = arith.constant 16 : i32
      %mul3A_141 = arith.muli %while3A_135, %mul3A_140 : i32
      %sub3A_142 = arith.subi %select_n3A_91, %mul3A_141 : i32
      %min3A_143 = arith.constant 16 : i32
      %min3A_144 = arith.minsi %min3A_143, %sub3A_142 : i32
      %dma_start3A = arith.constant 0 : i32
      %dma_start3A_145 = arith.constant 0 : i32
      %dma_start3A_146 = tpu.memref_slice %arg6[%dma_start3A, %dma_start3A_145] : memref<32x128xi32, #tpu.memory_space<vmem>> -> memref<1x128xi32, #tpu.memory_space<vmem>>
      %dma_start3A_147 = tpu.memref_squeeze %dma_start3A_146 : memref<1x128xi32, #tpu.memory_space<vmem>> -> memref<128xi32, #tpu.memory_space<vmem>>
      %dma_start3A_148 = arith.constant 0 : i32
      %dma_start3A_149 = arith.constant 0 : i32
      %dma_start3A_150 = tpu.memref_slice %arg4[%dma_start3A_148, %dma_start3A_149] : memref<10000x128xf32, #tpu.memory_space<hbm>> -> memref<10000x128xf32, #tpu.memory_space<hbm>>
      tpu.enqueue_indirect_dma source(%dma_start3A_150 : memref<10000x128xf32, #tpu.memory_space<hbm>>) target(%arg8 : memref<128x128xf32, #tpu.memory_space<vmem>>) offsets(%dma_start3A_147 : memref<128xi32, #tpu.memory_space<vmem>>) semaphore(%arg12 : memref<!tpu.dma_semaphore, #tpu.memory_space<semaphore_mem>>)
      %dma_start3A_151 = arith.constant 1 : i32
      %dma_start3A_152 = arith.constant 0 : i32
      %dma_start3A_153 = tpu.memref_slice %arg6[%dma_start3A_151, %dma_start3A_152] : memref<32x128xi32, #tpu.memory_space<vmem>> -> memref<1x128xi32, #tpu.memory_space<vmem>>
      %dma_start3A_154 = tpu.memref_squeeze %dma_start3A_153 : memref<1x128xi32, #tpu.memory_space<vmem>> -> memref<128xi32, #tpu.memory_space<vmem>>
      %dma_start3A_155 = arith.constant 0 : i32
      %dma_start3A_156 = arith.constant 0 : i32
      %dma_start3A_157 = tpu.memref_slice %arg4[%dma_start3A_155, %dma_start3A_156] : memref<10000x128xf32, #tpu.memory_space<hbm>> -> memref<10000x128xf32, #tpu.memory_space<hbm>>
      tpu.enqueue_indirect_dma source(%dma_start3A_157 : memref<10000x128xf32, #tpu.memory_space<hbm>>) target(%arg9 : memref<128x128xf32, #tpu.memory_space<vmem>>) offsets(%dma_start3A_154 : memref<128xi32, #tpu.memory_space<vmem>>) semaphore(%arg13 : memref<!tpu.dma_semaphore, #tpu.memory_space<semaphore_mem>>)
      %while3A_158 = arith.constant 0 : i32
      %while3A_159 = arith.constant 0 : i32
      %while3A_160 = arith.subi %min3A_144, %while3A_159 : i32
      %while3A_161 = arith.addi %while3A_159, %while3A_160 : i32
      %while3A_162 = arith.constant 1 : i32
      %while3A_163 = arith.divsi %while3A_160, %while3A_162 : i32
      %while3A_164 = arith.muli %while3A_163, %while3A_162 : i32
      %while3A_165 = arith.addi %while3A_159, %while3A_164 : i32
      %while3A_166 = arith.constant 1 : i32
      scf.for %while3A_168 = %while3A_159 to %while3A_165 step %while3A_166  : i32 {
        %dma_wait3A = arith.constant 0 : i32
        %dma_wait3A_169 = arith.constant 0 : i32
        %dma_wait3A_170 = tpu.memref_slice %arg6[%dma_wait3A, %dma_wait3A_169] : memref<32x128xi32, #tpu.memory_space<vmem>> -> memref<1x128xi32, #tpu.memory_space<vmem>>
        %dma_wait3A_171 = tpu.memref_squeeze %dma_wait3A_170 : memref<1x128xi32, #tpu.memory_space<vmem>> -> memref<128xi32, #tpu.memory_space<vmem>>
        %dma_wait3A_172 = arith.constant 0 : i32
        %dma_wait3A_173 = arith.constant 0 : i32
        %dma_wait3A_174 = tpu.memref_slice %arg4[%dma_wait3A_172, %dma_wait3A_173] : memref<10000x128xf32, #tpu.memory_space<hbm>> -> memref<10000x128xf32, #tpu.memory_space<hbm>>
        tpu.wait_indirect_dma semaphore(%arg12 : memref<!tpu.dma_semaphore, #tpu.memory_space<semaphore_mem>>) src(%dma_wait3A_174 : memref<10000x128xf32, #tpu.memory_space<hbm>>) dst(%arg8 : memref<128x128xf32, #tpu.memory_space<vmem>>)
        %mul3A_175 = arith.constant 2 : i32
        %mul3A_176 = arith.muli %mul3A_175, %while3A_168 : i32
        "tpu.region"() ({
          %run_scoped3A = tpu.sem_alloc : memref<!tpu.dma_semaphore, #tpu.memory_space<semaphore_mem>>
          %dma_start3A_197 = arith.constant 0 : i32
          %dma_start3A_198 = tpu.memref_slice %arg7[%mul3A_176, %dma_start3A_197] : memref<32x128xi32, #tpu.memory_space<vmem>> -> memref<1x128xi32, #tpu.memory_space<vmem>>
          %dma_start3A_199 = tpu.memref_squeeze %dma_start3A_198 : memref<1x128xi32, #tpu.memory_space<vmem>> -> memref<128xi32, #tpu.memory_space<vmem>>
          %dma_start3A_200 = arith.constant 0 : i32
          %dma_start3A_201 = arith.constant 0 : i32
          %dma_start3A_202 = tpu.memref_slice %arg11[%dma_start3A_200, %dma_start3A_201] : memref<10112x128xf32, #tpu.memory_space<vmem_shared>> -> memref<10112x128xf32, #tpu.memory_space<vmem_shared>>
          tpu.enqueue_indirect_dma source(%arg8 : memref<128x128xf32, #tpu.memory_space<vmem>>) target(%dma_start3A_202 : memref<10112x128xf32, #tpu.memory_space<vmem_shared>>) offsets(%dma_start3A_199 : memref<128xi32, #tpu.memory_space<vmem>>) semaphore(%run_scoped3A : memref<!tpu.dma_semaphore, #tpu.memory_space<semaphore_mem>>) {add = true}
          %dma_wait3A_203 = arith.constant 0 : i32
          %dma_wait3A_204 = tpu.memref_slice %arg7[%mul3A_176, %dma_wait3A_203] : memref<32x128xi32, #tpu.memory_space<vmem>> -> memref<1x128xi32, #tpu.memory_space<vmem>>
          %dma_wait3A_205 = tpu.memref_squeeze %dma_wait3A_204 : memref<1x128xi32, #tpu.memory_space<vmem>> -> memref<128xi32, #tpu.memory_space<vmem>>
          %dma_wait3A_206 = arith.constant 0 : i32
          %dma_wait3A_207 = arith.constant 0 : i32
          %dma_wait3A_208 = tpu.memref_slice %arg11[%dma_wait3A_206, %dma_wait3A_207] : memref<10112x128xf32, #tpu.memory_space<vmem_shared>> -> memref<10112x128xf32, #tpu.memory_space<vmem_shared>>
          tpu.wait_indirect_dma semaphore(%run_scoped3A : memref<!tpu.dma_semaphore, #tpu.memory_space<semaphore_mem>>) src(%arg8 : memref<128x128xf32, #tpu.memory_space<vmem>>) dst(%dma_wait3A_208 : memref<10112x128xf32, #tpu.memory_space<vmem_shared>>)
          tpu.yield
        }) : () -> ()
        %sub3A_177 = arith.constant 1 : i32
        %sub3A_178 = arith.subi %min3A_144, %sub3A_177 : i32
        %lt3A = arith.cmpi slt, %while3A_168, %sub3A_178 : i32
        %convert_element_type3A = arith.extui %lt3A : i1 to i32
        %cond3A = arith.constant 0 : i32
        %cond3A_179 = arith.cmpi ne, %convert_element_type3A, %cond3A : i32
        scf.if %cond3A_179 {
          %mul3A_197 = arith.constant 2 : i32
          %mul3A_198 = arith.muli %mul3A_197, %while3A_168 : i32
          %add3A_199 = arith.constant 2 : i32
          %add3A_200 = arith.addi %mul3A_198, %add3A_199 : i32
          %dma_start3A_201 = arith.constant 0 : i32
          %dma_start3A_202 = tpu.memref_slice %arg6[%add3A_200, %dma_start3A_201] : memref<32x128xi32, #tpu.memory_space<vmem>> -> memref<1x128xi32, #tpu.memory_space<vmem>>
          %dma_start3A_203 = tpu.memref_squeeze %dma_start3A_202 : memref<1x128xi32, #tpu.memory_space<vmem>> -> memref<128xi32, #tpu.memory_space<vmem>>
          %dma_start3A_204 = arith.constant 0 : i32
          %dma_start3A_205 = arith.constant 0 : i32
          %dma_start3A_206 = tpu.memref_slice %arg4[%dma_start3A_204, %dma_start3A_205] : memref<10000x128xf32, #tpu.memory_space<hbm>> -> memref<10000x128xf32, #tpu.memory_space<hbm>>
          tpu.enqueue_indirect_dma source(%dma_start3A_206 : memref<10000x128xf32, #tpu.memory_space<hbm>>) target(%arg8 : memref<128x128xf32, #tpu.memory_space<vmem>>) offsets(%dma_start3A_203 : memref<128xi32, #tpu.memory_space<vmem>>) semaphore(%arg12 : memref<!tpu.dma_semaphore, #tpu.memory_space<semaphore_mem>>)
        } else {
        }
        %dma_wait3A_180 = arith.constant 1 : i32
        %dma_wait3A_181 = arith.constant 0 : i32
        %dma_wait3A_182 = tpu.memref_slice %arg6[%dma_wait3A_180, %dma_wait3A_181] : memref<32x128xi32, #tpu.memory_space<vmem>> -> memref<1x128xi32, #tpu.memory_space<vmem>>
        %dma_wait3A_183 = tpu.memref_squeeze %dma_wait3A_182 : memref<1x128xi32, #tpu.memory_space<vmem>> -> memref<128xi32, #tpu.memory_space<vmem>>
        %dma_wait3A_184 = arith.constant 0 : i32
        %dma_wait3A_185 = arith.constant 0 : i32
        %dma_wait3A_186 = tpu.memref_slice %arg4[%dma_wait3A_184, %dma_wait3A_185] : memref<10000x128xf32, #tpu.memory_space<hbm>> -> memref<10000x128xf32, #tpu.memory_space<hbm>>
        tpu.wait_indirect_dma semaphore(%arg13 : memref<!tpu.dma_semaphore, #tpu.memory_space<semaphore_mem>>) src(%dma_wait3A_186 : memref<10000x128xf32, #tpu.memory_space<hbm>>) dst(%arg9 : memref<128x128xf32, #tpu.memory_space<vmem>>)
        %mul3A_187 = arith.constant 2 : i32
        %mul3A_188 = arith.muli %mul3A_187, %while3A_168 : i32
        %add3A_189 = arith.constant 1 : i32
        %add3A_190 = arith.addi %mul3A_188, %add3A_189 : i32
        "tpu.region"() ({
          %run_scoped3A = tpu.sem_alloc : memref<!tpu.dma_semaphore, #tpu.memory_space<semaphore_mem>>
          %dma_start3A_197 = arith.constant 0 : i32
          %dma_start3A_198 = tpu.memref_slice %arg7[%add3A_190, %dma_start3A_197] : memref<32x128xi32, #tpu.memory_space<vmem>> -> memref<1x128xi32, #tpu.memory_space<vmem>>
          %dma_start3A_199 = tpu.memref_squeeze %dma_start3A_198 : memref<1x128xi32, #tpu.memory_space<vmem>> -> memref<128xi32, #tpu.memory_space<vmem>>
          %dma_start3A_200 = arith.constant 0 : i32
          %dma_start3A_201 = arith.constant 0 : i32
          %dma_start3A_202 = tpu.memref_slice %arg11[%dma_start3A_200, %dma_start3A_201] : memref<10112x128xf32, #tpu.memory_space<vmem_shared>> -> memref<10112x128xf32, #tpu.memory_space<vmem_shared>>
          tpu.enqueue_indirect_dma source(%arg9 : memref<128x128xf32, #tpu.memory_space<vmem>>) target(%dma_start3A_202 : memref<10112x128xf32, #tpu.memory_space<vmem_shared>>) offsets(%dma_start3A_199 : memref<128xi32, #tpu.memory_space<vmem>>) semaphore(%run_scoped3A : memref<!tpu.dma_semaphore, #tpu.memory_space<semaphore_mem>>) {add = true}
          %dma_wait3A_203 = arith.constant 0 : i32
          %dma_wait3A_204 = tpu.memref_slice %arg7[%add3A_190, %dma_wait3A_203] : memref<32x128xi32, #tpu.memory_space<vmem>> -> memref<1x128xi32, #tpu.memory_space<vmem>>
          %dma_wait3A_205 = tpu.memref_squeeze %dma_wait3A_204 : memref<1x128xi32, #tpu.memory_space<vmem>> -> memref<128xi32, #tpu.memory_space<vmem>>
          %dma_wait3A_206 = arith.constant 0 : i32
          %dma_wait3A_207 = arith.constant 0 : i32
          %dma_wait3A_208 = tpu.memref_slice %arg11[%dma_wait3A_206, %dma_wait3A_207] : memref<10112x128xf32, #tpu.memory_space<vmem_shared>> -> memref<10112x128xf32, #tpu.memory_space<vmem_shared>>
          tpu.wait_indirect_dma semaphore(%run_scoped3A : memref<!tpu.dma_semaphore, #tpu.memory_space<semaphore_mem>>) src(%arg9 : memref<128x128xf32, #tpu.memory_space<vmem>>) dst(%dma_wait3A_208 : memref<10112x128xf32, #tpu.memory_space<vmem_shared>>)
          tpu.yield
        }) : () -> ()
        %sub3A_191 = arith.constant 1 : i32
        %sub3A_192 = arith.subi %min3A_144, %sub3A_191 : i32
        %lt3A_193 = arith.cmpi slt, %while3A_168, %sub3A_192 : i32
        %convert_element_type3A_194 = arith.extui %lt3A_193 : i1 to i32
        %cond3A_195 = arith.constant 0 : i32
        %cond3A_196 = arith.cmpi ne, %convert_element_type3A_194, %cond3A_195 : i32
        scf.if %cond3A_196 {
          %mul3A_197 = arith.constant 2 : i32
          %mul3A_198 = arith.muli %mul3A_197, %while3A_168 : i32
          %add3A_199 = arith.constant 3 : i32
          %add3A_200 = arith.addi %mul3A_198, %add3A_199 : i32
          %dma_start3A_201 = arith.constant 0 : i32
          %dma_start3A_202 = tpu.memref_slice %arg6[%add3A_200, %dma_start3A_201] : memref<32x128xi32, #tpu.memory_space<vmem>> -> memref<1x128xi32, #tpu.memory_space<vmem>>
          %dma_start3A_203 = tpu.memref_squeeze %dma_start3A_202 : memref<1x128xi32, #tpu.memory_space<vmem>> -> memref<128xi32, #tpu.memory_space<vmem>>
          %dma_start3A_204 = arith.constant 0 : i32
          %dma_start3A_205 = arith.constant 0 : i32
          %dma_start3A_206 = tpu.memref_slice %arg4[%dma_start3A_204, %dma_start3A_205] : memref<10000x128xf32, #tpu.memory_space<hbm>> -> memref<10000x128xf32, #tpu.memory_space<hbm>>
          tpu.enqueue_indirect_dma source(%dma_start3A_206 : memref<10000x128xf32, #tpu.memory_space<hbm>>) target(%arg9 : memref<128x128xf32, #tpu.memory_space<vmem>>) offsets(%dma_start3A_203 : memref<128xi32, #tpu.memory_space<vmem>>) semaphore(%arg13 : memref<!tpu.dma_semaphore, #tpu.memory_space<semaphore_mem>>)
        } else {
        }
      }
      %while3A_167 = arith.constant 1 : i32
      scf.for %while3A_168 = %while3A_165 to %while3A_161 step %while3A_167  : i32 {
        %dma_wait3A = arith.constant 0 : i32
        %dma_wait3A_169 = arith.constant 0 : i32
        %dma_wait3A_170 = tpu.memref_slice %arg6[%dma_wait3A, %dma_wait3A_169] : memref<32x128xi32, #tpu.memory_space<vmem>> -> memref<1x128xi32, #tpu.memory_space<vmem>>
        %dma_wait3A_171 = tpu.memref_squeeze %dma_wait3A_170 : memref<1x128xi32, #tpu.memory_space<vmem>> -> memref<128xi32, #tpu.memory_space<vmem>>
        %dma_wait3A_172 = arith.constant 0 : i32
        %dma_wait3A_173 = arith.constant 0 : i32
        %dma_wait3A_174 = tpu.memref_slice %arg4[%dma_wait3A_172, %dma_wait3A_173] : memref<10000x128xf32, #tpu.memory_space<hbm>> -> memref<10000x128xf32, #tpu.memory_space<hbm>>
        tpu.wait_indirect_dma semaphore(%arg12 : memref<!tpu.dma_semaphore, #tpu.memory_space<semaphore_mem>>) src(%dma_wait3A_174 : memref<10000x128xf32, #tpu.memory_space<hbm>>) dst(%arg8 : memref<128x128xf32, #tpu.memory_space<vmem>>)
        %mul3A_175 = arith.constant 2 : i32
        %mul3A_176 = arith.muli %mul3A_175, %while3A_168 : i32
        "tpu.region"() ({
          %run_scoped3A = tpu.sem_alloc : memref<!tpu.dma_semaphore, #tpu.memory_space<semaphore_mem>>
          %dma_start3A_197 = arith.constant 0 : i32
          %dma_start3A_198 = tpu.memref_slice %arg7[%mul3A_176, %dma_start3A_197] : memref<32x128xi32, #tpu.memory_space<vmem>> -> memref<1x128xi32, #tpu.memory_space<vmem>>
          %dma_start3A_199 = tpu.memref_squeeze %dma_start3A_198 : memref<1x128xi32, #tpu.memory_space<vmem>> -> memref<128xi32, #tpu.memory_space<vmem>>
          %dma_start3A_200 = arith.constant 0 : i32
          %dma_start3A_201 = arith.constant 0 : i32
          %dma_start3A_202 = tpu.memref_slice %arg11[%dma_start3A_200, %dma_start3A_201] : memref<10112x128xf32, #tpu.memory_space<vmem_shared>> -> memref<10112x128xf32, #tpu.memory_space<vmem_shared>>
          tpu.enqueue_indirect_dma source(%arg8 : memref<128x128xf32, #tpu.memory_space<vmem>>) target(%dma_start3A_202 : memref<10112x128xf32, #tpu.memory_space<vmem_shared>>) offsets(%dma_start3A_199 : memref<128xi32, #tpu.memory_space<vmem>>) semaphore(%run_scoped3A : memref<!tpu.dma_semaphore, #tpu.memory_space<semaphore_mem>>) {add = true}
          %dma_wait3A_203 = arith.constant 0 : i32
          %dma_wait3A_204 = tpu.memref_slice %arg7[%mul3A_176, %dma_wait3A_203] : memref<32x128xi32, #tpu.memory_space<vmem>> -> memref<1x128xi32, #tpu.memory_space<vmem>>
          %dma_wait3A_205 = tpu.memref_squeeze %dma_wait3A_204 : memref<1x128xi32, #tpu.memory_space<vmem>> -> memref<128xi32, #tpu.memory_space<vmem>>
          %dma_wait3A_206 = arith.constant 0 : i32
          %dma_wait3A_207 = arith.constant 0 : i32
          %dma_wait3A_208 = tpu.memref_slice %arg11[%dma_wait3A_206, %dma_wait3A_207] : memref<10112x128xf32, #tpu.memory_space<vmem_shared>> -> memref<10112x128xf32, #tpu.memory_space<vmem_shared>>
          tpu.wait_indirect_dma semaphore(%run_scoped3A : memref<!tpu.dma_semaphore, #tpu.memory_space<semaphore_mem>>) src(%arg8 : memref<128x128xf32, #tpu.memory_space<vmem>>) dst(%dma_wait3A_208 : memref<10112x128xf32, #tpu.memory_space<vmem_shared>>)
          tpu.yield
        }) : () -> ()
        %sub3A_177 = arith.constant 1 : i32
        %sub3A_178 = arith.subi %min3A_144, %sub3A_177 : i32
        %lt3A = arith.cmpi slt, %while3A_168, %sub3A_178 : i32
        %convert_element_type3A = arith.extui %lt3A : i1 to i32
        %cond3A = arith.constant 0 : i32
        %cond3A_179 = arith.cmpi ne, %convert_element_type3A, %cond3A : i32
        scf.if %cond3A_179 {
          %mul3A_197 = arith.constant 2 : i32
          %mul3A_198 = arith.muli %mul3A_197, %while3A_168 : i32
          %add3A_199 = arith.constant 2 : i32
          %add3A_200 = arith.addi %mul3A_198, %add3A_199 : i32
          %dma_start3A_201 = arith.constant 0 : i32
          %dma_start3A_202 = tpu.memref_slice %arg6[%add3A_200, %dma_start3A_201] : memref<32x128xi32, #tpu.memory_space<vmem>> -> memref<1x128xi32, #tpu.memory_space<vmem>>
          %dma_start3A_203 = tpu.memref_squeeze %dma_start3A_202 : memref<1x128xi32, #tpu.memory_space<vmem>> -> memref<128xi32, #tpu.memory_space<vmem>>
          %dma_start3A_204 = arith.constant 0 : i32
          %dma_start3A_205 = arith.constant 0 : i32
          %dma_start3A_206 = tpu.memref_slice %arg4[%dma_start3A_204, %dma_start3A_205] : memref<10000x128xf32, #tpu.memory_space<hbm>> -> memref<10000x128xf32, #tpu.memory_space<hbm>>
          tpu.enqueue_indirect_dma source(%dma_start3A_206 : memref<10000x128xf32, #tpu.memory_space<hbm>>) target(%arg8 : memref<128x128xf32, #tpu.memory_space<vmem>>) offsets(%dma_start3A_203 : memref<128xi32, #tpu.memory_space<vmem>>) semaphore(%arg12 : memref<!tpu.dma_semaphore, #tpu.memory_space<semaphore_mem>>)
        } else {
        }
        %dma_wait3A_180 = arith.constant 1 : i32
        %dma_wait3A_181 = arith.constant 0 : i32
        %dma_wait3A_182 = tpu.memref_slice %arg6[%dma_wait3A_180, %dma_wait3A_181] : memref<32x128xi32, #tpu.memory_space<vmem>> -> memref<1x128xi32, #tpu.memory_space<vmem>>
        %dma_wait3A_183 = tpu.memref_squeeze %dma_wait3A_182 : memref<1x128xi32, #tpu.memory_space<vmem>> -> memref<128xi32, #tpu.memory_space<vmem>>
        %dma_wait3A_184 = arith.constant 0 : i32
        %dma_wait3A_185 = arith.constant 0 : i32
        %dma_wait3A_186 = tpu.memref_slice %arg4[%dma_wait3A_184, %dma_wait3A_185] : memref<10000x128xf32, #tpu.memory_space<hbm>> -> memref<10000x128xf32, #tpu.memory_space<hbm>>
        tpu.wait_indirect_dma semaphore(%arg13 : memref<!tpu.dma_semaphore, #tpu.memory_space<semaphore_mem>>) src(%dma_wait3A_186 : memref<10000x128xf32, #tpu.memory_space<hbm>>) dst(%arg9 : memref<128x128xf32, #tpu.memory_space<vmem>>)
        %mul3A_187 = arith.constant 2 : i32
        %mul3A_188 = arith.muli %mul3A_187, %while3A_168 : i32
        %add3A_189 = arith.constant 1 : i32
        %add3A_190 = arith.addi %mul3A_188, %add3A_189 : i32
        "tpu.region"() ({
          %run_scoped3A = tpu.sem_alloc : memref<!tpu.dma_semaphore, #tpu.memory_space<semaphore_mem>>
          %dma_start3A_197 = arith.constant 0 : i32
          %dma_start3A_198 = tpu.memref_slice %arg7[%add3A_190, %dma_start3A_197] : memref<32x128xi32, #tpu.memory_space<vmem>> -> memref<1x128xi32, #tpu.memory_space<vmem>>
          %dma_start3A_199 = tpu.memref_squeeze %dma_start3A_198 : memref<1x128xi32, #tpu.memory_space<vmem>> -> memref<128xi32, #tpu.memory_space<vmem>>
          %dma_start3A_200 = arith.constant 0 : i32
          %dma_start3A_201 = arith.constant 0 : i32
          %dma_start3A_202 = tpu.memref_slice %arg11[%dma_start3A_200, %dma_start3A_201] : memref<10112x128xf32, #tpu.memory_space<vmem_shared>> -> memref<10112x128xf32, #tpu.memory_space<vmem_shared>>
          tpu.enqueue_indirect_dma source(%arg9 : memref<128x128xf32, #tpu.memory_space<vmem>>) target(%dma_start3A_202 : memref<10112x128xf32, #tpu.memory_space<vmem_shared>>) offsets(%dma_start3A_199 : memref<128xi32, #tpu.memory_space<vmem>>) semaphore(%run_scoped3A : memref<!tpu.dma_semaphore, #tpu.memory_space<semaphore_mem>>) {add = true}
          %dma_wait3A_203 = arith.constant 0 : i32
          %dma_wait3A_204 = tpu.memref_slice %arg7[%add3A_190, %dma_wait3A_203] : memref<32x128xi32, #tpu.memory_space<vmem>> -> memref<1x128xi32, #tpu.memory_space<vmem>>
          %dma_wait3A_205 = tpu.memref_squeeze %dma_wait3A_204 : memref<1x128xi32, #tpu.memory_space<vmem>> -> memref<128xi32, #tpu.memory_space<vmem>>
          %dma_wait3A_206 = arith.constant 0 : i32
          %dma_wait3A_207 = arith.constant 0 : i32
          %dma_wait3A_208 = tpu.memref_slice %arg11[%dma_wait3A_206, %dma_wait3A_207] : memref<10112x128xf32, #tpu.memory_space<vmem_shared>> -> memref<10112x128xf32, #tpu.memory_space<vmem_shared>>
          tpu.wait_indirect_dma semaphore(%run_scoped3A : memref<!tpu.dma_semaphore, #tpu.memory_space<semaphore_mem>>) src(%arg9 : memref<128x128xf32, #tpu.memory_space<vmem>>) dst(%dma_wait3A_208 : memref<10112x128xf32, #tpu.memory_space<vmem_shared>>)
          tpu.yield
        }) : () -> ()
        %sub3A_191 = arith.constant 1 : i32
        %sub3A_192 = arith.subi %min3A_144, %sub3A_191 : i32
        %lt3A_193 = arith.cmpi slt, %while3A_168, %sub3A_192 : i32
        %convert_element_type3A_194 = arith.extui %lt3A_193 : i1 to i32
        %cond3A_195 = arith.constant 0 : i32
        %cond3A_196 = arith.cmpi ne, %convert_element_type3A_194, %cond3A_195 : i32
        scf.if %cond3A_196 {
          %mul3A_197 = arith.constant 2 : i32
          %mul3A_198 = arith.muli %mul3A_197, %while3A_168 : i32
          %add3A_199 = arith.constant 3 : i32
          %add3A_200 = arith.addi %mul3A_198, %add3A_199 : i32
          %dma_start3A_201 = arith.constant 0 : i32
          %dma_start3A_202 = tpu.memref_slice %arg6[%add3A_200, %dma_start3A_201] : memref<32x128xi32, #tpu.memory_space<vmem>> -> memref<1x128xi32, #tpu.memory_space<vmem>>
          %dma_start3A_203 = tpu.memref_squeeze %dma_start3A_202 : memref<1x128xi32, #tpu.memory_space<vmem>> -> memref<128xi32, #tpu.memory_space<vmem>>
          %dma_start3A_204 = arith.constant 0 : i32
          %dma_start3A_205 = arith.constant 0 : i32
          %dma_start3A_206 = tpu.memref_slice %arg4[%dma_start3A_204, %dma_start3A_205] : memref<10000x128xf32, #tpu.memory_space<hbm>> -> memref<10000x128xf32, #tpu.memory_space<hbm>>
          tpu.enqueue_indirect_dma source(%dma_start3A_206 : memref<10000x128xf32, #tpu.memory_space<hbm>>) target(%arg9 : memref<128x128xf32, #tpu.memory_space<vmem>>) offsets(%dma_start3A_203 : memref<128xi32, #tpu.memory_space<vmem>>) semaphore(%arg13 : memref<!tpu.dma_semaphore, #tpu.memory_space<semaphore_mem>>)
        } else {
        }
      }
    }
    %barrier3A_127 = arith.constant 0 : index
    tpu.barrier barrier_id(%barrier3A_127)
    %mul3A_128 = arith.constant 632 : i32
    %mul3A_129 = arith.muli %arg1, %mul3A_128 : i32
    %mul3A_130 = arith.constant 10112 : i32
    %mul3A_131 = arith.muli %arg0, %mul3A_130 : i32
    %mul3A_132 = arith.constant 632 : i32
    %mul3A_133 = arith.muli %arg1, %mul3A_132 : i32
    %add3A_134 = arith.addi %mul3A_131, %mul3A_133 : i32
    "tpu.region"() ({
      %run_scoped3A = tpu.sem_alloc : memref<!tpu.dma_semaphore, #tpu.memory_space<semaphore_mem>>
      %dma_start3A = arith.constant 0 : i32
      %dma_start3A_135 = tpu.memref_slice %arg5[%add3A_134, %dma_start3A] : memref<20224x128xf32, #tpu.memory_space<hbm>> -> memref<632x128xf32, #tpu.memory_space<hbm>>
      %dma_start3A_136 = arith.constant 0 : i32
      %dma_start3A_137 = tpu.memref_slice %arg11[%mul3A_129, %dma_start3A_136] : memref<10112x128xf32, #tpu.memory_space<vmem_shared>> -> memref<632x128xf32, #tpu.memory_space<vmem_shared>>
      tpu.enqueue_dma source(%dma_start3A_137 : memref<632x128xf32, #tpu.memory_space<vmem_shared>>) target(%dma_start3A_135 : memref<632x128xf32, #tpu.memory_space<hbm>>) target_semaphore(%run_scoped3A : memref<!tpu.dma_semaphore, #tpu.memory_space<semaphore_mem>>)
      %dma_wait3A = arith.constant 0 : i32
      %dma_wait3A_138 = tpu.memref_slice %arg5[%add3A_134, %dma_wait3A] : memref<20224x128xf32, #tpu.memory_space<hbm>> -> memref<632x128xf32, #tpu.memory_space<hbm>>
      %dma_wait3A_139 = arith.constant 0 : i32
      %dma_wait3A_140 = tpu.memref_slice %arg11[%mul3A_129, %dma_wait3A_139] : memref<10112x128xf32, #tpu.memory_space<vmem_shared>> -> memref<632x128xf32, #tpu.memory_space<vmem_shared>>
      tpu.wait_dma2 semaphore(%run_scoped3A : memref<!tpu.dma_semaphore, #tpu.memory_space<semaphore_mem>>) src(%dma_wait3A_140 : memref<632x128xf32, #tpu.memory_space<vmem_shared>>) dst(%dma_wait3A_138 : memref<632x128xf32, #tpu.memory_space<hbm>>)
      tpu.yield
    }) : () -> ()
    return
  }
}

#map = affine_map<(d0, d1) -> (0, 0)>
module attributes {stable_mosaic.version = 14 : i64} {
  func.func @_agg_body(%arg0: i32, %arg1: i32, %arg2: memref<2528x128xi32, #tpu.memory_space<hbm>>, %arg3: memref<2528x128xi32, #tpu.memory_space<hbm>>, %arg4: memref<10000x128xf32, #tpu.memory_space<hbm>>, %arg5: memref<20224x128xf32, #tpu.memory_space<hbm>>, %arg6: memref<32x128xi32, #tpu.memory_space<vmem>>, %arg7: memref<32x128xi32, #tpu.memory_space<vmem>>, %arg8: memref<128x128xf32, #tpu.memory_space<vmem>>, %arg9: memref<128x128xf32, #tpu.memory_space<vmem>>, %arg10: memref<64x128xf32, #tpu.memory_space<vmem>>, %arg11: memref<10112x128xf32, #tpu.memory_space<vmem_shared>>, %arg12: memref<!tpu.dma_semaphore, #tpu.memory_space<semaphore_mem>>, %arg13: memref<!tpu.dma_semaphore, #tpu.memory_space<semaphore_mem>>) attributes {dimension_semantics = [#tpu.dimension_semantics<core_parallel>, #tpu.dimension_semantics<subcore_parallel>], iteration_bounds = array<i64: 2, 16>, scalar_prefetch = 0 : i64, scratch_operands = 8 : i64, tpu.core_type = #tpu.core_type<sc_vector_subcore>, window_params = [{transform_indices = #map}, {transform_indices = #map}, {transform_indices = #map}, {transform_indices = #map}]} {
    %mul3A = arith.constant 2 : i32
    %mul3A_0 = arith.muli %arg1, %mul3A : i32
    %add3A = arith.addi %mul3A_0, %arg0 : i32
    %scan3A = arith.constant 0 : i32
    %scan3A_1 = arith.constant 0 : i32
    %scan3A_2 = arith.constant 512 : i32
    %scan3A_3 = arith.addi %scan3A_1, %scan3A_2 : i32
    %scan3A_4 = arith.constant 1 : i32
    scf.for %scan3A_135 = %scan3A_1 to %scan3A_3 step %scan3A_4  : i32 {
      %broadcast_in_dim3A = arith.constant 0.000000e+00 : f32
      %broadcast_in_dim3A_136 = vector.broadcast %broadcast_in_dim3A : f32 to vector<16xf32>
      %jit3A_137 = arith.constant 8 : i32
      %div3A_138 = arith.divsi %scan3A_135, %jit3A_137 : i32
      %sign3A_139 = arith.constant 0 : i32
      %sign3A_140 = arith.cmpi sgt, %scan3A_135, %sign3A_139 : i32
      %sign3A_141 = arith.extui %sign3A_140 : i1 to i32
      %sign3A_142 = arith.constant 0 : i32
      %sign3A_143 = arith.cmpi slt, %scan3A_135, %sign3A_142 : i32
      %sign3A_144 = arith.extui %sign3A_143 : i1 to i32
      %sign3A_145 = arith.subi %sign3A_141, %sign3A_144 : i32
      %sign3A_146 = arith.constant 0 : i32
      %sign3A_147 = arith.cmpi sgt, %jit3A_137, %sign3A_146 : i32
      %sign3A_148 = arith.extui %sign3A_147 : i1 to i32
      %sign3A_149 = arith.constant 0 : i32
      %sign3A_150 = arith.cmpi slt, %jit3A_137, %sign3A_149 : i32
      %sign3A_151 = arith.extui %sign3A_150 : i1 to i32
      %sign3A_152 = arith.subi %sign3A_148, %sign3A_151 : i32
      %ne3A_153 = arith.cmpi ne, %sign3A_145, %sign3A_152 : i32
      %rem3A_154 = arith.remsi %scan3A_135, %jit3A_137 : i32
      %ne3A_155 = arith.constant 0 : i32
      %ne3A_156 = arith.cmpi ne, %rem3A_154, %ne3A_155 : i32
      %and3A_157 = arith.andi %ne3A_153, %ne3A_156 : i1
      %sub3A_158 = arith.constant 1 : i32
      %sub3A_159 = arith.subi %div3A_138, %sub3A_158 : i32
      %select_n3A_160 = arith.select %and3A_157, %sub3A_159, %div3A_138 : i32
      %jit3A_161 = arith.constant 8 : i32
      %eq3A = arith.constant 0 : i32
      %eq3A_162 = arith.cmpi eq, %jit3A_161, %eq3A : i32
      %jit3A_163 = arith.constant 1 : i32
      %select_n3A_164 = arith.select %eq3A_162, %jit3A_163, %jit3A_161 : i32
      %rem3A_165 = arith.remsi %scan3A_135, %select_n3A_164 : i32
      %ne3A_166 = arith.constant 0 : i32
      %ne3A_167 = arith.cmpi ne, %rem3A_165, %ne3A_166 : i32
      %lt3A = arith.constant 0 : i32
      %lt3A_168 = arith.cmpi slt, %rem3A_165, %lt3A : i32
      %lt3A_169 = arith.constant 0 : i32
      %lt3A_170 = arith.cmpi slt, %select_n3A_164, %lt3A_169 : i32
      %ne3A_171 = arith.xori %lt3A_168, %lt3A_170 : i1
      %and3A_172 = arith.andi %ne3A_171, %ne3A_167 : i1
      %add3A_173 = arith.addi %rem3A_165, %select_n3A_164 : i32
      %select_n3A_174 = arith.select %and3A_172, %add3A_173, %rem3A_165 : i32
      %mul3A_175 = arith.constant 16 : i32
      %mul3A_176 = arith.muli %select_n3A_174, %mul3A_175 : i32
      %swap3A = arith.index_cast %select_n3A_160 : i32 to index
      %swap3A_177 = arith.index_cast %mul3A_176 : i32 to index
      %swap3A_178 = tpu.vector_load %arg10[%swap3A, %swap3A_177] {strides = array<i32>} : memref<64x128xf32, #tpu.memory_space<vmem>>, vector<1x16xf32>,
      %swap3A_179 = vector.shape_cast %swap3A_178 : vector<1x16xf32> to vector<16xf32>
      %swap3A_180 = vector.shape_cast %broadcast_in_dim3A_136 : vector<16xf32> to vector<1x16xf32>
      tpu.vector_store %arg10[%swap3A, %swap3A_177], %swap3A_180 {strides = array<i32>} : memref<64x128xf32, #tpu.memory_space<vmem>>, vector<1x16xf32>,
    }
    %scan3A_5 = arith.constant 512 : i32
    %scan3A_6 = arith.constant 0 : i32
    %scan3A_7 = arith.constant 0 : i32
    %scan3A_8 = arith.constant 9 : i32
    %scan3A_9 = arith.addi %scan3A_7, %scan3A_8 : i32
    %scan3A_10 = arith.constant 1 : i32
    scf.for %scan3A_135 = %scan3A_7 to %scan3A_9 step %scan3A_10  : i32 {
      %mul3A_136 = arith.constant 632 : i32
      %mul3A_137 = arith.muli %arg1, %mul3A_136 : i32
      %mul3A_138 = arith.constant 64 : i32
      %mul3A_139 = arith.muli %scan3A_135, %mul3A_138 : i32
      %add3A_140 = arith.addi %mul3A_137, %mul3A_139 : i32
      "tpu.region"() ({
        %run_scoped3A = tpu.sem_alloc : memref<!tpu.dma_semaphore, #tpu.memory_space<semaphore_mem>>
        %dma_start3A = arith.constant 0 : i32
        %dma_start3A_141 = tpu.memref_slice %arg11[%add3A_140, %dma_start3A] : memref<10112x128xf32, #tpu.memory_space<vmem_shared>> -> memref<64x128xf32, #tpu.memory_space<vmem_shared>>
        %dma_start3A_142 = arith.constant 0 : i32
        %dma_start3A_143 = tpu.memref_slice %arg11[%add3A_140, %dma_start3A_142] : memref<10112x128xf32, #tpu.memory_space<vmem_shared>> -> memref<64x128xf32, #tpu.memory_space<vmem_shared>>
        tpu.enqueue_dma source(%arg10 : memref<64x128xf32, #tpu.memory_space<vmem>>) target(%dma_start3A_143 : memref<64x128xf32, #tpu.memory_space<vmem_shared>>) target_semaphore(%run_scoped3A : memref<!tpu.dma_semaphore, #tpu.memory_space<semaphore_mem>>)
        %dma_wait3A = arith.constant 0 : i32
        %dma_wait3A_144 = tpu.memref_slice %arg11[%add3A_140, %dma_wait3A] : memref<10112x128xf32, #tpu.memory_space<vmem_shared>> -> memref<64x128xf32, #tpu.memory_space<vmem_shared>>
        %dma_wait3A_145 = arith.constant 0 : i32
        %dma_wait3A_146 = tpu.memref_slice %arg11[%add3A_140, %dma_wait3A_145] : memref<10112x128xf32, #tpu.memory_space<vmem_shared>> -> memref<64x128xf32, #tpu.memory_space<vmem_shared>>
        tpu.wait_dma2 semaphore(%run_scoped3A : memref<!tpu.dma_semaphore, #tpu.memory_space<semaphore_mem>>) src(%arg10 : memref<64x128xf32, #tpu.memory_space<vmem>>) dst(%dma_wait3A_146 : memref<64x128xf32, #tpu.memory_space<vmem_shared>>)
        tpu.yield
      }) : () -> ()
    }
    %scan3A_11 = arith.constant 9 : i32
    %mul3A_12 = arith.constant 632 : i32
    %mul3A_13 = arith.muli %arg1, %mul3A_12 : i32
    %add3A_14 = arith.constant 576 : i32
    %add3A_15 = arith.addi %mul3A_13, %add3A_14 : i32
    "tpu.region"() ({
      %run_scoped3A = tpu.sem_alloc : memref<!tpu.dma_semaphore, #tpu.memory_space<semaphore_mem>>
      %dma_start3A = arith.constant 0 : i32
      %dma_start3A_135 = arith.constant 0 : i32
      %dma_start3A_136 = tpu.memref_slice %arg10[%dma_start3A, %dma_start3A_135] : memref<64x128xf32, #tpu.memory_space<vmem>> -> memref<56x128xf32, #tpu.memory_space<vmem>>
      %dma_start3A_137 = arith.constant 0 : i32
      %dma_start3A_138 = tpu.memref_slice %arg11[%add3A_15, %dma_start3A_137] : memref<10112x128xf32, #tpu.memory_space<vmem_shared>> -> memref<56x128xf32, #tpu.memory_space<vmem_shared>>
      %dma_start3A_139 = arith.constant 0 : i32
      %dma_start3A_140 = tpu.memref_slice %arg11[%add3A_15, %dma_start3A_139] : memref<10112x128xf32, #tpu.memory_space<vmem_shared>> -> memref<56x128xf32, #tpu.memory_space<vmem_shared>>
      %dma_start3A_141 = arith.constant 0 : i32
      %dma_start3A_142 = arith.constant 0 : i32
      %dma_start3A_143 = tpu.memref_slice %arg10[%dma_start3A_141, %dma_start3A_142] : memref<64x128xf32, #tpu.memory_space<vmem>> -> memref<56x128xf32, #tpu.memory_space<vmem>>
      tpu.enqueue_dma source(%dma_start3A_143 : memref<56x128xf32, #tpu.memory_space<vmem>>) target(%dma_start3A_140 : memref<56x128xf32, #tpu.memory_space<vmem_shared>>) target_semaphore(%run_scoped3A : memref<!tpu.dma_semaphore, #tpu.memory_space<semaphore_mem>>)
      %dma_wait3A = arith.constant 0 : i32
      %dma_wait3A_144 = arith.constant 0 : i32
      %dma_wait3A_145 = tpu.memref_slice %arg10[%dma_wait3A, %dma_wait3A_144] : memref<64x128xf32, #tpu.memory_space<vmem>> -> memref<56x128xf32, #tpu.memory_space<vmem>>
      %dma_wait3A_146 = arith.constant 0 : i32
      %dma_wait3A_147 = tpu.memref_slice %arg11[%add3A_15, %dma_wait3A_146] : memref<10112x128xf32, #tpu.memory_space<vmem_shared>> -> memref<56x128xf32, #tpu.memory_space<vmem_shared>>
      %dma_wait3A_148 = arith.constant 0 : i32
      %dma_wait3A_149 = tpu.memref_slice %arg11[%add3A_15, %dma_wait3A_148] : memref<10112x128xf32, #tpu.memory_space<vmem_shared>> -> memref<56x128xf32, #tpu.memory_space<vmem_shared>>
      %dma_wait3A_150 = arith.constant 0 : i32
      %dma_wait3A_151 = arith.constant 0 : i32
      %dma_wait3A_152 = tpu.memref_slice %arg10[%dma_wait3A_150, %dma_wait3A_151] : memref<64x128xf32, #tpu.memory_space<vmem>> -> memref<56x128xf32, #tpu.memory_space<vmem>>
      tpu.wait_dma2 semaphore(%run_scoped3A : memref<!tpu.dma_semaphore, #tpu.memory_space<semaphore_mem>>) src(%dma_wait3A_152 : memref<56x128xf32, #tpu.memory_space<vmem>>) dst(%dma_wait3A_149 : memref<56x128xf32, #tpu.memory_space<vmem_shared>>)
      tpu.yield
    }) : () -> ()
    %barrier3A = arith.constant 0 : index
    tpu.barrier barrier_id(%barrier3A)
    %mul3A_16 = arith.constant 313 : i32
    %mul3A_17 = arith.muli %add3A, %mul3A_16 : i32
    %jit3A = arith.constant 32 : i32
    %div3A = arith.divsi %mul3A_17, %jit3A : i32
    %sign3A = arith.constant 0 : i32
    %sign3A_18 = arith.cmpi sgt, %mul3A_17, %sign3A : i32
    %sign3A_19 = arith.extui %sign3A_18 : i1 to i32
    %sign3A_20 = arith.constant 0 : i32
    %sign3A_21 = arith.cmpi slt, %mul3A_17, %sign3A_20 : i32
    %sign3A_22 = arith.extui %sign3A_21 : i1 to i32
    %sign3A_23 = arith.subi %sign3A_19, %sign3A_22 : i32
    %sign3A_24 = arith.constant 0 : i32
    %sign3A_25 = arith.cmpi sgt, %jit3A, %sign3A_24 : i32
    %sign3A_26 = arith.extui %sign3A_25 : i1 to i32
    %sign3A_27 = arith.constant 0 : i32
    %sign3A_28 = arith.cmpi slt, %jit3A, %sign3A_27 : i32
    %sign3A_29 = arith.extui %sign3A_28 : i1 to i32
    %sign3A_30 = arith.subi %sign3A_26, %sign3A_29 : i32
    %ne3A = arith.cmpi ne, %sign3A_23, %sign3A_30 : i32
    %rem3A = arith.remsi %mul3A_17, %jit3A : i32
    %ne3A_31 = arith.constant 0 : i32
    %ne3A_32 = arith.cmpi ne, %rem3A, %ne3A_31 : i32
    %and3A = arith.andi %ne3A, %ne3A_32 : i1
    %sub3A = arith.constant 1 : i32
    %sub3A_33 = arith.subi %div3A, %sub3A : i32
    %select_n3A = arith.select %and3A, %sub3A_33, %div3A : i32
    %add3A_34 = arith.constant 1 : i32
    %add3A_35 = arith.addi %add3A, %add3A_34 : i32
    %mul3A_36 = arith.constant 313 : i32
    %mul3A_37 = arith.muli %add3A_35, %mul3A_36 : i32
    %jit3A_38 = arith.constant 32 : i32
    %div3A_39 = arith.divsi %mul3A_37, %jit3A_38 : i32
    %sign3A_40 = arith.constant 0 : i32
    %sign3A_41 = arith.cmpi sgt, %mul3A_37, %sign3A_40 : i32
    %sign3A_42 = arith.extui %sign3A_41 : i1 to i32
    %sign3A_43 = arith.constant 0 : i32
    %sign3A_44 = arith.cmpi slt, %mul3A_37, %sign3A_43 : i32
    %sign3A_45 = arith.extui %sign3A_44 : i1 to i32
    %sign3A_46 = arith.subi %sign3A_42, %sign3A_45 : i32
    %sign3A_47 = arith.constant 0 : i32
    %sign3A_48 = arith.cmpi sgt, %jit3A_38, %sign3A_47 : i32
    %sign3A_49 = arith.extui %sign3A_48 : i1 to i32
    %sign3A_50 = arith.constant 0 : i32
    %sign3A_51 = arith.cmpi slt, %jit3A_38, %sign3A_50 : i32
    %sign3A_52 = arith.extui %sign3A_51 : i1 to i32
    %sign3A_53 = arith.subi %sign3A_49, %sign3A_52 : i32
    %ne3A_54 = arith.cmpi ne, %sign3A_46, %sign3A_53 : i32
    %rem3A_55 = arith.remsi %mul3A_37, %jit3A_38 : i32
    %ne3A_56 = arith.constant 0 : i32
    %ne3A_57 = arith.cmpi ne, %rem3A_55, %ne3A_56 : i32
    %and3A_58 = arith.andi %ne3A_54, %ne3A_57 : i1
    %sub3A_59 = arith.constant 1 : i32
    %sub3A_60 = arith.subi %div3A_39, %sub3A_59 : i32
    %select_n3A_61 = arith.select %and3A_58, %sub3A_60, %div3A_39 : i32
    %mul3A_62 = arith.constant 8 : i32
    %mul3A_63 = arith.muli %select_n3A, %mul3A_62 : i32
    %multiple_of3A = tpu.assume_multiple %mul3A_63, 8 : i32
    %mul3A_64 = arith.constant 8 : i32
    %mul3A_65 = arith.muli %select_n3A_61, %mul3A_64 : i32
    %min3A = arith.constant 2500 : i32
    %min3A_66 = arith.minsi %mul3A_65, %min3A : i32
    %sub3A_67 = arith.subi %min3A_66, %multiple_of3A : i32
    %jit3A_68 = arith.constant 2 : i32
    %div3A_69 = arith.divsi %sub3A_67, %jit3A_68 : i32
    %sign3A_70 = arith.constant 0 : i32
    %sign3A_71 = arith.cmpi sgt, %sub3A_67, %sign3A_70 : i32
    %sign3A_72 = arith.extui %sign3A_71 : i1 to i32
    %sign3A_73 = arith.constant 0 : i32
    %sign3A_74 = arith.cmpi slt, %sub3A_67, %sign3A_73 : i32
    %sign3A_75 = arith.extui %sign3A_74 : i1 to i32
    %sign3A_76 = arith.subi %sign3A_72, %sign3A_75 : i32
    %sign3A_77 = arith.constant 0 : i32
    %sign3A_78 = arith.cmpi sgt, %jit3A_68, %sign3A_77 : i32
    %sign3A_79 = arith.extui %sign3A_78 : i1 to i32
    %sign3A_80 = arith.constant 0 : i32
    %sign3A_81 = arith.cmpi slt, %jit3A_68, %sign3A_80 : i32
    %sign3A_82 = arith.extui %sign3A_81 : i1 to i32
    %sign3A_83 = arith.subi %sign3A_79, %sign3A_82 : i32
    %ne3A_84 = arith.cmpi ne, %sign3A_76, %sign3A_83 : i32
    %rem3A_85 = arith.remsi %sub3A_67, %jit3A_68 : i32
    %ne3A_86 = arith.constant 0 : i32
    %ne3A_87 = arith.cmpi ne, %rem3A_85, %ne3A_86 : i32
    %and3A_88 = arith.andi %ne3A_84, %ne3A_87 : i1
    %sub3A_89 = arith.constant 1 : i32
    %sub3A_90 = arith.subi %div3A_69, %sub3A_89 : i32
    %select_n3A_91 = arith.select %and3A_88, %sub3A_90, %div3A_69 : i32
    %add3A_92 = arith.constant 15 : i32
    %add3A_93 = arith.addi %select_n3A_91, %add3A_92 : i32
    %jit3A_94 = arith.constant 16 : i32
    %div3A_95 = arith.divsi %add3A_93, %jit3A_94 : i32
    %sign3A_96 = arith.constant 0 : i32
    %sign3A_97 = arith.cmpi sgt, %add3A_93, %sign3A_96 : i32
    %sign3A_98 = arith.extui %sign3A_97 : i1 to i32
    %sign3A_99 = arith.constant 0 : i32
    %sign3A_100 = arith.cmpi slt, %add3A_93, %sign3A_99 : i32
    %sign3A_101 = arith.extui %sign3A_100 : i1 to i32
    %sign3A_102 = arith.subi %sign3A_98, %sign3A_101 : i32
    %sign3A_103 = arith.constant 0 : i32
    %sign3A_104 = arith.cmpi sgt, %jit3A_94, %sign3A_103 : i32
    %sign3A_105 = arith.extui %sign3A_104 : i1 to i32
    %sign3A_106 = arith.constant 0 : i32
    %sign3A_107 = arith.cmpi slt, %jit3A_94, %sign3A_106 : i32
    %sign3A_108 = arith.extui %sign3A_107 : i1 to i32
    %sign3A_109 = arith.subi %sign3A_105, %sign3A_108 : i32
    %ne3A_110 = arith.cmpi ne, %sign3A_102, %sign3A_109 : i32
    %rem3A_111 = arith.remsi %add3A_93, %jit3A_94 : i32
    %ne3A_112 = arith.constant 0 : i32
    %ne3A_113 = arith.cmpi ne, %rem3A_111, %ne3A_112 : i32
    %and3A_114 = arith.andi %ne3A_110, %ne3A_113 : i1
    %sub3A_115 = arith.constant 1 : i32
    %sub3A_116 = arith.subi %div3A_95, %sub3A_115 : i32
    %select_n3A_117 = arith.select %and3A_114, %sub3A_116, %div3A_95 : i32
    %while3A = arith.constant 0 : i32
    %while3A_118 = arith.constant 0 : i32
    %while3A_119 = arith.subi %select_n3A_117, %while3A_118 : i32
    %while3A_120 = arith.addi %while3A_118, %while3A_119 : i32
    %while3A_121 = arith.constant 1 : i32
    %while3A_122 = arith.divsi %while3A_119, %while3A_121 : i32
    %while3A_123 = arith.muli %while3A_122, %while3A_121 : i32
    %while3A_124 = arith.addi %while3A_118, %while3A_123 : i32
    %while3A_125 = arith.constant 1 : i32
    scf.for %while3A_135 = %while3A_118 to %while3A_124 step %while3A_125  : i32 {
      %mul3A_136 = arith.constant 32 : i32
      %mul3A_137 = arith.muli %while3A_135, %mul3A_136 : i32
      %add3A_138 = arith.addi %multiple_of3A, %mul3A_137 : i32
      %multiple_of3A_139 = tpu.assume_multiple %add3A_138, 8 : i32
      "tpu.region"() ({
        %run_scoped3A = tpu.sem_alloc : memref<!tpu.dma_semaphore, #tpu.memory_space<semaphore_mem>>
        %dma_start3A_168 = arith.constant 0 : i32
        %dma_start3A_169 = tpu.memref_slice %arg2[%multiple_of3A_139, %dma_start3A_168] : memref<2528x128xi32, #tpu.memory_space<hbm>> -> memref<32x128xi32, #tpu.memory_space<hbm>>
        %dma_start3A_170 = arith.constant 0 : i32
        %dma_start3A_171 = tpu.memref_slice %arg2[%multiple_of3A_139, %dma_start3A_170] : memref<2528x128xi32, #tpu.memory_space<hbm>> -> memref<32x128xi32, #tpu.memory_space<hbm>>
        tpu.enqueue_dma source(%dma_start3A_171 : memref<32x128xi32, #tpu.memory_space<hbm>>) target(%arg6 : memref<32x128xi32, #tpu.memory_space<vmem>>) target_semaphore(%run_scoped3A : memref<!tpu.dma_semaphore, #tpu.memory_space<semaphore_mem>>)
        %dma_wait3A = arith.constant 0 : i32
        %dma_wait3A_172 = tpu.memref_slice %arg2[%multiple_of3A_139, %dma_wait3A] : memref<2528x128xi32, #tpu.memory_space<hbm>> -> memref<32x128xi32, #tpu.memory_space<hbm>>
        %dma_wait3A_173 = arith.constant 0 : i32
        %dma_wait3A_174 = tpu.memref_slice %arg2[%multiple_of3A_139, %dma_wait3A_173] : memref<2528x128xi32, #tpu.memory_space<hbm>> -> memref<32x128xi32, #tpu.memory_space<hbm>>
        tpu.wait_dma2 semaphore(%run_scoped3A : memref<!tpu.dma_semaphore, #tpu.memory_space<semaphore_mem>>) src(%dma_wait3A_174 : memref<32x128xi32, #tpu.memory_space<hbm>>) dst(%arg6 : memref<32x128xi32, #tpu.memory_space<vmem>>)
        tpu.yield
      }) : () -> ()
      "tpu.region"() ({
        %run_scoped3A = tpu.sem_alloc : memref<!tpu.dma_semaphore, #tpu.memory_space<semaphore_mem>>
        %dma_start3A_168 = arith.constant 0 : i32
        %dma_start3A_169 = tpu.memref_slice %arg3[%multiple_of3A_139, %dma_start3A_168] : memref<2528x128xi32, #tpu.memory_space<hbm>> -> memref<32x128xi32, #tpu.memory_space<hbm>>
        %dma_start3A_170 = arith.constant 0 : i32
        %dma_start3A_171 = tpu.memref_slice %arg3[%multiple_of3A_139, %dma_start3A_170] : memref<2528x128xi32, #tpu.memory_space<hbm>> -> memref<32x128xi32, #tpu.memory_space<hbm>>
        tpu.enqueue_dma source(%dma_start3A_171 : memref<32x128xi32, #tpu.memory_space<hbm>>) target(%arg7 : memref<32x128xi32, #tpu.memory_space<vmem>>) target_semaphore(%run_scoped3A : memref<!tpu.dma_semaphore, #tpu.memory_space<semaphore_mem>>)
        %dma_wait3A = arith.constant 0 : i32
        %dma_wait3A_172 = tpu.memref_slice %arg3[%multiple_of3A_139, %dma_wait3A] : memref<2528x128xi32, #tpu.memory_space<hbm>> -> memref<32x128xi32, #tpu.memory_space<hbm>>
        %dma_wait3A_173 = arith.constant 0 : i32
        %dma_wait3A_174 = tpu.memref_slice %arg3[%multiple_of3A_139, %dma_wait3A_173] : memref<2528x128xi32, #tpu.memory_space<hbm>> -> memref<32x128xi32, #tpu.memory_space<hbm>>
        tpu.wait_dma2 semaphore(%run_scoped3A : memref<!tpu.dma_semaphore, #tpu.memory_space<semaphore_mem>>) src(%dma_wait3A_174 : memref<32x128xi32, #tpu.memory_space<hbm>>) dst(%arg7 : memref<32x128xi32, #tpu.memory_space<vmem>>)
        tpu.yield
      }) : () -> ()
      %mul3A_140 = arith.constant 16 : i32
      %mul3A_141 = arith.muli %while3A_135, %mul3A_140 : i32
      %sub3A_142 = arith.subi %select_n3A_91, %mul3A_141 : i32
      %min3A_143 = arith.constant 16 : i32
      %min3A_144 = arith.minsi %min3A_143, %sub3A_142 : i32
      %dma_start3A = arith.constant 0 : i32
      %dma_start3A_145 = arith.constant 0 : i32
      %dma_start3A_146 = tpu.memref_slice %arg6[%dma_start3A, %dma_start3A_145] : memref<32x128xi32, #tpu.memory_space<vmem>> -> memref<1x128xi32, #tpu.memory_space<vmem>>
      %dma_start3A_147 = tpu.memref_squeeze %dma_start3A_146 : memref<1x128xi32, #tpu.memory_space<vmem>> -> memref<128xi32, #tpu.memory_space<vmem>>
      %dma_start3A_148 = arith.constant 0 : i32
      %dma_start3A_149 = arith.constant 0 : i32
      %dma_start3A_150 = tpu.memref_slice %arg4[%dma_start3A_148, %dma_start3A_149] : memref<10000x128xf32, #tpu.memory_space<hbm>> -> memref<10000x128xf32, #tpu.memory_space<hbm>>
      tpu.enqueue_indirect_dma source(%dma_start3A_150 : memref<10000x128xf32, #tpu.memory_space<hbm>>) target(%arg8 : memref<128x128xf32, #tpu.memory_space<vmem>>) offsets(%dma_start3A_147 : memref<128xi32, #tpu.memory_space<vmem>>) semaphore(%arg12 : memref<!tpu.dma_semaphore, #tpu.memory_space<semaphore_mem>>)
      %dma_start3A_151 = arith.constant 1 : i32
      %dma_start3A_152 = arith.constant 0 : i32
      %dma_start3A_153 = tpu.memref_slice %arg6[%dma_start3A_151, %dma_start3A_152] : memref<32x128xi32, #tpu.memory_space<vmem>> -> memref<1x128xi32, #tpu.memory_space<vmem>>
      %dma_start3A_154 = tpu.memref_squeeze %dma_start3A_153 : memref<1x128xi32, #tpu.memory_space<vmem>> -> memref<128xi32, #tpu.memory_space<vmem>>
      %dma_start3A_155 = arith.constant 0 : i32
      %dma_start3A_156 = arith.constant 0 : i32
      %dma_start3A_157 = tpu.memref_slice %arg4[%dma_start3A_155, %dma_start3A_156] : memref<10000x128xf32, #tpu.memory_space<hbm>> -> memref<10000x128xf32, #tpu.memory_space<hbm>>
      tpu.enqueue_indirect_dma source(%dma_start3A_157 : memref<10000x128xf32, #tpu.memory_space<hbm>>) target(%arg9 : memref<128x128xf32, #tpu.memory_space<vmem>>) offsets(%dma_start3A_154 : memref<128xi32, #tpu.memory_space<vmem>>) semaphore(%arg13 : memref<!tpu.dma_semaphore, #tpu.memory_space<semaphore_mem>>)
      %while3A_158 = arith.constant 0 : i32
      %while3A_159 = arith.constant 0 : i32
      %while3A_160 = arith.subi %min3A_144, %while3A_159 : i32
      %while3A_161 = arith.addi %while3A_159, %while3A_160 : i32
      %while3A_162 = arith.constant 1 : i32
      %while3A_163 = arith.divsi %while3A_160, %while3A_162 : i32
      %while3A_164 = arith.muli %while3A_163, %while3A_162 : i32
      %while3A_165 = arith.addi %while3A_159, %while3A_164 : i32
      %while3A_166 = arith.constant 1 : i32
      scf.for %while3A_168 = %while3A_159 to %while3A_165 step %while3A_166  : i32 {
        %dma_wait3A = arith.constant 0 : i32
        %dma_wait3A_169 = arith.constant 0 : i32
        %dma_wait3A_170 = tpu.memref_slice %arg6[%dma_wait3A, %dma_wait3A_169] : memref<32x128xi32, #tpu.memory_space<vmem>> -> memref<1x128xi32, #tpu.memory_space<vmem>>
        %dma_wait3A_171 = tpu.memref_squeeze %dma_wait3A_170 : memref<1x128xi32, #tpu.memory_space<vmem>> -> memref<128xi32, #tpu.memory_space<vmem>>
        %dma_wait3A_172 = arith.constant 0 : i32
        %dma_wait3A_173 = arith.constant 0 : i32
        %dma_wait3A_174 = tpu.memref_slice %arg4[%dma_wait3A_172, %dma_wait3A_173] : memref<10000x128xf32, #tpu.memory_space<hbm>> -> memref<10000x128xf32, #tpu.memory_space<hbm>>
        tpu.wait_indirect_dma semaphore(%arg12 : memref<!tpu.dma_semaphore, #tpu.memory_space<semaphore_mem>>) src(%dma_wait3A_174 : memref<10000x128xf32, #tpu.memory_space<hbm>>) dst(%arg8 : memref<128x128xf32, #tpu.memory_space<vmem>>)
        %mul3A_175 = arith.constant 2 : i32
        %mul3A_176 = arith.muli %mul3A_175, %while3A_168 : i32
        "tpu.region"() ({
          %run_scoped3A = tpu.sem_alloc : memref<!tpu.dma_semaphore, #tpu.memory_space<semaphore_mem>>
          %dma_start3A_197 = arith.constant 0 : i32
          %dma_start3A_198 = tpu.memref_slice %arg7[%mul3A_176, %dma_start3A_197] : memref<32x128xi32, #tpu.memory_space<vmem>> -> memref<1x128xi32, #tpu.memory_space<vmem>>
          %dma_start3A_199 = tpu.memref_squeeze %dma_start3A_198 : memref<1x128xi32, #tpu.memory_space<vmem>> -> memref<128xi32, #tpu.memory_space<vmem>>
          %dma_start3A_200 = arith.constant 0 : i32
          %dma_start3A_201 = arith.constant 0 : i32
          %dma_start3A_202 = tpu.memref_slice %arg11[%dma_start3A_200, %dma_start3A_201] : memref<10112x128xf32, #tpu.memory_space<vmem_shared>> -> memref<10112x128xf32, #tpu.memory_space<vmem_shared>>
          tpu.enqueue_indirect_dma source(%arg8 : memref<128x128xf32, #tpu.memory_space<vmem>>) target(%dma_start3A_202 : memref<10112x128xf32, #tpu.memory_space<vmem_shared>>) offsets(%dma_start3A_199 : memref<128xi32, #tpu.memory_space<vmem>>) semaphore(%run_scoped3A : memref<!tpu.dma_semaphore, #tpu.memory_space<semaphore_mem>>) {add = true}
          %dma_wait3A_203 = arith.constant 0 : i32
          %dma_wait3A_204 = tpu.memref_slice %arg7[%mul3A_176, %dma_wait3A_203] : memref<32x128xi32, #tpu.memory_space<vmem>> -> memref<1x128xi32, #tpu.memory_space<vmem>>
          %dma_wait3A_205 = tpu.memref_squeeze %dma_wait3A_204 : memref<1x128xi32, #tpu.memory_space<vmem>> -> memref<128xi32, #tpu.memory_space<vmem>>
          %dma_wait3A_206 = arith.constant 0 : i32
          %dma_wait3A_207 = arith.constant 0 : i32
          %dma_wait3A_208 = tpu.memref_slice %arg11[%dma_wait3A_206, %dma_wait3A_207] : memref<10112x128xf32, #tpu.memory_space<vmem_shared>> -> memref<10112x128xf32, #tpu.memory_space<vmem_shared>>
          tpu.wait_indirect_dma semaphore(%run_scoped3A : memref<!tpu.dma_semaphore, #tpu.memory_space<semaphore_mem>>) src(%arg8 : memref<128x128xf32, #tpu.memory_space<vmem>>) dst(%dma_wait3A_208 : memref<10112x128xf32, #tpu.memory_space<vmem_shared>>)
          tpu.yield
        }) : () -> ()
        %sub3A_177 = arith.constant 1 : i32
        %sub3A_178 = arith.subi %min3A_144, %sub3A_177 : i32
        %lt3A = arith.cmpi slt, %while3A_168, %sub3A_178 : i32
        %convert_element_type3A = arith.extui %lt3A : i1 to i32
        %cond3A = arith.constant 0 : i32
        %cond3A_179 = arith.cmpi ne, %convert_element_type3A, %cond3A : i32
        scf.if %cond3A_179 {
          %mul3A_197 = arith.constant 2 : i32
          %mul3A_198 = arith.muli %mul3A_197, %while3A_168 : i32
          %add3A_199 = arith.constant 2 : i32
          %add3A_200 = arith.addi %mul3A_198, %add3A_199 : i32
          %dma_start3A_201 = arith.constant 0 : i32
          %dma_start3A_202 = tpu.memref_slice %arg6[%add3A_200, %dma_start3A_201] : memref<32x128xi32, #tpu.memory_space<vmem>> -> memref<1x128xi32, #tpu.memory_space<vmem>>
          %dma_start3A_203 = tpu.memref_squeeze %dma_start3A_202 : memref<1x128xi32, #tpu.memory_space<vmem>> -> memref<128xi32, #tpu.memory_space<vmem>>
          %dma_start3A_204 = arith.constant 0 : i32
          %dma_start3A_205 = arith.constant 0 : i32
          %dma_start3A_206 = tpu.memref_slice %arg4[%dma_start3A_204, %dma_start3A_205] : memref<10000x128xf32, #tpu.memory_space<hbm>> -> memref<10000x128xf32, #tpu.memory_space<hbm>>
          tpu.enqueue_indirect_dma source(%dma_start3A_206 : memref<10000x128xf32, #tpu.memory_space<hbm>>) target(%arg8 : memref<128x128xf32, #tpu.memory_space<vmem>>) offsets(%dma_start3A_203 : memref<128xi32, #tpu.memory_space<vmem>>) semaphore(%arg12 : memref<!tpu.dma_semaphore, #tpu.memory_space<semaphore_mem>>)
        } else {
        }
        %dma_wait3A_180 = arith.constant 1 : i32
        %dma_wait3A_181 = arith.constant 0 : i32
        %dma_wait3A_182 = tpu.memref_slice %arg6[%dma_wait3A_180, %dma_wait3A_181] : memref<32x128xi32, #tpu.memory_space<vmem>> -> memref<1x128xi32, #tpu.memory_space<vmem>>
        %dma_wait3A_183 = tpu.memref_squeeze %dma_wait3A_182 : memref<1x128xi32, #tpu.memory_space<vmem>> -> memref<128xi32, #tpu.memory_space<vmem>>
        %dma_wait3A_184 = arith.constant 0 : i32
        %dma_wait3A_185 = arith.constant 0 : i32
        %dma_wait3A_186 = tpu.memref_slice %arg4[%dma_wait3A_184, %dma_wait3A_185] : memref<10000x128xf32, #tpu.memory_space<hbm>> -> memref<10000x128xf32, #tpu.memory_space<hbm>>
        tpu.wait_indirect_dma semaphore(%arg13 : memref<!tpu.dma_semaphore, #tpu.memory_space<semaphore_mem>>) src(%dma_wait3A_186 : memref<10000x128xf32, #tpu.memory_space<hbm>>) dst(%arg9 : memref<128x128xf32, #tpu.memory_space<vmem>>)
        %mul3A_187 = arith.constant 2 : i32
        %mul3A_188 = arith.muli %mul3A_187, %while3A_168 : i32
        %add3A_189 = arith.constant 1 : i32
        %add3A_190 = arith.addi %mul3A_188, %add3A_189 : i32
        "tpu.region"() ({
          %run_scoped3A = tpu.sem_alloc : memref<!tpu.dma_semaphore, #tpu.memory_space<semaphore_mem>>
          %dma_start3A_197 = arith.constant 0 : i32
          %dma_start3A_198 = tpu.memref_slice %arg7[%add3A_190, %dma_start3A_197] : memref<32x128xi32, #tpu.memory_space<vmem>> -> memref<1x128xi32, #tpu.memory_space<vmem>>
          %dma_start3A_199 = tpu.memref_squeeze %dma_start3A_198 : memref<1x128xi32, #tpu.memory_space<vmem>> -> memref<128xi32, #tpu.memory_space<vmem>>
          %dma_start3A_200 = arith.constant 0 : i32
          %dma_start3A_201 = arith.constant 0 : i32
          %dma_start3A_202 = tpu.memref_slice %arg11[%dma_start3A_200, %dma_start3A_201] : memref<10112x128xf32, #tpu.memory_space<vmem_shared>> -> memref<10112x128xf32, #tpu.memory_space<vmem_shared>>
          tpu.enqueue_indirect_dma source(%arg9 : memref<128x128xf32, #tpu.memory_space<vmem>>) target(%dma_start3A_202 : memref<10112x128xf32, #tpu.memory_space<vmem_shared>>) offsets(%dma_start3A_199 : memref<128xi32, #tpu.memory_space<vmem>>) semaphore(%run_scoped3A : memref<!tpu.dma_semaphore, #tpu.memory_space<semaphore_mem>>) {add = true}
          %dma_wait3A_203 = arith.constant 0 : i32
          %dma_wait3A_204 = tpu.memref_slice %arg7[%add3A_190, %dma_wait3A_203] : memref<32x128xi32, #tpu.memory_space<vmem>> -> memref<1x128xi32, #tpu.memory_space<vmem>>
          %dma_wait3A_205 = tpu.memref_squeeze %dma_wait3A_204 : memref<1x128xi32, #tpu.memory_space<vmem>> -> memref<128xi32, #tpu.memory_space<vmem>>
          %dma_wait3A_206 = arith.constant 0 : i32
          %dma_wait3A_207 = arith.constant 0 : i32
          %dma_wait3A_208 = tpu.memref_slice %arg11[%dma_wait3A_206, %dma_wait3A_207] : memref<10112x128xf32, #tpu.memory_space<vmem_shared>> -> memref<10112x128xf32, #tpu.memory_space<vmem_shared>>
          tpu.wait_indirect_dma semaphore(%run_scoped3A : memref<!tpu.dma_semaphore, #tpu.memory_space<semaphore_mem>>) src(%arg9 : memref<128x128xf32, #tpu.memory_space<vmem>>) dst(%dma_wait3A_208 : memref<10112x128xf32, #tpu.memory_space<vmem_shared>>)
          tpu.yield
        }) : () -> ()
        %sub3A_191 = arith.constant 1 : i32
        %sub3A_192 = arith.subi %min3A_144, %sub3A_191 : i32
        %lt3A_193 = arith.cmpi slt, %while3A_168, %sub3A_192 : i32
        %convert_element_type3A_194 = arith.extui %lt3A_193 : i1 to i32
        %cond3A_195 = arith.constant 0 : i32
        %cond3A_196 = arith.cmpi ne, %convert_element_type3A_194, %cond3A_195 : i32
        scf.if %cond3A_196 {
          %mul3A_197 = arith.constant 2 : i32
          %mul3A_198 = arith.muli %mul3A_197, %while3A_168 : i32
          %add3A_199 = arith.constant 3 : i32
          %add3A_200 = arith.addi %mul3A_198, %add3A_199 : i32
          %dma_start3A_201 = arith.constant 0 : i32
          %dma_start3A_202 = tpu.memref_slice %arg6[%add3A_200, %dma_start3A_201] : memref<32x128xi32, #tpu.memory_space<vmem>> -> memref<1x128xi32, #tpu.memory_space<vmem>>
          %dma_start3A_203 = tpu.memref_squeeze %dma_start3A_202 : memref<1x128xi32, #tpu.memory_space<vmem>> -> memref<128xi32, #tpu.memory_space<vmem>>
          %dma_start3A_204 = arith.constant 0 : i32
          %dma_start3A_205 = arith.constant 0 : i32
          %dma_start3A_206 = tpu.memref_slice %arg4[%dma_start3A_204, %dma_start3A_205] : memref<10000x128xf32, #tpu.memory_space<hbm>> -> memref<10000x128xf32, #tpu.memory_space<hbm>>
          tpu.enqueue_indirect_dma source(%dma_start3A_206 : memref<10000x128xf32, #tpu.memory_space<hbm>>) target(%arg9 : memref<128x128xf32, #tpu.memory_space<vmem>>) offsets(%dma_start3A_203 : memref<128xi32, #tpu.memory_space<vmem>>) semaphore(%arg13 : memref<!tpu.dma_semaphore, #tpu.memory_space<semaphore_mem>>)
        } else {
        }
      }
      %while3A_167 = arith.constant 1 : i32
      scf.for %while3A_168 = %while3A_165 to %while3A_161 step %while3A_167  : i32 {
        %dma_wait3A = arith.constant 0 : i32
        %dma_wait3A_169 = arith.constant 0 : i32
        %dma_wait3A_170 = tpu.memref_slice %arg6[%dma_wait3A, %dma_wait3A_169] : memref<32x128xi32, #tpu.memory_space<vmem>> -> memref<1x128xi32, #tpu.memory_space<vmem>>
        %dma_wait3A_171 = tpu.memref_squeeze %dma_wait3A_170 : memref<1x128xi32, #tpu.memory_space<vmem>> -> memref<128xi32, #tpu.memory_space<vmem>>
        %dma_wait3A_172 = arith.constant 0 : i32
        %dma_wait3A_173 = arith.constant 0 : i32
        %dma_wait3A_174 = tpu.memref_slice %arg4[%dma_wait3A_172, %dma_wait3A_173] : memref<10000x128xf32, #tpu.memory_space<hbm>> -> memref<10000x128xf32, #tpu.memory_space<hbm>>
        tpu.wait_indirect_dma semaphore(%arg12 : memref<!tpu.dma_semaphore, #tpu.memory_space<semaphore_mem>>) src(%dma_wait3A_174 : memref<10000x128xf32, #tpu.memory_space<hbm>>) dst(%arg8 : memref<128x128xf32, #tpu.memory_space<vmem>>)
        %mul3A_175 = arith.constant 2 : i32
        %mul3A_176 = arith.muli %mul3A_175, %while3A_168 : i32
        "tpu.region"() ({
          %run_scoped3A = tpu.sem_alloc : memref<!tpu.dma_semaphore, #tpu.memory_space<semaphore_mem>>
          %dma_start3A_197 = arith.constant 0 : i32
          %dma_start3A_198 = tpu.memref_slice %arg7[%mul3A_176, %dma_start3A_197] : memref<32x128xi32, #tpu.memory_space<vmem>> -> memref<1x128xi32, #tpu.memory_space<vmem>>
          %dma_start3A_199 = tpu.memref_squeeze %dma_start3A_198 : memref<1x128xi32, #tpu.memory_space<vmem>> -> memref<128xi32, #tpu.memory_space<vmem>>
          %dma_start3A_200 = arith.constant 0 : i32
          %dma_start3A_201 = arith.constant 0 : i32
          %dma_start3A_202 = tpu.memref_slice %arg11[%dma_start3A_200, %dma_start3A_201] : memref<10112x128xf32, #tpu.memory_space<vmem_shared>> -> memref<10112x128xf32, #tpu.memory_space<vmem_shared>>
          tpu.enqueue_indirect_dma source(%arg8 : memref<128x128xf32, #tpu.memory_space<vmem>>) target(%dma_start3A_202 : memref<10112x128xf32, #tpu.memory_space<vmem_shared>>) offsets(%dma_start3A_199 : memref<128xi32, #tpu.memory_space<vmem>>) semaphore(%run_scoped3A : memref<!tpu.dma_semaphore, #tpu.memory_space<semaphore_mem>>) {add = true}
          %dma_wait3A_203 = arith.constant 0 : i32
          %dma_wait3A_204 = tpu.memref_slice %arg7[%mul3A_176, %dma_wait3A_203] : memref<32x128xi32, #tpu.memory_space<vmem>> -> memref<1x128xi32, #tpu.memory_space<vmem>>
          %dma_wait3A_205 = tpu.memref_squeeze %dma_wait3A_204 : memref<1x128xi32, #tpu.memory_space<vmem>> -> memref<128xi32, #tpu.memory_space<vmem>>
          %dma_wait3A_206 = arith.constant 0 : i32
          %dma_wait3A_207 = arith.constant 0 : i32
          %dma_wait3A_208 = tpu.memref_slice %arg11[%dma_wait3A_206, %dma_wait3A_207] : memref<10112x128xf32, #tpu.memory_space<vmem_shared>> -> memref<10112x128xf32, #tpu.memory_space<vmem_shared>>
          tpu.wait_indirect_dma semaphore(%run_scoped3A : memref<!tpu.dma_semaphore, #tpu.memory_space<semaphore_mem>>) src(%arg8 : memref<128x128xf32, #tpu.memory_space<vmem>>) dst(%dma_wait3A_208 : memref<10112x128xf32, #tpu.memory_space<vmem_shared>>)
          tpu.yield
        }) : () -> ()
        %sub3A_177 = arith.constant 1 : i32
        %sub3A_178 = arith.subi %min3A_144, %sub3A_177 : i32
        %lt3A = arith.cmpi slt, %while3A_168, %sub3A_178 : i32
        %convert_element_type3A = arith.extui %lt3A : i1 to i32
        %cond3A = arith.constant 0 : i32
        %cond3A_179 = arith.cmpi ne, %convert_element_type3A, %cond3A : i32
        scf.if %cond3A_179 {
          %mul3A_197 = arith.constant 2 : i32
          %mul3A_198 = arith.muli %mul3A_197, %while3A_168 : i32
          %add3A_199 = arith.constant 2 : i32
          %add3A_200 = arith.addi %mul3A_198, %add3A_199 : i32
          %dma_start3A_201 = arith.constant 0 : i32
          %dma_start3A_202 = tpu.memref_slice %arg6[%add3A_200, %dma_start3A_201] : memref<32x128xi32, #tpu.memory_space<vmem>> -> memref<1x128xi32, #tpu.memory_space<vmem>>
          %dma_start3A_203 = tpu.memref_squeeze %dma_start3A_202 : memref<1x128xi32, #tpu.memory_space<vmem>> -> memref<128xi32, #tpu.memory_space<vmem>>
          %dma_start3A_204 = arith.constant 0 : i32
          %dma_start3A_205 = arith.constant 0 : i32
          %dma_start3A_206 = tpu.memref_slice %arg4[%dma_start3A_204, %dma_start3A_205] : memref<10000x128xf32, #tpu.memory_space<hbm>> -> memref<10000x128xf32, #tpu.memory_space<hbm>>
          tpu.enqueue_indirect_dma source(%dma_start3A_206 : memref<10000x128xf32, #tpu.memory_space<hbm>>) target(%arg8 : memref<128x128xf32, #tpu.memory_space<vmem>>) offsets(%dma_start3A_203 : memref<128xi32, #tpu.memory_space<vmem>>) semaphore(%arg12 : memref<!tpu.dma_semaphore, #tpu.memory_space<semaphore_mem>>)
        } else {
        }
        %dma_wait3A_180 = arith.constant 1 : i32
        %dma_wait3A_181 = arith.constant 0 : i32
        %dma_wait3A_182 = tpu.memref_slice %arg6[%dma_wait3A_180, %dma_wait3A_181] : memref<32x128xi32, #tpu.memory_space<vmem>> -> memref<1x128xi32, #tpu.memory_space<vmem>>
        %dma_wait3A_183 = tpu.memref_squeeze %dma_wait3A_182 : memref<1x128xi32, #tpu.memory_space<vmem>> -> memref<128xi32, #tpu.memory_space<vmem>>
        %dma_wait3A_184 = arith.constant 0 : i32
        %dma_wait3A_185 = arith.constant 0 : i32
        %dma_wait3A_186 = tpu.memref_slice %arg4[%dma_wait3A_184, %dma_wait3A_185] : memref<10000x128xf32, #tpu.memory_space<hbm>> -> memref<10000x128xf32, #tpu.memory_space<hbm>>
        tpu.wait_indirect_dma semaphore(%arg13 : memref<!tpu.dma_semaphore, #tpu.memory_space<semaphore_mem>>) src(%dma_wait3A_186 : memref<10000x128xf32, #tpu.memory_space<hbm>>) dst(%arg9 : memref<128x128xf32, #tpu.memory_space<vmem>>)
        %mul3A_187 = arith.constant 2 : i32
        %mul3A_188 = arith.muli %mul3A_187, %while3A_168 : i32
        %add3A_189 = arith.constant 1 : i32
        %add3A_190 = arith.addi %mul3A_188, %add3A_189 : i32
        "tpu.region"() ({
          %run_scoped3A = tpu.sem_alloc : memref<!tpu.dma_semaphore, #tpu.memory_space<semaphore_mem>>
          %dma_start3A_197 = arith.constant 0 : i32
          %dma_start3A_198 = tpu.memref_slice %arg7[%add3A_190, %dma_start3A_197] : memref<32x128xi32, #tpu.memory_space<vmem>> -> memref<1x128xi32, #tpu.memory_space<vmem>>
          %dma_start3A_199 = tpu.memref_squeeze %dma_start3A_198 : memref<1x128xi32, #tpu.memory_space<vmem>> -> memref<128xi32, #tpu.memory_space<vmem>>
          %dma_start3A_200 = arith.constant 0 : i32
          %dma_start3A_201 = arith.constant 0 : i32
          %dma_start3A_202 = tpu.memref_slice %arg11[%dma_start3A_200, %dma_start3A_201] : memref<10112x128xf32, #tpu.memory_space<vmem_shared>> -> memref<10112x128xf32, #tpu.memory_space<vmem_shared>>
          tpu.enqueue_indirect_dma source(%arg9 : memref<128x128xf32, #tpu.memory_space<vmem>>) target(%dma_start3A_202 : memref<10112x128xf32, #tpu.memory_space<vmem_shared>>) offsets(%dma_start3A_199 : memref<128xi32, #tpu.memory_space<vmem>>) semaphore(%run_scoped3A : memref<!tpu.dma_semaphore, #tpu.memory_space<semaphore_mem>>) {add = true}
          %dma_wait3A_203 = arith.constant 0 : i32
          %dma_wait3A_204 = tpu.memref_slice %arg7[%add3A_190, %dma_wait3A_203] : memref<32x128xi32, #tpu.memory_space<vmem>> -> memref<1x128xi32, #tpu.memory_space<vmem>>
          %dma_wait3A_205 = tpu.memref_squeeze %dma_wait3A_204 : memref<1x128xi32, #tpu.memory_space<vmem>> -> memref<128xi32, #tpu.memory_space<vmem>>
          %dma_wait3A_206 = arith.constant 0 : i32
          %dma_wait3A_207 = arith.constant 0 : i32
          %dma_wait3A_208 = tpu.memref_slice %arg11[%dma_wait3A_206, %dma_wait3A_207] : memref<10112x128xf32, #tpu.memory_space<vmem_shared>> -> memref<10112x128xf32, #tpu.memory_space<vmem_shared>>
          tpu.wait_indirect_dma semaphore(%run_scoped3A : memref<!tpu.dma_semaphore, #tpu.memory_space<semaphore_mem>>) src(%arg9 : memref<128x128xf32, #tpu.memory_space<vmem>>) dst(%dma_wait3A_208 : memref<10112x128xf32, #tpu.memory_space<vmem_shared>>)
          tpu.yield
        }) : () -> ()
        %sub3A_191 = arith.constant 1 : i32
        %sub3A_192 = arith.subi %min3A_144, %sub3A_191 : i32
        %lt3A_193 = arith.cmpi slt, %while3A_168, %sub3A_192 : i32
        %convert_element_type3A_194 = arith.extui %lt3A_193 : i1 to i32
        %cond3A_195 = arith.constant 0 : i32
        %cond3A_196 = arith.cmpi ne, %convert_element_type3A_194, %cond3A_195 : i32
        scf.if %cond3A_196 {
          %mul3A_197 = arith.constant 2 : i32
          %mul3A_198 = arith.muli %mul3A_197, %while3A_168 : i32
          %add3A_199 = arith.constant 3 : i32
          %add3A_200 = arith.addi %mul3A_198, %add3A_199 : i32
          %dma_start3A_201 = arith.constant 0 : i32
          %dma_start3A_202 = tpu.memref_slice %arg6[%add3A_200, %dma_start3A_201] : memref<32x128xi32, #tpu.memory_space<vmem>> -> memref<1x128xi32, #tpu.memory_space<vmem>>
          %dma_start3A_203 = tpu.memref_squeeze %dma_start3A_202 : memref<1x128xi32, #tpu.memory_space<vmem>> -> memref<128xi32, #tpu.memory_space<vmem>>
          %dma_start3A_204 = arith.constant 0 : i32
          %dma_start3A_205 = arith.constant 0 : i32
          %dma_start3A_206 = tpu.memref_slice %arg4[%dma_start3A_204, %dma_start3A_205] : memref<10000x128xf32, #tpu.memory_space<hbm>> -> memref<10000x128xf32, #tpu.memory_space<hbm>>
          tpu.enqueue_indirect_dma source(%dma_start3A_206 : memref<10000x128xf32, #tpu.memory_space<hbm>>) target(%arg9 : memref<128x128xf32, #tpu.memory_space<vmem>>) offsets(%dma_start3A_203 : memref<128xi32, #tpu.memory_space<vmem>>) semaphore(%arg13 : memref<!tpu.dma_semaphore, #tpu.memory_space<semaphore_mem>>)
        } else {
        }
      }
    }
    %while3A_126 = arith.constant 1 : i32
    scf.for %while3A_135 = %while3A_124 to %while3A_120 step %while3A_126  : i32 {
      %mul3A_136 = arith.constant 32 : i32
      %mul3A_137 = arith.muli %while3A_135, %mul3A_136 : i32
      %add3A_138 = arith.addi %multiple_of3A, %mul3A_137 : i32
      %multiple_of3A_139 = tpu.assume_multiple %add3A_138, 8 : i32
      "tpu.region"() ({
        %run_scoped3A = tpu.sem_alloc : memref<!tpu.dma_semaphore, #tpu.memory_space<semaphore_mem>>
        %dma_start3A_168 = arith.constant 0 : i32
        %dma_start3A_169 = tpu.memref_slice %arg2[%multiple_of3A_139, %dma_start3A_168] : memref<2528x128xi32, #tpu.memory_space<hbm>> -> memref<32x128xi32, #tpu.memory_space<hbm>>
        %dma_start3A_170 = arith.constant 0 : i32
        %dma_start3A_171 = tpu.memref_slice %arg2[%multiple_of3A_139, %dma_start3A_170] : memref<2528x128xi32, #tpu.memory_space<hbm>> -> memref<32x128xi32, #tpu.memory_space<hbm>>
        tpu.enqueue_dma source(%dma_start3A_171 : memref<32x128xi32, #tpu.memory_space<hbm>>) target(%arg6 : memref<32x128xi32, #tpu.memory_space<vmem>>) target_semaphore(%run_scoped3A : memref<!tpu.dma_semaphore, #tpu.memory_space<semaphore_mem>>)
        %dma_wait3A = arith.constant 0 : i32
        %dma_wait3A_172 = tpu.memref_slice %arg2[%multiple_of3A_139, %dma_wait3A] : memref<2528x128xi32, #tpu.memory_space<hbm>> -> memref<32x128xi32, #tpu.memory_space<hbm>>
        %dma_wait3A_173 = arith.constant 0 : i32
        %dma_wait3A_174 = tpu.memref_slice %arg2[%multiple_of3A_139, %dma_wait3A_173] : memref<2528x128xi32, #tpu.memory_space<hbm>> -> memref<32x128xi32, #tpu.memory_space<hbm>>
        tpu.wait_dma2 semaphore(%run_scoped3A : memref<!tpu.dma_semaphore, #tpu.memory_space<semaphore_mem>>) src(%dma_wait3A_174 : memref<32x128xi32, #tpu.memory_space<hbm>>) dst(%arg6 : memref<32x128xi32, #tpu.memory_space<vmem>>)
        tpu.yield
      }) : () -> ()
      "tpu.region"() ({
        %run_scoped3A = tpu.sem_alloc : memref<!tpu.dma_semaphore, #tpu.memory_space<semaphore_mem>>
        %dma_start3A_168 = arith.constant 0 : i32
        %dma_start3A_169 = tpu.memref_slice %arg3[%multiple_of3A_139, %dma_start3A_168] : memref<2528x128xi32, #tpu.memory_space<hbm>> -> memref<32x128xi32, #tpu.memory_space<hbm>>
        %dma_start3A_170 = arith.constant 0 : i32
        %dma_start3A_171 = tpu.memref_slice %arg3[%multiple_of3A_139, %dma_start3A_170] : memref<2528x128xi32, #tpu.memory_space<hbm>> -> memref<32x128xi32, #tpu.memory_space<hbm>>
        tpu.enqueue_dma source(%dma_start3A_171 : memref<32x128xi32, #tpu.memory_space<hbm>>) target(%arg7 : memref<32x128xi32, #tpu.memory_space<vmem>>) target_semaphore(%run_scoped3A : memref<!tpu.dma_semaphore, #tpu.memory_space<semaphore_mem>>)
        %dma_wait3A = arith.constant 0 : i32
        %dma_wait3A_172 = tpu.memref_slice %arg3[%multiple_of3A_139, %dma_wait3A] : memref<2528x128xi32, #tpu.memory_space<hbm>> -> memref<32x128xi32, #tpu.memory_space<hbm>>
        %dma_wait3A_173 = arith.constant 0 : i32
        %dma_wait3A_174 = tpu.memref_slice %arg3[%multiple_of3A_139, %dma_wait3A_173] : memref<2528x128xi32, #tpu.memory_space<hbm>> -> memref<32x128xi32, #tpu.memory_space<hbm>>
        tpu.wait_dma2 semaphore(%run_scoped3A : memref<!tpu.dma_semaphore, #tpu.memory_space<semaphore_mem>>) src(%dma_wait3A_174 : memref<32x128xi32, #tpu.memory_space<hbm>>) dst(%arg7 : memref<32x128xi32, #tpu.memory_space<vmem>>)
        tpu.yield
      }) : () -> ()
      %mul3A_140 = arith.constant 16 : i32
      %mul3A_141 = arith.muli %while3A_135, %mul3A_140 : i32
      %sub3A_142 = arith.subi %select_n3A_91, %mul3A_141 : i32
      %min3A_143 = arith.constant 16 : i32
      %min3A_144 = arith.minsi %min3A_143, %sub3A_142 : i32
      %dma_start3A = arith.constant 0 : i32
      %dma_start3A_145 = arith.constant 0 : i32
      %dma_start3A_146 = tpu.memref_slice %arg6[%dma_start3A, %dma_start3A_145] : memref<32x128xi32, #tpu.memory_space<vmem>> -> memref<1x128xi32, #tpu.memory_space<vmem>>
      %dma_start3A_147 = tpu.memref_squeeze %dma_start3A_146 : memref<1x128xi32, #tpu.memory_space<vmem>> -> memref<128xi32, #tpu.memory_space<vmem>>
      %dma_start3A_148 = arith.constant 0 : i32
      %dma_start3A_149 = arith.constant 0 : i32
      %dma_start3A_150 = tpu.memref_slice %arg4[%dma_start3A_148, %dma_start3A_149] : memref<10000x128xf32, #tpu.memory_space<hbm>> -> memref<10000x128xf32, #tpu.memory_space<hbm>>
      tpu.enqueue_indirect_dma source(%dma_start3A_150 : memref<10000x128xf32, #tpu.memory_space<hbm>>) target(%arg8 : memref<128x128xf32, #tpu.memory_space<vmem>>) offsets(%dma_start3A_147 : memref<128xi32, #tpu.memory_space<vmem>>) semaphore(%arg12 : memref<!tpu.dma_semaphore, #tpu.memory_space<semaphore_mem>>)
      %dma_start3A_151 = arith.constant 1 : i32
      %dma_start3A_152 = arith.constant 0 : i32
      %dma_start3A_153 = tpu.memref_slice %arg6[%dma_start3A_151, %dma_start3A_152] : memref<32x128xi32, #tpu.memory_space<vmem>> -> memref<1x128xi32, #tpu.memory_space<vmem>>
      %dma_start3A_154 = tpu.memref_squeeze %dma_start3A_153 : memref<1x128xi32, #tpu.memory_space<vmem>> -> memref<128xi32, #tpu.memory_space<vmem>>
      %dma_start3A_155 = arith.constant 0 : i32
      %dma_start3A_156 = arith.constant 0 : i32
      %dma_start3A_157 = tpu.memref_slice %arg4[%dma_start3A_155, %dma_start3A_156] : memref<10000x128xf32, #tpu.memory_space<hbm>> -> memref<10000x128xf32, #tpu.memory_space<hbm>>
      tpu.enqueue_indirect_dma source(%dma_start3A_157 : memref<10000x128xf32, #tpu.memory_space<hbm>>) target(%arg9 : memref<128x128xf32, #tpu.memory_space<vmem>>) offsets(%dma_start3A_154 : memref<128xi32, #tpu.memory_space<vmem>>) semaphore(%arg13 : memref<!tpu.dma_semaphore, #tpu.memory_space<semaphore_mem>>)
      %while3A_158 = arith.constant 0 : i32
      %while3A_159 = arith.constant 0 : i32
      %while3A_160 = arith.subi %min3A_144, %while3A_159 : i32
      %while3A_161 = arith.addi %while3A_159, %while3A_160 : i32
      %while3A_162 = arith.constant 1 : i32
      %while3A_163 = arith.divsi %while3A_160, %while3A_162 : i32
      %while3A_164 = arith.muli %while3A_163, %while3A_162 : i32
      %while3A_165 = arith.addi %while3A_159, %while3A_164 : i32
      %while3A_166 = arith.constant 1 : i32
      scf.for %while3A_168 = %while3A_159 to %while3A_165 step %while3A_166  : i32 {
        %dma_wait3A = arith.constant 0 : i32
        %dma_wait3A_169 = arith.constant 0 : i32
        %dma_wait3A_170 = tpu.memref_slice %arg6[%dma_wait3A, %dma_wait3A_169] : memref<32x128xi32, #tpu.memory_space<vmem>> -> memref<1x128xi32, #tpu.memory_space<vmem>>
        %dma_wait3A_171 = tpu.memref_squeeze %dma_wait3A_170 : memref<1x128xi32, #tpu.memory_space<vmem>> -> memref<128xi32, #tpu.memory_space<vmem>>
        %dma_wait3A_172 = arith.constant 0 : i32
        %dma_wait3A_173 = arith.constant 0 : i32
        %dma_wait3A_174 = tpu.memref_slice %arg4[%dma_wait3A_172, %dma_wait3A_173] : memref<10000x128xf32, #tpu.memory_space<hbm>> -> memref<10000x128xf32, #tpu.memory_space<hbm>>
        tpu.wait_indirect_dma semaphore(%arg12 : memref<!tpu.dma_semaphore, #tpu.memory_space<semaphore_mem>>) src(%dma_wait3A_174 : memref<10000x128xf32, #tpu.memory_space<hbm>>) dst(%arg8 : memref<128x128xf32, #tpu.memory_space<vmem>>)
        %mul3A_175 = arith.constant 2 : i32
        %mul3A_176 = arith.muli %mul3A_175, %while3A_168 : i32
        "tpu.region"() ({
          %run_scoped3A = tpu.sem_alloc : memref<!tpu.dma_semaphore, #tpu.memory_space<semaphore_mem>>
          %dma_start3A_197 = arith.constant 0 : i32
          %dma_start3A_198 = tpu.memref_slice %arg7[%mul3A_176, %dma_start3A_197] : memref<32x128xi32, #tpu.memory_space<vmem>> -> memref<1x128xi32, #tpu.memory_space<vmem>>
          %dma_start3A_199 = tpu.memref_squeeze %dma_start3A_198 : memref<1x128xi32, #tpu.memory_space<vmem>> -> memref<128xi32, #tpu.memory_space<vmem>>
          %dma_start3A_200 = arith.constant 0 : i32
          %dma_start3A_201 = arith.constant 0 : i32
          %dma_start3A_202 = tpu.memref_slice %arg11[%dma_start3A_200, %dma_start3A_201] : memref<10112x128xf32, #tpu.memory_space<vmem_shared>> -> memref<10112x128xf32, #tpu.memory_space<vmem_shared>>
          tpu.enqueue_indirect_dma source(%arg8 : memref<128x128xf32, #tpu.memory_space<vmem>>) target(%dma_start3A_202 : memref<10112x128xf32, #tpu.memory_space<vmem_shared>>) offsets(%dma_start3A_199 : memref<128xi32, #tpu.memory_space<vmem>>) semaphore(%run_scoped3A : memref<!tpu.dma_semaphore, #tpu.memory_space<semaphore_mem>>) {add = true}
          %dma_wait3A_203 = arith.constant 0 : i32
          %dma_wait3A_204 = tpu.memref_slice %arg7[%mul3A_176, %dma_wait3A_203] : memref<32x128xi32, #tpu.memory_space<vmem>> -> memref<1x128xi32, #tpu.memory_space<vmem>>
          %dma_wait3A_205 = tpu.memref_squeeze %dma_wait3A_204 : memref<1x128xi32, #tpu.memory_space<vmem>> -> memref<128xi32, #tpu.memory_space<vmem>>
          %dma_wait3A_206 = arith.constant 0 : i32
          %dma_wait3A_207 = arith.constant 0 : i32
          %dma_wait3A_208 = tpu.memref_slice %arg11[%dma_wait3A_206, %dma_wait3A_207] : memref<10112x128xf32, #tpu.memory_space<vmem_shared>> -> memref<10112x128xf32, #tpu.memory_space<vmem_shared>>
          tpu.wait_indirect_dma semaphore(%run_scoped3A : memref<!tpu.dma_semaphore, #tpu.memory_space<semaphore_mem>>) src(%arg8 : memref<128x128xf32, #tpu.memory_space<vmem>>) dst(%dma_wait3A_208 : memref<10112x128xf32, #tpu.memory_space<vmem_shared>>)
          tpu.yield
        }) : () -> ()
        %sub3A_177 = arith.constant 1 : i32
        %sub3A_178 = arith.subi %min3A_144, %sub3A_177 : i32
        %lt3A = arith.cmpi slt, %while3A_168, %sub3A_178 : i32
        %convert_element_type3A = arith.extui %lt3A : i1 to i32
        %cond3A = arith.constant 0 : i32
        %cond3A_179 = arith.cmpi ne, %convert_element_type3A, %cond3A : i32
        scf.if %cond3A_179 {
          %mul3A_197 = arith.constant 2 : i32
          %mul3A_198 = arith.muli %mul3A_197, %while3A_168 : i32
          %add3A_199 = arith.constant 2 : i32
          %add3A_200 = arith.addi %mul3A_198, %add3A_199 : i32
          %dma_start3A_201 = arith.constant 0 : i32
          %dma_start3A_202 = tpu.memref_slice %arg6[%add3A_200, %dma_start3A_201] : memref<32x128xi32, #tpu.memory_space<vmem>> -> memref<1x128xi32, #tpu.memory_space<vmem>>
          %dma_start3A_203 = tpu.memref_squeeze %dma_start3A_202 : memref<1x128xi32, #tpu.memory_space<vmem>> -> memref<128xi32, #tpu.memory_space<vmem>>
          %dma_start3A_204 = arith.constant 0 : i32
          %dma_start3A_205 = arith.constant 0 : i32
          %dma_start3A_206 = tpu.memref_slice %arg4[%dma_start3A_204, %dma_start3A_205] : memref<10000x128xf32, #tpu.memory_space<hbm>> -> memref<10000x128xf32, #tpu.memory_space<hbm>>
          tpu.enqueue_indirect_dma source(%dma_start3A_206 : memref<10000x128xf32, #tpu.memory_space<hbm>>) target(%arg8 : memref<128x128xf32, #tpu.memory_space<vmem>>) offsets(%dma_start3A_203 : memref<128xi32, #tpu.memory_space<vmem>>) semaphore(%arg12 : memref<!tpu.dma_semaphore, #tpu.memory_space<semaphore_mem>>)
        } else {
        }
        %dma_wait3A_180 = arith.constant 1 : i32
        %dma_wait3A_181 = arith.constant 0 : i32
        %dma_wait3A_182 = tpu.memref_slice %arg6[%dma_wait3A_180, %dma_wait3A_181] : memref<32x128xi32, #tpu.memory_space<vmem>> -> memref<1x128xi32, #tpu.memory_space<vmem>>
        %dma_wait3A_183 = tpu.memref_squeeze %dma_wait3A_182 : memref<1x128xi32, #tpu.memory_space<vmem>> -> memref<128xi32, #tpu.memory_space<vmem>>
        %dma_wait3A_184 = arith.constant 0 : i32
        %dma_wait3A_185 = arith.constant 0 : i32
        %dma_wait3A_186 = tpu.memref_slice %arg4[%dma_wait3A_184, %dma_wait3A_185] : memref<10000x128xf32, #tpu.memory_space<hbm>> -> memref<10000x128xf32, #tpu.memory_space<hbm>>
        tpu.wait_indirect_dma semaphore(%arg13 : memref<!tpu.dma_semaphore, #tpu.memory_space<semaphore_mem>>) src(%dma_wait3A_186 : memref<10000x128xf32, #tpu.memory_space<hbm>>) dst(%arg9 : memref<128x128xf32, #tpu.memory_space<vmem>>)
        %mul3A_187 = arith.constant 2 : i32
        %mul3A_188 = arith.muli %mul3A_187, %while3A_168 : i32
        %add3A_189 = arith.constant 1 : i32
        %add3A_190 = arith.addi %mul3A_188, %add3A_189 : i32
        "tpu.region"() ({
          %run_scoped3A = tpu.sem_alloc : memref<!tpu.dma_semaphore, #tpu.memory_space<semaphore_mem>>
          %dma_start3A_197 = arith.constant 0 : i32
          %dma_start3A_198 = tpu.memref_slice %arg7[%add3A_190, %dma_start3A_197] : memref<32x128xi32, #tpu.memory_space<vmem>> -> memref<1x128xi32, #tpu.memory_space<vmem>>
          %dma_start3A_199 = tpu.memref_squeeze %dma_start3A_198 : memref<1x128xi32, #tpu.memory_space<vmem>> -> memref<128xi32, #tpu.memory_space<vmem>>
          %dma_start3A_200 = arith.constant 0 : i32
          %dma_start3A_201 = arith.constant 0 : i32
          %dma_start3A_202 = tpu.memref_slice %arg11[%dma_start3A_200, %dma_start3A_201] : memref<10112x128xf32, #tpu.memory_space<vmem_shared>> -> memref<10112x128xf32, #tpu.memory_space<vmem_shared>>
          tpu.enqueue_indirect_dma source(%arg9 : memref<128x128xf32, #tpu.memory_space<vmem>>) target(%dma_start3A_202 : memref<10112x128xf32, #tpu.memory_space<vmem_shared>>) offsets(%dma_start3A_199 : memref<128xi32, #tpu.memory_space<vmem>>) semaphore(%run_scoped3A : memref<!tpu.dma_semaphore, #tpu.memory_space<semaphore_mem>>) {add = true}
          %dma_wait3A_203 = arith.constant 0 : i32
          %dma_wait3A_204 = tpu.memref_slice %arg7[%add3A_190, %dma_wait3A_203] : memref<32x128xi32, #tpu.memory_space<vmem>> -> memref<1x128xi32, #tpu.memory_space<vmem>>
          %dma_wait3A_205 = tpu.memref_squeeze %dma_wait3A_204 : memref<1x128xi32, #tpu.memory_space<vmem>> -> memref<128xi32, #tpu.memory_space<vmem>>
          %dma_wait3A_206 = arith.constant 0 : i32
          %dma_wait3A_207 = arith.constant 0 : i32
          %dma_wait3A_208 = tpu.memref_slice %arg11[%dma_wait3A_206, %dma_wait3A_207] : memref<10112x128xf32, #tpu.memory_space<vmem_shared>> -> memref<10112x128xf32, #tpu.memory_space<vmem_shared>>
          tpu.wait_indirect_dma semaphore(%run_scoped3A : memref<!tpu.dma_semaphore, #tpu.memory_space<semaphore_mem>>) src(%arg9 : memref<128x128xf32, #tpu.memory_space<vmem>>) dst(%dma_wait3A_208 : memref<10112x128xf32, #tpu.memory_space<vmem_shared>>)
          tpu.yield
        }) : () -> ()
        %sub3A_191 = arith.constant 1 : i32
        %sub3A_192 = arith.subi %min3A_144, %sub3A_191 : i32
        %lt3A_193 = arith.cmpi slt, %while3A_168, %sub3A_192 : i32
        %convert_element_type3A_194 = arith.extui %lt3A_193 : i1 to i32
        %cond3A_195 = arith.constant 0 : i32
        %cond3A_196 = arith.cmpi ne, %convert_element_type3A_194, %cond3A_195 : i32
        scf.if %cond3A_196 {
          %mul3A_197 = arith.constant 2 : i32
          %mul3A_198 = arith.muli %mul3A_197, %while3A_168 : i32
          %add3A_199 = arith.constant 3 : i32
          %add3A_200 = arith.addi %mul3A_198, %add3A_199 : i32
          %dma_start3A_201 = arith.constant 0 : i32
          %dma_start3A_202 = tpu.memref_slice %arg6[%add3A_200, %dma_start3A_201] : memref<32x128xi32, #tpu.memory_space<vmem>> -> memref<1x128xi32, #tpu.memory_space<vmem>>
          %dma_start3A_203 = tpu.memref_squeeze %dma_start3A_202 : memref<1x128xi32, #tpu.memory_space<vmem>> -> memref<128xi32, #tpu.memory_space<vmem>>
          %dma_start3A_204 = arith.constant 0 : i32
          %dma_start3A_205 = arith.constant 0 : i32
          %dma_start3A_206 = tpu.memref_slice %arg4[%dma_start3A_204, %dma_start3A_205] : memref<10000x128xf32, #tpu.memory_space<hbm>> -> memref<10000x128xf32, #tpu.memory_space<hbm>>
          tpu.enqueue_indirect_dma source(%dma_start3A_206 : memref<10000x128xf32, #tpu.memory_space<hbm>>) target(%arg9 : memref<128x128xf32, #tpu.memory_space<vmem>>) offsets(%dma_start3A_203 : memref<128xi32, #tpu.memory_space<vmem>>) semaphore(%arg13 : memref<!tpu.dma_semaphore, #tpu.memory_space<semaphore_mem>>)
        } else {
        }
      }
      %while3A_167 = arith.constant 1 : i32
      scf.for %while3A_168 = %while3A_165 to %while3A_161 step %while3A_167  : i32 {
        %dma_wait3A = arith.constant 0 : i32
        %dma_wait3A_169 = arith.constant 0 : i32
        %dma_wait3A_170 = tpu.memref_slice %arg6[%dma_wait3A, %dma_wait3A_169] : memref<32x128xi32, #tpu.memory_space<vmem>> -> memref<1x128xi32, #tpu.memory_space<vmem>>
        %dma_wait3A_171 = tpu.memref_squeeze %dma_wait3A_170 : memref<1x128xi32, #tpu.memory_space<vmem>> -> memref<128xi32, #tpu.memory_space<vmem>>
        %dma_wait3A_172 = arith.constant 0 : i32
        %dma_wait3A_173 = arith.constant 0 : i32
        %dma_wait3A_174 = tpu.memref_slice %arg4[%dma_wait3A_172, %dma_wait3A_173] : memref<10000x128xf32, #tpu.memory_space<hbm>> -> memref<10000x128xf32, #tpu.memory_space<hbm>>
        tpu.wait_indirect_dma semaphore(%arg12 : memref<!tpu.dma_semaphore, #tpu.memory_space<semaphore_mem>>) src(%dma_wait3A_174 : memref<10000x128xf32, #tpu.memory_space<hbm>>) dst(%arg8 : memref<128x128xf32, #tpu.memory_space<vmem>>)
        %mul3A_175 = arith.constant 2 : i32
        %mul3A_176 = arith.muli %mul3A_175, %while3A_168 : i32
        "tpu.region"() ({
          %run_scoped3A = tpu.sem_alloc : memref<!tpu.dma_semaphore, #tpu.memory_space<semaphore_mem>>
          %dma_start3A_197 = arith.constant 0 : i32
          %dma_start3A_198 = tpu.memref_slice %arg7[%mul3A_176, %dma_start3A_197] : memref<32x128xi32, #tpu.memory_space<vmem>> -> memref<1x128xi32, #tpu.memory_space<vmem>>
          %dma_start3A_199 = tpu.memref_squeeze %dma_start3A_198 : memref<1x128xi32, #tpu.memory_space<vmem>> -> memref<128xi32, #tpu.memory_space<vmem>>
          %dma_start3A_200 = arith.constant 0 : i32
          %dma_start3A_201 = arith.constant 0 : i32
          %dma_start3A_202 = tpu.memref_slice %arg11[%dma_start3A_200, %dma_start3A_201] : memref<10112x128xf32, #tpu.memory_space<vmem_shared>> -> memref<10112x128xf32, #tpu.memory_space<vmem_shared>>
          tpu.enqueue_indirect_dma source(%arg8 : memref<128x128xf32, #tpu.memory_space<vmem>>) target(%dma_start3A_202 : memref<10112x128xf32, #tpu.memory_space<vmem_shared>>) offsets(%dma_start3A_199 : memref<128xi32, #tpu.memory_space<vmem>>) semaphore(%run_scoped3A : memref<!tpu.dma_semaphore, #tpu.memory_space<semaphore_mem>>) {add = true}
          %dma_wait3A_203 = arith.constant 0 : i32
          %dma_wait3A_204 = tpu.memref_slice %arg7[%mul3A_176, %dma_wait3A_203] : memref<32x128xi32, #tpu.memory_space<vmem>> -> memref<1x128xi32, #tpu.memory_space<vmem>>
          %dma_wait3A_205 = tpu.memref_squeeze %dma_wait3A_204 : memref<1x128xi32, #tpu.memory_space<vmem>> -> memref<128xi32, #tpu.memory_space<vmem>>
          %dma_wait3A_206 = arith.constant 0 : i32
          %dma_wait3A_207 = arith.constant 0 : i32
          %dma_wait3A_208 = tpu.memref_slice %arg11[%dma_wait3A_206, %dma_wait3A_207] : memref<10112x128xf32, #tpu.memory_space<vmem_shared>> -> memref<10112x128xf32, #tpu.memory_space<vmem_shared>>
          tpu.wait_indirect_dma semaphore(%run_scoped3A : memref<!tpu.dma_semaphore, #tpu.memory_space<semaphore_mem>>) src(%arg8 : memref<128x128xf32, #tpu.memory_space<vmem>>) dst(%dma_wait3A_208 : memref<10112x128xf32, #tpu.memory_space<vmem_shared>>)
          tpu.yield
        }) : () -> ()
        %sub3A_177 = arith.constant 1 : i32
        %sub3A_178 = arith.subi %min3A_144, %sub3A_177 : i32
        %lt3A = arith.cmpi slt, %while3A_168, %sub3A_178 : i32
        %convert_element_type3A = arith.extui %lt3A : i1 to i32
        %cond3A = arith.constant 0 : i32
        %cond3A_179 = arith.cmpi ne, %convert_element_type3A, %cond3A : i32
        scf.if %cond3A_179 {
          %mul3A_197 = arith.constant 2 : i32
          %mul3A_198 = arith.muli %mul3A_197, %while3A_168 : i32
          %add3A_199 = arith.constant 2 : i32
          %add3A_200 = arith.addi %mul3A_198, %add3A_199 : i32
          %dma_start3A_201 = arith.constant 0 : i32
          %dma_start3A_202 = tpu.memref_slice %arg6[%add3A_200, %dma_start3A_201] : memref<32x128xi32, #tpu.memory_space<vmem>> -> memref<1x128xi32, #tpu.memory_space<vmem>>
          %dma_start3A_203 = tpu.memref_squeeze %dma_start3A_202 : memref<1x128xi32, #tpu.memory_space<vmem>> -> memref<128xi32, #tpu.memory_space<vmem>>
          %dma_start3A_204 = arith.constant 0 : i32
          %dma_start3A_205 = arith.constant 0 : i32
          %dma_start3A_206 = tpu.memref_slice %arg4[%dma_start3A_204, %dma_start3A_205] : memref<10000x128xf32, #tpu.memory_space<hbm>> -> memref<10000x128xf32, #tpu.memory_space<hbm>>
          tpu.enqueue_indirect_dma source(%dma_start3A_206 : memref<10000x128xf32, #tpu.memory_space<hbm>>) target(%arg8 : memref<128x128xf32, #tpu.memory_space<vmem>>) offsets(%dma_start3A_203 : memref<128xi32, #tpu.memory_space<vmem>>) semaphore(%arg12 : memref<!tpu.dma_semaphore, #tpu.memory_space<semaphore_mem>>)
        } else {
        }
        %dma_wait3A_180 = arith.constant 1 : i32
        %dma_wait3A_181 = arith.constant 0 : i32
        %dma_wait3A_182 = tpu.memref_slice %arg6[%dma_wait3A_180, %dma_wait3A_181] : memref<32x128xi32, #tpu.memory_space<vmem>> -> memref<1x128xi32, #tpu.memory_space<vmem>>
        %dma_wait3A_183 = tpu.memref_squeeze %dma_wait3A_182 : memref<1x128xi32, #tpu.memory_space<vmem>> -> memref<128xi32, #tpu.memory_space<vmem>>
        %dma_wait3A_184 = arith.constant 0 : i32
        %dma_wait3A_185 = arith.constant 0 : i32
        %dma_wait3A_186 = tpu.memref_slice %arg4[%dma_wait3A_184, %dma_wait3A_185] : memref<10000x128xf32, #tpu.memory_space<hbm>> -> memref<10000x128xf32, #tpu.memory_space<hbm>>
        tpu.wait_indirect_dma semaphore(%arg13 : memref<!tpu.dma_semaphore, #tpu.memory_space<semaphore_mem>>) src(%dma_wait3A_186 : memref<10000x128xf32, #tpu.memory_space<hbm>>) dst(%arg9 : memref<128x128xf32, #tpu.memory_space<vmem>>)
        %mul3A_187 = arith.constant 2 : i32
        %mul3A_188 = arith.muli %mul3A_187, %while3A_168 : i32
        %add3A_189 = arith.constant 1 : i32
        %add3A_190 = arith.addi %mul3A_188, %add3A_189 : i32
        "tpu.region"() ({
          %run_scoped3A = tpu.sem_alloc : memref<!tpu.dma_semaphore, #tpu.memory_space<semaphore_mem>>
          %dma_start3A_197 = arith.constant 0 : i32
          %dma_start3A_198 = tpu.memref_slice %arg7[%add3A_190, %dma_start3A_197] : memref<32x128xi32, #tpu.memory_space<vmem>> -> memref<1x128xi32, #tpu.memory_space<vmem>>
          %dma_start3A_199 = tpu.memref_squeeze %dma_start3A_198 : memref<1x128xi32, #tpu.memory_space<vmem>> -> memref<128xi32, #tpu.memory_space<vmem>>
          %dma_start3A_200 = arith.constant 0 : i32
          %dma_start3A_201 = arith.constant 0 : i32
          %dma_start3A_202 = tpu.memref_slice %arg11[%dma_start3A_200, %dma_start3A_201] : memref<10112x128xf32, #tpu.memory_space<vmem_shared>> -> memref<10112x128xf32, #tpu.memory_space<vmem_shared>>
          tpu.enqueue_indirect_dma source(%arg9 : memref<128x128xf32, #tpu.memory_space<vmem>>) target(%dma_start3A_202 : memref<10112x128xf32, #tpu.memory_space<vmem_shared>>) offsets(%dma_start3A_199 : memref<128xi32, #tpu.memory_space<vmem>>) semaphore(%run_scoped3A : memref<!tpu.dma_semaphore, #tpu.memory_space<semaphore_mem>>) {add = true}
          %dma_wait3A_203 = arith.constant 0 : i32
          %dma_wait3A_204 = tpu.memref_slice %arg7[%add3A_190, %dma_wait3A_203] : memref<32x128xi32, #tpu.memory_space<vmem>> -> memref<1x128xi32, #tpu.memory_space<vmem>>
          %dma_wait3A_205 = tpu.memref_squeeze %dma_wait3A_204 : memref<1x128xi32, #tpu.memory_space<vmem>> -> memref<128xi32, #tpu.memory_space<vmem>>
          %dma_wait3A_206 = arith.constant 0 : i32
          %dma_wait3A_207 = arith.constant 0 : i32
          %dma_wait3A_208 = tpu.memref_slice %arg11[%dma_wait3A_206, %dma_wait3A_207] : memref<10112x128xf32, #tpu.memory_space<vmem_shared>> -> memref<10112x128xf32, #tpu.memory_space<vmem_shared>>
          tpu.wait_indirect_dma semaphore(%run_scoped3A : memref<!tpu.dma_semaphore, #tpu.memory_space<semaphore_mem>>) src(%arg9 : memref<128x128xf32, #tpu.memory_space<vmem>>) dst(%dma_wait3A_208 : memref<10112x128xf32, #tpu.memory_space<vmem_shared>>)
          tpu.yield
        }) : () -> ()
        %sub3A_191 = arith.constant 1 : i32
        %sub3A_192 = arith.subi %min3A_144, %sub3A_191 : i32
        %lt3A_193 = arith.cmpi slt, %while3A_168, %sub3A_192 : i32
        %convert_element_type3A_194 = arith.extui %lt3A_193 : i1 to i32
        %cond3A_195 = arith.constant 0 : i32
        %cond3A_196 = arith.cmpi ne, %convert_element_type3A_194, %cond3A_195 : i32
        scf.if %cond3A_196 {
          %mul3A_197 = arith.constant 2 : i32
          %mul3A_198 = arith.muli %mul3A_197, %while3A_168 : i32
          %add3A_199 = arith.constant 3 : i32
          %add3A_200 = arith.addi %mul3A_198, %add3A_199 : i32
          %dma_start3A_201 = arith.constant 0 : i32
          %dma_start3A_202 = tpu.memref_slice %arg6[%add3A_200, %dma_start3A_201] : memref<32x128xi32, #tpu.memory_space<vmem>> -> memref<1x128xi32, #tpu.memory_space<vmem>>
          %dma_start3A_203 = tpu.memref_squeeze %dma_start3A_202 : memref<1x128xi32, #tpu.memory_space<vmem>> -> memref<128xi32, #tpu.memory_space<vmem>>
          %dma_start3A_204 = arith.constant 0 : i32
          %dma_start3A_205 = arith.constant 0 : i32
          %dma_start3A_206 = tpu.memref_slice %arg4[%dma_start3A_204, %dma_start3A_205] : memref<10000x128xf32, #tpu.memory_space<hbm>> -> memref<10000x128xf32, #tpu.memory_space<hbm>>
          tpu.enqueue_indirect_dma source(%dma_start3A_206 : memref<10000x128xf32, #tpu.memory_space<hbm>>) target(%arg9 : memref<128x128xf32, #tpu.memory_space<vmem>>) offsets(%dma_start3A_203 : memref<128xi32, #tpu.memory_space<vmem>>) semaphore(%arg13 : memref<!tpu.dma_semaphore, #tpu.memory_space<semaphore_mem>>)
        } else {
        }
      }
    }
    %barrier3A_127 = arith.constant 0 : index
    tpu.barrier barrier_id(%barrier3A_127)
    %mul3A_128 = arith.constant 632 : i32
    %mul3A_129 = arith.muli %arg1, %mul3A_128 : i32
    %mul3A_130 = arith.constant 10112 : i32
    %mul3A_131 = arith.muli %arg0, %mul3A_130 : i32
    %mul3A_132 = arith.constant 632 : i32
    %mul3A_133 = arith.muli %arg1, %mul3A_132 : i32
    %add3A_134 = arith.addi %mul3A_131, %mul3A_133 : i32
    "tpu.region"() ({
      %run_scoped3A = tpu.sem_alloc : memref<!tpu.dma_semaphore, #tpu.memory_space<semaphore_mem>>
      %dma_start3A = arith.constant 0 : i32
      %dma_start3A_135 = tpu.memref_slice %arg5[%add3A_134, %dma_start3A] : memref<20224x128xf32, #tpu.memory_space<hbm>> -> memref<632x128xf32, #tpu.memory_space<hbm>>
      %dma_start3A_136 = arith.constant 0 : i32
      %dma_start3A_137 = tpu.memref_slice %arg11[%mul3A_129, %dma_start3A_136] : memref<10112x128xf32, #tpu.memory_space<vmem_shared>> -> memref<632x128xf32, #tpu.memory_space<vmem_shared>>
      tpu.enqueue_dma source(%dma_start3A_137 : memref<632x128xf32, #tpu.memory_space<vmem_shared>>) target(%dma_start3A_135 : memref<632x128xf32, #tpu.memory_space<hbm>>) target_semaphore(%run_scoped3A : memref<!tpu.dma_semaphore, #tpu.memory_space<semaphore_mem>>)
      %dma_wait3A = arith.constant 0 : i32
      %dma_wait3A_138 = tpu.memref_slice %arg5[%add3A_134, %dma_wait3A] : memref<20224x128xf32, #tpu.memory_space<hbm>> -> memref<632x128xf32, #tpu.memory_space<hbm>>
      %dma_wait3A_139 = arith.constant 0 : i32
      %dma_wait3A_140 = tpu.memref_slice %arg11[%mul3A_129, %dma_wait3A_139] : memref<10112x128xf32, #tpu.memory_space<vmem_shared>> -> memref<632x128xf32, #tpu.memory_space<vmem_shared>>
      tpu.wait_dma2 semaphore(%run_scoped3A : memref<!tpu.dma_semaphore, #tpu.memory_space<semaphore_mem>>) src(%dma_wait3A_140 : memref<632x128xf32, #tpu.memory_space<vmem_shared>>) dst(%dma_wait3A_138 : memref<632x128xf32, #tpu.memory_space<hbm>>)
      tpu.yield
    }) : () -> ()
    return
  }
}

module attributes {stable_mosaic.version = 14 : i64} {
  func.func @_tc_first_body(%arg0: i32, %arg1: memref<2000x128xf32, #tpu.memory_space<vmem>>, %arg2: memref<128x128xf32, #tpu.memory_space<vmem>>, %arg3: memref<2000x128xf32, #tpu.memory_space<vmem>>, %arg4: memref<2000x128xf32, #tpu.memory_space<vmem>>) attributes {dimension_semantics = [#tpu.dimension_semantics<arbitrary>], iteration_bounds = array<i64: 5>, scalar_prefetch = 0 : i64, scratch_operands = 0 : i64, tpu.core_type = #tpu.core_type<tc>, window_params = [{transform_indices = @transform_0, window_bounds = array<i64: 2000, 128>}, {pipeline_mode = #tpu.pipeline_mode<synchronous>, transform_indices = @transform_1, window_bounds = array<i64: 128, 128>}, {transform_indices = @transform_2, window_bounds = array<i64: 2000, 128>}, {transform_indices = @transform_3, window_bounds = array<i64: 2000, 128>}]} {
    %get3A = arith.constant 0 : index
    %get3A_0 = arith.constant 0 : index
    %get3A_1 = vector.load %arg3[%get3A, %get3A_0] : memref<2000x128xf32, #tpu.memory_space<vmem>>, vector<2000x128xf32>
    %get3A_2 = arith.constant 0 : index
    %get3A_3 = arith.constant 0 : index
    %get3A_4 = vector.load %arg1[%get3A_2, %get3A_3] : memref<2000x128xf32, #tpu.memory_space<vmem>>, vector<2000x128xf32>
    %get3A_5 = arith.constant 0 : index
    %get3A_6 = arith.constant 0 : index
    %get3A_7 = vector.load %arg2[%get3A_5, %get3A_6] : memref<128x128xf32, #tpu.memory_space<vmem>>, vector<128x128xf32>
    %dot_general3A = arith.constant dense<0.000000e+00> : vector<2000x128xf32>
    %dot_general3A_8 = tpu.matmul %get3A_4, %get3A_7, %dot_general3A {dimension_numbers = #tpu.dot_dimension_numbers<[1], [0], [0], [1], [0, 0, 1, 1], [], []>, transpose_lhs_hint = false} : vector<2000x128xf32>, vector<128x128xf32>, vector<2000x128xf32> -> vector<2000x128xf32>
    %mul3A = arith.mulf %get3A_1, %dot_general3A_8 : vector<2000x128xf32>
    %swap3A = arith.constant 0 : index
    %swap3A_9 = arith.constant 0 : index
    %swap3A_10 = vector.load %arg4[%swap3A, %swap3A_9] : memref<2000x128xf32, #tpu.memory_space<vmem>>, vector<2000x128xf32>
    tpu.vector_store %arg4[%swap3A, %swap3A_9], %mul3A {strides = array<i32>} : memref<2000x128xf32, #tpu.memory_space<vmem>>, vector<2000x128xf32>,
    return
  }
  func.func @transform_0(%arg0: i32) -> (i32, i32) {
    %c0_i32 = arith.constant 0 : i32
    %c0_i32_0 = arith.constant 0 : i32
    return %arg0, %c0_i32 : i32, i32
  }
  func.func @transform_1(%arg0: i32) -> (i32, i32) {
    %c0_i32 = arith.constant 0 : i32
    %c0_i32_0 = arith.constant 0 : i32
    %c0_i32_1 = arith.constant 0 : i32
    return %c0_i32, %c0_i32_0 : i32, i32
  }
  func.func @transform_2(%arg0: i32) -> (i32, i32) {
    %c0_i32 = arith.constant 0 : i32
    %c0_i32_0 = arith.constant 0 : i32
    return %arg0, %c0_i32 : i32, i32
  }
  func.func @transform_3(%arg0: i32) -> (i32, i32) {
    %c0_i32 = arith.constant 0 : i32
    %c0_i32_0 = arith.constant 0 : i32
    return %arg0, %c0_i32 : i32, i32
  }
}

module attributes {stable_mosaic.version = 14 : i64} {
  func.func @_tc_mid_body(%arg0: i32, %arg1: memref<1x2000x128xf32, #tpu.memory_space<vmem>>, %arg2: memref<1x2000x128xf32, #tpu.memory_space<vmem>>, %arg3: memref<2000x128xf32, #tpu.memory_space<vmem>>, %arg4: memref<2000x128xf32, #tpu.memory_space<vmem>>, %arg5: memref<1x128xf32, #tpu.memory_space<vmem>>, %arg6: memref<128x128xf32, #tpu.memory_space<vmem>>, %arg7: memref<2000x128xf32, #tpu.memory_space<vmem>>) attributes {dimension_semantics = [#tpu.dimension_semantics<arbitrary>], iteration_bounds = array<i64: 5>, scalar_prefetch = 0 : i64, scratch_operands = 0 : i64, tpu.core_type = #tpu.core_type<tc>, window_params = [{transform_indices = @transform_0, window_bounds = array<i64: 1, 2000, 128>}, {transform_indices = @transform_1, window_bounds = array<i64: 1, 2000, 128>}, {transform_indices = @transform_2, window_bounds = array<i64: 2000, 128>}, {transform_indices = @transform_3, window_bounds = array<i64: 2000, 128>}, {pipeline_mode = #tpu.pipeline_mode<synchronous>, transform_indices = @transform_4, window_bounds = array<i64: 1, 128>}, {pipeline_mode = #tpu.pipeline_mode<synchronous>, transform_indices = @transform_5, window_bounds = array<i64: 128, 128>}, {transform_indices = @transform_6, window_bounds = array<i64: 2000, 128>}]} {
    %get3A = arith.constant 0 : index
    %get3A_0 = arith.constant 0 : index
    %get3A_1 = vector.load %arg4[%get3A, %get3A_0] : memref<2000x128xf32, #tpu.memory_space<vmem>>, vector<2000x128xf32>
    %get3A_2 = arith.constant 0 : index
    %get3A_3 = arith.constant 0 : index
    %get3A_4 = arith.constant 0 : index
    %get3A_5 = vector.load %arg1[%get3A_2, %get3A_3, %get3A_4] : memref<1x2000x128xf32, #tpu.memory_space<vmem>>, vector<1x2000x128xf32>
    %get3A_6 = vector.shape_cast %get3A_5 : vector<1x2000x128xf32> to vector<2000x128xf32>
    %get3A_7 = arith.constant 0 : index
    %get3A_8 = arith.constant 0 : index
    %get3A_9 = arith.constant 0 : index
    %get3A_10 = vector.load %arg2[%get3A_7, %get3A_8, %get3A_9] : memref<1x2000x128xf32, #tpu.memory_space<vmem>>, vector<1x2000x128xf32>
    %get3A_11 = vector.shape_cast %get3A_10 : vector<1x2000x128xf32> to vector<2000x128xf32>
    %add3A = arith.addf %get3A_6, %get3A_11 : vector<2000x128xf32>
    %get3A_12 = arith.constant 0 : index
    %get3A_13 = arith.constant 0 : index
    %get3A_14 = vector.load %arg3[%get3A_12, %get3A_13] : memref<2000x128xf32, #tpu.memory_space<vmem>>, vector<2000x128xf32>
    %add3A_15 = arith.addf %add3A, %get3A_14 : vector<2000x128xf32>
    %mul3A = arith.mulf %get3A_1, %add3A_15 : vector<2000x128xf32>
    %get3A_16 = arith.constant 0 : index
    %get3A_17 = arith.constant 0 : index
    %get3A_18 = vector.load %arg5[%get3A_16, %get3A_17] : memref<1x128xf32, #tpu.memory_space<vmem>>, vector<1x128xf32>
    %add3A_19 = vector.broadcast %get3A_18 : vector<1x128xf32> to vector<2000x128xf32>
    %add3A_20 = arith.addf %mul3A, %add3A_19 : vector<2000x128xf32>
    %tanh3A = math.tanh %add3A_20 : vector<2000x128xf32>
    %get3A_21 = arith.constant 0 : index
    %get3A_22 = arith.constant 0 : index
    %get3A_23 = vector.load %arg6[%get3A_21, %get3A_22] : memref<128x128xf32, #tpu.memory_space<vmem>>, vector<128x128xf32>
    %dot_general3A = arith.constant dense<0.000000e+00> : vector<2000x128xf32>
    %dot_general3A_24 = tpu.matmul %tanh3A, %get3A_23, %dot_general3A {dimension_numbers = #tpu.dot_dimension_numbers<[1], [0], [0], [1], [0, 0, 1, 1], [], []>, transpose_lhs_hint = false} : vector<2000x128xf32>, vector<128x128xf32>, vector<2000x128xf32> -> vector<2000x128xf32>
    %mul3A_25 = arith.mulf %get3A_1, %dot_general3A_24 : vector<2000x128xf32>
    %swap3A = arith.constant 0 : index
    %swap3A_26 = arith.constant 0 : index
    %swap3A_27 = vector.load %arg7[%swap3A, %swap3A_26] : memref<2000x128xf32, #tpu.memory_space<vmem>>, vector<2000x128xf32>
    tpu.vector_store %arg7[%swap3A, %swap3A_26], %mul3A_25 {strides = array<i32>} : memref<2000x128xf32, #tpu.memory_space<vmem>>, vector<2000x128xf32>,
    return
  }
  func.func @transform_0(%arg0: i32) -> (i32, i32, i32) {
    %c0_i32 = arith.constant 0 : i32
    %c0_i32_0 = arith.constant 0 : i32
    %c0_i32_1 = arith.constant 0 : i32
    return %c0_i32, %arg0, %c0_i32_0 : i32, i32, i32
  }
  func.func @transform_1(%arg0: i32) -> (i32, i32, i32) {
    %c1_i32 = arith.constant 1 : i32
    %c0_i32 = arith.constant 0 : i32
    %c0_i32_0 = arith.constant 0 : i32
    return %c1_i32, %arg0, %c0_i32 : i32, i32, i32
  }
  func.func @transform_2(%arg0: i32) -> (i32, i32) {
    %c0_i32 = arith.constant 0 : i32
    %c0_i32_0 = arith.constant 0 : i32
    return %arg0, %c0_i32 : i32, i32
  }
  func.func @transform_3(%arg0: i32) -> (i32, i32) {
    %c0_i32 = arith.constant 0 : i32
    %c0_i32_0 = arith.constant 0 : i32
    return %arg0, %c0_i32 : i32, i32
  }
  func.func @transform_4(%arg0: i32) -> (i32, i32) {
    %c0_i32 = arith.constant 0 : i32
    %c0_i32_0 = arith.constant 0 : i32
    %c0_i32_1 = arith.constant 0 : i32
    return %c0_i32, %c0_i32_0 : i32, i32
  }
  func.func @transform_5(%arg0: i32) -> (i32, i32) {
    %c0_i32 = arith.constant 0 : i32
    %c0_i32_0 = arith.constant 0 : i32
    %c0_i32_1 = arith.constant 0 : i32
    return %c0_i32, %c0_i32_0 : i32, i32
  }
  func.func @transform_6(%arg0: i32) -> (i32, i32) {
    %c0_i32 = arith.constant 0 : i32
    %c0_i32_0 = arith.constant 0 : i32
    return %arg0, %c0_i32 : i32, i32
  }
}

module attributes {stable_mosaic.version = 14 : i64} {
  func.func @_tc_final_body(%arg0: i32, %arg1: memref<1x2000x128xf32, #tpu.memory_space<vmem>>, %arg2: memref<1x2000x128xf32, #tpu.memory_space<vmem>>, %arg3: memref<2000x128xf32, #tpu.memory_space<vmem>>, %arg4: memref<2000x128xf32, #tpu.memory_space<vmem>>, %arg5: memref<1x128xf32, #tpu.memory_space<vmem>>, %arg6: memref<128x128xf32, #tpu.memory_space<vmem>>, %arg7: memref<1x128xf32, #tpu.memory_space<vmem>>, %arg8: memref<2000x128xi32, #tpu.memory_space<vmem>>, %arg9: memref<128x128xf32, #tpu.memory_space<vmem>>) attributes {dimension_semantics = [#tpu.dimension_semantics<arbitrary>], iteration_bounds = array<i64: 5>, scalar_prefetch = 0 : i64, scratch_operands = 0 : i64, tpu.core_type = #tpu.core_type<tc>, window_params = [{transform_indices = @transform_0, window_bounds = array<i64: 1, 2000, 128>}, {transform_indices = @transform_1, window_bounds = array<i64: 1, 2000, 128>}, {transform_indices = @transform_2, window_bounds = array<i64: 2000, 128>}, {transform_indices = @transform_3, window_bounds = array<i64: 2000, 128>}, {pipeline_mode = #tpu.pipeline_mode<synchronous>, transform_indices = @transform_4, window_bounds = array<i64: 1, 128>}, {pipeline_mode = #tpu.pipeline_mode<synchronous>, transform_indices = @transform_5, window_bounds = array<i64: 128, 128>}, {pipeline_mode = #tpu.pipeline_mode<synchronous>, transform_indices = @transform_6, window_bounds = array<i64: 1, 128>}, {transform_indices = @transform_7, window_bounds = array<i64: 2000, 128>}, {pipeline_mode = #tpu.pipeline_mode<synchronous>, transform_indices = @transform_8, window_bounds = array<i64: 128, 128>}]} {
    %get3A = arith.constant 0 : index
    %get3A_0 = arith.constant 0 : index
    %get3A_1 = vector.load %arg4[%get3A, %get3A_0] : memref<2000x128xf32, #tpu.memory_space<vmem>>, vector<2000x128xf32>
    %get3A_2 = arith.constant 0 : index
    %get3A_3 = arith.constant 0 : index
    %get3A_4 = arith.constant 0 : index
    %get3A_5 = vector.load %arg1[%get3A_2, %get3A_3, %get3A_4] : memref<1x2000x128xf32, #tpu.memory_space<vmem>>, vector<1x2000x128xf32>
    %get3A_6 = vector.shape_cast %get3A_5 : vector<1x2000x128xf32> to vector<2000x128xf32>
    %get3A_7 = arith.constant 0 : index
    %get3A_8 = arith.constant 0 : index
    %get3A_9 = arith.constant 0 : index
    %get3A_10 = vector.load %arg2[%get3A_7, %get3A_8, %get3A_9] : memref<1x2000x128xf32, #tpu.memory_space<vmem>>, vector<1x2000x128xf32>
    %get3A_11 = vector.shape_cast %get3A_10 : vector<1x2000x128xf32> to vector<2000x128xf32>
    %add3A = arith.addf %get3A_6, %get3A_11 : vector<2000x128xf32>
    %get3A_12 = arith.constant 0 : index
    %get3A_13 = arith.constant 0 : index
    %get3A_14 = vector.load %arg3[%get3A_12, %get3A_13] : memref<2000x128xf32, #tpu.memory_space<vmem>>, vector<2000x128xf32>
    %add3A_15 = arith.addf %add3A, %get3A_14 : vector<2000x128xf32>
    %mul3A = arith.mulf %get3A_1, %add3A_15 : vector<2000x128xf32>
    %get3A_16 = arith.constant 0 : index
    %get3A_17 = arith.constant 0 : index
    %get3A_18 = vector.load %arg5[%get3A_16, %get3A_17] : memref<1x128xf32, #tpu.memory_space<vmem>>, vector<1x128xf32>
    %add3A_19 = vector.broadcast %get3A_18 : vector<1x128xf32> to vector<2000x128xf32>
    %add3A_20 = arith.addf %mul3A, %add3A_19 : vector<2000x128xf32>
    %tanh3A = math.tanh %add3A_20 : vector<2000x128xf32>
    %get3A_21 = arith.constant 0 : index
    %get3A_22 = arith.constant 0 : index
    %get3A_23 = vector.load %arg6[%get3A_21, %get3A_22] : memref<128x128xf32, #tpu.memory_space<vmem>>, vector<128x128xf32>
    %dot_general3A = arith.constant dense<0.000000e+00> : vector<2000x128xf32>
    %dot_general3A_24 = tpu.matmul %tanh3A, %get3A_23, %dot_general3A {dimension_numbers = #tpu.dot_dimension_numbers<[1], [0], [0], [1], [0, 0, 1, 1], [], []>, transpose_lhs_hint = false} : vector<2000x128xf32>, vector<128x128xf32>, vector<2000x128xf32> -> vector<2000x128xf32>
    %get3A_25 = arith.constant 0 : index
    %get3A_26 = arith.constant 0 : index
    %get3A_27 = vector.load %arg7[%get3A_25, %get3A_26] : memref<1x128xf32, #tpu.memory_space<vmem>>, vector<1x128xf32>
    %add3A_28 = vector.broadcast %get3A_27 : vector<1x128xf32> to vector<2000x128xf32>
    %add3A_29 = arith.addf %dot_general3A_24, %add3A_28 : vector<2000x128xf32>
    %tanh3A_30 = math.tanh %add3A_29 : vector<2000x128xf32>
    %iota3A = tpu.iota {dimensions = array<i32: 1>} : vector<2000x128xi32>
    %eq3A = arith.constant 6 : i32
    %eq3A_31 = vector.broadcast %eq3A : i32 to vector<2000x128xi32>
    %eq3A_32 = arith.cmpi eq, %iota3A, %eq3A_31 : vector<2000x128xi32>
    %jit3A = arith.constant 1.000000e+00 : f32
    %broadcast_in_dim3A = vector.broadcast %jit3A : f32 to vector<2000x128xf32>
    %select_n3A = arith.select %eq3A_32, %broadcast_in_dim3A, %tanh3A_30 : vector<2000x128xi1>, vector<2000x128xf32>
    %get3A_33 = arith.constant 0 : index
    %get3A_34 = arith.constant 0 : index
    %get3A_35 = vector.load %arg8[%get3A_33, %get3A_34] : memref<2000x128xi32, #tpu.memory_space<vmem>>, vector<2000x128xi32>
    %eq3A_36 = arith.cmpi eq, %get3A_35, %iota3A : vector<2000x128xi32>
    %convert_element_type3A = arith.extui %eq3A_36 : vector<2000x128xi1> to vector<2000x128xi32>
    %convert_element_type3A_37 = arith.sitofp %convert_element_type3A : vector<2000x128xi32> to vector<2000x128xf32>
    %dot_general3A_38 = arith.constant dense<0.000000e+00> : vector<128x128xf32>
    %dot_general3A_39 = tpu.matmul %convert_element_type3A_37, %select_n3A, %dot_general3A_38 {dimension_numbers = #tpu.dot_dimension_numbers<[0], [0], [1], [1], [0, 1, 1, 1], [], []>, transpose_lhs_hint = false} : vector<2000x128xf32>, vector<2000x128xf32>, vector<128x128xf32> -> vector<128x128xf32>
    %eq3A_40 = arith.constant 0 : i32
    %eq3A_41 = arith.cmpi eq, %arg0, %eq3A_40 : i32
    %convert_element_type3A_42 = arith.extui %eq3A_41 : i1 to i32
    %cond3A = arith.constant 0 : i32
    %cond3A_43 = arith.cmpi ne, %convert_element_type3A_42, %cond3A : i32
    scf.if %cond3A_43 {
      %swap3A = arith.constant 0 : index
      %swap3A_48 = arith.constant 0 : index
      %swap3A_49 = vector.load %arg9[%swap3A, %swap3A_48] : memref<128x128xf32, #tpu.memory_space<vmem>>, vector<128x128xf32>
      tpu.vector_store %arg9[%swap3A, %swap3A_48], %dot_general3A_39 {strides = array<i32>} : memref<128x128xf32, #tpu.memory_space<vmem>>, vector<128x128xf32>,
    } else {
    }
    %gt3A = arith.constant 0 : i32
    %gt3A_44 = arith.cmpi sgt, %arg0, %gt3A : i32
    %convert_element_type3A_45 = arith.extui %gt3A_44 : i1 to i32
    %cond3A_46 = arith.constant 0 : i32
    %cond3A_47 = arith.cmpi ne, %convert_element_type3A_45, %cond3A_46 : i32
    scf.if %cond3A_47 {
      %get3A_48 = arith.constant 0 : index
      %get3A_49 = arith.constant 0 : index
      %get3A_50 = vector.load %arg9[%get3A_48, %get3A_49] : memref<128x128xf32, #tpu.memory_space<vmem>>, vector<128x128xf32>
      %add3A_51 = arith.addf %get3A_50, %dot_general3A_39 : vector<128x128xf32>
      %swap3A = arith.constant 0 : index
      %swap3A_52 = arith.constant 0 : index
      %swap3A_53 = vector.load %arg9[%swap3A, %swap3A_52] : memref<128x128xf32, #tpu.memory_space<vmem>>, vector<128x128xf32>
      tpu.vector_store %arg9[%swap3A, %swap3A_52], %add3A_51 {strides = array<i32>} : memref<128x128xf32, #tpu.memory_space<vmem>>, vector<128x128xf32>,
    } else {
    }
    return
  }
  func.func @transform_0(%arg0: i32) -> (i32, i32, i32) {
    %c0_i32 = arith.constant 0 : i32
    %c0_i32_0 = arith.constant 0 : i32
    %c0_i32_1 = arith.constant 0 : i32
    return %c0_i32, %arg0, %c0_i32_0 : i32, i32, i32
  }
  func.func @transform_1(%arg0: i32) -> (i32, i32, i32) {
    %c1_i32 = arith.constant 1 : i32
    %c0_i32 = arith.constant 0 : i32
    %c0_i32_0 = arith.constant 0 : i32
    return %c1_i32, %arg0, %c0_i32 : i32, i32, i32
  }
  func.func @transform_2(%arg0: i32) -> (i32, i32) {
    %c0_i32 = arith.constant 0 : i32
    %c0_i32_0 = arith.constant 0 : i32
    return %arg0, %c0_i32 : i32, i32
  }
  func.func @transform_3(%arg0: i32) -> (i32, i32) {
    %c0_i32 = arith.constant 0 : i32
    %c0_i32_0 = arith.constant 0 : i32
    return %arg0, %c0_i32 : i32, i32
  }
  func.func @transform_4(%arg0: i32) -> (i32, i32) {
    %c0_i32 = arith.constant 0 : i32
    %c0_i32_0 = arith.constant 0 : i32
    %c0_i32_1 = arith.constant 0 : i32
    return %c0_i32, %c0_i32_0 : i32, i32
  }
  func.func @transform_5(%arg0: i32) -> (i32, i32) {
    %c0_i32 = arith.constant 0 : i32
    %c0_i32_0 = arith.constant 0 : i32
    %c0_i32_1 = arith.constant 0 : i32
    return %c0_i32, %c0_i32_0 : i32, i32
  }
  func.func @transform_6(%arg0: i32) -> (i32, i32) {
    %c0_i32 = arith.constant 0 : i32
    %c0_i32_0 = arith.constant 0 : i32
    %c0_i32_1 = arith.constant 0 : i32
    return %c0_i32, %c0_i32_0 : i32, i32
  }
  func.func @transform_7(%arg0: i32) -> (i32, i32) {
    %c0_i32 = arith.constant 0 : i32
    %c0_i32_0 = arith.constant 0 : i32
    return %arg0, %c0_i32 : i32, i32
  }
  func.func @transform_8(%arg0: i32) -> (i32, i32) {
    %c0_i32 = arith.constant 0 : i32
    %c0_i32_0 = arith.constant 0 : i32
    %c0_i32_1 = arith.constant 0 : i32
    return %c0_i32, %c0_i32_0 : i32, i32
  }
}

</mosaic_0001>

<sc_bundles>
// kernel: kernel.10.cloned.1.call-start
scs
__scs_entry_jumppad:
0x0: {  	(pc) =	sbr.rel $0x88, $3  }
0x1: {  	(tag) =	ssettag $0x0;
	lr =	simm.s32 $0x1  }
0x2: {  	[smem:$0x3F96] =	sst lr;
	_ =	strace $0xD0000000  }
0x3: {  	_ = 	snop  }
0x4: {  	_ = 	snop  }
0x5: {  	_ = 	snop  }
0x6: {  	_ = 	snop  }
0x7: {  	_ = 	snop  }
__scs_overlays_trampoline_lowered:
0x8: {  	[smem:$0x3FA5] =	sst s0  }
0x9: {  	[smem:$0x3FA6] =	sst s1  }
0xa: {  	[smem:$0x3FA7] =	sst s2  }
0xb: {  	[smem:$0x3FA8] =	sst s3  }
0xc: {  	[smem:$0x3FA9] =	sst s4  }
0xd: {  	[smem:$0x3FAA] =	sst s5  }
0xe: {  	[smem:$0x3FAB] =	sst s6  }
0xf: {  	[smem:$0x3FAC] =	sst s7  }
0x10: {  	[smem:$0x3FAD] =	sst s8  }
0x11: {  	[smem:$0x3FAE] =	sst s9;
	s0 =	simm.s32 @!p0 $0x0  }
0x12: {  	s1 =	sld [smem:$0x3F94];
	s0 =	simm.s32 @p0 $0x1  }
0x13: {  	[smem:$0x3FAF] =	sst s0;
	s0 =	simm.s32 @!p1 $0x0  }
0x14: {  	s2 =	sld [smem:$0x3F93];
	s0 =	simm.s32 @p1 $0x1  }
0x15: {  	[smem:$0x3FB0] =	sst s0;
	s0 =	simm.s32 @!p2 $0x0  }
0x16: {  	s3 =	sld [smem:$0x3FDB];
	s0 =	simm.s32 @p2 $0x1  }
0x17: {  	s4 =	simm.s32 $0x1BF5;
	[smem:$0x3FB2] =	sst s0  }
0x18: {  	s0 =	sld [smem:$0x3F95];
	_ =	swait.ge [sflag:s4], $0x0  }
0x19: {  	s7 =	sld [smem:$0x3F96]  }
0x1a: {  	s8 =	sadd.s32 $0xFFFFE003, lr  }
0x1b: {  	s9 =	sadd.s32 $0xFFFFFEF7, lr;
	s5 =	simm.s32 $0xFFFFFFFF;
	p2 =	slt.u32 s8, $0xFFFFF086  }
0x1c: {  	p1 =	slt.u32 s9, $0xF7A;
	s5 =	simm.s32 @!p2 $0x0  }
0x1d: {  	s5 =	simm.s32 @p1 $0x1;
	p0 =	seq.s32 s7, s2  }
0x1e: {  	s7 =	smul.u32 @!p0 $0xF7A, s2;
	p2 =	seq.s32 @!p0 s5, $0x0  }
0x1f: {  	s9 =	smul.u32 $0xF7A, s1;
	s8 =	simm.s32 @!p0 $0x1BF5;
	p2 =	por !p2, p0  }
0x20: {  	[sflag:s8] =	ssyncset.s32 @!p0 $0xFFFFF086;
	s6 =	sadd.s32 @!p0 s3, s7;
	s7 =	simm.s32 @!p0 $0x108  }
0x21: {  	s3 =	sadd.s32 s3, s9;
	s6 =	sadd.s32 @!p0 $0x88, s6;
	s7 =	simm.s32 @p2 $0x1082  }
0x22: {  	[simem:s7], [sflag:s8] =	dma.local @!p0 [hbm:s6], $0xF7A  }
0x23: {  	s9 =	sor.u32 $0xD0000000, s2;
	s6 =	simm.s32 $0x108;
	_ =	swait.ge @!p0 [sflag:s8], $0x0  }
0x24: {  	s3 =	sadd.s32 $0x88, s3;
	s6 =	simm.s32 @!p1 $0x1082;
	[sflag:s4] =	ssyncset.s32 $0xFFFFF086  }
0x25: {  	[simem:s6], [sflag:s4] =	dma.local [hbm:s3], $0xF7A  }
0x26: {  	[smem:$0x3F96] =	sst s1;
	(tag) =	ssettag s2;
	_ =	strace s9  }
0x27: {  	s1 =	sld [smem:$0x3FA6]  }
0x28: {  	s2 =	sld [smem:$0x3FA7]  }
0x29: {  	s4 =	sld [smem:$0x3FA9]  }
0x2a: {  	p0 =	seq.s32 s5, $0x0;
	s5 =	sld [smem:$0x3FAA]  }
0x2b: {  	s6 =	sld [smem:$0x3FAB]  }
0x2c: {  	s7 =	sld [smem:$0x3FAC]  }
0x2d: {  	s3 =	simm.s32 $0x108;
	s8 =	sld [smem:$0x3FAD]  }
0x2e: {  	s3 =	simm.s32 @!p0 $0x1082;
	s9 =	sld [smem:$0x3FAE]  }
0x2f: {  	lr =	sadd.s32 s0, s3;
	s0 =	sld [smem:$0x3FA5]  }
0x30: {  	s3 =	sld [smem:$0x3FA8]  }
0x31: {  	[smem:$0x3FB1] =	sst s10  }
0x32: {  	s10 =	sld [smem:$0x3FAF];
	_ =	sdelay $0x3  }
0x33: {  	p0 =	seq.s32 s10, $0x1;
	s10 =	sld [smem:$0x3FB1];
	_ =	sdelay $0x3  }
0x34: {  	[smem:$0x3FB1] =	sst s10  }
0x35: {  	s10 =	sld [smem:$0x3FB0];
	_ =	sdelay $0x3  }
0x36: {  	p1 =	seq.s32 s10, $0x1;
	s10 =	sld [smem:$0x3FB1];
	_ =	sdelay $0x3  }
0x37: {  	[smem:$0x3FB1] =	sst s10  }
0x38: {  	s10 =	sld [smem:$0x3FB2]  }
0x39: {  	_ = 	snop;
	(pc) =	sbr.ind lr, $3  }
0x3a: {  	_ = 	snop  }
0x3b: {  	_ = 	snop  }
0x3c: {  	p2 =	seq.s32 s10, $0x1;
	s10 =	sld [smem:$0x3FB1]  }
0x3d: {  	_ =	shalt  }
0x3e: {  	_ =	shalt  }
0x3f: {  	_ =	shalt  }
0x40: {  	_ =	shalt  }
0x41: {  	_ =	shalt  }
0x42: {  	_ =	shalt  }
0x43: {  	_ =	shalt  }
0x44: {  	_ =	shalt  }
0x45: {  	_ =	shalt  }
0x46: {  	_ =	shalt  }
0x47: {  	_ =	shalt  }
0x48: {  	_ =	shalt  }
0x49: {  	_ =	shalt  }
0x4a: {  	_ =	shalt  }
0x4b: {  	_ =	shalt  }
0x4c: {  	_ =	shalt  }
0x4d: {  	_ =	shalt  }
0x4e: {  	_ =	shalt  }
0x4f: {  	_ =	shalt  }
0x50: {  	_ =	shalt  }
0x51: {  	_ =	shalt  }
0x52: {  	_ =	shalt  }
0x53: {  	_ =	shalt  }
0x54: {  	_ =	shalt  }
0x55: {  	_ =	shalt  }
0x56: {  	_ =	shalt  }
0x57: {  	_ =	shalt  }
0x58: {  	_ =	shalt  }
0x59: {  	_ =	shalt  }
0x5a: {  	_ =	shalt  }
0x5b: {  	_ =	shalt  }
0x5c: {  	_ =	shalt  }
0x5d: {  	_ =	shalt  }
0x5e: {  	_ =	shalt  }
0x5f: {  	_ =	shalt  }
0x60: {  	_ =	shalt  }
0x61: {  	_ =	shalt  }
0x62: {  	_ =	shalt  }
0x63: {  	_ =	shalt  }
0x64: {  	_ =	shalt  }
0x65: {  	_ =	shalt  }
0x66: {  	_ =	shalt  }
0x67: {  	_ =	shalt  }
0x68: {  	_ =	shalt  }
0x69: {  	_ =	shalt  }
0x6a: {  	_ =	shalt  }
0x6b: {  	_ =	shalt  }
0x6c: {  	_ =	shalt  }
0x6d: {  	_ =	shalt  }
0x6e: {  	_ =	shalt  }
0x6f: {  	_ =	shalt  }
0x70: {  	_ =	shalt  }
0x71: {  	_ =	shalt  }
0x72: {  	_ =	shalt  }
0x73: {  	_ =	shalt  }
0x74: {  	_ =	shalt  }
0x75: {  	_ =	shalt  }
0x76: {  	_ =	shalt  }
0x77: {  	_ =	shalt  }
0x78: {  	_ =	shalt  }
0x79: {  	_ =	shalt  }
0x7a: {  	_ =	shalt  }
0x7b: {  	_ =	shalt  }
0x7c: {  	_ =	shalt  }
0x7d: {  	_ =	shalt  }
0x7e: {  	_ =	shalt  }
0x7f: {  	_ =	shalt  }
0x80: {  	_ =	shalt  }
0x81: {  	_ =	shalt  }
0x82: {  	_ =	shalt  }
0x83: {  	_ =	shalt  }
0x84: {  	_ =	shalt  }
0x85: {  	_ =	shalt  }
0x86: {  	_ =	shalt  }
0x87: {  	_ =	shalt  }
.Lfunc_end0:
.L_simem_size_0:
called_computation_lowered:
.L_overlay_start_0:
0x88: {  	s2 =	sld [smem:$0x3FD9]  }
0x89: {  	s3 =	sld [smem:$0x3FFE];
	_ =	sdelay $0x1  }
0x8a: {  	s1 =	srdreg.scid  }
0x8b: {  	s0 =	sand.u32 $0x1, s1  }
0x8c: {  	s16 =	sshll.u32 s0, $0xA;
	s2 =	sadd.s32 s3, s2  }
0x8d: {  	s2 =	sadd.s32 s2, s16  }
0x8e: {  	[smem:$0x3FBD] =	sst s2  }
0x8f: {  	_ = 	snop  }
0x90: {  	(tm) =	ssettm $0x1  }
0x91: {  	s17 =	sld [smem:$0x3FFB];
	_ =	sdelay $0x3  }
0x92: {  	_ =	strace s17  }
0x93: {  	s2 =	sld [smem:$0x3FFC];
	_ =	sdelay $0x3  }
0x94: {  	_ =	strace s2  }
0x95: {  	s2 =	sld [smem:$0x3FFD];
	_ =	sdelay $0x3  }
0x96: {  	_ =	strace s2  }
0x97: {  	_ =	strace $0x8FFFFFFF  }
0x98: {  	s18 =	sld [smem:$0x3FDB];
	_ =	sdelay $0x1  }
0x99: {  	s19 =	simm.s32 $_scs_section_size  }
0x9a: {  	s4 =	simm.s32 $_size__tile_overlayer_lowered;
	s5 =	simm.s32 $_tile_overlayer_lowered  }
0x9b: {  	s22 =	simm.s32 $0x1BFF;
	s21 =	sshll.u32 s5, $0x1;
	s2 =	sadd.s32 s19, s18  }
0x9c: {  	s6 =	simm.s32 $0x0;
	s20 =	sshll.u32 s4, $0x1;
	s4 =	sadd.s32 s21, s2  }
0x9d: {  	[timem:s6], [sflag:s22] =	dma.local [hbm:s4], s20  }
0x9e: {  	_ =	swait.ge [sflag:s22], s20  }
0x9f: {  	s3 =	ssub.s32 $0x0, s20;
	[sflag:s22] =	ssyncset.done $0x0  }
0xa0: {  	[sflag:s22] =	ssyncadd.s32 s3;
	_ =	sdelay $0x1  }
0xa1: {  	s23 =	simm.s32 $0x1B8B  }
0xa2: {  	_ =	swait.ge [sflag:s23], $0x1  }
0xa3: {  	[sflag:s23] =	ssyncset.done $0x0  }
0xa4: {  	s25 =	simm.s32 $0x1B8E;
	s24 =	sld [smem:$0x3FFE];
	[sflag:s23] =	ssyncadd.s32 $0xFFFFFFFF  }
0xa5: {  	s26 =	simm.s32 $execute0_lowered;
	[smem:$0x3FD2] =	sst s25  }
0xa6: {  	s4 =	sshll.u32 s26, $0x1;
	_ =	strace $0x80000046;
	[dreg:$0x1] =	wrdreg $0xFFFFFFFF  }
0xa7: {  	s28 =	simm.s32 $_size_execute0_lowered;
	s2 =	sadd.s32 s2, s4;
	[dreg:$0x0] =	wrdreg $0x0  }
0xa8: {  	s4 =	sshll.u32 s28, $0x1;
	[dreg:$0x2] =	wrdreg s2  }
0xa9: {  	[dreg:$0x3] =	wrdreg s4  }
0xaa: {  	[dreg:$0x4] =	wrdreg $0xC0  }
0xab: {  	_ =	task [dreg:s6], $0x5FFFF  }
0xac: {  	[dreg:$0x1] =	wrdreg $0xFFFFFFFF  }
0xad: {  	[dreg:$0x0] =	wrdreg $0x60  }
0xae: {  	[dreg:$0x2] =	wrdreg s24  }
0xaf: {  	[dreg:$0x3] =	wrdreg $0x7000  }
0xb0: {  	[dreg:$0x4] =	wrdreg $0x9  }
0xb1: {  	_ =	task.clear_ibuf [dreg:s6], $0x5FFFF;
	_ =	strace $0x90000046  }
0xb2: {  	s29 =	simm.s32 $0x9;
	_ =	strace $0x80000048  }
0xb3: {  	_ =	swait.ge [sflag:s29], $0x1  }
0xb4: {  	[sflag:s29] =	ssyncadd.s32 $0xFFFFFFFF  }
0xb5: {  	_ =	strace $0x90000048  }
0xb6: {  	_ =	sfence  }
0xb7: {  	s30 =	sld [smem:$0x0];
	_ =	sdelay $0x2  }
0xb8: {  	s31 =	sshll.u32 s1, $0xD;
	s1 =	sshrl.u32 s1, $0x2  }
0xb9: {  	s3 =	sand.u32 $0x4000, s31;
	s1 =	sadd.s32 s1, s30  }
0xba: {  	s0 =	sor.u32 s3, s0;
	s1 =	sshll.u32 s1, $0x11  }
0xbb: {  	s0 =	sor.u32 s1, s0  }
0xbc: {  	s0 =	sadd.s32 $0x8F2B, s0  }
0xbd: {  	[sflag:s0] =	ssyncadd.remote.s32 $0x1  }
0xbe: {  	_ =	sfence.sel $0xFFFF  }
0xbf: {  	[dreg:$0x0] =	wrdreg $0xFFFFFFFF;
	(pc) =	sbr.abs _section_cstart, $3  }
0xc0: {  	[dreg:$0x1] =	wrdreg $0xFFFFFFFF  }
0xc1: {  	_ =	task.clear_ibuf [dreg:s6], $0x2FFFF;
	_ =	strace $0x9FFFFFFF  }
0xc2: {  	(tm) =	ssettm $0x7FFFFFFF  }
0xc3: {  	_ =	shalt  }
tec
execute0_lowered:
.L_overlay_start_1:
0x0: {  	(tag) =	ssettag $0x1  }
0x1: {  	s1 =	srdreg.scid;
	s0 =	stileid.u32  }
0x2: {  	s7 =	sand.u32 $0x1, s1;
	s30 =	sshll.u32 s0, $0x1  }
0x3: {  	s1 =	sor.u32 s7, s30  }
0x4: {  	s2 =	smul.u32 $0x9C4, s1  }
0x5: {  	s8 =	rddreg [dreg:$0x0];
	s14 =	simm.s32 $0x80  }
0x6: {  	s15 =	simm.s32 $0x400;
	s16 =	simm.s32 $0x2;
	s3 =	sadd.s32 $0x9C4, s2  }
0x7: {  	s17 =	simm.s32 $0x0;
	s9 =	smul.u32 $0x280, s0;
	s3 =	sshrl.u32 s3, $0x5  }
0x8: {  	p0 =	seq.s32 s1, $0x1F;
	s2 =	sshrl.u32 s2, $0x8;
	s4 =	sand.u32 $0x1FF8, s3  }
0x9: {  	s10 =	smul.u32 $0x2800, s7;
	s5 =	sshll.u32 s2, $0x3;
	s4 =	simm.s32 @p0 $0x9C4  }
0xa: {  	s6 =	sadd.s32 $0x2800, s8;
	s7 =	ssub.s32 $0x2, s7;
	s5 =	ssub.s32 s4, s5  }
0xb: {  	s1 =	rddreg [dreg:$0x2];
	s10 =	sadd.s32 s9, s10;
	s5 =	sshra.s32 s5, $0x1  }
0xc: {  	s31 =	sshrl.u32 s7, $0x1;
	s10 =	sshrl.u32 s10, $0x3;
	s11 =	sadd.s32 $0x3, s5  }
0xd: {  	s13 =	ssub.s32 s7, s31;
	s10 =	sadd.s32 s10, s8;
	s12 =	sshll.u32 s11, $0x10  }
0xe: {  	s8 =	simm.s32 $0x1;
	s3 =	rddreg [dreg:$0x1];
	s12 =	sshra.s32 s12, $0x1F  }
0xf: {  	s10 =	sadd.s32 $0xC600, s10;
	s7 =	sadd.s32 s9, s3;
	s12 =	sand.u32 $0x3, s12  }
.Ltmp0:
0x10: {  	s4 =	simm.s32 $0x0;
	s11 =	sadd.s32 s12, s11;
	(pc) =	sbr.rel .LBB2_1-.Ltmp0, $4  }
0x11: {  	p0 =	slt.s32 s5, $0xFFFFFFFE;
	s12 =	simm.s32 $0x1;
	s11 =	sshll.u32 s11, $0x10  }
0x12: {  	[smem:$0x7FF] =	sst s4;
	s12 =	simm.s32 @!p0 $0x0;
	s11 =	sshra.s32 s11, $0x12  }
0x13: {  	_ =	strace $0x80000047;
	s9 =	ssub.s32 s11, s12;
	s11 =	smax.u32 s13, $0x1  }
0x14: {  	v0 =	vimm.f32 $1.000000000e+00;
	v1 =	vimm.f32 $0.0e+00;
	s12 =	simm.s32 $0x480;
	s13 =	simm.s32 $0x3;
	p0 =	slt.s32 s9, $0x1  }
.LBB2_8:
0x15: {  	s17 =	sadd.s32 $0x1, s17  }
0x16: {  	s18 =	sshll.u32 s0, $0x6;
	[bflag:$0x0] =	sbarrier.arrive $0xFFFF;
	p1 =	sne.s32 s17, s11  }
.Ltmp1:
0x17: {  	s19 =	sshrl.u32 s7, $0x3;
	s18 =	sor.u32 $0x1C03, s18;
	(pc) =	sbr.rel @!p1 .LBB2_9-.Ltmp1, $4  }
0x18: {  	[hbm:s10], [sflag:s18] =	dma.local [spmem:s19], $0x50  }
0x19: {  	_ =	swait.ge [sflag:s13], $0x50  }
0x1a: {  	[sflag:s13] =	ssyncset.done $0x0  }
0x1b: {  	[sflag:s13] =	ssyncadd.s32 $0xFFFFFFB0  }
.LBB2_1:
0x1c: {  	[tilespmem:$0x400] =	vst v0  }
0x1d: {  	[tilespmem:$0x410] =	vst v0  }
0x1e: {  	[tilespmem:$0x420] =	vst v0  }
0x1f: {  	[tilespmem:$0x430] =	vst v0  }
0x20: {  	[tilespmem:$0x440] =	vst v0  }
0x21: {  	[tilespmem:$0x450] =	vst v0  }
0x22: {  	[tilespmem:$0x460] =	vst v0  }
0x23: {  	[tilespmem:$0x470] =	vst v0  }
0x24: {  	[tilespmem:$0x480] =	vst v1  }
0x25: {  	[tilespmem:$0x490] =	vst v1  }
0x26: {  	[tilespmem:$0x4A0] =	vst v1  }
0x27: {  	[tilespmem:$0x4B0] =	vst v1  }
0x28: {  	[tilespmem:$0x4C0] =	vst v1  }
0x29: {  	[tilespmem:$0x4D0] =	vst v1  }
0x2a: {  	[tilespmem:$0x4E0] =	vst v1  }
0x2b: {  	[tilespmem:$0x4F0] =	vst v1  }
0x2c: {  	[tilespmem:$0x500] =	vst v1  }
0x2d: {  	[tilespmem:$0x510] =	vst v1  }
0x2e: {  	[tilespmem:$0x520] =	vst v1  }
0x2f: {  	[tilespmem:$0x530] =	vst v1  }
0x30: {  	[tilespmem:$0x540] =	vst v1  }
0x31: {  	[tilespmem:$0x550] =	vst v1  }
0x32: {  	[tilespmem:$0x560] =	vst v1  }
0x33: {  	[tilespmem:$0x570] =	vst v1  }
0x34: {  	[tilespmem:$0x580] =	vst v1  }
0x35: {  	[tilespmem:$0x590] =	vst v1  }
0x36: {  	[tilespmem:$0x5A0] =	vst v1  }
0x37: {  	[tilespmem:$0x5B0] =	vst v1  }
0x38: {  	[tilespmem:$0x5C0] =	vst v1  }
0x39: {  	[tilespmem:$0x5D0] =	vst v1  }
0x3a: {  	[tilespmem:$0x5E0] =	vst v1  }
0x3b: {  	[tilespmem:$0x5F0] =	vst v1  }
0x3c: {  	[tilespmem:$0x600] =	vst v1  }
0x3d: {  	[tilespmem:$0x610] =	vst v1  }
0x3e: {  	[tilespmem:$0x620] =	vst v1  }
0x3f: {  	[tilespmem:$0x630] =	vst v1  }
0x40: {  	[tilespmem:$0x640] =	vst v1  }
0x41: {  	[tilespmem:$0x650] =	vst v1  }
0x42: {  	[tilespmem:$0x660] =	vst v1  }
0x43: {  	[tilespmem:$0x670] =	vst v1  }
0x44: {  	[tilespmem:$0x680] =	vst v1  }
0x45: {  	[tilespmem:$0x690] =	vst v1  }
0x46: {  	[tilespmem:$0x6A0] =	vst v1  }
0x47: {  	[tilespmem:$0x6B0] =	vst v1  }
0x48: {  	[tilespmem:$0x6C0] =	vst v1  }
0x49: {  	[tilespmem:$0x6D0] =	vst v1  }
0x4a: {  	[tilespmem:$0x6E0] =	vst v1  }
0x4b: {  	[tilespmem:$0x6F0] =	vst v1  }
0x4c: {  	[spmem:s7] =	stream.linear.scatter [tilespmem:s12], [sflag:$0x3], $0x280, $0x38;
	[tilespmem:$0x980] =	vst v63  }
.Ltmp2:
0x4d: {  	_ =	swait.ge [sflag:s13], $0x280;
	(pc) =	sbr.rel @!p0 .LBB2_2-.Ltmp2, $4  }
.Ltmp3:
0x4e: {  	[sflag:s13] =	ssyncset.done $0x0;
	(pc) =	sbr.rel @p0 .LBB2_8-.Ltmp3, $4  }
0x4f: {  	[sflag:s13] =	ssyncadd.s32 $0xFFFFFD80  }
0x50: {  	[bflag:$0x0] =	sbarrier.arrive $0xFFFF  }
0x51: {  	s18 =	smov.u32 s5;
	s19 =	simm.s32 $0x0  }
0x52: {  	_ = 	snop  }
.LBB2_6:
0x53: {  	s21 =	sadd.s32 $0xFFFFFF80, s20;
	[sflag:s16] =	ssyncadd.s32 @p1 $0xFFFFFF80  }
0x54: {  	[spmem:s3] =	stream.indirect.scatter.add.f32 [tilespmem:s15], [sflag:$0x1], $0x1, s21, s14, $0xb8;
	[tilespmem:$0x980] =	vst v63  }
0x55: {  	_ = 	snop  }
0x56: {  	[spmem:s3] =	stream.indirect.scatter.add.f32 [tilespmem:s15], [sflag:$0x2], $0x1, s20, s14, $0xb8;
	[tilespmem:$0x980] =	vst v63  }
0x57: {  	_ =	swait.ge [sflag:s8], $0x80  }
0x58: {  	[sflag:s8] =	ssyncset.done $0x0  }
0x59: {  	[sflag:s8] =	ssyncadd.s32 $0xFFFFFF80  }
0x5a: {  	_ =	swait.ge [sflag:s16], $0x80  }
0x5b: {  	[sflag:s16] =	ssyncset.done $0x0  }
0x5c: {  	[sflag:s16] =	ssyncadd.s32 $0xFFFFFF80  }
.LBB2_7:
0x5d: {  	s19 =	sadd.s32 $0x1, s19  }
0x5e: {  	p1 =	sne.s32 s19, s9  }
.Ltmp4:
0x5f: {  	_ = 	snop;
	(pc) =	sbr.rel @!p1 .LBB2_8-.Ltmp4, $2  }
0x60: {  	_ =	sdelay $0x2  }
0x61: {  	s18 =	sadd.s32 $0xFFFFFFFC, s18  }
.LBB2_2:
0x62: {  	s20 =	sadd.s32 s2, s19  }
0x63: {  	s31 =	sshll.u32 s19, $0x2;
	s20 =	sshll.u32 s20, $0x7  }
0x64: {  	p1 =	sle.s32 s5, s31;
	s20 =	sand.u32 $0x1FFFFF80, s20  }
.Ltmp5:
0x65: {  	s20 =	sadd.s32 s6, s20;
	(pc) =	sbr.rel @p1 .LBB2_7-.Ltmp5, $4  }
0x66: {  	[tilespmem:s4], [sflag:$0x3] =	stream.linear.gather [hbm4b:s20+s4], $0x400, $0x38;
	[tilespmem:$0x980] =	vst v63  }
0x67: {  	_ =	swait.ge [sflag:s13], $0x400  }
0x68: {  	[sflag:s13] =	ssyncset.done $0x0  }
0x69: {  	[sflag:s13] =	ssyncadd.s32 $0xFFFFFC00  }
0x6a: {  	p1 =	sgt.s32 s18, $0x1;
	s20 =	smov.u32 s18  }
0x6b: {  	s20 =	simm.s32 @!p1 $0x1  }
0x6c: {  	s21 =	smin.u32 s20, $0x4  }
0x6d: {  	p2 =	sne.s32 s21, $0x1  }
.Ltmp6:
0x6e: {  	_ = 	snop;
	(pc) =	sbr.rel @!p2 .LBB2_6-.Ltmp6, $2  }
0x6f: {  	_ =	sdelay $0x2  }
0x70: {  	p1 =	por $0x0, $0x0;
	s20 =	simm.s32 $0x80;
	s21 =	sadd.s32 $0xFFFFFFFF, s21  }
0x71: {  	s22 =	simm.s32 $0x0  }
0x72: {  	[spmem:s3] =	stream.indirect.scatter.add.f32 [tilespmem:s15], [sflag:$0x1], $0x1, s22, s14, $0xb8;
	[tilespmem:$0x980] =	vst v63  }
0x73: {  	p2 =	sne.s32 s21, $0x1  }
0x74: {  	[spmem:s3] =	stream.indirect.scatter.add.f32 [tilespmem:s15], [sflag:$0x2], $0x1, s20, s14, $0xb8;
	[tilespmem:$0x980] =	vst v63  }
.Ltmp7:
0x75: {  	_ =	swait.ge [sflag:s8], $0x80;
	(pc) =	sbr.rel @!p2 .LBB2_6-.Ltmp7, $4  }
0x76: {  	[sflag:s8] =	ssyncset.done $0x0  }
0x77: {  	[sflag:s8] =	ssyncadd.s32 $0xFFFFFF80  }
0x78: {  	s21 =	sadd.s32 $0xFFFFFFFF, s21;
	_ =	swait.ge [sflag:s16], $0x80  }
0x79: {  	p1 =	por $0x1, $0x1;
	s20 =	simm.s32 $0x180;
	[sflag:s16] =	ssyncset.done $0x0  }
.LBB2_5:
0x7a: {  	p2 =	sne.s32 s21, $0x1;
	s22 =	sadd.s32 $0xFFFFFF80, s20;
	[sflag:s16] =	ssyncadd.s32 $0xFFFFFF80  }
0x7b: {  	[spmem:s3] =	stream.indirect.scatter.add.f32 [tilespmem:s15], [sflag:$0x1], $0x1, s22, s14, $0xb8;
	[tilespmem:$0x980] =	vst v63  }
0x7c: {  	s21 =	sadd.s32 $0xFFFFFFFF, s21  }
0x7d: {  	[spmem:s3] =	stream.indirect.scatter.add.f32 [tilespmem:s15], [sflag:$0x2], $0x1, s20, s14, $0xb8;
	[tilespmem:$0x980] =	vst v63  }
.Ltmp8:
0x7e: {  	_ =	swait.ge [sflag:s8], $0x80;
	(pc) =	sbr.rel @p2 .LBB2_5-.Ltmp8, $4  }
0x7f: {  	[sflag:s8] =	ssyncset.done $0x0  }
0x80: {  	[sflag:s8] =	ssyncadd.s32 $0xFFFFFF80  }
0x81: {  	_ =	swait.ge [sflag:s16], $0x80  }
0x82: {  	s20 =	sadd.s32 $0x100, s20;
	[sflag:s16] =	ssyncset.done $0x0  }
.Ltmp9:
0x83: {  	_ = 	snop;
	(pc) =	sbr.rel .LBB2_6-.Ltmp9, $1  }
0x84: {  	_ =	sdelay $0x3  }
.LBB2_9:
0x85: {  	_ =	sfence.sel $0x180000  }
0x86: {  	[bflag:$0x0] =	sbarrier.arrive $0xFFFF  }
0x87: {  	p0 =	sne.s32 s0, $0x0;
	_ =	strace $0x90000047  }
0x88: {  	s0 =	sadd.s32 @!p0 $0x100000, s1;
	[bflag:$0x2] =	sbarrier.arrive $0xFFFF  }
0x89: {  	[sflag:s0] =	ssyncadd.tile.s32 @!p0 $0x1;
	_ =	shalt  }
.Lfunc_end2:
_tile_overlayer_lowered:
.L_overlay_start_2:
0x8a: {  	(tag) =	ssettag $0x2  }
0x8b: {  	s0 =	rddreg [dreg:$0x0];
	s2 =	stileid.u32  }
0x8c: {  	s1 =	rddreg [dreg:$0x1];
	p0 =	sne.s32 s2, $0x0  }
0x8d: {  	s3 =	rddreg [dreg:$0x2];
	[bflag:$0x3] =	sbarrier.arrive $0xFFFF;
	s2 =	simm.s32 @!p0 $0x1C03  }
0x8e: {  	[timem:s3], [sflag:s2] =	dma.local @!p0 [hbm:s0], s1  }
0x8f: {  	s0 =	simm.s32 @!p0 $0x3  }
0x90: {  	_ =	swait.ge @!p0 [sflag:s0], s1  }
0x91: {  	s1 =	ssub.s32 @!p0 $0x0, s1;
	[sflag:s0] =	ssyncset.done @!p0 $0x0  }
0x92: {  	[sflag:s0] =	ssyncadd.s32 @!p0 s1  }
0x93: {  	[bflag:$0x3] =	sbarrier.arrive $0xFFFF  }
0x94: {  	_ =	shalt  }

// kernel: kernel.13.cloned.1.call-start
scs
__scs_entry_jumppad:
0x0: {  	(pc) =	sbr.rel $0x88, $3  }
0x1: {  	(tag) =	ssettag $0x0;
	lr =	simm.s32 $0x1  }
0x2: {  	[smem:$0x3F96] =	sst lr;
	_ =	strace $0xD0000000  }
0x3: {  	_ = 	snop  }
0x4: {  	_ = 	snop  }
0x5: {  	_ = 	snop  }
0x6: {  	_ = 	snop  }
0x7: {  	_ = 	snop  }
__scs_overlays_trampoline_lowered:
0x8: {  	[smem:$0x3FA5] =	sst s0  }
0x9: {  	[smem:$0x3FA6] =	sst s1  }
0xa: {  	[smem:$0x3FA7] =	sst s2  }
0xb: {  	[smem:$0x3FA8] =	sst s3  }
0xc: {  	[smem:$0x3FA9] =	sst s4  }
0xd: {  	[smem:$0x3FAA] =	sst s5  }
0xe: {  	[smem:$0x3FAB] =	sst s6  }
0xf: {  	[smem:$0x3FAC] =	sst s7  }
0x10: {  	[smem:$0x3FAD] =	sst s8  }
0x11: {  	[smem:$0x3FAE] =	sst s9;
	s0 =	simm.s32 @!p0 $0x0  }
0x12: {  	s1 =	sld [smem:$0x3F94];
	s0 =	simm.s32 @p0 $0x1  }
0x13: {  	[smem:$0x3FAF] =	sst s0;
	s0 =	simm.s32 @!p1 $0x0  }
0x14: {  	s2 =	sld [smem:$0x3F93];
	s0 =	simm.s32 @p1 $0x1  }
0x15: {  	[smem:$0x3FB0] =	sst s0;
	s0 =	simm.s32 @!p2 $0x0  }
0x16: {  	s3 =	sld [smem:$0x3FDB];
	s0 =	simm.s32 @p2 $0x1  }
0x17: {  	s4 =	simm.s32 $0x1BF5;
	[smem:$0x3FB2] =	sst s0  }
0x18: {  	s0 =	sld [smem:$0x3F95];
	_ =	swait.ge [sflag:s4], $0x0  }
0x19: {  	s7 =	sld [smem:$0x3F96]  }
0x1a: {  	s8 =	sadd.s32 $0xFFFFE003, lr  }
0x1b: {  	s9 =	sadd.s32 $0xFFFFFEF7, lr;
	s5 =	simm.s32 $0xFFFFFFFF;
	p2 =	slt.u32 s8, $0xFFFFF086  }
0x1c: {  	p1 =	slt.u32 s9, $0xF7A;
	s5 =	simm.s32 @!p2 $0x0  }
0x1d: {  	s5 =	simm.s32 @p1 $0x1;
	p0 =	seq.s32 s7, s2  }
0x1e: {  	s7 =	smul.u32 @!p0 $0xF7A, s2;
	p2 =	seq.s32 @!p0 s5, $0x0  }
0x1f: {  	s9 =	smul.u32 $0xF7A, s1;
	s8 =	simm.s32 @!p0 $0x1BF5;
	p2 =	por !p2, p0  }
0x20: {  	[sflag:s8] =	ssyncset.s32 @!p0 $0xFFFFF086;
	s6 =	sadd.s32 @!p0 s3, s7;
	s7 =	simm.s32 @!p0 $0x108  }
0x21: {  	s3 =	sadd.s32 s3, s9;
	s6 =	sadd.s32 @!p0 $0x88, s6;
	s7 =	simm.s32 @p2 $0x1082  }
0x22: {  	[simem:s7], [sflag:s8] =	dma.local @!p0 [hbm:s6], $0xF7A  }
0x23: {  	s9 =	sor.u32 $0xD0000000, s2;
	s6 =	simm.s32 $0x108;
	_ =	swait.ge @!p0 [sflag:s8], $0x0  }
0x24: {  	s3 =	sadd.s32 $0x88, s3;
	s6 =	simm.s32 @!p1 $0x1082;
	[sflag:s4] =	ssyncset.s32 $0xFFFFF086  }
0x25: {  	[simem:s6], [sflag:s4] =	dma.local [hbm:s3], $0xF7A  }
0x26: {  	[smem:$0x3F96] =	sst s1;
	(tag) =	ssettag s2;
	_ =	strace s9  }
0x27: {  	s1 =	sld [smem:$0x3FA6]  }
0x28: {  	s2 =	sld [smem:$0x3FA7]  }
0x29: {  	s4 =	sld [smem:$0x3FA9]  }
0x2a: {  	p0 =	seq.s32 s5, $0x0;
	s5 =	sld [smem:$0x3FAA]  }
0x2b: {  	s6 =	sld [smem:$0x3FAB]  }
0x2c: {  	s7 =	sld [smem:$0x3FAC]  }
0x2d: {  	s3 =	simm.s32 $0x108;
	s8 =	sld [smem:$0x3FAD]  }
0x2e: {  	s3 =	simm.s32 @!p0 $0x1082;
	s9 =	sld [smem:$0x3FAE]  }
0x2f: {  	lr =	sadd.s32 s0, s3;
	s0 =	sld [smem:$0x3FA5]  }
0x30: {  	s3 =	sld [smem:$0x3FA8]  }
0x31: {  	[smem:$0x3FB1] =	sst s10  }
0x32: {  	s10 =	sld [smem:$0x3FAF];
	_ =	sdelay $0x3  }
0x33: {  	p0 =	seq.s32 s10, $0x1;
	s10 =	sld [smem:$0x3FB1];
	_ =	sdelay $0x3  }
0x34: {  	[smem:$0x3FB1] =	sst s10  }
0x35: {  	s10 =	sld [smem:$0x3FB0];
	_ =	sdelay $0x3  }
0x36: {  	p1 =	seq.s32 s10, $0x1;
	s10 =	sld [smem:$0x3FB1];
	_ =	sdelay $0x3  }
0x37: {  	[smem:$0x3FB1] =	sst s10  }
0x38: {  	s10 =	sld [smem:$0x3FB2]  }
0x39: {  	_ = 	snop;
	(pc) =	sbr.ind lr, $3  }
0x3a: {  	_ = 	snop  }
0x3b: {  	_ = 	snop  }
0x3c: {  	p2 =	seq.s32 s10, $0x1;
	s10 =	sld [smem:$0x3FB1]  }
0x3d: {  	_ =	shalt  }
0x3e: {  	_ =	shalt  }
0x3f: {  	_ =	shalt  }
0x40: {  	_ =	shalt  }
0x41: {  	_ =	shalt  }
0x42: {  	_ =	shalt  }
0x43: {  	_ =	shalt  }
0x44: {  	_ =	shalt  }
0x45: {  	_ =	shalt  }
0x46: {  	_ =	shalt  }
0x47: {  	_ =	shalt  }
0x48: {  	_ =	shalt  }
0x49: {  	_ =	shalt  }
0x4a: {  	_ =	shalt  }
0x4b: {  	_ =	shalt  }
0x4c: {  	_ =	shalt  }
0x4d: {  	_ =	shalt  }
0x4e: {  	_ =	shalt  }
0x4f: {  	_ =	shalt  }
0x50: {  	_ =	shalt  }
0x51: {  	_ =	shalt  }
0x52: {  	_ =	shalt  }
0x53: {  	_ =	shalt  }
0x54: {  	_ =	shalt  }
0x55: {  	_ =	shalt  }
0x56: {  	_ =	shalt  }
0x57: {  	_ =	shalt  }
0x58: {  	_ =	shalt  }
0x59: {  	_ =	shalt  }
0x5a: {  	_ =	shalt  }
0x5b: {  	_ =	shalt  }
0x5c: {  	_ =	shalt  }
0x5d: {  	_ =	shalt  }
0x5e: {  	_ =	shalt  }
0x5f: {  	_ =	shalt  }
0x60: {  	_ =	shalt  }
0x61: {  	_ =	shalt  }
0x62: {  	_ =	shalt  }
0x63: {  	_ =	shalt  }
0x64: {  	_ =	shalt  }
0x65: {  	_ =	shalt  }
0x66: {  	_ =	shalt  }
0x67: {  	_ =	shalt  }
0x68: {  	_ =	shalt  }
0x69: {  	_ =	shalt  }
0x6a: {  	_ =	shalt  }
0x6b: {  	_ =	shalt  }
0x6c: {  	_ =	shalt  }
0x6d: {  	_ =	shalt  }
0x6e: {  	_ =	shalt  }
0x6f: {  	_ =	shalt  }
0x70: {  	_ =	shalt  }
0x71: {  	_ =	shalt  }
0x72: {  	_ =	shalt  }
0x73: {  	_ =	shalt  }
0x74: {  	_ =	shalt  }
0x75: {  	_ =	shalt  }
0x76: {  	_ =	shalt  }
0x77: {  	_ =	shalt  }
0x78: {  	_ =	shalt  }
0x79: {  	_ =	shalt  }
0x7a: {  	_ =	shalt  }
0x7b: {  	_ =	shalt  }
0x7c: {  	_ =	shalt  }
0x7d: {  	_ =	shalt  }
0x7e: {  	_ =	shalt  }
0x7f: {  	_ =	shalt  }
0x80: {  	_ =	shalt  }
0x81: {  	_ =	shalt  }
0x82: {  	_ =	shalt  }
0x83: {  	_ =	shalt  }
0x84: {  	_ =	shalt  }
0x85: {  	_ =	shalt  }
0x86: {  	_ =	shalt  }
0x87: {  	_ =	shalt  }
.Lfunc_end0:
.L_simem_size_0:
called_computation.1_lowered:
.L_overlay_start_0:
0x88: {  	s2 =	sld [smem:$0x3FD9]  }
0x89: {  	s3 =	sld [smem:$0x3FFE];
	_ =	sdelay $0x1  }
0x8a: {  	s1 =	srdreg.scid  }
0x8b: {  	s0 =	sand.u32 $0x1, s1  }
0x8c: {  	s16 =	sshll.u32 s0, $0xA;
	s2 =	sadd.s32 s3, s2  }
0x8d: {  	s2 =	sadd.s32 s2, s16  }
0x8e: {  	[smem:$0x3FBD] =	sst s2  }
0x8f: {  	_ = 	snop  }
0x90: {  	(tm) =	ssettm $0x1  }
0x91: {  	s17 =	sld [smem:$0x3FFB];
	_ =	sdelay $0x3  }
0x92: {  	_ =	strace s17  }
0x93: {  	s2 =	sld [smem:$0x3FFC];
	_ =	sdelay $0x3  }
0x94: {  	_ =	strace s2  }
0x95: {  	s2 =	sld [smem:$0x3FFD];
	_ =	sdelay $0x3  }
0x96: {  	_ =	strace s2  }
0x97: {  	_ =	strace $0x8FFFFFFF  }
0x98: {  	s18 =	sld [smem:$0x3FDB];
	_ =	sdelay $0x1  }
0x99: {  	s19 =	simm.s32 $_scs_section_size  }
0x9a: {  	s4 =	simm.s32 $_size__tile_overlayer_lowered;
	s5 =	simm.s32 $_tile_overlayer_lowered  }
0x9b: {  	s22 =	simm.s32 $0x1BFF;
	s21 =	sshll.u32 s5, $0x1;
	s2 =	sadd.s32 s19, s18  }
0x9c: {  	s6 =	simm.s32 $0x0;
	s20 =	sshll.u32 s4, $0x1;
	s4 =	sadd.s32 s21, s2  }
0x9d: {  	[timem:s6], [sflag:s22] =	dma.local [hbm:s4], s20  }
0x9e: {  	_ =	swait.ge [sflag:s22], s20  }
0x9f: {  	s3 =	ssub.s32 $0x0, s20;
	[sflag:s22] =	ssyncset.done $0x0  }
0xa0: {  	[sflag:s22] =	ssyncadd.s32 s3;
	_ =	sdelay $0x1  }
0xa1: {  	s23 =	simm.s32 $0x1B8B  }
0xa2: {  	_ =	swait.ge [sflag:s23], $0x1  }
0xa3: {  	[sflag:s23] =	ssyncset.done $0x0  }
0xa4: {  	s25 =	simm.s32 $0x1B8E;
	s24 =	sld [smem:$0x3FFE];
	[sflag:s23] =	ssyncadd.s32 $0xFFFFFFFF  }
0xa5: {  	s26 =	simm.s32 $execute0_lowered;
	[smem:$0x3FD2] =	sst s25  }
0xa6: {  	s4 =	sshll.u32 s26, $0x1;
	_ =	strace $0x80000049;
	[dreg:$0x1] =	wrdreg $0xFFFFFFFF  }
0xa7: {  	s28 =	simm.s32 $_size_execute0_lowered;
	s2 =	sadd.s32 s2, s4;
	[dreg:$0x0] =	wrdreg $0x0  }
0xa8: {  	s4 =	sshll.u32 s28, $0x1;
	[dreg:$0x2] =	wrdreg s2  }
0xa9: {  	[dreg:$0x3] =	wrdreg s4  }
0xaa: {  	[dreg:$0x4] =	wrdreg $0xC0  }
0xab: {  	_ =	task [dreg:s6], $0x5FFFF  }
0xac: {  	[dreg:$0x1] =	wrdreg $0xFFFFFFFF  }
0xad: {  	[dreg:$0x0] =	wrdreg $0x60  }
0xae: {  	[dreg:$0x2] =	wrdreg s24  }
0xaf: {  	[dreg:$0x3] =	wrdreg $0xC0000  }
0xb0: {  	[dreg:$0x4] =	wrdreg $0x9  }
0xb1: {  	_ =	task.clear_ibuf [dreg:s6], $0x5FFFF;
	_ =	strace $0x90000049  }
0xb2: {  	s29 =	simm.s32 $0x9;
	_ =	strace $0x8000004B  }
0xb3: {  	_ =	swait.ge [sflag:s29], $0x1  }
0xb4: {  	[sflag:s29] =	ssyncadd.s32 $0xFFFFFFFF  }
0xb5: {  	_ =	strace $0x9000004B  }
0xb6: {  	_ =	sfence  }
0xb7: {  	s30 =	sld [smem:$0x0];
	_ =	sdelay $0x2  }
0xb8: {  	s31 =	sshll.u32 s1, $0xD;
	s1 =	sshrl.u32 s1, $0x2  }
0xb9: {  	s3 =	sand.u32 $0x4000, s31;
	s1 =	sadd.s32 s1, s30  }
0xba: {  	s0 =	sor.u32 s3, s0;
	s1 =	sshll.u32 s1, $0x11  }
0xbb: {  	s0 =	sor.u32 s1, s0  }
0xbc: {  	s0 =	sadd.s32 $0x8F2B, s0  }
0xbd: {  	[sflag:s0] =	ssyncadd.remote.s32 $0x1  }
0xbe: {  	_ =	sfence.sel $0xFFFF  }
0xbf: {  	[dreg:$0x0] =	wrdreg $0xFFFFFFFF;
	(pc) =	sbr.abs _section_cstart, $3  }
0xc0: {  	[dreg:$0x1] =	wrdreg $0xFFFFFFFF  }
0xc1: {  	_ =	task.clear_ibuf [dreg:s6], $0x2FFFF;
	_ =	strace $0x9FFFFFFF  }
0xc2: {  	(tm) =	ssettm $0x7FFFFFFF  }
0xc3: {  	_ =	shalt  }
tec
execute0_lowered:
.L_overlay_start_1:
0x0: {  	(tag) =	ssettag $0x1  }
0x1: {  	s0 =	srdreg.scid;
	s5 =	rddreg [dreg:$0x0]  }
0x2: {  	s12 =	stileid.u32;
	s2 =	rddreg [dreg:$0x1];
	s28 =	simm.s32 $0x2000  }
0x3: {  	s29 =	simm.s32 $0x6000;
	s30 =	simm.s32 $0x0;
	s8 =	smul.u32 $0x2780, s12  }
0x4: {  	s0 =	sand.u32 $0x1, s0;
	s1 =	sshll.u32 s12, $0x1;
	s15 =	smul.u32 $0x4F000, s12  }
0x5: {  	s6 =	sadd.s32 $0x2800, s5;
	s1 =	sor.u32 s0, s1;
	s10 =	smul.u32 $0x27800, s0  }
0x6: {  	s7 =	sadd.s32 $0x16E00, s5;
	s0 =	ssub.s32 $0x2, s0;
	s1 =	smul.u32 $0x139, s1  }
0x7: {  	s18 =	sshrl.u32 s0, $0x1;
	s8 =	sadd.s32 s8, s10;
	s10 =	sshrl.u32 s15, $0x2  }
0x8: {  	s0 =	ssub.s32 s0, s18;
	s3 =	sadd.s32 $0x139, s1;
	s9 =	sshrl.u32 s1, $0x5  }
0x9: {  	s0 =	smax.u32 s0, $0x1;
	s4 =	sshrl.u32 s3, $0x2;
	s3 =	simm.s32 $0x0  }
0xa: {  	s14 =	sshll.u32 s9, $0x3;
	s13 =	sand.u32 $0x1FF8, s4;
	[smem:$0x7FF] =	sst s3  }
0xb: {  	s4 =	sadd.s32 $0xD000, s5;
	s5 =	sadd.s32 s8, s5;
	s8 =	sadd.s32 s10, s2  }
0xc: {  	_ =	strace $0x8000004A;
	s20 =	sadd.s32 $0x12000, s8;
	[dreg:$0x5] =	wrdreg s0  }
0xd: {  	s12 =	sshll.u32 s9, $0xA;
	s5 =	sadd.s32 $0x3E000, s5;
	[dreg:$0x3] =	wrdreg s20  }
0xe: {  	s1 =	smin.u32 s13, $0x9C4;
	s22 =	sadd.s32 $0x2000, s8;
	[dreg:$0x4] =	wrdreg s5  }
0xf: {  	s23 =	sadd.s32 $0x4000, s8;
	s1 =	ssub.s32 s1, s14;
	[dreg:$0x6] =	wrdreg s22  }
0x10: {  	s24 =	sadd.s32 $0x6000, s8;
	[dreg:$0x7] =	wrdreg s23;
	s1 =	sshra.s32 s1, $0x1  }
0x11: {  	s25 =	sadd.s32 $0x8000, s8;
	[dreg:$0x8] =	wrdreg s24;
	s11 =	sadd.s32 $0xF, s1  }
0x12: {  	s26 =	sadd.s32 $0xA000, s8;
	[dreg:$0x9] =	wrdreg s25;
	s16 =	sshll.u32 s11, $0x10  }
0x13: {  	s31 =	sadd.s32 $0xC000, s8;
	[dreg:$0xa] =	wrdreg s26;
	s17 =	sshra.s32 s16, $0x1F  }
0x14: {  	[dreg:$0xb] =	wrdreg s31;
	s22 =	sadd.s32 $0x10000, s8;
	s13 =	sand.u32 $0xF, s17  }
.Ltmp0:
0x15: {  	s23 =	simm.s32 $0xA000;
	s19 =	sadd.s32 s13, s11;
	(pc) =	sbr.rel .LBB2_1-.Ltmp0, $4  }
0x16: {  	p0 =	slt.s32 s1, $0xFFFFFFF2;
	s11 =	simm.s32 $0x1;
	s10 =	sshll.u32 s19, $0x10  }
0x17: {  	s24 =	simm.s32 $0x3;
	s11 =	simm.s32 @!p0 $0x0;
	s21 =	sshra.s32 s10, $0x14  }
0x18: {  	s25 =	simm.s32 $0x1000;
	s26 =	simm.s32 $0x80;
	s11 =	ssub.s32 s21, s11  }
0x19: {  	v0 =	vimm.f32 $0.0e+00;
	s10 =	simm.s32 $0x1;
	s21 =	sadd.s32 $0xE000, s8;
	p0 =	slt.s32 s11, $0x1  }
.LBB2_9:
0x1a: {  	s0 =	stileid.u32  }
0x1b: {  	[bflag:$0x0] =	sbarrier.arrive $0xFFFF;
	s0 =	sshll.u32 s0, $0x6  }
0x1c: {  	s5 =	sshrl.u32 s8, $0x3;
	s9 =	rddreg [dreg:$0x4];
	s0 =	sor.u32 $0x1C03, s0  }
0x1d: {  	[hbm:s9], [sflag:s0] =	dma.local [spmem:s5], $0x2780  }
0x1e: {  	_ =	swait.ge [sflag:s24], $0x2780  }
0x1f: {  	s30 =	sadd.s32 $0x1, s30;
	s31 =	rddreg [dreg:$0x5]  }
0x20: {  	p1 =	sne.s32 s30, s31  }
.Ltmp1:
0x21: {  	_ = 	snop;
	(pc) =	sbr.rel @!p1 .LBB2_10-.Ltmp1, $3  }
0x22: {  	_ =	sdelay $0x1  }
0x23: {  	[sflag:s24] =	ssyncset.done $0x0  }
0x24: {  	[sflag:s24] =	ssyncadd.s32 $0xFFFFD880  }
.LBB2_1:
0x25: {  	s0 =	sand.u32 $0x7E00, s3  }
0x26: {  	s5 =	sand.u32 $0x70, s3;
	s9 =	sshrl.u32 s0, $0x2  }
0x27: {  	s0 =	simm.s32 $0x40;
	s9 =	sor.u32 s5, s9;
	s5 =	simm.s32 $0x0  }
.LBB2_2:
0x28: {  	p1 =	sne.s32 s0, $0x7FC0  }
0x29: {  	[tilespmem:s9+$0xA000] =	vst v0;
	s5 =	sadd.s32 $0x10, s5;
	s9 =	smov.u32 s0;
	s0 =	sadd.s32 $0x40, s0  }
.Ltmp2:
0x2a: {  	(pc) =	sbr.rel @p1 .LBB2_2-.Ltmp2, $4  }
0x2b: {  	_ = 	snop  }
0x2c: {  	s9 =	sand.u32 $0x7E00, s9  }
0x2d: {  	s13 =	sand.u32 $0x70, s5;
	s9 =	sshrl.u32 s9, $0x2  }
0x2e: {  	s9 =	sor.u32 s13, s9  }
0x2f: {  	[tilespmem:s9+$0xA000] =	vst v0  }
0x30: {  	[spmem:s8] =	stream.linear.scatter [tilespmem:s23], [sflag:$0x3], $0x2000, $0x38;
	[tilespmem:$0x1FC00] =	vst v63  }
0x31: {  	_ =	swait.ge [sflag:s24], $0x2000  }
0x32: {  	[sflag:s24] =	ssyncset.done $0x0  }
0x33: {  	s0 =	rddreg [dreg:$0x6];
	[sflag:s24] =	ssyncadd.s32 $0xFFFFE000  }
0x34: {  	[spmem:s0] =	stream.linear.scatter [tilespmem:s23], [sflag:$0x3], $0x2000, $0x38;
	[tilespmem:$0x1FC00] =	vst v63  }
0x35: {  	_ =	swait.ge [sflag:s24], $0x2000  }
0x36: {  	[sflag:s24] =	ssyncset.done $0x0  }
0x37: {  	s15 =	rddreg [dreg:$0x7];
	[sflag:s24] =	ssyncadd.s32 $0xFFFFE000  }
0x38: {  	[spmem:s15] =	stream.linear.scatter [tilespmem:s23], [sflag:$0x3], $0x2000, $0x38;
	[tilespmem:$0x1FC00] =	vst v63  }
0x39: {  	_ =	swait.ge [sflag:s24], $0x2000  }
0x3a: {  	[sflag:s24] =	ssyncset.done $0x0  }
0x3b: {  	s16 =	rddreg [dreg:$0x8];
	[sflag:s24] =	ssyncadd.s32 $0xFFFFE000  }
0x3c: {  	[spmem:s16] =	stream.linear.scatter [tilespmem:s23], [sflag:$0x3], $0x2000, $0x38;
	[tilespmem:$0x1FC00] =	vst v63  }
0x3d: {  	_ =	swait.ge [sflag:s24], $0x2000  }
0x3e: {  	[sflag:s24] =	ssyncset.done $0x0  }
0x3f: {  	s17 =	rddreg [dreg:$0x9];
	[sflag:s24] =	ssyncadd.s32 $0xFFFFE000  }
0x40: {  	[spmem:s17] =	stream.linear.scatter [tilespmem:s23], [sflag:$0x3], $0x2000, $0x38;
	[tilespmem:$0x1FC00] =	vst v63  }
0x41: {  	_ =	swait.ge [sflag:s24], $0x2000  }
0x42: {  	[sflag:s24] =	ssyncset.done $0x0  }
0x43: {  	s18 =	rddreg [dreg:$0xa];
	[sflag:s24] =	ssyncadd.s32 $0xFFFFE000  }
0x44: {  	[spmem:s18] =	stream.linear.scatter [tilespmem:s23], [sflag:$0x3], $0x2000, $0x38;
	[tilespmem:$0x1FC00] =	vst v63  }
0x45: {  	_ =	swait.ge [sflag:s24], $0x2000  }
0x46: {  	[sflag:s24] =	ssyncset.done $0x0  }
0x47: {  	s19 =	rddreg [dreg:$0xb];
	[sflag:s24] =	ssyncadd.s32 $0xFFFFE000  }
0x48: {  	[spmem:s19] =	stream.linear.scatter [tilespmem:s23], [sflag:$0x3], $0x2000, $0x38;
	[tilespmem:$0x1FC00] =	vst v63  }
0x49: {  	_ =	swait.ge [sflag:s24], $0x2000  }
0x4a: {  	[sflag:s24] =	ssyncset.done $0x0  }
0x4b: {  	[sflag:s24] =	ssyncadd.s32 $0xFFFFE000  }
0x4c: {  	[spmem:s21] =	stream.linear.scatter [tilespmem:s23], [sflag:$0x3], $0x2000, $0x38;
	[tilespmem:$0x1FC00] =	vst v63  }
0x4d: {  	_ =	swait.ge [sflag:s24], $0x2000  }
0x4e: {  	[sflag:s24] =	ssyncset.done $0x0  }
0x4f: {  	[sflag:s24] =	ssyncadd.s32 $0xFFFFE000  }
0x50: {  	[spmem:s22] =	stream.linear.scatter [tilespmem:s23], [sflag:$0x3], $0x2000, $0x38;
	[tilespmem:$0x1FC00] =	vst v63  }
0x51: {  	_ =	swait.ge [sflag:s24], $0x2000  }
0x52: {  	[sflag:s24] =	ssyncset.done $0x0  }
0x53: {  	s20 =	rddreg [dreg:$0x3];
	[sflag:s24] =	ssyncadd.s32 $0xFFFFE000  }
0x54: {  	[spmem:s20] =	stream.linear.scatter [tilespmem:s23], [sflag:$0x3], $0x1C00, $0x38;
	[tilespmem:$0x1FC00] =	vst v63  }
.Ltmp3:
0x55: {  	_ =	swait.ge [sflag:s24], $0x1C00;
	(pc) =	sbr.rel @!p0 .LBB2_4-.Ltmp3, $4  }
.Ltmp4:
0x56: {  	[sflag:s24] =	ssyncset.done $0x0;
	(pc) =	sbr.rel @p0 .LBB2_9-.Ltmp4, $4  }
0x57: {  	[sflag:s24] =	ssyncadd.s32 $0xFFFFE400  }
0x58: {  	[bflag:$0x0] =	sbarrier.arrive $0xFFFF  }
0x59: {  	s31 =	simm.s32 $0x0;
	s5 =	smov.u32 s1  }
0x5a: {  	_ = 	snop  }
.LBB2_7:
0x5b: {  	[tilespmem:s18], [sflag:$0x2] =	stream.indirect.gather @!p1 [hbm4b:s7+s17], $0x80, s15, s17, $0xb8;
	[tilespmem:$0x1FC00] =	vst v63  }
.LBB2_8:
0x5c: {  	s31 =	sadd.s32 $0x1, s31  }
0x5d: {  	p1 =	sne.s32 s31, s11  }
.Ltmp5:
0x5e: {  	_ = 	snop;
	(pc) =	sbr.rel @!p1 .LBB2_9-.Ltmp5, $2  }
0x5f: {  	_ =	sdelay $0x2  }
0x60: {  	s5 =	sadd.s32 $0xFFFFFFF0, s5  }
.LBB2_4:
0x61: {  	s0 =	sshll.u32 s31, $0xC  }
0x62: {  	s0 =	sadd.s32 s12, s0  }
0x63: {  	s0 =	sshrl.u32 s0, $0x3  }
0x64: {  	s9 =	sadd.s32 s4, s0  }
0x65: {  	[tilespmem:s3], [sflag:$0x3] =	stream.linear.gather [hbm4b:s9+s3], $0x1000, $0x38;
	[tilespmem:$0x1FC00] =	vst v63  }
0x66: {  	_ =	swait.ge [sflag:s24], $0x1000  }
0x67: {  	[sflag:s24] =	ssyncset.done $0x0  }
0x68: {  	s20 =	sshll.u32 s31, $0x4;
	s0 =	sadd.s32 s6, s0;
	[sflag:s24] =	ssyncadd.s32 $0xFFFFF000  }
0x69: {  	[tilespmem:s25], [sflag:$0x3] =	stream.linear.gather [hbm4b:s0+s3], $0x1000, $0x38;
	[tilespmem:$0x1FC00] =	vst v63  }
0x6a: {  	s0 =	ssub.s32 s1, s20  }
0x6b: {  	_ =	swait.ge [sflag:s24], $0x1000;
	p1 =	slt.s32 s0, $0x1  }
.Ltmp6:
0x6c: {  	[sflag:s24] =	ssyncset.done $0x0;
	(pc) =	sbr.rel @p1 .LBB2_8-.Ltmp6, $4  }
0x6d: {  	[sflag:s24] =	ssyncadd.s32 $0xFFFFF000  }
0x6e: {  	[tilespmem:s28], [sflag:$0x1] =	stream.indirect.gather [hbm4b:s7+s26], $0x80, s3, s26, $0xb8;
	[tilespmem:$0x1FC00] =	vst v63  }
0x6f: {  	_ = 	snop  }
0x70: {  	[tilespmem:s29], [sflag:$0x2] =	stream.indirect.gather [hbm4b:s7+s26], $0x80, s26, s26, $0xb8;
	[tilespmem:$0x1FC00] =	vst v63  }
0x71: {  	_ =	swait.ge [sflag:s10], $0x4000  }
0x72: {  	[sflag:s10] =	ssyncset.done $0x0  }
0x73: {  	s0 =	smin.u32 s0, $0x10;
	s9 =	simm.s32 $0x1000;
	[sflag:s10] =	ssyncadd.s32 $0xFFFFC000  }
0x74: {  	[spmem:s2] =	stream.indirect.scatter.add.f32 [tilespmem:s28], [sflag:$0x3], $0x80, s9, s26, $0xb8;
	[tilespmem:$0x1FC00] =	vst v63  }
0x75: {  	s0 =	sadd.s32 $0xFFFFFFFF, s0;
	_ =	swait.ge [sflag:s24], $0x4000  }
0x76: {  	p1 =	sle.s32 s0, $0x0;
	[sflag:s24] =	ssyncset.done $0x0  }
0x77: {  	s9 =	simm.s32 @p1 $0x2;
	[sflag:s24] =	ssyncadd.s32 $0xFFFFC000  }
0x78: {  	_ =	swait.ge @p1 [sflag:s9], $0x4000  }
0x79: {  	s13 =	simm.s32 $0x1080;
	s14 =	simm.s32 @p1 $0x3;
	[sflag:s9] =	ssyncset.done @p1 $0x0  }
0x7a: {  	s15 =	simm.s32 @p1 $0x6000;
	[sflag:s9] =	ssyncadd.s32 @p1 $0xFFFFC000;
	s9 =	simm.s32 @p1 $0x80  }
0x7b: {  	[spmem:s2] =	stream.indirect.scatter.add.f32 @p1 [tilespmem:s15], [sflag:$0x3], $0x80, s13, s9, $0xb8;
	[tilespmem:$0x1FC00] =	vst v63  }
0x7c: {  	_ =	swait.ge @p1 [sflag:s14], $0x4000  }
0x7d: {  	s17 =	simm.s32 @!p1 $0x80;
	[sflag:s14] =	ssyncset.done @p1 $0x0  }
0x7e: {  	s9 =	simm.s32 @!p1 $0x2000;
	[sflag:s14] =	ssyncadd.s32 @p1 $0xFFFFC000;
	s14 =	simm.s32 @!p1 $0x100  }
0x7f: {  	[tilespmem:s9], [sflag:$0x1] =	stream.indirect.gather @!p1 [hbm4b:s7+s17], $0x80, s14, s17, $0xb8;
	[tilespmem:$0x1FC00] =	vst v63  }
0x80: {  	p2 =	sgt.s32 s5, $0x1;
	s9 =	smov.u32 s5  }
0x81: {  	s15 =	simm.s32 @!p1 $0x2;
	s9 =	simm.s32 @!p2 $0x1  }
0x82: {  	_ =	swait.ge @!p1 [sflag:s15], $0x4000;
	s9 =	smin.u32 s9, $0x10  }
0x83: {  	s18 =	simm.s32 @!p1 $0x6000;
	[sflag:s15] =	ssyncset.done @!p1 $0x0;
	p2 =	sne.s32 s9, $0x1  }
.Ltmp7:
0x84: {  	s14 =	simm.s32 @!p1 $0x3;
	[sflag:s15] =	ssyncadd.s32 @!p1 $0xFFFFC000;
	(pc) =	sbr.rel @!p2 .LBB2_7-.Ltmp7, $4  }
0x85: {  	[spmem:s2] =	stream.indirect.scatter.add.f32 @!p1 [tilespmem:s18], [sflag:$0x3], $0x80, s13, s17, $0xb8;
	[tilespmem:$0x1FC00] =	vst v63  }
0x86: {  	_ =	swait.ge @!p1 [sflag:s14], $0x4000  }
0x87: {  	s16 =	simm.s32 $0x1180;
	s15 =	simm.s32 $0x180;
	[sflag:s14] =	ssyncset.done @!p1 $0x0  }
0x88: {  	s13 =	simm.s32 $0x1;
	[sflag:s14] =	ssyncadd.s32 @!p1 $0xFFFFC000;
	s14 =	simm.s32 $0x280  }
.LBB2_6:
0x89: {  	[tilespmem:s18], [sflag:$0x2] =	stream.indirect.gather @!p1 [hbm4b:s7+s17], $0x80, s15, s17, $0xb8;
	[tilespmem:$0x1FC00] =	vst v63  }
0x8a: {  	s17 =	smov.u32 s13;
	s13 =	sadd.s32 $0x1, s13;
	_ =	swait.ge [sflag:s10], $0x4000  }
0x8b: {  	s15 =	smov.u32 s14;
	p2 =	sne.s32 s9, s13;
	[sflag:s10] =	ssyncset.done $0x0  }
0x8c: {  	s18 =	sadd.s32 $0xFFFFFF80, s16;
	[sflag:s10] =	ssyncadd.s32 $0xFFFFC000  }
0x8d: {  	[spmem:s2] =	stream.indirect.scatter.add.f32 [tilespmem:s28], [sflag:$0x3], $0x80, s18, s26, $0xb8;
	[tilespmem:$0x1FC00] =	vst v63  }
0x8e: {  	_ =	swait.ge [sflag:s24], $0x4000  }
0x8f: {  	p1 =	sge.s32 s17, s0;
	[sflag:s24] =	ssyncset.done $0x0  }
0x90: {  	s17 =	simm.s32 @p1 $0x2;
	[sflag:s24] =	ssyncadd.s32 $0xFFFFC000  }
0x91: {  	_ =	swait.ge @p1 [sflag:s17], $0x4000  }
0x92: {  	s18 =	simm.s32 @p1 $0x3;
	[sflag:s17] =	ssyncset.done @p1 $0x0  }
0x93: {  	s19 =	simm.s32 @p1 $0x6000;
	[sflag:s17] =	ssyncadd.s32 @p1 $0xFFFFC000;
	s17 =	simm.s32 @p1 $0x80  }
0x94: {  	[spmem:s2] =	stream.indirect.scatter.add.f32 @p1 [tilespmem:s19], [sflag:$0x3], $0x80, s16, s17, $0xb8;
	[tilespmem:$0x1FC00] =	vst v63  }
0x95: {  	_ =	swait.ge @p1 [sflag:s18], $0x4000  }
0x96: {  	s20 =	simm.s32 @!p1 $0x2;
	s19 =	simm.s32 @!p1 $0x2000;
	[sflag:s18] =	ssyncset.done @p1 $0x0  }
0x97: {  	s17 =	simm.s32 @!p1 $0x80;
	[sflag:s18] =	ssyncadd.s32 @p1 $0xFFFFC000;
	s18 =	sadd.s32 @!p1 $0xFFFFFF80, s14  }
0x98: {  	[tilespmem:s19], [sflag:$0x1] =	stream.indirect.gather @!p1 [hbm4b:s7+s17], $0x80, s18, s17, $0xb8;
	[tilespmem:$0x1FC00] =	vst v63  }
0x99: {  	_ =	swait.ge @!p1 [sflag:s20], $0x4000  }
0x9a: {  	s19 =	simm.s32 @!p1 $0x3;
	[sflag:s20] =	ssyncset.done @!p1 $0x0  }
.Ltmp8:
0x9b: {  	s18 =	simm.s32 @!p1 $0x6000;
	[sflag:s20] =	ssyncadd.s32 @!p1 $0xFFFFC000;
	(pc) =	sbr.rel @p2 .LBB2_6-.Ltmp8, $4  }
0x9c: {  	[spmem:s2] =	stream.indirect.scatter.add.f32 @!p1 [tilespmem:s18], [sflag:$0x3], $0x80, s16, s17, $0xb8;
	[tilespmem:$0x1FC00] =	vst v63  }
0x9d: {  	_ =	swait.ge @!p1 [sflag:s19], $0x4000  }
0x9e: {  	[sflag:s19] =	ssyncset.done @!p1 $0x0  }
0x9f: {  	s14 =	sadd.s32 $0x100, s14;
	s16 =	sadd.s32 $0x100, s16;
	[sflag:s19] =	ssyncadd.s32 @!p1 $0xFFFFC000  }
.Ltmp9:
0xa0: {  	_ = 	snop;
	(pc) =	sbr.rel .LBB2_7-.Ltmp9, $1  }
0xa1: {  	_ =	sdelay $0x3  }
.LBB2_10:
0xa2: {  	_ =	sfence.sel $0x180000  }
0xa3: {  	[bflag:$0x0] =	sbarrier.arrive $0xFFFF  }
0xa4: {  	_ =	strace $0x9000004A  }
0xa5: {  	s0 =	stileid.u32;
	[bflag:$0x2] =	sbarrier.arrive $0xFFFF  }
0xa6: {  	p0 =	sne.s32 s0, $0x0;
	s0 =	rddreg [dreg:$0x2]  }
0xa7: {  	s0 =	sadd.s32 @!p0 $0x100000, s0  }
0xa8: {  	[sflag:s0] =	ssyncadd.tile.s32 @!p0 $0x1;
	_ =	shalt  }
.Lfunc_end2:
_tile_overlayer_lowered:
.L_overlay_start_2:
0xa9: {  	(tag) =	ssettag $0x2  }
0xaa: {  	s0 =	rddreg [dreg:$0x0];
	s2 =	stileid.u32  }
0xab: {  	s1 =	rddreg [dreg:$0x1];
	p0 =	sne.s32 s2, $0x0  }
0xac: {  	s3 =	rddreg [dreg:$0x2];
	[bflag:$0x3] =	sbarrier.arrive $0xFFFF;
	s2 =	simm.s32 @!p0 $0x1C03  }
0xad: {  	[timem:s3], [sflag:s2] =	dma.local @!p0 [hbm:s0], s1  }
0xae: {  	s0 =	simm.s32 @!p0 $0x3  }
0xaf: {  	_ =	swait.ge @!p0 [sflag:s0], s1  }
0xb0: {  	s1 =	ssub.s32 @!p0 $0x0, s1;
	[sflag:s0] =	ssyncset.done @!p0 $0x0  }
0xb1: {  	[sflag:s0] =	ssyncadd.s32 @!p0 s1  }
0xb2: {  	[bflag:$0x3] =	sbarrier.arrive $0xFFFF  }
0xb3: {  	_ =	shalt  }

// kernel: kernel.16.cloned.1.call-start
scs
__scs_entry_jumppad:
0x0: {  	(pc) =	sbr.rel $0x88, $3  }
0x1: {  	(tag) =	ssettag $0x0;
	lr =	simm.s32 $0x1  }
0x2: {  	[smem:$0x3F96] =	sst lr;
	_ =	strace $0xD0000000  }
0x3: {  	_ = 	snop  }
0x4: {  	_ = 	snop  }
0x5: {  	_ = 	snop  }
0x6: {  	_ = 	snop  }
0x7: {  	_ = 	snop  }
__scs_overlays_trampoline_lowered:
0x8: {  	[smem:$0x3FA5] =	sst s0  }
0x9: {  	[smem:$0x3FA6] =	sst s1  }
0xa: {  	[smem:$0x3FA7] =	sst s2  }
0xb: {  	[smem:$0x3FA8] =	sst s3  }
0xc: {  	[smem:$0x3FA9] =	sst s4  }
0xd: {  	[smem:$0x3FAA] =	sst s5  }
0xe: {  	[smem:$0x3FAB] =	sst s6  }
0xf: {  	[smem:$0x3FAC] =	sst s7  }
0x10: {  	[smem:$0x3FAD] =	sst s8  }
0x11: {  	[smem:$0x3FAE] =	sst s9;
	s0 =	simm.s32 @!p0 $0x0  }
0x12: {  	s1 =	sld [smem:$0x3F94];
	s0 =	simm.s32 @p0 $0x1  }
0x13: {  	[smem:$0x3FAF] =	sst s0;
	s0 =	simm.s32 @!p1 $0x0  }
0x14: {  	s2 =	sld [smem:$0x3F93];
	s0 =	simm.s32 @p1 $0x1  }
0x15: {  	[smem:$0x3FB0] =	sst s0;
	s0 =	simm.s32 @!p2 $0x0  }
0x16: {  	s3 =	sld [smem:$0x3FDB];
	s0 =	simm.s32 @p2 $0x1  }
0x17: {  	s4 =	simm.s32 $0x1BF5;
	[smem:$0x3FB2] =	sst s0  }
0x18: {  	s0 =	sld [smem:$0x3F95];
	_ =	swait.ge [sflag:s4], $0x0  }
0x19: {  	s7 =	sld [smem:$0x3F96]  }
0x1a: {  	s8 =	sadd.s32 $0xFFFFE003, lr  }
0x1b: {  	s9 =	sadd.s32 $0xFFFFFEF7, lr;
	s5 =	simm.s32 $0xFFFFFFFF;
	p2 =	slt.u32 s8, $0xFFFFF086  }
0x1c: {  	p1 =	slt.u32 s9, $0xF7A;
	s5 =	simm.s32 @!p2 $0x0  }
0x1d: {  	s5 =	simm.s32 @p1 $0x1;
	p0 =	seq.s32 s7, s2  }
0x1e: {  	s7 =	smul.u32 @!p0 $0xF7A, s2;
	p2 =	seq.s32 @!p0 s5, $0x0  }
0x1f: {  	s9 =	smul.u32 $0xF7A, s1;
	s8 =	simm.s32 @!p0 $0x1BF5;
	p2 =	por !p2, p0  }
0x20: {  	[sflag:s8] =	ssyncset.s32 @!p0 $0xFFFFF086;
	s6 =	sadd.s32 @!p0 s3, s7;
	s7 =	simm.s32 @!p0 $0x108  }
0x21: {  	s3 =	sadd.s32 s3, s9;
	s6 =	sadd.s32 @!p0 $0x88, s6;
	s7 =	simm.s32 @p2 $0x1082  }
0x22: {  	[simem:s7], [sflag:s8] =	dma.local @!p0 [hbm:s6], $0xF7A  }
0x23: {  	s9 =	sor.u32 $0xD0000000, s2;
	s6 =	simm.s32 $0x108;
	_ =	swait.ge @!p0 [sflag:s8], $0x0  }
0x24: {  	s3 =	sadd.s32 $0x88, s3;
	s6 =	simm.s32 @!p1 $0x1082;
	[sflag:s4] =	ssyncset.s32 $0xFFFFF086  }
0x25: {  	[simem:s6], [sflag:s4] =	dma.local [hbm:s3], $0xF7A  }
0x26: {  	[smem:$0x3F96] =	sst s1;
	(tag) =	ssettag s2;
	_ =	strace s9  }
0x27: {  	s1 =	sld [smem:$0x3FA6]  }
0x28: {  	s2 =	sld [smem:$0x3FA7]  }
0x29: {  	s4 =	sld [smem:$0x3FA9]  }
0x2a: {  	p0 =	seq.s32 s5, $0x0;
	s5 =	sld [smem:$0x3FAA]  }
0x2b: {  	s6 =	sld [smem:$0x3FAB]  }
0x2c: {  	s7 =	sld [smem:$0x3FAC]  }
0x2d: {  	s3 =	simm.s32 $0x108;
	s8 =	sld [smem:$0x3FAD]  }
0x2e: {  	s3 =	simm.s32 @!p0 $0x1082;
	s9 =	sld [smem:$0x3FAE]  }
0x2f: {  	lr =	sadd.s32 s0, s3;
	s0 =	sld [smem:$0x3FA5]  }
0x30: {  	s3 =	sld [smem:$0x3FA8]  }
0x31: {  	[smem:$0x3FB1] =	sst s10  }
0x32: {  	s10 =	sld [smem:$0x3FAF];
	_ =	sdelay $0x3  }
0x33: {  	p0 =	seq.s32 s10, $0x1;
	s10 =	sld [smem:$0x3FB1];
	_ =	sdelay $0x3  }
0x34: {  	[smem:$0x3FB1] =	sst s10  }
0x35: {  	s10 =	sld [smem:$0x3FB0];
	_ =	sdelay $0x3  }
0x36: {  	p1 =	seq.s32 s10, $0x1;
	s10 =	sld [smem:$0x3FB1];
	_ =	sdelay $0x3  }
0x37: {  	[smem:$0x3FB1] =	sst s10  }
0x38: {  	s10 =	sld [smem:$0x3FB2]  }
0x39: {  	_ = 	snop;
	(pc) =	sbr.ind lr, $3  }
0x3a: {  	_ = 	snop  }
0x3b: {  	_ = 	snop  }
0x3c: {  	p2 =	seq.s32 s10, $0x1;
	s10 =	sld [smem:$0x3FB1]  }
0x3d: {  	_ =	shalt  }
0x3e: {  	_ =	shalt  }
0x3f: {  	_ =	shalt  }
0x40: {  	_ =	shalt  }
0x41: {  	_ =	shalt  }
0x42: {  	_ =	shalt  }
0x43: {  	_ =	shalt  }
0x44: {  	_ =	shalt  }
0x45: {  	_ =	shalt  }
0x46: {  	_ =	shalt  }
0x47: {  	_ =	shalt  }
0x48: {  	_ =	shalt  }
0x49: {  	_ =	shalt  }
0x4a: {  	_ =	shalt  }
0x4b: {  	_ =	shalt  }
0x4c: {  	_ =	shalt  }
0x4d: {  	_ =	shalt  }
0x4e: {  	_ =	shalt  }
0x4f: {  	_ =	shalt  }
0x50: {  	_ =	shalt  }
0x51: {  	_ =	shalt  }
0x52: {  	_ =	shalt  }
0x53: {  	_ =	shalt  }
0x54: {  	_ =	shalt  }
0x55: {  	_ =	shalt  }
0x56: {  	_ =	shalt  }
0x57: {  	_ =	shalt  }
0x58: {  	_ =	shalt  }
0x59: {  	_ =	shalt  }
0x5a: {  	_ =	shalt  }
0x5b: {  	_ =	shalt  }
0x5c: {  	_ =	shalt  }
0x5d: {  	_ =	shalt  }
0x5e: {  	_ =	shalt  }
0x5f: {  	_ =	shalt  }
0x60: {  	_ =	shalt  }
0x61: {  	_ =	shalt  }
0x62: {  	_ =	shalt  }
0x63: {  	_ =	shalt  }
0x64: {  	_ =	shalt  }
0x65: {  	_ =	shalt  }
0x66: {  	_ =	shalt  }
0x67: {  	_ =	shalt  }
0x68: {  	_ =	shalt  }
0x69: {  	_ =	shalt  }
0x6a: {  	_ =	shalt  }
0x6b: {  	_ =	shalt  }
0x6c: {  	_ =	shalt  }
0x6d: {  	_ =	shalt  }
0x6e: {  	_ =	shalt  }
0x6f: {  	_ =	shalt  }
0x70: {  	_ =	shalt  }
0x71: {  	_ =	shalt  }
0x72: {  	_ =	shalt  }
0x73: {  	_ =	shalt  }
0x74: {  	_ =	shalt  }
0x75: {  	_ =	shalt  }
0x76: {  	_ =	shalt  }
0x77: {  	_ =	shalt  }
0x78: {  	_ =	shalt  }
0x79: {  	_ =	shalt  }
0x7a: {  	_ =	shalt  }
0x7b: {  	_ =	shalt  }
0x7c: {  	_ =	shalt  }
0x7d: {  	_ =	shalt  }
0x7e: {  	_ =	shalt  }
0x7f: {  	_ =	shalt  }
0x80: {  	_ =	shalt  }
0x81: {  	_ =	shalt  }
0x82: {  	_ =	shalt  }
0x83: {  	_ =	shalt  }
0x84: {  	_ =	shalt  }
0x85: {  	_ =	shalt  }
0x86: {  	_ =	shalt  }
0x87: {  	_ =	shalt  }
.Lfunc_end0:
.L_simem_size_0:
called_computation.2_lowered:
.L_overlay_start_0:
0x88: {  	s2 =	sld [smem:$0x3FD9]  }
0x89: {  	s3 =	sld [smem:$0x3FFE];
	_ =	sdelay $0x1  }
0x8a: {  	s1 =	srdreg.scid  }
0x8b: {  	s0 =	sand.u32 $0x1, s1  }
0x8c: {  	s16 =	sshll.u32 s0, $0xA;
	s2 =	sadd.s32 s3, s2  }
0x8d: {  	s2 =	sadd.s32 s2, s16  }
0x8e: {  	[smem:$0x3FBD] =	sst s2  }
0x8f: {  	_ = 	snop  }
0x90: {  	(tm) =	ssettm $0x1  }
0x91: {  	s17 =	sld [smem:$0x3FFB];
	_ =	sdelay $0x3  }
0x92: {  	_ =	strace s17  }
0x93: {  	s2 =	sld [smem:$0x3FFC];
	_ =	sdelay $0x3  }
0x94: {  	_ =	strace s2  }
0x95: {  	s2 =	sld [smem:$0x3FFD];
	_ =	sdelay $0x3  }
0x96: {  	_ =	strace s2  }
0x97: {  	_ =	strace $0x8FFFFFFF  }
0x98: {  	s18 =	sld [smem:$0x3FDB];
	_ =	sdelay $0x1  }
0x99: {  	s19 =	simm.s32 $_scs_section_size  }
0x9a: {  	s4 =	simm.s32 $_size__tile_overlayer_lowered;
	s5 =	simm.s32 $_tile_overlayer_lowered  }
0x9b: {  	s22 =	simm.s32 $0x1BFF;
	s21 =	sshll.u32 s5, $0x1;
	s2 =	sadd.s32 s19, s18  }
0x9c: {  	s6 =	simm.s32 $0x0;
	s20 =	sshll.u32 s4, $0x1;
	s4 =	sadd.s32 s21, s2  }
0x9d: {  	[timem:s6], [sflag:s22] =	dma.local [hbm:s4], s20  }
0x9e: {  	_ =	swait.ge [sflag:s22], s20  }
0x9f: {  	s3 =	ssub.s32 $0x0, s20;
	[sflag:s22] =	ssyncset.done $0x0  }
0xa0: {  	[sflag:s22] =	ssyncadd.s32 s3;
	_ =	sdelay $0x1  }
0xa1: {  	s23 =	simm.s32 $0x1B8B  }
0xa2: {  	_ =	swait.ge [sflag:s23], $0x1  }
0xa3: {  	[sflag:s23] =	ssyncset.done $0x0  }
0xa4: {  	s25 =	simm.s32 $0x1B8E;
	s24 =	sld [smem:$0x3FFE];
	[sflag:s23] =	ssyncadd.s32 $0xFFFFFFFF  }
0xa5: {  	s26 =	simm.s32 $execute0_lowered;
	[smem:$0x3FD2] =	sst s25  }
0xa6: {  	s4 =	sshll.u32 s26, $0x1;
	_ =	strace $0x8000004C;
	[dreg:$0x1] =	wrdreg $0xFFFFFFFF  }
0xa7: {  	s28 =	simm.s32 $_size_execute0_lowered;
	s2 =	sadd.s32 s2, s4;
	[dreg:$0x0] =	wrdreg $0x0  }
0xa8: {  	s4 =	sshll.u32 s28, $0x1;
	[dreg:$0x2] =	wrdreg s2  }
0xa9: {  	[dreg:$0x3] =	wrdreg s4  }
0xaa: {  	[dreg:$0x4] =	wrdreg $0xC0  }
0xab: {  	_ =	task [dreg:s6], $0x5FFFF  }
0xac: {  	[dreg:$0x1] =	wrdreg $0xFFFFFFFF  }
0xad: {  	[dreg:$0x0] =	wrdreg $0x60  }
0xae: {  	[dreg:$0x2] =	wrdreg s24  }
0xaf: {  	[dreg:$0x3] =	wrdreg $0xC0000  }
0xb0: {  	[dreg:$0x4] =	wrdreg $0x9  }
0xb1: {  	_ =	task.clear_ibuf [dreg:s6], $0x5FFFF;
	_ =	strace $0x9000004C  }
0xb2: {  	s29 =	simm.s32 $0x9;
	_ =	strace $0x8000004E  }
0xb3: {  	_ =	swait.ge [sflag:s29], $0x1  }
0xb4: {  	[sflag:s29] =	ssyncadd.s32 $0xFFFFFFFF  }
0xb5: {  	_ =	strace $0x9000004E  }
0xb6: {  	_ =	sfence  }
0xb7: {  	s30 =	sld [smem:$0x0];
	_ =	sdelay $0x2  }
0xb8: {  	s31 =	sshll.u32 s1, $0xD;
	s1 =	sshrl.u32 s1, $0x2  }
0xb9: {  	s3 =	sand.u32 $0x4000, s31;
	s1 =	sadd.s32 s1, s30  }
0xba: {  	s0 =	sor.u32 s3, s0;
	s1 =	sshll.u32 s1, $0x11  }
0xbb: {  	s0 =	sor.u32 s1, s0  }
0xbc: {  	s0 =	sadd.s32 $0x8F2B, s0  }
0xbd: {  	[sflag:s0] =	ssyncadd.remote.s32 $0x1  }
0xbe: {  	_ =	sfence.sel $0xFFFF  }
0xbf: {  	[dreg:$0x0] =	wrdreg $0xFFFFFFFF;
	(pc) =	sbr.abs _section_cstart, $3  }
0xc0: {  	[dreg:$0x1] =	wrdreg $0xFFFFFFFF  }
0xc1: {  	_ =	task.clear_ibuf [dreg:s6], $0x2FFFF;
	_ =	strace $0x9FFFFFFF  }
0xc2: {  	(tm) =	ssettm $0x7FFFFFFF  }
0xc3: {  	_ =	shalt  }
tec
execute0_lowered:
.L_overlay_start_1:
0x0: {  	(tag) =	ssettag $0x1  }
0x1: {  	s0 =	srdreg.scid;
	s5 =	rddreg [dreg:$0x0]  }
0x2: {  	s12 =	stileid.u32;
	s2 =	rddreg [dreg:$0x1];
	s28 =	simm.s32 $0x2000  }
0x3: {  	s29 =	simm.s32 $0x6000;
	s30 =	simm.s32 $0x0;
	s8 =	smul.u32 $0x2780, s12  }
0x4: {  	s0 =	sand.u32 $0x1, s0;
	s1 =	sshll.u32 s12, $0x1;
	s15 =	smul.u32 $0x4F000, s12  }
0x5: {  	s6 =	sadd.s32 $0x2800, s5;
	s1 =	sor.u32 s0, s1;
	s10 =	smul.u32 $0x27800, s0  }
0x6: {  	s7 =	sadd.s32 $0x16E00, s5;
	s0 =	ssub.s32 $0x2, s0;
	s1 =	smul.u32 $0x139, s1  }
0x7: {  	s18 =	sshrl.u32 s0, $0x1;
	s8 =	sadd.s32 s8, s10;
	s10 =	sshrl.u32 s15, $0x2  }
0x8: {  	s0 =	ssub.s32 s0, s18;
	s3 =	sadd.s32 $0x139, s1;
	s9 =	sshrl.u32 s1, $0x5  }
0x9: {  	s0 =	smax.u32 s0, $0x1;
	s4 =	sshrl.u32 s3, $0x2;
	s3 =	simm.s32 $0x0  }
0xa: {  	s14 =	sshll.u32 s9, $0x3;
	s13 =	sand.u32 $0x1FF8, s4;
	[smem:$0x7FF] =	sst s3  }
0xb: {  	s4 =	sadd.s32 $0xD000, s5;
	s5 =	sadd.s32 s8, s5;
	s8 =	sadd.s32 s10, s2  }
0xc: {  	_ =	strace $0x8000004D;
	s20 =	sadd.s32 $0x12000, s8;
	[dreg:$0x5] =	wrdreg s0  }
0xd: {  	s12 =	sshll.u32 s9, $0xA;
	s5 =	sadd.s32 $0x3E000, s5;
	[dreg:$0x3] =	wrdreg s20  }
0xe: {  	s1 =	smin.u32 s13, $0x9C4;
	s22 =	sadd.s32 $0x2000, s8;
	[dreg:$0x4] =	wrdreg s5  }
0xf: {  	s23 =	sadd.s32 $0x4000, s8;
	s1 =	ssub.s32 s1, s14;
	[dreg:$0x6] =	wrdreg s22  }
0x10: {  	s24 =	sadd.s32 $0x6000, s8;
	[dreg:$0x7] =	wrdreg s23;
	s1 =	sshra.s32 s1, $0x1  }
0x11: {  	s25 =	sadd.s32 $0x8000, s8;
	[dreg:$0x8] =	wrdreg s24;
	s11 =	sadd.s32 $0xF, s1  }
0x12: {  	s26 =	sadd.s32 $0xA000, s8;
	[dreg:$0x9] =	wrdreg s25;
	s16 =	sshll.u32 s11, $0x10  }
0x13: {  	s31 =	sadd.s32 $0xC000, s8;
	[dreg:$0xa] =	wrdreg s26;
	s17 =	sshra.s32 s16, $0x1F  }
0x14: {  	[dreg:$0xb] =	wrdreg s31;
	s22 =	sadd.s32 $0x10000, s8;
	s13 =	sand.u32 $0xF, s17  }
.Ltmp0:
0x15: {  	s23 =	simm.s32 $0xA000;
	s19 =	sadd.s32 s13, s11;
	(pc) =	sbr.rel .LBB2_1-.Ltmp0, $4  }
0x16: {  	p0 =	slt.s32 s1, $0xFFFFFFF2;
	s11 =	simm.s32 $0x1;
	s10 =	sshll.u32 s19, $0x10  }
0x17: {  	s24 =	simm.s32 $0x3;
	s11 =	simm.s32 @!p0 $0x0;
	s21 =	sshra.s32 s10, $0x14  }
0x18: {  	s25 =	simm.s32 $0x1000;
	s26 =	simm.s32 $0x80;
	s11 =	ssub.s32 s21, s11  }
0x19: {  	v0 =	vimm.f32 $0.0e+00;
	s10 =	simm.s32 $0x1;
	s21 =	sadd.s32 $0xE000, s8;
	p0 =	slt.s32 s11, $0x1  }
.LBB2_9:
0x1a: {  	s0 =	stileid.u32  }
0x1b: {  	[bflag:$0x0] =	sbarrier.arrive $0xFFFF;
	s0 =	sshll.u32 s0, $0x6  }
0x1c: {  	s5 =	sshrl.u32 s8, $0x3;
	s9 =	rddreg [dreg:$0x4];
	s0 =	sor.u32 $0x1C03, s0  }
0x1d: {  	[hbm:s9], [sflag:s0] =	dma.local [spmem:s5], $0x2780  }
0x1e: {  	_ =	swait.ge [sflag:s24], $0x2780  }
0x1f: {  	s30 =	sadd.s32 $0x1, s30;
	s31 =	rddreg [dreg:$0x5]  }
0x20: {  	p1 =	sne.s32 s30, s31  }
.Ltmp1:
0x21: {  	_ = 	snop;
	(pc) =	sbr.rel @!p1 .LBB2_10-.Ltmp1, $3  }
0x22: {  	_ =	sdelay $0x1  }
0x23: {  	[sflag:s24] =	ssyncset.done $0x0  }
0x24: {  	[sflag:s24] =	ssyncadd.s32 $0xFFFFD880  }
.LBB2_1:
0x25: {  	s0 =	sand.u32 $0x7E00, s3  }
0x26: {  	s5 =	sand.u32 $0x70, s3;
	s9 =	sshrl.u32 s0, $0x2  }
0x27: {  	s0 =	simm.s32 $0x40;
	s9 =	sor.u32 s5, s9;
	s5 =	simm.s32 $0x0  }
.LBB2_2:
0x28: {  	p1 =	sne.s32 s0, $0x7FC0  }
0x29: {  	[tilespmem:s9+$0xA000] =	vst v0;
	s5 =	sadd.s32 $0x10, s5;
	s9 =	smov.u32 s0;
	s0 =	sadd.s32 $0x40, s0  }
.Ltmp2:
0x2a: {  	(pc) =	sbr.rel @p1 .LBB2_2-.Ltmp2, $4  }
0x2b: {  	_ = 	snop  }
0x2c: {  	s9 =	sand.u32 $0x7E00, s9  }
0x2d: {  	s13 =	sand.u32 $0x70, s5;
	s9 =	sshrl.u32 s9, $0x2  }
0x2e: {  	s9 =	sor.u32 s13, s9  }
0x2f: {  	[tilespmem:s9+$0xA000] =	vst v0  }
0x30: {  	[spmem:s8] =	stream.linear.scatter [tilespmem:s23], [sflag:$0x3], $0x2000, $0x38;
	[tilespmem:$0x1FC00] =	vst v63  }
0x31: {  	_ =	swait.ge [sflag:s24], $0x2000  }
0x32: {  	[sflag:s24] =	ssyncset.done $0x0  }
0x33: {  	s0 =	rddreg [dreg:$0x6];
	[sflag:s24] =	ssyncadd.s32 $0xFFFFE000  }
0x34: {  	[spmem:s0] =	stream.linear.scatter [tilespmem:s23], [sflag:$0x3], $0x2000, $0x38;
	[tilespmem:$0x1FC00] =	vst v63  }
0x35: {  	_ =	swait.ge [sflag:s24], $0x2000  }
0x36: {  	[sflag:s24] =	ssyncset.done $0x0  }
0x37: {  	s15 =	rddreg [dreg:$0x7];
	[sflag:s24] =	ssyncadd.s32 $0xFFFFE000  }
0x38: {  	[spmem:s15] =	stream.linear.scatter [tilespmem:s23], [sflag:$0x3], $0x2000, $0x38;
	[tilespmem:$0x1FC00] =	vst v63  }
0x39: {  	_ =	swait.ge [sflag:s24], $0x2000  }
0x3a: {  	[sflag:s24] =	ssyncset.done $0x0  }
0x3b: {  	s16 =	rddreg [dreg:$0x8];
	[sflag:s24] =	ssyncadd.s32 $0xFFFFE000  }
0x3c: {  	[spmem:s16] =	stream.linear.scatter [tilespmem:s23], [sflag:$0x3], $0x2000, $0x38;
	[tilespmem:$0x1FC00] =	vst v63  }
0x3d: {  	_ =	swait.ge [sflag:s24], $0x2000  }
0x3e: {  	[sflag:s24] =	ssyncset.done $0x0  }
0x3f: {  	s17 =	rddreg [dreg:$0x9];
	[sflag:s24] =	ssyncadd.s32 $0xFFFFE000  }
0x40: {  	[spmem:s17] =	stream.linear.scatter [tilespmem:s23], [sflag:$0x3], $0x2000, $0x38;
	[tilespmem:$0x1FC00] =	vst v63  }
0x41: {  	_ =	swait.ge [sflag:s24], $0x2000  }
0x42: {  	[sflag:s24] =	ssyncset.done $0x0  }
0x43: {  	s18 =	rddreg [dreg:$0xa];
	[sflag:s24] =	ssyncadd.s32 $0xFFFFE000  }
0x44: {  	[spmem:s18] =	stream.linear.scatter [tilespmem:s23], [sflag:$0x3], $0x2000, $0x38;
	[tilespmem:$0x1FC00] =	vst v63  }
0x45: {  	_ =	swait.ge [sflag:s24], $0x2000  }
0x46: {  	[sflag:s24] =	ssyncset.done $0x0  }
0x47: {  	s19 =	rddreg [dreg:$0xb];
	[sflag:s24] =	ssyncadd.s32 $0xFFFFE000  }
0x48: {  	[spmem:s19] =	stream.linear.scatter [tilespmem:s23], [sflag:$0x3], $0x2000, $0x38;
	[tilespmem:$0x1FC00] =	vst v63  }
0x49: {  	_ =	swait.ge [sflag:s24], $0x2000  }
0x4a: {  	[sflag:s24] =	ssyncset.done $0x0  }
0x4b: {  	[sflag:s24] =	ssyncadd.s32 $0xFFFFE000  }
0x4c: {  	[spmem:s21] =	stream.linear.scatter [tilespmem:s23], [sflag:$0x3], $0x2000, $0x38;
	[tilespmem:$0x1FC00] =	vst v63  }
0x4d: {  	_ =	swait.ge [sflag:s24], $0x2000  }
0x4e: {  	[sflag:s24] =	ssyncset.done $0x0  }
0x4f: {  	[sflag:s24] =	ssyncadd.s32 $0xFFFFE000  }
0x50: {  	[spmem:s22] =	stream.linear.scatter [tilespmem:s23], [sflag:$0x3], $0x2000, $0x38;
	[tilespmem:$0x1FC00] =	vst v63  }
0x51: {  	_ =	swait.ge [sflag:s24], $0x2000  }
0x52: {  	[sflag:s24] =	ssyncset.done $0x0  }
0x53: {  	s20 =	rddreg [dreg:$0x3];
	[sflag:s24] =	ssyncadd.s32 $0xFFFFE000  }
0x54: {  	[spmem:s20] =	stream.linear.scatter [tilespmem:s23], [sflag:$0x3], $0x1C00, $0x38;
	[tilespmem:$0x1FC00] =	vst v63  }
.Ltmp3:
0x55: {  	_ =	swait.ge [sflag:s24], $0x1C00;
	(pc) =	sbr.rel @!p0 .LBB2_4-.Ltmp3, $4  }
.Ltmp4:
0x56: {  	[sflag:s24] =	ssyncset.done $0x0;
	(pc) =	sbr.rel @p0 .LBB2_9-.Ltmp4, $4  }
0x57: {  	[sflag:s24] =	ssyncadd.s32 $0xFFFFE400  }
0x58: {  	[bflag:$0x0] =	sbarrier.arrive $0xFFFF  }
0x59: {  	s31 =	simm.s32 $0x0;
	s5 =	smov.u32 s1  }
0x5a: {  	_ = 	snop  }
.LBB2_7:
0x5b: {  	[tilespmem:s18], [sflag:$0x2] =	stream.indirect.gather @!p1 [hbm4b:s7+s17], $0x80, s15, s17, $0xb8;
	[tilespmem:$0x1FC00] =	vst v63  }
.LBB2_8:
0x5c: {  	s31 =	sadd.s32 $0x1, s31  }
0x5d: {  	p1 =	sne.s32 s31, s11  }
.Ltmp5:
0x5e: {  	_ = 	snop;
	(pc) =	sbr.rel @!p1 .LBB2_9-.Ltmp5, $2  }
0x5f: {  	_ =	sdelay $0x2  }
0x60: {  	s5 =	sadd.s32 $0xFFFFFFF0, s5  }
.LBB2_4:
0x61: {  	s0 =	sshll.u32 s31, $0xC  }
0x62: {  	s0 =	sadd.s32 s12, s0  }
0x63: {  	s0 =	sshrl.u32 s0, $0x3  }
0x64: {  	s9 =	sadd.s32 s4, s0  }
0x65: {  	[tilespmem:s3], [sflag:$0x3] =	stream.linear.gather [hbm4b:s9+s3], $0x1000, $0x38;
	[tilespmem:$0x1FC00] =	vst v63  }
0x66: {  	_ =	swait.ge [sflag:s24], $0x1000  }
0x67: {  	[sflag:s24] =	ssyncset.done $0x0  }
0x68: {  	s20 =	sshll.u32 s31, $0x4;
	s0 =	sadd.s32 s6, s0;
	[sflag:s24] =	ssyncadd.s32 $0xFFFFF000  }
0x69: {  	[tilespmem:s25], [sflag:$0x3] =	stream.linear.gather [hbm4b:s0+s3], $0x1000, $0x38;
	[tilespmem:$0x1FC00] =	vst v63  }
0x6a: {  	s0 =	ssub.s32 s1, s20  }
0x6b: {  	_ =	swait.ge [sflag:s24], $0x1000;
	p1 =	slt.s32 s0, $0x1  }
.Ltmp6:
0x6c: {  	[sflag:s24] =	ssyncset.done $0x0;
	(pc) =	sbr.rel @p1 .LBB2_8-.Ltmp6, $4  }
0x6d: {  	[sflag:s24] =	ssyncadd.s32 $0xFFFFF000  }
0x6e: {  	[tilespmem:s28], [sflag:$0x1] =	stream.indirect.gather [hbm4b:s7+s26], $0x80, s3, s26, $0xb8;
	[tilespmem:$0x1FC00] =	vst v63  }
0x6f: {  	_ = 	snop  }
0x70: {  	[tilespmem:s29], [sflag:$0x2] =	stream.indirect.gather [hbm4b:s7+s26], $0x80, s26, s26, $0xb8;
	[tilespmem:$0x1FC00] =	vst v63  }
0x71: {  	_ =	swait.ge [sflag:s10], $0x4000  }
0x72: {  	[sflag:s10] =	ssyncset.done $0x0  }
0x73: {  	s0 =	smin.u32 s0, $0x10;
	s9 =	simm.s32 $0x1000;
	[sflag:s10] =	ssyncadd.s32 $0xFFFFC000  }
0x74: {  	[spmem:s2] =	stream.indirect.scatter.add.f32 [tilespmem:s28], [sflag:$0x3], $0x80, s9, s26, $0xb8;
	[tilespmem:$0x1FC00] =	vst v63  }
0x75: {  	s0 =	sadd.s32 $0xFFFFFFFF, s0;
	_ =	swait.ge [sflag:s24], $0x4000  }
0x76: {  	p1 =	sle.s32 s0, $0x0;
	[sflag:s24] =	ssyncset.done $0x0  }
0x77: {  	s9 =	simm.s32 @p1 $0x2;
	[sflag:s24] =	ssyncadd.s32 $0xFFFFC000  }
0x78: {  	_ =	swait.ge @p1 [sflag:s9], $0x4000  }
0x79: {  	s13 =	simm.s32 $0x1080;
	s14 =	simm.s32 @p1 $0x3;
	[sflag:s9] =	ssyncset.done @p1 $0x0  }
0x7a: {  	s15 =	simm.s32 @p1 $0x6000;
	[sflag:s9] =	ssyncadd.s32 @p1 $0xFFFFC000;
	s9 =	simm.s32 @p1 $0x80  }
0x7b: {  	[spmem:s2] =	stream.indirect.scatter.add.f32 @p1 [tilespmem:s15], [sflag:$0x3], $0x80, s13, s9, $0xb8;
	[tilespmem:$0x1FC00] =	vst v63  }
0x7c: {  	_ =	swait.ge @p1 [sflag:s14], $0x4000  }
0x7d: {  	s17 =	simm.s32 @!p1 $0x80;
	[sflag:s14] =	ssyncset.done @p1 $0x0  }
0x7e: {  	s9 =	simm.s32 @!p1 $0x2000;
	[sflag:s14] =	ssyncadd.s32 @p1 $0xFFFFC000;
	s14 =	simm.s32 @!p1 $0x100  }
0x7f: {  	[tilespmem:s9], [sflag:$0x1] =	stream.indirect.gather @!p1 [hbm4b:s7+s17], $0x80, s14, s17, $0xb8;
	[tilespmem:$0x1FC00] =	vst v63  }
0x80: {  	p2 =	sgt.s32 s5, $0x1;
	s9 =	smov.u32 s5  }
0x81: {  	s15 =	simm.s32 @!p1 $0x2;
	s9 =	simm.s32 @!p2 $0x1  }
0x82: {  	_ =	swait.ge @!p1 [sflag:s15], $0x4000;
	s9 =	smin.u32 s9, $0x10  }
0x83: {  	s18 =	simm.s32 @!p1 $0x6000;
	[sflag:s15] =	ssyncset.done @!p1 $0x0;
	p2 =	sne.s32 s9, $0x1  }
.Ltmp7:
0x84: {  	s14 =	simm.s32 @!p1 $0x3;
	[sflag:s15] =	ssyncadd.s32 @!p1 $0xFFFFC000;
	(pc) =	sbr.rel @!p2 .LBB2_7-.Ltmp7, $4  }
0x85: {  	[spmem:s2] =	stream.indirect.scatter.add.f32 @!p1 [tilespmem:s18], [sflag:$0x3], $0x80, s13, s17, $0xb8;
	[tilespmem:$0x1FC00] =	vst v63  }
0x86: {  	_ =	swait.ge @!p1 [sflag:s14], $0x4000  }
0x87: {  	s16 =	simm.s32 $0x1180;
	s15 =	simm.s32 $0x180;
	[sflag:s14] =	ssyncset.done @!p1 $0x0  }
0x88: {  	s13 =	simm.s32 $0x1;
	[sflag:s14] =	ssyncadd.s32 @!p1 $0xFFFFC000;
	s14 =	simm.s32 $0x280  }
.LBB2_6:
0x89: {  	[tilespmem:s18], [sflag:$0x2] =	stream.indirect.gather @!p1 [hbm4b:s7+s17], $0x80, s15, s17, $0xb8;
	[tilespmem:$0x1FC00] =	vst v63  }
0x8a: {  	s17 =	smov.u32 s13;
	s13 =	sadd.s32 $0x1, s13;
	_ =	swait.ge [sflag:s10], $0x4000  }
0x8b: {  	s15 =	smov.u32 s14;
	p2 =	sne.s32 s9, s13;
	[sflag:s10] =	ssyncset.done $0x0  }
0x8c: {  	s18 =	sadd.s32 $0xFFFFFF80, s16;
	[sflag:s10] =	ssyncadd.s32 $0xFFFFC000  }
0x8d: {  	[spmem:s2] =	stream.indirect.scatter.add.f32 [tilespmem:s28], [sflag:$0x3], $0x80, s18, s26, $0xb8;
	[tilespmem:$0x1FC00] =	vst v63  }
0x8e: {  	_ =	swait.ge [sflag:s24], $0x4000  }
0x8f: {  	p1 =	sge.s32 s17, s0;
	[sflag:s24] =	ssyncset.done $0x0  }
0x90: {  	s17 =	simm.s32 @p1 $0x2;
	[sflag:s24] =	ssyncadd.s32 $0xFFFFC000  }
0x91: {  	_ =	swait.ge @p1 [sflag:s17], $0x4000  }
0x92: {  	s18 =	simm.s32 @p1 $0x3;
	[sflag:s17] =	ssyncset.done @p1 $0x0  }
0x93: {  	s19 =	simm.s32 @p1 $0x6000;
	[sflag:s17] =	ssyncadd.s32 @p1 $0xFFFFC000;
	s17 =	simm.s32 @p1 $0x80  }
0x94: {  	[spmem:s2] =	stream.indirect.scatter.add.f32 @p1 [tilespmem:s19], [sflag:$0x3], $0x80, s16, s17, $0xb8;
	[tilespmem:$0x1FC00] =	vst v63  }
0x95: {  	_ =	swait.ge @p1 [sflag:s18], $0x4000  }
0x96: {  	s20 =	simm.s32 @!p1 $0x2;
	s19 =	simm.s32 @!p1 $0x2000;
	[sflag:s18] =	ssyncset.done @p1 $0x0  }
0x97: {  	s17 =	simm.s32 @!p1 $0x80;
	[sflag:s18] =	ssyncadd.s32 @p1 $0xFFFFC000;
	s18 =	sadd.s32 @!p1 $0xFFFFFF80, s14  }
0x98: {  	[tilespmem:s19], [sflag:$0x1] =	stream.indirect.gather @!p1 [hbm4b:s7+s17], $0x80, s18, s17, $0xb8;
	[tilespmem:$0x1FC00] =	vst v63  }
0x99: {  	_ =	swait.ge @!p1 [sflag:s20], $0x4000  }
0x9a: {  	s19 =	simm.s32 @!p1 $0x3;
	[sflag:s20] =	ssyncset.done @!p1 $0x0  }
.Ltmp8:
0x9b: {  	s18 =	simm.s32 @!p1 $0x6000;
	[sflag:s20] =	ssyncadd.s32 @!p1 $0xFFFFC000;
	(pc) =	sbr.rel @p2 .LBB2_6-.Ltmp8, $4  }
0x9c: {  	[spmem:s2] =	stream.indirect.scatter.add.f32 @!p1 [tilespmem:s18], [sflag:$0x3], $0x80, s16, s17, $0xb8;
	[tilespmem:$0x1FC00] =	vst v63  }
0x9d: {  	_ =	swait.ge @!p1 [sflag:s19], $0x4000  }
0x9e: {  	[sflag:s19] =	ssyncset.done @!p1 $0x0  }
0x9f: {  	s14 =	sadd.s32 $0x100, s14;
	s16 =	sadd.s32 $0x100, s16;
	[sflag:s19] =	ssyncadd.s32 @!p1 $0xFFFFC000  }
.Ltmp9:
0xa0: {  	_ = 	snop;
	(pc) =	sbr.rel .LBB2_7-.Ltmp9, $1  }
0xa1: {  	_ =	sdelay $0x3  }
.LBB2_10:
0xa2: {  	_ =	sfence.sel $0x180000  }
0xa3: {  	[bflag:$0x0] =	sbarrier.arrive $0xFFFF  }
0xa4: {  	_ =	strace $0x9000004D  }
0xa5: {  	s0 =	stileid.u32;
	[bflag:$0x2] =	sbarrier.arrive $0xFFFF  }
0xa6: {  	p0 =	sne.s32 s0, $0x0;
	s0 =	rddreg [dreg:$0x2]  }
0xa7: {  	s0 =	sadd.s32 @!p0 $0x100000, s0  }
0xa8: {  	[sflag:s0] =	ssyncadd.tile.s32 @!p0 $0x1;
	_ =	shalt  }
.Lfunc_end2:
_tile_overlayer_lowered:
.L_overlay_start_2:
0xa9: {  	(tag) =	ssettag $0x2  }
0xaa: {  	s0 =	rddreg [dreg:$0x0];
	s2 =	stileid.u32  }
0xab: {  	s1 =	rddreg [dreg:$0x1];
	p0 =	sne.s32 s2, $0x0  }
0xac: {  	s3 =	rddreg [dreg:$0x2];
	[bflag:$0x3] =	sbarrier.arrive $0xFFFF;
	s2 =	simm.s32 @!p0 $0x1C03  }
0xad: {  	[timem:s3], [sflag:s2] =	dma.local @!p0 [hbm:s0], s1  }
0xae: {  	s0 =	simm.s32 @!p0 $0x3  }
0xaf: {  	_ =	swait.ge @!p0 [sflag:s0], s1  }
0xb0: {  	s1 =	ssub.s32 @!p0 $0x0, s1;
	[sflag:s0] =	ssyncset.done @!p0 $0x0  }
0xb1: {  	[sflag:s0] =	ssyncadd.s32 @!p0 s1  }
0xb2: {  	[bflag:$0x3] =	sbarrier.arrive $0xFFFF  }
0xb3: {  	_ =	shalt  }

// kernel: kernel.19.cloned.1.call-start
scs
__scs_entry_jumppad:
0x0: {  	(pc) =	sbr.rel $0x88, $3  }
0x1: {  	(tag) =	ssettag $0x0;
	lr =	simm.s32 $0x1  }
0x2: {  	[smem:$0x3F96] =	sst lr;
	_ =	strace $0xD0000000  }
0x3: {  	_ = 	snop  }
0x4: {  	_ = 	snop  }
0x5: {  	_ = 	snop  }
0x6: {  	_ = 	snop  }
0x7: {  	_ = 	snop  }
__scs_overlays_trampoline_lowered:
0x8: {  	[smem:$0x3FA5] =	sst s0  }
0x9: {  	[smem:$0x3FA6] =	sst s1  }
0xa: {  	[smem:$0x3FA7] =	sst s2  }
0xb: {  	[smem:$0x3FA8] =	sst s3  }
0xc: {  	[smem:$0x3FA9] =	sst s4  }
0xd: {  	[smem:$0x3FAA] =	sst s5  }
0xe: {  	[smem:$0x3FAB] =	sst s6  }
0xf: {  	[smem:$0x3FAC] =	sst s7  }
0x10: {  	[smem:$0x3FAD] =	sst s8  }
0x11: {  	[smem:$0x3FAE] =	sst s9;
	s0 =	simm.s32 @!p0 $0x0  }
0x12: {  	s1 =	sld [smem:$0x3F94];
	s0 =	simm.s32 @p0 $0x1  }
0x13: {  	[smem:$0x3FAF] =	sst s0;
	s0 =	simm.s32 @!p1 $0x0  }
0x14: {  	s2 =	sld [smem:$0x3F93];
	s0 =	simm.s32 @p1 $0x1  }
0x15: {  	[smem:$0x3FB0] =	sst s0;
	s0 =	simm.s32 @!p2 $0x0  }
0x16: {  	s3 =	sld [smem:$0x3FDB];
	s0 =	simm.s32 @p2 $0x1  }
0x17: {  	s4 =	simm.s32 $0x1BF5;
	[smem:$0x3FB2] =	sst s0  }
0x18: {  	s0 =	sld [smem:$0x3F95];
	_ =	swait.ge [sflag:s4], $0x0  }
0x19: {  	s7 =	sld [smem:$0x3F96]  }
0x1a: {  	s8 =	sadd.s32 $0xFFFFE003, lr  }
0x1b: {  	s9 =	sadd.s32 $0xFFFFFEF7, lr;
	s5 =	simm.s32 $0xFFFFFFFF;
	p2 =	slt.u32 s8, $0xFFFFF086  }
0x1c: {  	p1 =	slt.u32 s9, $0xF7A;
	s5 =	simm.s32 @!p2 $0x0  }
0x1d: {  	s5 =	simm.s32 @p1 $0x1;
	p0 =	seq.s32 s7, s2  }
0x1e: {  	s7 =	smul.u32 @!p0 $0xF7A, s2;
	p2 =	seq.s32 @!p0 s5, $0x0  }
0x1f: {  	s9 =	smul.u32 $0xF7A, s1;
	s8 =	simm.s32 @!p0 $0x1BF5;
	p2 =	por !p2, p0  }
0x20: {  	[sflag:s8] =	ssyncset.s32 @!p0 $0xFFFFF086;
	s6 =	sadd.s32 @!p0 s3, s7;
	s7 =	simm.s32 @!p0 $0x108  }
0x21: {  	s3 =	sadd.s32 s3, s9;
	s6 =	sadd.s32 @!p0 $0x88, s6;
	s7 =	simm.s32 @p2 $0x1082  }
0x22: {  	[simem:s7], [sflag:s8] =	dma.local @!p0 [hbm:s6], $0xF7A  }
0x23: {  	s9 =	sor.u32 $0xD0000000, s2;
	s6 =	simm.s32 $0x108;
	_ =	swait.ge @!p0 [sflag:s8], $0x0  }
0x24: {  	s3 =	sadd.s32 $0x88, s3;
	s6 =	simm.s32 @!p1 $0x1082;
	[sflag:s4] =	ssyncset.s32 $0xFFFFF086  }
0x25: {  	[simem:s6], [sflag:s4] =	dma.local [hbm:s3], $0xF7A  }
0x26: {  	[smem:$0x3F96] =	sst s1;
	(tag) =	ssettag s2;
	_ =	strace s9  }
0x27: {  	s1 =	sld [smem:$0x3FA6]  }
0x28: {  	s2 =	sld [smem:$0x3FA7]  }
0x29: {  	s4 =	sld [smem:$0x3FA9]  }
0x2a: {  	p0 =	seq.s32 s5, $0x0;
	s5 =	sld [smem:$0x3FAA]  }
0x2b: {  	s6 =	sld [smem:$0x3FAB]  }
0x2c: {  	s7 =	sld [smem:$0x3FAC]  }
0x2d: {  	s3 =	simm.s32 $0x108;
	s8 =	sld [smem:$0x3FAD]  }
0x2e: {  	s3 =	simm.s32 @!p0 $0x1082;
	s9 =	sld [smem:$0x3FAE]  }
0x2f: {  	lr =	sadd.s32 s0, s3;
	s0 =	sld [smem:$0x3FA5]  }
0x30: {  	s3 =	sld [smem:$0x3FA8]  }
0x31: {  	[smem:$0x3FB1] =	sst s10  }
0x32: {  	s10 =	sld [smem:$0x3FAF];
	_ =	sdelay $0x3  }
0x33: {  	p0 =	seq.s32 s10, $0x1;
	s10 =	sld [smem:$0x3FB1];
	_ =	sdelay $0x3  }
0x34: {  	[smem:$0x3FB1] =	sst s10  }
0x35: {  	s10 =	sld [smem:$0x3FB0];
	_ =	sdelay $0x3  }
0x36: {  	p1 =	seq.s32 s10, $0x1;
	s10 =	sld [smem:$0x3FB1];
	_ =	sdelay $0x3  }
0x37: {  	[smem:$0x3FB1] =	sst s10  }
0x38: {  	s10 =	sld [smem:$0x3FB2]  }
0x39: {  	_ = 	snop;
	(pc) =	sbr.ind lr, $3  }
0x3a: {  	_ = 	snop  }
0x3b: {  	_ = 	snop  }
0x3c: {  	p2 =	seq.s32 s10, $0x1;
	s10 =	sld [smem:$0x3FB1]  }
0x3d: {  	_ =	shalt  }
0x3e: {  	_ =	shalt  }
0x3f: {  	_ =	shalt  }
0x40: {  	_ =	shalt  }
0x41: {  	_ =	shalt  }
0x42: {  	_ =	shalt  }
0x43: {  	_ =	shalt  }
0x44: {  	_ =	shalt  }
0x45: {  	_ =	shalt  }
0x46: {  	_ =	shalt  }
0x47: {  	_ =	shalt  }
0x48: {  	_ =	shalt  }
0x49: {  	_ =	shalt  }
0x4a: {  	_ =	shalt  }
0x4b: {  	_ =	shalt  }
0x4c: {  	_ =	shalt  }
0x4d: {  	_ =	shalt  }
0x4e: {  	_ =	shalt  }
0x4f: {  	_ =	shalt  }
0x50: {  	_ =	shalt  }
0x51: {  	_ =	shalt  }
0x52: {  	_ =	shalt  }
0x53: {  	_ =	shalt  }
0x54: {  	_ =	shalt  }
0x55: {  	_ =	shalt  }
0x56: {  	_ =	shalt  }
0x57: {  	_ =	shalt  }
0x58: {  	_ =	shalt  }
0x59: {  	_ =	shalt  }
0x5a: {  	_ =	shalt  }
0x5b: {  	_ =	shalt  }
0x5c: {  	_ =	shalt  }
0x5d: {  	_ =	shalt  }
0x5e: {  	_ =	shalt  }
0x5f: {  	_ =	shalt  }
0x60: {  	_ =	shalt  }
0x61: {  	_ =	shalt  }
0x62: {  	_ =	shalt  }
0x63: {  	_ =	shalt  }
0x64: {  	_ =	shalt  }
0x65: {  	_ =	shalt  }
0x66: {  	_ =	shalt  }
0x67: {  	_ =	shalt  }
0x68: {  	_ =	shalt  }
0x69: {  	_ =	shalt  }
0x6a: {  	_ =	shalt  }
0x6b: {  	_ =	shalt  }
0x6c: {  	_ =	shalt  }
0x6d: {  	_ =	shalt  }
0x6e: {  	_ =	shalt  }
0x6f: {  	_ =	shalt  }
0x70: {  	_ =	shalt  }
0x71: {  	_ =	shalt  }
0x72: {  	_ =	shalt  }
0x73: {  	_ =	shalt  }
0x74: {  	_ =	shalt  }
0x75: {  	_ =	shalt  }
0x76: {  	_ =	shalt  }
0x77: {  	_ =	shalt  }
0x78: {  	_ =	shalt  }
0x79: {  	_ =	shalt  }
0x7a: {  	_ =	shalt  }
0x7b: {  	_ =	shalt  }
0x7c: {  	_ =	shalt  }
0x7d: {  	_ =	shalt  }
0x7e: {  	_ =	shalt  }
0x7f: {  	_ =	shalt  }
0x80: {  	_ =	shalt  }
0x81: {  	_ =	shalt  }
0x82: {  	_ =	shalt  }
0x83: {  	_ =	shalt  }
0x84: {  	_ =	shalt  }
0x85: {  	_ =	shalt  }
0x86: {  	_ =	shalt  }
0x87: {  	_ =	shalt  }
.Lfunc_end0:
.L_simem_size_0:
called_computation.3_lowered:
.L_overlay_start_0:
0x88: {  	s2 =	sld [smem:$0x3FD9]  }
0x89: {  	s3 =	sld [smem:$0x3FFE];
	_ =	sdelay $0x1  }
0x8a: {  	s1 =	srdreg.scid  }
0x8b: {  	s0 =	sand.u32 $0x1, s1  }
0x8c: {  	s16 =	sshll.u32 s0, $0xA;
	s2 =	sadd.s32 s3, s2  }
0x8d: {  	s2 =	sadd.s32 s2, s16  }
0x8e: {  	[smem:$0x3FBD] =	sst s2  }
0x8f: {  	_ = 	snop  }
0x90: {  	(tm) =	ssettm $0x1  }
0x91: {  	s17 =	sld [smem:$0x3FFB];
	_ =	sdelay $0x3  }
0x92: {  	_ =	strace s17  }
0x93: {  	s2 =	sld [smem:$0x3FFC];
	_ =	sdelay $0x3  }
0x94: {  	_ =	strace s2  }
0x95: {  	s2 =	sld [smem:$0x3FFD];
	_ =	sdelay $0x3  }
0x96: {  	_ =	strace s2  }
0x97: {  	_ =	strace $0x8FFFFFFF  }
0x98: {  	s18 =	sld [smem:$0x3FDB];
	_ =	sdelay $0x1  }
0x99: {  	s19 =	simm.s32 $_scs_section_size  }
0x9a: {  	s4 =	simm.s32 $_size__tile_overlayer_lowered;
	s5 =	simm.s32 $_tile_overlayer_lowered  }
0x9b: {  	s22 =	simm.s32 $0x1BFF;
	s21 =	sshll.u32 s5, $0x1;
	s2 =	sadd.s32 s19, s18  }
0x9c: {  	s6 =	simm.s32 $0x0;
	s20 =	sshll.u32 s4, $0x1;
	s4 =	sadd.s32 s21, s2  }
0x9d: {  	[timem:s6], [sflag:s22] =	dma.local [hbm:s4], s20  }
0x9e: {  	_ =	swait.ge [sflag:s22], s20  }
0x9f: {  	s3 =	ssub.s32 $0x0, s20;
	[sflag:s22] =	ssyncset.done $0x0  }
0xa0: {  	[sflag:s22] =	ssyncadd.s32 s3;
	_ =	sdelay $0x1  }
0xa1: {  	s23 =	simm.s32 $0x1B8B  }
0xa2: {  	_ =	swait.ge [sflag:s23], $0x1  }
0xa3: {  	[sflag:s23] =	ssyncset.done $0x0  }
0xa4: {  	s25 =	simm.s32 $0x1B8E;
	s24 =	sld [smem:$0x3FFE];
	[sflag:s23] =	ssyncadd.s32 $0xFFFFFFFF  }
0xa5: {  	s26 =	simm.s32 $execute0_lowered;
	[smem:$0x3FD2] =	sst s25  }
0xa6: {  	s4 =	sshll.u32 s26, $0x1;
	_ =	strace $0x8000004F;
	[dreg:$0x1] =	wrdreg $0xFFFFFFFF  }
0xa7: {  	s28 =	simm.s32 $_size_execute0_lowered;
	s2 =	sadd.s32 s2, s4;
	[dreg:$0x0] =	wrdreg $0x0  }
0xa8: {  	s4 =	sshll.u32 s28, $0x1;
	[dreg:$0x2] =	wrdreg s2  }
0xa9: {  	[dreg:$0x3] =	wrdreg s4  }
0xaa: {  	[dreg:$0x4] =	wrdreg $0xC0  }
0xab: {  	_ =	task [dreg:s6], $0x5FFFF  }
0xac: {  	[dreg:$0x1] =	wrdreg $0xFFFFFFFF  }
0xad: {  	[dreg:$0x0] =	wrdreg $0x60  }
0xae: {  	[dreg:$0x2] =	wrdreg s24  }
0xaf: {  	[dreg:$0x3] =	wrdreg $0xC0000  }
0xb0: {  	[dreg:$0x4] =	wrdreg $0x9  }
0xb1: {  	_ =	task.clear_ibuf [dreg:s6], $0x5FFFF;
	_ =	strace $0x9000004F  }
0xb2: {  	s29 =	simm.s32 $0x9;
	_ =	strace $0x80000051  }
0xb3: {  	_ =	swait.ge [sflag:s29], $0x1  }
0xb4: {  	[sflag:s29] =	ssyncadd.s32 $0xFFFFFFFF  }
0xb5: {  	_ =	strace $0x90000051  }
0xb6: {  	_ =	sfence  }
0xb7: {  	s30 =	sld [smem:$0x0];
	_ =	sdelay $0x2  }
0xb8: {  	s31 =	sshll.u32 s1, $0xD;
	s1 =	sshrl.u32 s1, $0x2  }
0xb9: {  	s3 =	sand.u32 $0x4000, s31;
	s1 =	sadd.s32 s1, s30  }
0xba: {  	s0 =	sor.u32 s3, s0;
	s1 =	sshll.u32 s1, $0x11  }
0xbb: {  	s0 =	sor.u32 s1, s0  }
0xbc: {  	s0 =	sadd.s32 $0x8F2B, s0  }
0xbd: {  	[sflag:s0] =	ssyncadd.remote.s32 $0x1  }
0xbe: {  	_ =	sfence.sel $0xFFFF  }
0xbf: {  	[dreg:$0x0] =	wrdreg $0xFFFFFFFF;
	(pc) =	sbr.abs _section_cstart, $3  }
0xc0: {  	[dreg:$0x1] =	wrdreg $0xFFFFFFFF  }
0xc1: {  	_ =	task.clear_ibuf [dreg:s6], $0x2FFFF;
	_ =	strace $0x9FFFFFFF  }
0xc2: {  	(tm) =	ssettm $0x7FFFFFFF  }
0xc3: {  	_ =	shalt  }
tec
execute0_lowered:
.L_overlay_start_1:
0x0: {  	(tag) =	ssettag $0x1  }
0x1: {  	s0 =	srdreg.scid;
	s5 =	rddreg [dreg:$0x0]  }
0x2: {  	s12 =	stileid.u32;
	s2 =	rddreg [dreg:$0x1];
	s28 =	simm.s32 $0x2000  }
0x3: {  	s29 =	simm.s32 $0x6000;
	s30 =	simm.s32 $0x0;
	s8 =	smul.u32 $0x2780, s12  }
0x4: {  	s0 =	sand.u32 $0x1, s0;
	s1 =	sshll.u32 s12, $0x1;
	s15 =	smul.u32 $0x4F000, s12  }
0x5: {  	s6 =	sadd.s32 $0x2800, s5;
	s1 =	sor.u32 s0, s1;
	s10 =	smul.u32 $0x27800, s0  }
0x6: {  	s7 =	sadd.s32 $0x16E00, s5;
	s0 =	ssub.s32 $0x2, s0;
	s1 =	smul.u32 $0x139, s1  }
0x7: {  	s18 =	sshrl.u32 s0, $0x1;
	s8 =	sadd.s32 s8, s10;
	s10 =	sshrl.u32 s15, $0x2  }
0x8: {  	s0 =	ssub.s32 s0, s18;
	s3 =	sadd.s32 $0x139, s1;
	s9 =	sshrl.u32 s1, $0x5  }
0x9: {  	s0 =	smax.u32 s0, $0x1;
	s4 =	sshrl.u32 s3, $0x2;
	s3 =	simm.s32 $0x0  }
0xa: {  	s14 =	sshll.u32 s9, $0x3;
	s13 =	sand.u32 $0x1FF8, s4;
	[smem:$0x7FF] =	sst s3  }
0xb: {  	s4 =	sadd.s32 $0xD000, s5;
	s5 =	sadd.s32 s8, s5;
	s8 =	sadd.s32 s10, s2  }
0xc: {  	_ =	strace $0x80000050;
	s20 =	sadd.s32 $0x12000, s8;
	[dreg:$0x5] =	wrdreg s0  }
0xd: {  	s12 =	sshll.u32 s9, $0xA;
	s5 =	sadd.s32 $0x3E000, s5;
	[dreg:$0x3] =	wrdreg s20  }
0xe: {  	s1 =	smin.u32 s13, $0x9C4;
	s22 =	sadd.s32 $0x2000, s8;
	[dreg:$0x4] =	wrdreg s5  }
0xf: {  	s23 =	sadd.s32 $0x4000, s8;
	s1 =	ssub.s32 s1, s14;
	[dreg:$0x6] =	wrdreg s22  }
0x10: {  	s24 =	sadd.s32 $0x6000, s8;
	[dreg:$0x7] =	wrdreg s23;
	s1 =	sshra.s32 s1, $0x1  }
0x11: {  	s25 =	sadd.s32 $0x8000, s8;
	[dreg:$0x8] =	wrdreg s24;
	s11 =	sadd.s32 $0xF, s1  }
0x12: {  	s26 =	sadd.s32 $0xA000, s8;
	[dreg:$0x9] =	wrdreg s25;
	s16 =	sshll.u32 s11, $0x10  }
0x13: {  	s31 =	sadd.s32 $0xC000, s8;
	[dreg:$0xa] =	wrdreg s26;
	s17 =	sshra.s32 s16, $0x1F  }
0x14: {  	[dreg:$0xb] =	wrdreg s31;
	s22 =	sadd.s32 $0x10000, s8;
	s13 =	sand.u32 $0xF, s17  }
.Ltmp0:
0x15: {  	s23 =	simm.s32 $0xA000;
	s19 =	sadd.s32 s13, s11;
	(pc) =	sbr.rel .LBB2_1-.Ltmp0, $4  }
0x16: {  	p0 =	slt.s32 s1, $0xFFFFFFF2;
	s11 =	simm.s32 $0x1;
	s10 =	sshll.u32 s19, $0x10  }
0x17: {  	s24 =	simm.s32 $0x3;
	s11 =	simm.s32 @!p0 $0x0;
	s21 =	sshra.s32 s10, $0x14  }
0x18: {  	s25 =	simm.s32 $0x1000;
	s26 =	simm.s32 $0x80;
	s11 =	ssub.s32 s21, s11  }
0x19: {  	v0 =	vimm.f32 $0.0e+00;
	s10 =	simm.s32 $0x1;
	s21 =	sadd.s32 $0xE000, s8;
	p0 =	slt.s32 s11, $0x1  }
.LBB2_9:
0x1a: {  	s0 =	stileid.u32  }
0x1b: {  	[bflag:$0x0] =	sbarrier.arrive $0xFFFF;
	s0 =	sshll.u32 s0, $0x6  }
0x1c: {  	s5 =	sshrl.u32 s8, $0x3;
	s9 =	rddreg [dreg:$0x4];
	s0 =	sor.u32 $0x1C03, s0  }
0x1d: {  	[hbm:s9], [sflag:s0] =	dma.local [spmem:s5], $0x2780  }
0x1e: {  	_ =	swait.ge [sflag:s24], $0x2780  }
0x1f: {  	s30 =	sadd.s32 $0x1, s30;
	s31 =	rddreg [dreg:$0x5]  }
0x20: {  	p1 =	sne.s32 s30, s31  }
.Ltmp1:
0x21: {  	_ = 	snop;
	(pc) =	sbr.rel @!p1 .LBB2_10-.Ltmp1, $3  }
0x22: {  	_ =	sdelay $0x1  }
0x23: {  	[sflag:s24] =	ssyncset.done $0x0  }
0x24: {  	[sflag:s24] =	ssyncadd.s32 $0xFFFFD880  }
.LBB2_1:
0x25: {  	s0 =	sand.u32 $0x7E00, s3  }
0x26: {  	s5 =	sand.u32 $0x70, s3;
	s9 =	sshrl.u32 s0, $0x2  }
0x27: {  	s0 =	simm.s32 $0x40;
	s9 =	sor.u32 s5, s9;
	s5 =	simm.s32 $0x0  }
.LBB2_2:
0x28: {  	p1 =	sne.s32 s0, $0x7FC0  }
0x29: {  	[tilespmem:s9+$0xA000] =	vst v0;
	s5 =	sadd.s32 $0x10, s5;
	s9 =	smov.u32 s0;
	s0 =	sadd.s32 $0x40, s0  }
.Ltmp2:
0x2a: {  	(pc) =	sbr.rel @p1 .LBB2_2-.Ltmp2, $4  }
0x2b: {  	_ = 	snop  }
0x2c: {  	s9 =	sand.u32 $0x7E00, s9  }
0x2d: {  	s13 =	sand.u32 $0x70, s5;
	s9 =	sshrl.u32 s9, $0x2  }
0x2e: {  	s9 =	sor.u32 s13, s9  }
0x2f: {  	[tilespmem:s9+$0xA000] =	vst v0  }
0x30: {  	[spmem:s8] =	stream.linear.scatter [tilespmem:s23], [sflag:$0x3], $0x2000, $0x38;
	[tilespmem:$0x1FC00] =	vst v63  }
0x31: {  	_ =	swait.ge [sflag:s24], $0x2000  }
0x32: {  	[sflag:s24] =	ssyncset.done $0x0  }
0x33: {  	s0 =	rddreg [dreg:$0x6];
	[sflag:s24] =	ssyncadd.s32 $0xFFFFE000  }
0x34: {  	[spmem:s0] =	stream.linear.scatter [tilespmem:s23], [sflag:$0x3], $0x2000, $0x38;
	[tilespmem:$0x1FC00] =	vst v63  }
0x35: {  	_ =	swait.ge [sflag:s24], $0x2000  }
0x36: {  	[sflag:s24] =	ssyncset.done $0x0  }
0x37: {  	s15 =	rddreg [dreg:$0x7];
	[sflag:s24] =	ssyncadd.s32 $0xFFFFE000  }
0x38: {  	[spmem:s15] =	stream.linear.scatter [tilespmem:s23], [sflag:$0x3], $0x2000, $0x38;
	[tilespmem:$0x1FC00] =	vst v63  }
0x39: {  	_ =	swait.ge [sflag:s24], $0x2000  }
0x3a: {  	[sflag:s24] =	ssyncset.done $0x0  }
0x3b: {  	s16 =	rddreg [dreg:$0x8];
	[sflag:s24] =	ssyncadd.s32 $0xFFFFE000  }
0x3c: {  	[spmem:s16] =	stream.linear.scatter [tilespmem:s23], [sflag:$0x3], $0x2000, $0x38;
	[tilespmem:$0x1FC00] =	vst v63  }
0x3d: {  	_ =	swait.ge [sflag:s24], $0x2000  }
0x3e: {  	[sflag:s24] =	ssyncset.done $0x0  }
0x3f: {  	s17 =	rddreg [dreg:$0x9];
	[sflag:s24] =	ssyncadd.s32 $0xFFFFE000  }
0x40: {  	[spmem:s17] =	stream.linear.scatter [tilespmem:s23], [sflag:$0x3], $0x2000, $0x38;
	[tilespmem:$0x1FC00] =	vst v63  }
0x41: {  	_ =	swait.ge [sflag:s24], $0x2000  }
0x42: {  	[sflag:s24] =	ssyncset.done $0x0  }
0x43: {  	s18 =	rddreg [dreg:$0xa];
	[sflag:s24] =	ssyncadd.s32 $0xFFFFE000  }
0x44: {  	[spmem:s18] =	stream.linear.scatter [tilespmem:s23], [sflag:$0x3], $0x2000, $0x38;
	[tilespmem:$0x1FC00] =	vst v63  }
0x45: {  	_ =	swait.ge [sflag:s24], $0x2000  }
0x46: {  	[sflag:s24] =	ssyncset.done $0x0  }
0x47: {  	s19 =	rddreg [dreg:$0xb];
	[sflag:s24] =	ssyncadd.s32 $0xFFFFE000  }
0x48: {  	[spmem:s19] =	stream.linear.scatter [tilespmem:s23], [sflag:$0x3], $0x2000, $0x38;
	[tilespmem:$0x1FC00] =	vst v63  }
0x49: {  	_ =	swait.ge [sflag:s24], $0x2000  }
0x4a: {  	[sflag:s24] =	ssyncset.done $0x0  }
0x4b: {  	[sflag:s24] =	ssyncadd.s32 $0xFFFFE000  }
0x4c: {  	[spmem:s21] =	stream.linear.scatter [tilespmem:s23], [sflag:$0x3], $0x2000, $0x38;
	[tilespmem:$0x1FC00] =	vst v63  }
0x4d: {  	_ =	swait.ge [sflag:s24], $0x2000  }
0x4e: {  	[sflag:s24] =	ssyncset.done $0x0  }
0x4f: {  	[sflag:s24] =	ssyncadd.s32 $0xFFFFE000  }
0x50: {  	[spmem:s22] =	stream.linear.scatter [tilespmem:s23], [sflag:$0x3], $0x2000, $0x38;
	[tilespmem:$0x1FC00] =	vst v63  }
0x51: {  	_ =	swait.ge [sflag:s24], $0x2000  }
0x52: {  	[sflag:s24] =	ssyncset.done $0x0  }
0x53: {  	s20 =	rddreg [dreg:$0x3];
	[sflag:s24] =	ssyncadd.s32 $0xFFFFE000  }
0x54: {  	[spmem:s20] =	stream.linear.scatter [tilespmem:s23], [sflag:$0x3], $0x1C00, $0x38;
	[tilespmem:$0x1FC00] =	vst v63  }
.Ltmp3:
0x55: {  	_ =	swait.ge [sflag:s24], $0x1C00;
	(pc) =	sbr.rel @!p0 .LBB2_4-.Ltmp3, $4  }
.Ltmp4:
0x56: {  	[sflag:s24] =	ssyncset.done $0x0;
	(pc) =	sbr.rel @p0 .LBB2_9-.Ltmp4, $4  }
0x57: {  	[sflag:s24] =	ssyncadd.s32 $0xFFFFE400  }
0x58: {  	[bflag:$0x0] =	sbarrier.arrive $0xFFFF  }
0x59: {  	s31 =	simm.s32 $0x0;
	s5 =	smov.u32 s1  }
0x5a: {  	_ = 	snop  }
.LBB2_7:
0x5b: {  	[tilespmem:s18], [sflag:$0x2] =	stream.indirect.gather @!p1 [hbm4b:s7+s17], $0x80, s15, s17, $0xb8;
	[tilespmem:$0x1FC00] =	vst v63  }
.LBB2_8:
0x5c: {  	s31 =	sadd.s32 $0x1, s31  }
0x5d: {  	p1 =	sne.s32 s31, s11  }
.Ltmp5:
0x5e: {  	_ = 	snop;
	(pc) =	sbr.rel @!p1 .LBB2_9-.Ltmp5, $2  }
0x5f: {  	_ =	sdelay $0x2  }
0x60: {  	s5 =	sadd.s32 $0xFFFFFFF0, s5  }
.LBB2_4:
0x61: {  	s0 =	sshll.u32 s31, $0xC  }
0x62: {  	s0 =	sadd.s32 s12, s0  }
0x63: {  	s0 =	sshrl.u32 s0, $0x3  }
0x64: {  	s9 =	sadd.s32 s4, s0  }
0x65: {  	[tilespmem:s3], [sflag:$0x3] =	stream.linear.gather [hbm4b:s9+s3], $0x1000, $0x38;
	[tilespmem:$0x1FC00] =	vst v63  }
0x66: {  	_ =	swait.ge [sflag:s24], $0x1000  }
0x67: {  	[sflag:s24] =	ssyncset.done $0x0  }
0x68: {  	s20 =	sshll.u32 s31, $0x4;
	s0 =	sadd.s32 s6, s0;
	[sflag:s24] =	ssyncadd.s32 $0xFFFFF000  }
0x69: {  	[tilespmem:s25], [sflag:$0x3] =	stream.linear.gather [hbm4b:s0+s3], $0x1000, $0x38;
	[tilespmem:$0x1FC00] =	vst v63  }
0x6a: {  	s0 =	ssub.s32 s1, s20  }
0x6b: {  	_ =	swait.ge [sflag:s24], $0x1000;
	p1 =	slt.s32 s0, $0x1  }
.Ltmp6:
0x6c: {  	[sflag:s24] =	ssyncset.done $0x0;
	(pc) =	sbr.rel @p1 .LBB2_8-.Ltmp6, $4  }
0x6d: {  	[sflag:s24] =	ssyncadd.s32 $0xFFFFF000  }
0x6e: {  	[tilespmem:s28], [sflag:$0x1] =	stream.indirect.gather [hbm4b:s7+s26], $0x80, s3, s26, $0xb8;
	[tilespmem:$0x1FC00] =	vst v63  }
0x6f: {  	_ = 	snop  }
0x70: {  	[tilespmem:s29], [sflag:$0x2] =	stream.indirect.gather [hbm4b:s7+s26], $0x80, s26, s26, $0xb8;
	[tilespmem:$0x1FC00] =	vst v63  }
0x71: {  	_ =	swait.ge [sflag:s10], $0x4000  }
0x72: {  	[sflag:s10] =	ssyncset.done $0x0  }
0x73: {  	s0 =	smin.u32 s0, $0x10;
	s9 =	simm.s32 $0x1000;
	[sflag:s10] =	ssyncadd.s32 $0xFFFFC000  }
0x74: {  	[spmem:s2] =	stream.indirect.scatter.add.f32 [tilespmem:s28], [sflag:$0x3], $0x80, s9, s26, $0xb8;
	[tilespmem:$0x1FC00] =	vst v63  }
0x75: {  	s0 =	sadd.s32 $0xFFFFFFFF, s0;
	_ =	swait.ge [sflag:s24], $0x4000  }
0x76: {  	p1 =	sle.s32 s0, $0x0;
	[sflag:s24] =	ssyncset.done $0x0  }
0x77: {  	s9 =	simm.s32 @p1 $0x2;
	[sflag:s24] =	ssyncadd.s32 $0xFFFFC000  }
0x78: {  	_ =	swait.ge @p1 [sflag:s9], $0x4000  }
0x79: {  	s13 =	simm.s32 $0x1080;
	s14 =	simm.s32 @p1 $0x3;
	[sflag:s9] =	ssyncset.done @p1 $0x0  }
0x7a: {  	s15 =	simm.s32 @p1 $0x6000;
	[sflag:s9] =	ssyncadd.s32 @p1 $0xFFFFC000;
	s9 =	simm.s32 @p1 $0x80  }
0x7b: {  	[spmem:s2] =	stream.indirect.scatter.add.f32 @p1 [tilespmem:s15], [sflag:$0x3], $0x80, s13, s9, $0xb8;
	[tilespmem:$0x1FC00] =	vst v63  }
0x7c: {  	_ =	swait.ge @p1 [sflag:s14], $0x4000  }
0x7d: {  	s17 =	simm.s32 @!p1 $0x80;
	[sflag:s14] =	ssyncset.done @p1 $0x0  }
0x7e: {  	s9 =	simm.s32 @!p1 $0x2000;
	[sflag:s14] =	ssyncadd.s32 @p1 $0xFFFFC000;
	s14 =	simm.s32 @!p1 $0x100  }
0x7f: {  	[tilespmem:s9], [sflag:$0x1] =	stream.indirect.gather @!p1 [hbm4b:s7+s17], $0x80, s14, s17, $0xb8;
	[tilespmem:$0x1FC00] =	vst v63  }
0x80: {  	p2 =	sgt.s32 s5, $0x1;
	s9 =	smov.u32 s5  }
0x81: {  	s15 =	simm.s32 @!p1 $0x2;
	s9 =	simm.s32 @!p2 $0x1  }
0x82: {  	_ =	swait.ge @!p1 [sflag:s15], $0x4000;
	s9 =	smin.u32 s9, $0x10  }
0x83: {  	s18 =	simm.s32 @!p1 $0x6000;
	[sflag:s15] =	ssyncset.done @!p1 $0x0;
	p2 =	sne.s32 s9, $0x1  }
.Ltmp7:
0x84: {  	s14 =	simm.s32 @!p1 $0x3;
	[sflag:s15] =	ssyncadd.s32 @!p1 $0xFFFFC000;
	(pc) =	sbr.rel @!p2 .LBB2_7-.Ltmp7, $4  }
0x85: {  	[spmem:s2] =	stream.indirect.scatter.add.f32 @!p1 [tilespmem:s18], [sflag:$0x3], $0x80, s13, s17, $0xb8;
	[tilespmem:$0x1FC00] =	vst v63  }
0x86: {  	_ =	swait.ge @!p1 [sflag:s14], $0x4000  }
0x87: {  	s16 =	simm.s32 $0x1180;
	s15 =	simm.s32 $0x180;
	[sflag:s14] =	ssyncset.done @!p1 $0x0  }
0x88: {  	s13 =	simm.s32 $0x1;
	[sflag:s14] =	ssyncadd.s32 @!p1 $0xFFFFC000;
	s14 =	simm.s32 $0x280  }
.LBB2_6:
0x89: {  	[tilespmem:s18], [sflag:$0x2] =	stream.indirect.gather @!p1 [hbm4b:s7+s17], $0x80, s15, s17, $0xb8;
	[tilespmem:$0x1FC00] =	vst v63  }
0x8a: {  	s17 =	smov.u32 s13;
	s13 =	sadd.s32 $0x1, s13;
	_ =	swait.ge [sflag:s10], $0x4000  }
0x8b: {  	s15 =	smov.u32 s14;
	p2 =	sne.s32 s9, s13;
	[sflag:s10] =	ssyncset.done $0x0  }
0x8c: {  	s18 =	sadd.s32 $0xFFFFFF80, s16;
	[sflag:s10] =	ssyncadd.s32 $0xFFFFC000  }
0x8d: {  	[spmem:s2] =	stream.indirect.scatter.add.f32 [tilespmem:s28], [sflag:$0x3], $0x80, s18, s26, $0xb8;
	[tilespmem:$0x1FC00] =	vst v63  }
0x8e: {  	_ =	swait.ge [sflag:s24], $0x4000  }
0x8f: {  	p1 =	sge.s32 s17, s0;
	[sflag:s24] =	ssyncset.done $0x0  }
0x90: {  	s17 =	simm.s32 @p1 $0x2;
	[sflag:s24] =	ssyncadd.s32 $0xFFFFC000  }
0x91: {  	_ =	swait.ge @p1 [sflag:s17], $0x4000  }
0x92: {  	s18 =	simm.s32 @p1 $0x3;
	[sflag:s17] =	ssyncset.done @p1 $0x0  }
0x93: {  	s19 =	simm.s32 @p1 $0x6000;
	[sflag:s17] =	ssyncadd.s32 @p1 $0xFFFFC000;
	s17 =	simm.s32 @p1 $0x80  }
0x94: {  	[spmem:s2] =	stream.indirect.scatter.add.f32 @p1 [tilespmem:s19], [sflag:$0x3], $0x80, s16, s17, $0xb8;
	[tilespmem:$0x1FC00] =	vst v63  }
0x95: {  	_ =	swait.ge @p1 [sflag:s18], $0x4000  }
0x96: {  	s20 =	simm.s32 @!p1 $0x2;
	s19 =	simm.s32 @!p1 $0x2000;
	[sflag:s18] =	ssyncset.done @p1 $0x0  }
0x97: {  	s17 =	simm.s32 @!p1 $0x80;
	[sflag:s18] =	ssyncadd.s32 @p1 $0xFFFFC000;
	s18 =	sadd.s32 @!p1 $0xFFFFFF80, s14  }
0x98: {  	[tilespmem:s19], [sflag:$0x1] =	stream.indirect.gather @!p1 [hbm4b:s7+s17], $0x80, s18, s17, $0xb8;
	[tilespmem:$0x1FC00] =	vst v63  }
0x99: {  	_ =	swait.ge @!p1 [sflag:s20], $0x4000  }
0x9a: {  	s19 =	simm.s32 @!p1 $0x3;
	[sflag:s20] =	ssyncset.done @!p1 $0x0  }
.Ltmp8:
0x9b: {  	s18 =	simm.s32 @!p1 $0x6000;
	[sflag:s20] =	ssyncadd.s32 @!p1 $0xFFFFC000;
	(pc) =	sbr.rel @p2 .LBB2_6-.Ltmp8, $4  }
0x9c: {  	[spmem:s2] =	stream.indirect.scatter.add.f32 @!p1 [tilespmem:s18], [sflag:$0x3], $0x80, s16, s17, $0xb8;
	[tilespmem:$0x1FC00] =	vst v63  }
0x9d: {  	_ =	swait.ge @!p1 [sflag:s19], $0x4000  }
0x9e: {  	[sflag:s19] =	ssyncset.done @!p1 $0x0  }
0x9f: {  	s14 =	sadd.s32 $0x100, s14;
	s16 =	sadd.s32 $0x100, s16;
	[sflag:s19] =	ssyncadd.s32 @!p1 $0xFFFFC000  }
.Ltmp9:
0xa0: {  	_ = 	snop;
	(pc) =	sbr.rel .LBB2_7-.Ltmp9, $1  }
0xa1: {  	_ =	sdelay $0x3  }
.LBB2_10:
0xa2: {  	_ =	sfence.sel $0x180000  }
0xa3: {  	[bflag:$0x0] =	sbarrier.arrive $0xFFFF  }
0xa4: {  	_ =	strace $0x90000050  }
0xa5: {  	s0 =	stileid.u32;
	[bflag:$0x2] =	sbarrier.arrive $0xFFFF  }
0xa6: {  	p0 =	sne.s32 s0, $0x0;
	s0 =	rddreg [dreg:$0x2]  }
0xa7: {  	s0 =	sadd.s32 @!p0 $0x100000, s0  }
0xa8: {  	[sflag:s0] =	ssyncadd.tile.s32 @!p0 $0x1;
	_ =	shalt  }
.Lfunc_end2:
_tile_overlayer_lowered:
.L_overlay_start_2:
0xa9: {  	(tag) =	ssettag $0x2  }
0xaa: {  	s0 =	rddreg [dreg:$0x0];
	s2 =	stileid.u32  }
0xab: {  	s1 =	rddreg [dreg:$0x1];
	p0 =	sne.s32 s2, $0x0  }
0xac: {  	s3 =	rddreg [dreg:$0x2];
	[bflag:$0x3] =	sbarrier.arrive $0xFFFF;
	s2 =	simm.s32 @!p0 $0x1C03  }
0xad: {  	[timem:s3], [sflag:s2] =	dma.local @!p0 [hbm:s0], s1  }
0xae: {  	s0 =	simm.s32 @!p0 $0x3  }
0xaf: {  	_ =	swait.ge @!p0 [sflag:s0], s1  }
0xb0: {  	s1 =	ssub.s32 @!p0 $0x0, s1;
	[sflag:s0] =	ssyncset.done @!p0 $0x0  }
0xb1: {  	[sflag:s0] =	ssyncadd.s32 @!p0 s1  }
0xb2: {  	[bflag:$0x3] =	sbarrier.arrive $0xFFFF  }
0xb3: {  	_ =	shalt  }

</sc_bundles>
